<compile_context>
chip_gen: v7x
topology: tpu7x:2x2x1
jax: 0.10.2.dev20260603
libtpu: 0.0.44.dev20260713+nightly
codegen_flags: <defaults>
</compile_context>

<pallas_src>
import functools

import jax
import jax.numpy as jnp
from jax import lax
from jax.experimental import pallas as pl
from jax.experimental.pallas import tpu as pltpu
from jax.experimental.pallas import tpu_sc as plsc

N = 10000
D = 128
E = 320000
NC, NS = 2, 16
NW = NC * NS
EPT = E // NW
BATCH = 50
ITERS = EPT // BATCH
IB = 40
NP = ITERS // IB
NB = 4
GRP = IB // NB
WS = 624
WCH = 48
RB = 2000


def _sc_aggregate(x, e2d):
    mesh = plsc.VectorSubcoreMesh(
        core_axis_name="c", subcore_axis_name="s",
        num_cores=NC, num_subcores=NS)

    @functools.partial(
        pl.kernel,
        out_type=[
            jax.ShapeDtypeStruct((NC, N, D), jnp.float32),
            jax.ShapeDtypeStruct((NW * N,), jnp.float32),
        ],
        mesh=mesh,
        compiler_params=pltpu.CompilerParams(needs_layout_passes=False),
        scratch_types=[
            pltpu.VMEM((IB, BATCH), jnp.int32),
            pltpu.VMEM((IB, BATCH), jnp.int32),
            pltpu.VMEM((BATCH, D), jnp.float32),
            pltpu.VMEM((BATCH, D), jnp.float32),
            pltpu.VMEM((BATCH, D), jnp.float32),
            pltpu.VMEM((BATCH, D), jnp.float32),
            pltpu.VMEM((N,), jnp.float32),
            pltpu.VMEM_SHARED((N, D), jnp.float32),
            pltpu.SemaphoreType.DMA,
            pltpu.SemaphoreType.DMA,
            pltpu.SemaphoreType.DMA,
            pltpu.SemaphoreType.DMA,
        ],
    )
    def k(x_hbm, e_hbm, agg_out, cnt_out,
          src_i, dst_i, b0, b1, b2, b3, cnt_l, agg_sh, s0, s1, s2, s3):
        c = lax.axis_index("c")
        s = lax.axis_index("s")
        wid = c * NS + s
        bufs = (b0, b1, b2, b3)
        sems = (s0, s1, s2, s3)

        zero16 = jnp.zeros((16,), jnp.float32)
        ones16 = jnp.ones((16,), jnp.float32)

        def zrow(i, carry):
            for kk in range(D // 16):
                b0[i, pl.ds(kk * 16, 16)] = zero16
            return carry

        lax.fori_loop(0, BATCH, zrow, 0)

        def zcnt(i, carry):
            cnt_l[pl.ds(i * 16, 16)] = zero16
            return carry

        lax.fori_loop(0, N // 16, zcnt, 0)

        pltpu.async_copy(e_hbm.at[0, wid, pl.ds(0, IB)], src_i, s2)
        pltpu.async_copy(e_hbm.at[1, wid, pl.ds(0, IB)], dst_i, s3)

        zbase = s * WS
        for kk in range(WS // WCH):
            pltpu.async_copy(b0.at[pl.ds(0, WCH)],
                             agg_sh.at[pl.ds(zbase + kk * WCH, WCH)], s0)
        for kk in range(WS // WCH):
            pltpu.make_async_copy(
                b0.at[pl.ds(0, WCH)],
                agg_sh.at[pl.ds(zbase + kk * WCH, WCH)], s0).wait()

        @pl.when(s == NS - 1)
        def _ztail():
            pltpu.sync_copy(b0.at[pl.ds(0, N - NS * WS)],
                            agg_sh.at[pl.ds(NS * WS, N - NS * WS)])

        plsc.subcore_barrier()

        def g_start(row, buf, sm):
            pltpu.async_copy(x_hbm.at[src_i.at[row]], buf, sm)

        def g_wait(row, buf, sm):
            pltpu.make_async_copy(x_hbm.at[src_i.at[row]], buf, sm).wait()

        def scat(row, buf):
            pltpu.sync_copy(buf, agg_sh.at[dst_i.at[row]], add=True)

        tail_mask = lax.iota(jnp.int32, 16) >= 14

        def stage(p):
            pltpu.async_copy(e_hbm.at[0, wid, pl.ds(p * IB, IB)], src_i, s2)
            pltpu.async_copy(e_hbm.at[1, wid, pl.ds(p * IB, IB)], dst_i, s3)

        def stage_wait(p):
            pltpu.make_async_copy(
                e_hbm.at[0, wid, pl.ds(p * IB, IB)], src_i, s2).wait()
            pltpu.make_async_copy(
                e_hbm.at[1, wid, pl.ds(p * IB, IB)], dst_i, s3).wait()

        for p in range(NP):
            if p > 0:
                stage(p)
            stage_wait(p)

            for kk in range(NB):
                g_start(kk, bufs[kk], sems[kk])

            def count_row(row):
                for kk in range(3):
                    idx = dst_i[row, pl.ds(kk * 16, 16)]
                    plsc.addupdate_scatter(cnt_l, [idx], ones16)
                idx = dst_i[row, pl.ds(BATCH - 16, 16)]
                plsc.addupdate_scatter(cnt_l, [idx], ones16, mask=tail_mask)

            def grp_body(j, carry):
                for kk in range(NB):
                    g_wait(NB * j + kk, bufs[kk], sems[kk])
                    scat(NB * j + kk, bufs[kk])
                    g_start(NB * (j + 1) + kk, bufs[kk], sems[kk])
                for kk in range(NB):
                    count_row(NB * j + kk)
                return carry

            lax.fori_loop(0, GRP - 1, grp_body, 0)
            for kk in range(NB):
                g_wait(IB - NB + kk, bufs[kk], sems[kk])
                scat(IB - NB + kk, bufs[kk])
            for kk in range(NB):
                count_row(IB - NB + kk)

        pltpu.sync_copy(cnt_l, cnt_out.at[pl.ds(wid * N, N)])
        plsc.subcore_barrier()

        nch = WS // WCH
        wbufs = (b0, b1)
        wsems = (s0, s1)

        def w_hbm(kk, bi):
            pltpu.async_copy(wbufs[bi].at[pl.ds(0, WCH)],
                             agg_out.at[c, pl.ds(zbase + kk * WCH, WCH)],
                             wsems[bi])

        def w_wait(kk, bi):
            pltpu.make_async_copy(
                wbufs[bi].at[pl.ds(0, WCH)],
                agg_out.at[c, pl.ds(zbase + kk * WCH, WCH)],
                wsems[bi]).wait()

        for kk in range(nch):
            bi = kk % 2
            if kk >= 2:
                w_wait(kk - 2, bi)
            pltpu.sync_copy(agg_sh.at[pl.ds(zbase + kk * WCH, WCH)],
                            wbufs[bi].at[pl.ds(0, WCH)])
            w_hbm(kk, bi)
        w_wait(nch - 2, nch % 2)
        w_wait(nch - 1, (nch - 1) % 2)

        @pl.when(s == NS - 1)
        def _tail():
            toff = NS * WS
            tn = N - NS * WS
            pltpu.sync_copy(agg_sh.at[pl.ds(toff, tn)], b2.at[pl.ds(0, tn)])
            pltpu.sync_copy(b2.at[pl.ds(0, tn)], agg_out.at[c, pl.ds(toff, tn)])

    return k(x, e2d)


def _tc_epilogue(agg_p, cnt_p, x, wl_cat, wr_cat, b_cat):

    def body(agg_ref, cnt_ref, x_ref, wl_ref, wr_ref, b_ref,
             mu_ref, ls_ref):
        agg = agg_ref[0] + agg_ref[1]
        deg = jnp.sum(cnt_ref[...], axis=1)[:, None]
        aggn = agg / jnp.maximum(deg, 1.0)
        y = (jnp.dot(aggn, wl_ref[...], preferred_element_type=jnp.float32)
             + jnp.dot(x_ref[...], wr_ref[...],
                       preferred_element_type=jnp.float32)
             + b_ref[...])
        mu_ref[...] = y[:, :D]
        ls_ref[...] = y[:, D:]

    grid = (N // RB,)
    return pl.pallas_call(
        body,
        grid=grid,
        in_specs=[
            pl.BlockSpec((NC, RB, D), lambda i: (0, i, 0)),
            pl.BlockSpec((RB, NW), lambda i: (i, 0)),
            pl.BlockSpec((RB, D), lambda i: (i, 0)),
            pl.BlockSpec((D, 2 * D), lambda i: (0, 0)),
            pl.BlockSpec((D, 2 * D), lambda i: (0, 0)),
            pl.BlockSpec((1, 2 * D), lambda i: (0, 0)),
        ],
        out_specs=[
            pl.BlockSpec((RB, D), lambda i: (i, 0)),
            pl.BlockSpec((RB, D), lambda i: (i, 0)),
        ],
        out_shape=[
            jax.ShapeDtypeStruct((N, D), jnp.float32),
            jax.ShapeDtypeStruct((N, D), jnp.float32),
        ],
    )(agg_p, cnt_p, x, wl_cat, wr_cat, b_cat)


def kernel(x, edge_index, Wl_mu, bl_mu, Wr_mu, Wl_ls, bl_ls, Wr_ls):
    e2d = edge_index.reshape(2, NW, ITERS, BATCH)
    agg_p, cnt_p = _sc_aggregate(x, e2d)
    wl_cat = jnp.concatenate([Wl_mu.T, Wl_ls.T], axis=1)
    wr_cat = jnp.concatenate([Wr_mu.T, Wr_ls.T], axis=1)
    b_cat = jnp.concatenate([bl_mu, bl_ls]).reshape(1, 2 * D)
    mu, logstd = _tc_epilogue(agg_p, cnt_p.reshape(NW, N).T, x,
                              wl_cat, wr_cat, b_cat)
    return (mu, logstd)

# --- scband reference (transcript-rebuilt; emitter-appended) ---
"""Pipeline reference for scband-ppiencoder1-36447092474373 (READ-ONLY COPY).

The authoritative reference and input builder live on the scoring server;
editing this copy changes nothing except your own understanding.
"""

import jax, jax.numpy as jnp
import numpy as np

N = 10000
E = 320000
D_IN = 128
D_OUT = 128


def setup_inputs(seed: int = 0) -> dict:
    key = jax.random.key(seed)
    ks = jax.random.split(key, 9)
    x = jax.random.normal(ks[0], (N, D_IN), dtype=jnp.float32)
    edge_index = jax.random.randint(ks[1], (2, E), 0, N).astype(jnp.int32)
    s = 1.0 / np.sqrt(D_IN)
    Wl_mu = jax.random.uniform(ks[2], (D_OUT, D_IN), jnp.float32, -s, s)
    bl_mu = jax.random.uniform(ks[3], (D_OUT,), jnp.float32, -s, s)
    Wr_mu = jax.random.uniform(ks[4], (D_OUT, D_IN), jnp.float32, -s, s)
    Wl_ls = jax.random.uniform(ks[5], (D_OUT, D_IN), jnp.float32, -s, s)
    bl_ls = jax.random.uniform(ks[6], (D_OUT,), jnp.float32, -s, s)
    Wr_ls = jax.random.uniform(ks[7], (D_OUT, D_IN), jnp.float32, -s, s)
    return {"x": x, "edge_index": edge_index, "Wl_mu": Wl_mu, "bl_mu": bl_mu, "Wr_mu": Wr_mu, "Wl_ls": Wl_ls, "bl_ls": bl_ls, "Wr_ls": Wr_ls}


def _sage_conv(x, edge_index, Wl, bl, Wr):
    # torch_geometric SAGEConv: mean aggregation of source-node features onto dst,
    # then lin_l(agg) + lin_r(x); lin_l has bias, lin_r has no bias.
    src = edge_index[0]
    dst = edge_index[1]
    msgs = jnp.take(x, src, axis=0)
    agg = jax.ops.segment_sum(msgs, dst, num_segments=N)
    cnt = jax.ops.segment_sum(jnp.ones((msgs.shape[0], 1), x.dtype), dst, num_segments=N)
    agg = agg / jnp.clip(cnt, 1.0, None)
    return agg @ Wl.T + bl + x @ Wr.T


def reference(x, edge_index, Wl_mu, bl_mu, Wr_mu, Wl_ls, bl_ls, Wr_ls):
    mu = _sage_conv(x, edge_index, Wl_mu, bl_mu, Wr_mu)
    logstd = _sage_conv(x, edge_index, Wl_ls, bl_ls, Wr_ls)
    return (mu, logstd)

if __name__ == "__main__":
    import jax
    _d = setup_inputs()
    print(jax.jit(kernel)(*tuple(_d.values())))

</pallas_src>

<mosaic_0001>
#map = affine_map<(d0, d1) -> (0, 0)>
#map1 = affine_map<(d0, d1) -> (0, 0, 0, 0)>
#map2 = affine_map<(d0, d1) -> (0, 0, 0)>
#map3 = affine_map<(d0, d1) -> (0)>
module attributes {stable_mosaic.version = 14 : i64} {
  func.func @k(%arg0: i32, %arg1: i32, %arg2: memref<10000x128xf32, #tpu.memory_space<hbm>>, %arg3: memref<2x32x200x50xi32, #tpu.memory_space<hbm>>, %arg4: memref<2x10000x128xf32, #tpu.memory_space<hbm>>, %arg5: memref<320000xf32, #tpu.memory_space<hbm>>, %arg6: memref<40x50xi32, #tpu.memory_space<vmem>>, %arg7: memref<40x50xi32, #tpu.memory_space<vmem>>, %arg8: memref<50x128xf32, #tpu.memory_space<vmem>>, %arg9: memref<50x128xf32, #tpu.memory_space<vmem>>, %arg10: memref<50x128xf32, #tpu.memory_space<vmem>>, %arg11: memref<50x128xf32, #tpu.memory_space<vmem>>, %arg12: memref<10000xf32, #tpu.memory_space<vmem>>, %arg13: memref<10000x128xf32, #tpu.memory_space<vmem_shared>>, %arg14: memref<!tpu.dma_semaphore, #tpu.memory_space<semaphore_mem>>, %arg15: memref<!tpu.dma_semaphore, #tpu.memory_space<semaphore_mem>>, %arg16: memref<!tpu.dma_semaphore, #tpu.memory_space<semaphore_mem>>, %arg17: memref<!tpu.dma_semaphore, #tpu.memory_space<semaphore_mem>>) attributes {dimension_semantics = [#tpu.dimension_semantics<core_parallel>, #tpu.dimension_semantics<subcore_parallel>], iteration_bounds = array<i64: 2, 16>, scalar_prefetch = 0 : i64, scratch_operands = 12 : i64, tpu.core_type = #tpu.core_type<sc_vector_subcore>, window_params = [{transform_indices = #map}, {transform_indices = #map1}, {transform_indices = #map2}, {transform_indices = #map3}]} {
    %mul3A = arith.constant 16 : i32
    %mul3A_0 = arith.muli %arg0, %mul3A : i32
    %add3A = arith.addi %mul3A_0, %arg1 : i32
    %broadcast_in_dim3A = arith.constant 0.000000e+00 : f32
    %broadcast_in_dim3A_1 = vector.broadcast %broadcast_in_dim3A : f32 to vector<16xf32>
    %broadcast_in_dim3A_2 = arith.constant 1.000000e+00 : f32
    %broadcast_in_dim3A_3 = vector.broadcast %broadcast_in_dim3A_2 : f32 to vector<16xf32>
    %scan3A = arith.constant 0 : i32
    %scan3A_4 = arith.constant 0 : i32
    %scan3A_5 = arith.constant 50 : i32
    %scan3A_6 = arith.addi %scan3A_4, %scan3A_5 : i32
    %scan3A_7 = arith.constant 1 : i32
    scf.for %scan3A_1557 = %scan3A_4 to %scan3A_6 step %scan3A_7  : i32 {
      %swap3A = arith.index_cast %scan3A_1557 : i32 to index
      %swap3A_1558 = arith.constant 0 : index
      %swap3A_1559 = tpu.vector_load %arg8[%swap3A, %swap3A_1558] {strides = array<i32>} : memref<50x128xf32, #tpu.memory_space<vmem>>, vector<16xf32>,
      tpu.vector_store %arg8[%swap3A, %swap3A_1558], %broadcast_in_dim3A_1 {strides = array<i32>} : memref<50x128xf32, #tpu.memory_space<vmem>>, vector<16xf32>,
      %swap3A_1560 = arith.index_cast %scan3A_1557 : i32 to index
      %swap3A_1561 = arith.constant 16 : index
      %swap3A_1562 = tpu.vector_load %arg8[%swap3A_1560, %swap3A_1561] {strides = array<i32>} : memref<50x128xf32, #tpu.memory_space<vmem>>, vector<16xf32>,
      tpu.vector_store %arg8[%swap3A_1560, %swap3A_1561], %broadcast_in_dim3A_1 {strides = array<i32>} : memref<50x128xf32, #tpu.memory_space<vmem>>, vector<16xf32>,
      %swap3A_1563 = arith.index_cast %scan3A_1557 : i32 to index
      %swap3A_1564 = arith.constant 32 : index
      %swap3A_1565 = tpu.vector_load %arg8[%swap3A_1563, %swap3A_1564] {strides = array<i32>} : memref<50x128xf32, #tpu.memory_space<vmem>>, vector<16xf32>,
      tpu.vector_store %arg8[%swap3A_1563, %swap3A_1564], %broadcast_in_dim3A_1 {strides = array<i32>} : memref<50x128xf32, #tpu.memory_space<vmem>>, vector<16xf32>,
      %swap3A_1566 = arith.index_cast %scan3A_1557 : i32 to index
      %swap3A_1567 = arith.constant 48 : index
      %swap3A_1568 = tpu.vector_load %arg8[%swap3A_1566, %swap3A_1567] {strides = array<i32>} : memref<50x128xf32, #tpu.memory_space<vmem>>, vector<16xf32>,
      tpu.vector_store %arg8[%swap3A_1566, %swap3A_1567], %broadcast_in_dim3A_1 {strides = array<i32>} : memref<50x128xf32, #tpu.memory_space<vmem>>, vector<16xf32>,
      %swap3A_1569 = arith.index_cast %scan3A_1557 : i32 to index
      %swap3A_1570 = arith.constant 64 : index
      %swap3A_1571 = tpu.vector_load %arg8[%swap3A_1569, %swap3A_1570] {strides = array<i32>} : memref<50x128xf32, #tpu.memory_space<vmem>>, vector<16xf32>,
      tpu.vector_store %arg8[%swap3A_1569, %swap3A_1570], %broadcast_in_dim3A_1 {strides = array<i32>} : memref<50x128xf32, #tpu.memory_space<vmem>>, vector<16xf32>,
      %swap3A_1572 = arith.index_cast %scan3A_1557 : i32 to index
      %swap3A_1573 = arith.constant 80 : index
      %swap3A_1574 = tpu.vector_load %arg8[%swap3A_1572, %swap3A_1573] {strides = array<i32>} : memref<50x128xf32, #tpu.memory_space<vmem>>, vector<16xf32>,
      tpu.vector_store %arg8[%swap3A_1572, %swap3A_1573], %broadcast_in_dim3A_1 {strides = array<i32>} : memref<50x128xf32, #tpu.memory_space<vmem>>, vector<16xf32>,
      %swap3A_1575 = arith.index_cast %scan3A_1557 : i32 to index
      %swap3A_1576 = arith.constant 96 : index
      %swap3A_1577 = tpu.vector_load %arg8[%swap3A_1575, %swap3A_1576] {strides = array<i32>} : memref<50x128xf32, #tpu.memory_space<vmem>>, vector<16xf32>,
      tpu.vector_store %arg8[%swap3A_1575, %swap3A_1576], %broadcast_in_dim3A_1 {strides = array<i32>} : memref<50x128xf32, #tpu.memory_space<vmem>>, vector<16xf32>,
      %swap3A_1578 = arith.index_cast %scan3A_1557 : i32 to index
      %swap3A_1579 = arith.constant 112 : index
      %swap3A_1580 = tpu.vector_load %arg8[%swap3A_1578, %swap3A_1579] {strides = array<i32>} : memref<50x128xf32, #tpu.memory_space<vmem>>, vector<16xf32>,
      tpu.vector_store %arg8[%swap3A_1578, %swap3A_1579], %broadcast_in_dim3A_1 {strides = array<i32>} : memref<50x128xf32, #tpu.memory_space<vmem>>, vector<16xf32>,
    }
    %scan3A_8 = arith.constant 50 : i32
    %scan3A_9 = arith.constant 0 : i32
    %scan3A_10 = arith.constant 0 : i32
    %scan3A_11 = arith.constant 625 : i32
    %scan3A_12 = arith.addi %scan3A_10, %scan3A_11 : i32
    %scan3A_13 = arith.constant 1 : i32
    scf.for %scan3A_1557 = %scan3A_10 to %scan3A_12 step %scan3A_13  : i32 {
      %mul3A_1558 = arith.constant 16 : i32
      %mul3A_1559 = arith.muli %scan3A_1557, %mul3A_1558 : i32
      %swap3A = arith.index_cast %mul3A_1559 : i32 to index
      %swap3A_1560 = tpu.vector_load %arg12[%swap3A] {strides = array<i32>} : memref<10000xf32, #tpu.memory_space<vmem>>, vector<16xf32>,
      tpu.vector_store %arg12[%swap3A], %broadcast_in_dim3A_1 {strides = array<i32>} : memref<10000xf32, #tpu.memory_space<vmem>>, vector<16xf32>,
    }
    %scan3A_14 = arith.constant 625 : i32
    %dma_start3A = arith.constant 0 : i32
    %dma_start3A_15 = arith.constant 0 : i32
    %dma_start3A_16 = arith.constant 0 : i32
    %dma_start3A_17 = tpu.memref_slice %arg3[%dma_start3A, %add3A, %dma_start3A_15, %dma_start3A_16] : memref<2x32x200x50xi32, #tpu.memory_space<hbm>> -> memref<1x1x40x50xi32, #tpu.memory_space<hbm>>
    %dma_start3A_18 = tpu.memref_squeeze %dma_start3A_17 : memref<1x1x40x50xi32, #tpu.memory_space<hbm>> -> memref<40x50xi32, #tpu.memory_space<hbm>>
    %dma_start3A_19 = arith.constant 0 : i32
    %dma_start3A_20 = arith.constant 0 : i32
    %dma_start3A_21 = tpu.memref_slice %arg3[%dma_start3A, %add3A, %dma_start3A_19, %dma_start3A_20] : memref<2x32x200x50xi32, #tpu.memory_space<hbm>> -> memref<1x1x40x50xi32, #tpu.memory_space<hbm>>
    %dma_start3A_22 = tpu.memref_squeeze %dma_start3A_21 : memref<1x1x40x50xi32, #tpu.memory_space<hbm>> -> memref<40x50xi32, #tpu.memory_space<hbm>>
    tpu.enqueue_dma source(%dma_start3A_22 : memref<40x50xi32, #tpu.memory_space<hbm>>) target(%arg6 : memref<40x50xi32, #tpu.memory_space<vmem>>) target_semaphore(%arg16 : memref<!tpu.dma_semaphore, #tpu.memory_space<semaphore_mem>>)
    %dma_start3A_23 = arith.constant 1 : i32
    %dma_start3A_24 = arith.constant 0 : i32
    %dma_start3A_25 = arith.constant 0 : i32
    %dma_start3A_26 = tpu.memref_slice %arg3[%dma_start3A_23, %add3A, %dma_start3A_24, %dma_start3A_25] : memref<2x32x200x50xi32, #tpu.memory_space<hbm>> -> memref<1x1x40x50xi32, #tpu.memory_space<hbm>>
    %dma_start3A_27 = tpu.memref_squeeze %dma_start3A_26 : memref<1x1x40x50xi32, #tpu.memory_space<hbm>> -> memref<40x50xi32, #tpu.memory_space<hbm>>
    %dma_start3A_28 = arith.constant 0 : i32
    %dma_start3A_29 = arith.constant 0 : i32
    %dma_start3A_30 = tpu.memref_slice %arg3[%dma_start3A_23, %add3A, %dma_start3A_28, %dma_start3A_29] : memref<2x32x200x50xi32, #tpu.memory_space<hbm>> -> memref<1x1x40x50xi32, #tpu.memory_space<hbm>>
    %dma_start3A_31 = tpu.memref_squeeze %dma_start3A_30 : memref<1x1x40x50xi32, #tpu.memory_space<hbm>> -> memref<40x50xi32, #tpu.memory_space<hbm>>
    tpu.enqueue_dma source(%dma_start3A_31 : memref<40x50xi32, #tpu.memory_space<hbm>>) target(%arg7 : memref<40x50xi32, #tpu.memory_space<vmem>>) target_semaphore(%arg17 : memref<!tpu.dma_semaphore, #tpu.memory_space<semaphore_mem>>)
    %mul3A_32 = arith.constant 624 : i32
    %mul3A_33 = arith.muli %arg1, %mul3A_32 : i32
    %add3A_34 = arith.constant 0 : i32
    %add3A_35 = arith.addi %mul3A_33, %add3A_34 : i32
    %dma_start3A_36 = arith.constant 0 : i32
    %dma_start3A_37 = arith.constant 0 : i32
    %dma_start3A_38 = tpu.memref_slice %arg8[%dma_start3A_36, %dma_start3A_37] : memref<50x128xf32, #tpu.memory_space<vmem>> -> memref<48x128xf32, #tpu.memory_space<vmem>>
    %dma_start3A_39 = arith.constant 0 : i32
    %dma_start3A_40 = tpu.memref_slice %arg13[%add3A_35, %dma_start3A_39] : memref<10000x128xf32, #tpu.memory_space<vmem_shared>> -> memref<48x128xf32, #tpu.memory_space<vmem_shared>>
    %dma_start3A_41 = arith.constant 0 : i32
    %dma_start3A_42 = tpu.memref_slice %arg13[%add3A_35, %dma_start3A_41] : memref<10000x128xf32, #tpu.memory_space<vmem_shared>> -> memref<48x128xf32, #tpu.memory_space<vmem_shared>>
    %dma_start3A_43 = arith.constant 0 : i32
    %dma_start3A_44 = arith.constant 0 : i32
    %dma_start3A_45 = tpu.memref_slice %arg8[%dma_start3A_43, %dma_start3A_44] : memref<50x128xf32, #tpu.memory_space<vmem>> -> memref<48x128xf32, #tpu.memory_space<vmem>>
    tpu.enqueue_dma source(%dma_start3A_45 : memref<48x128xf32, #tpu.memory_space<vmem>>) target(%dma_start3A_42 : memref<48x128xf32, #tpu.memory_space<vmem_shared>>) target_semaphore(%arg14 : memref<!tpu.dma_semaphore, #tpu.memory_space<semaphore_mem>>)
    %add3A_46 = arith.constant 48 : i32
    %add3A_47 = arith.addi %mul3A_33, %add3A_46 : i32
    %dma_start3A_48 = arith.constant 0 : i32
    %dma_start3A_49 = arith.constant 0 : i32
    %dma_start3A_50 = tpu.memref_slice %arg8[%dma_start3A_48, %dma_start3A_49] : memref<50x128xf32, #tpu.memory_space<vmem>> -> memref<48x128xf32, #tpu.memory_space<vmem>>
    %dma_start3A_51 = arith.constant 0 : i32
    %dma_start3A_52 = tpu.memref_slice %arg13[%add3A_47, %dma_start3A_51] : memref<10000x128xf32, #tpu.memory_space<vmem_shared>> -> memref<48x128xf32, #tpu.memory_space<vmem_shared>>
    %dma_start3A_53 = arith.constant 0 : i32
    %dma_start3A_54 = tpu.memref_slice %arg13[%add3A_47, %dma_start3A_53] : memref<10000x128xf32, #tpu.memory_space<vmem_shared>> -> memref<48x128xf32, #tpu.memory_space<vmem_shared>>
    %dma_start3A_55 = arith.constant 0 : i32
    %dma_start3A_56 = arith.constant 0 : i32
    %dma_start3A_57 = tpu.memref_slice %arg8[%dma_start3A_55, %dma_start3A_56] : memref<50x128xf32, #tpu.memory_space<vmem>> -> memref<48x128xf32, #tpu.memory_space<vmem>>
    tpu.enqueue_dma source(%dma_start3A_57 : memref<48x128xf32, #tpu.memory_space<vmem>>) target(%dma_start3A_54 : memref<48x128xf32, #tpu.memory_space<vmem_shared>>) target_semaphore(%arg14 : memref<!tpu.dma_semaphore, #tpu.memory_space<semaphore_mem>>)
    %add3A_58 = arith.constant 96 : i32
    %add3A_59 = arith.addi %mul3A_33, %add3A_58 : i32
    %dma_start3A_60 = arith.constant 0 : i32
    %dma_start3A_61 = arith.constant 0 : i32
    %dma_start3A_62 = tpu.memref_slice %arg8[%dma_start3A_60, %dma_start3A_61] : memref<50x128xf32, #tpu.memory_space<vmem>> -> memref<48x128xf32, #tpu.memory_space<vmem>>
    %dma_start3A_63 = arith.constant 0 : i32
    %dma_start3A_64 = tpu.memref_slice %arg13[%add3A_59, %dma_start3A_63] : memref<10000x128xf32, #tpu.memory_space<vmem_shared>> -> memref<48x128xf32, #tpu.memory_space<vmem_shared>>
    %dma_start3A_65 = arith.constant 0 : i32
    %dma_start3A_66 = tpu.memref_slice %arg13[%add3A_59, %dma_start3A_65] : memref<10000x128xf32, #tpu.memory_space<vmem_shared>> -> memref<48x128xf32, #tpu.memory_space<vmem_shared>>
    %dma_start3A_67 = arith.constant 0 : i32
    %dma_start3A_68 = arith.constant 0 : i32
    %dma_start3A_69 = tpu.memref_slice %arg8[%dma_start3A_67, %dma_start3A_68] : memref<50x128xf32, #tpu.memory_space<vmem>> -> memref<48x128xf32, #tpu.memory_space<vmem>>
    tpu.enqueue_dma source(%dma_start3A_69 : memref<48x128xf32, #tpu.memory_space<vmem>>) target(%dma_start3A_66 : memref<48x128xf32, #tpu.memory_space<vmem_shared>>) target_semaphore(%arg14 : memref<!tpu.dma_semaphore, #tpu.memory_space<semaphore_mem>>)
    %add3A_70 = arith.constant 144 : i32
    %add3A_71 = arith.addi %mul3A_33, %add3A_70 : i32
    %dma_start3A_72 = arith.constant 0 : i32
    %dma_start3A_73 = arith.constant 0 : i32
    %dma_start3A_74 = tpu.memref_slice %arg8[%dma_start3A_72, %dma_start3A_73] : memref<50x128xf32, #tpu.memory_space<vmem>> -> memref<48x128xf32, #tpu.memory_space<vmem>>
    %dma_start3A_75 = arith.constant 0 : i32
    %dma_start3A_76 = tpu.memref_slice %arg13[%add3A_71, %dma_start3A_75] : memref<10000x128xf32, #tpu.memory_space<vmem_shared>> -> memref<48x128xf32, #tpu.memory_space<vmem_shared>>
    %dma_start3A_77 = arith.constant 0 : i32
    %dma_start3A_78 = tpu.memref_slice %arg13[%add3A_71, %dma_start3A_77] : memref<10000x128xf32, #tpu.memory_space<vmem_shared>> -> memref<48x128xf32, #tpu.memory_space<vmem_shared>>
    %dma_start3A_79 = arith.constant 0 : i32
    %dma_start3A_80 = arith.constant 0 : i32
    %dma_start3A_81 = tpu.memref_slice %arg8[%dma_start3A_79, %dma_start3A_80] : memref<50x128xf32, #tpu.memory_space<vmem>> -> memref<48x128xf32, #tpu.memory_space<vmem>>
    tpu.enqueue_dma source(%dma_start3A_81 : memref<48x128xf32, #tpu.memory_space<vmem>>) target(%dma_start3A_78 : memref<48x128xf32, #tpu.memory_space<vmem_shared>>) target_semaphore(%arg14 : memref<!tpu.dma_semaphore, #tpu.memory_space<semaphore_mem>>)
    %add3A_82 = arith.constant 192 : i32
    %add3A_83 = arith.addi %mul3A_33, %add3A_82 : i32
    %dma_start3A_84 = arith.constant 0 : i32
    %dma_start3A_85 = arith.constant 0 : i32
    %dma_start3A_86 = tpu.memref_slice %arg8[%dma_start3A_84, %dma_start3A_85] : memref<50x128xf32, #tpu.memory_space<vmem>> -> memref<48x128xf32, #tpu.memory_space<vmem>>
    %dma_start3A_87 = arith.constant 0 : i32
    %dma_start3A_88 = tpu.memref_slice %arg13[%add3A_83, %dma_start3A_87] : memref<10000x128xf32, #tpu.memory_space<vmem_shared>> -> memref<48x128xf32, #tpu.memory_space<vmem_shared>>
    %dma_start3A_89 = arith.constant 0 : i32
    %dma_start3A_90 = tpu.memref_slice %arg13[%add3A_83, %dma_start3A_89] : memref<10000x128xf32, #tpu.memory_space<vmem_shared>> -> memref<48x128xf32, #tpu.memory_space<vmem_shared>>
    %dma_start3A_91 = arith.constant 0 : i32
    %dma_start3A_92 = arith.constant 0 : i32
    %dma_start3A_93 = tpu.memref_slice %arg8[%dma_start3A_91, %dma_start3A_92] : memref<50x128xf32, #tpu.memory_space<vmem>> -> memref<48x128xf32, #tpu.memory_space<vmem>>
    tpu.enqueue_dma source(%dma_start3A_93 : memref<48x128xf32, #tpu.memory_space<vmem>>) target(%dma_start3A_90 : memref<48x128xf32, #tpu.memory_space<vmem_shared>>) target_semaphore(%arg14 : memref<!tpu.dma_semaphore, #tpu.memory_space<semaphore_mem>>)
    %add3A_94 = arith.constant 240 : i32
    %add3A_95 = arith.addi %mul3A_33, %add3A_94 : i32
    %dma_start3A_96 = arith.constant 0 : i32
    %dma_start3A_97 = arith.constant 0 : i32
    %dma_start3A_98 = tpu.memref_slice %arg8[%dma_start3A_96, %dma_start3A_97] : memref<50x128xf32, #tpu.memory_space<vmem>> -> memref<48x128xf32, #tpu.memory_space<vmem>>
    %dma_start3A_99 = arith.constant 0 : i32
    %dma_start3A_100 = tpu.memref_slice %arg13[%add3A_95, %dma_start3A_99] : memref<10000x128xf32, #tpu.memory_space<vmem_shared>> -> memref<48x128xf32, #tpu.memory_space<vmem_shared>>
    %dma_start3A_101 = arith.constant 0 : i32
    %dma_start3A_102 = tpu.memref_slice %arg13[%add3A_95, %dma_start3A_101] : memref<10000x128xf32, #tpu.memory_space<vmem_shared>> -> memref<48x128xf32, #tpu.memory_space<vmem_shared>>
    %dma_start3A_103 = arith.constant 0 : i32
    %dma_start3A_104 = arith.constant 0 : i32
    %dma_start3A_105 = tpu.memref_slice %arg8[%dma_start3A_103, %dma_start3A_104] : memref<50x128xf32, #tpu.memory_space<vmem>> -> memref<48x128xf32, #tpu.memory_space<vmem>>
    tpu.enqueue_dma source(%dma_start3A_105 : memref<48x128xf32, #tpu.memory_space<vmem>>) target(%dma_start3A_102 : memref<48x128xf32, #tpu.memory_space<vmem_shared>>) target_semaphore(%arg14 : memref<!tpu.dma_semaphore, #tpu.memory_space<semaphore_mem>>)
    %add3A_106 = arith.constant 288 : i32
    %add3A_107 = arith.addi %mul3A_33, %add3A_106 : i32
    %dma_start3A_108 = arith.constant 0 : i32
    %dma_start3A_109 = arith.constant 0 : i32
    %dma_start3A_110 = tpu.memref_slice %arg8[%dma_start3A_108, %dma_start3A_109] : memref<50x128xf32, #tpu.memory_space<vmem>> -> memref<48x128xf32, #tpu.memory_space<vmem>>
    %dma_start3A_111 = arith.constant 0 : i32
    %dma_start3A_112 = tpu.memref_slice %arg13[%add3A_107, %dma_start3A_111] : memref<10000x128xf32, #tpu.memory_space<vmem_shared>> -> memref<48x128xf32, #tpu.memory_space<vmem_shared>>
    %dma_start3A_113 = arith.constant 0 : i32
    %dma_start3A_114 = tpu.memref_slice %arg13[%add3A_107, %dma_start3A_113] : memref<10000x128xf32, #tpu.memory_space<vmem_shared>> -> memref<48x128xf32, #tpu.memory_space<vmem_shared>>
    %dma_start3A_115 = arith.constant 0 : i32
    %dma_start3A_116 = arith.constant 0 : i32
    %dma_start3A_117 = tpu.memref_slice %arg8[%dma_start3A_115, %dma_start3A_116] : memref<50x128xf32, #tpu.memory_space<vmem>> -> memref<48x128xf32, #tpu.memory_space<vmem>>
    tpu.enqueue_dma source(%dma_start3A_117 : memref<48x128xf32, #tpu.memory_space<vmem>>) target(%dma_start3A_114 : memref<48x128xf32, #tpu.memory_space<vmem_shared>>) target_semaphore(%arg14 : memref<!tpu.dma_semaphore, #tpu.memory_space<semaphore_mem>>)
    %add3A_118 = arith.constant 336 : i32
    %add3A_119 = arith.addi %mul3A_33, %add3A_118 : i32
    %dma_start3A_120 = arith.constant 0 : i32
    %dma_start3A_121 = arith.constant 0 : i32
    %dma_start3A_122 = tpu.memref_slice %arg8[%dma_start3A_120, %dma_start3A_121] : memref<50x128xf32, #tpu.memory_space<vmem>> -> memref<48x128xf32, #tpu.memory_space<vmem>>
    %dma_start3A_123 = arith.constant 0 : i32
    %dma_start3A_124 = tpu.memref_slice %arg13[%add3A_119, %dma_start3A_123] : memref<10000x128xf32, #tpu.memory_space<vmem_shared>> -> memref<48x128xf32, #tpu.memory_space<vmem_shared>>
    %dma_start3A_125 = arith.constant 0 : i32
    %dma_start3A_126 = tpu.memref_slice %arg13[%add3A_119, %dma_start3A_125] : memref<10000x128xf32, #tpu.memory_space<vmem_shared>> -> memref<48x128xf32, #tpu.memory_space<vmem_shared>>
    %dma_start3A_127 = arith.constant 0 : i32
    %dma_start3A_128 = arith.constant 0 : i32
    %dma_start3A_129 = tpu.memref_slice %arg8[%dma_start3A_127, %dma_start3A_128] : memref<50x128xf32, #tpu.memory_space<vmem>> -> memref<48x128xf32, #tpu.memory_space<vmem>>
    tpu.enqueue_dma source(%dma_start3A_129 : memref<48x128xf32, #tpu.memory_space<vmem>>) target(%dma_start3A_126 : memref<48x128xf32, #tpu.memory_space<vmem_shared>>) target_semaphore(%arg14 : memref<!tpu.dma_semaphore, #tpu.memory_space<semaphore_mem>>)
    %add3A_130 = arith.constant 384 : i32
    %add3A_131 = arith.addi %mul3A_33, %add3A_130 : i32
    %dma_start3A_132 = arith.constant 0 : i32
    %dma_start3A_133 = arith.constant 0 : i32
    %dma_start3A_134 = tpu.memref_slice %arg8[%dma_start3A_132, %dma_start3A_133] : memref<50x128xf32, #tpu.memory_space<vmem>> -> memref<48x128xf32, #tpu.memory_space<vmem>>
    %dma_start3A_135 = arith.constant 0 : i32
    %dma_start3A_136 = tpu.memref_slice %arg13[%add3A_131, %dma_start3A_135] : memref<10000x128xf32, #tpu.memory_space<vmem_shared>> -> memref<48x128xf32, #tpu.memory_space<vmem_shared>>
    %dma_start3A_137 = arith.constant 0 : i32
    %dma_start3A_138 = tpu.memref_slice %arg13[%add3A_131, %dma_start3A_137] : memref<10000x128xf32, #tpu.memory_space<vmem_shared>> -> memref<48x128xf32, #tpu.memory_space<vmem_shared>>
    %dma_start3A_139 = arith.constant 0 : i32
    %dma_start3A_140 = arith.constant 0 : i32
    %dma_start3A_141 = tpu.memref_slice %arg8[%dma_start3A_139, %dma_start3A_140] : memref<50x128xf32, #tpu.memory_space<vmem>> -> memref<48x128xf32, #tpu.memory_space<vmem>>
    tpu.enqueue_dma source(%dma_start3A_141 : memref<48x128xf32, #tpu.memory_space<vmem>>) target(%dma_start3A_138 : memref<48x128xf32, #tpu.memory_space<vmem_shared>>) target_semaphore(%arg14 : memref<!tpu.dma_semaphore, #tpu.memory_space<semaphore_mem>>)
    %add3A_142 = arith.constant 432 : i32
    %add3A_143 = arith.addi %mul3A_33, %add3A_142 : i32
    %dma_start3A_144 = arith.constant 0 : i32
    %dma_start3A_145 = arith.constant 0 : i32
    %dma_start3A_146 = tpu.memref_slice %arg8[%dma_start3A_144, %dma_start3A_145] : memref<50x128xf32, #tpu.memory_space<vmem>> -> memref<48x128xf32, #tpu.memory_space<vmem>>
    %dma_start3A_147 = arith.constant 0 : i32
    %dma_start3A_148 = tpu.memref_slice %arg13[%add3A_143, %dma_start3A_147] : memref<10000x128xf32, #tpu.memory_space<vmem_shared>> -> memref<48x128xf32, #tpu.memory_space<vmem_shared>>
    %dma_start3A_149 = arith.constant 0 : i32
    %dma_start3A_150 = tpu.memref_slice %arg13[%add3A_143, %dma_start3A_149] : memref<10000x128xf32, #tpu.memory_space<vmem_shared>> -> memref<48x128xf32, #tpu.memory_space<vmem_shared>>
    %dma_start3A_151 = arith.constant 0 : i32
    %dma_start3A_152 = arith.constant 0 : i32
    %dma_start3A_153 = tpu.memref_slice %arg8[%dma_start3A_151, %dma_start3A_152] : memref<50x128xf32, #tpu.memory_space<vmem>> -> memref<48x128xf32, #tpu.memory_space<vmem>>
    tpu.enqueue_dma source(%dma_start3A_153 : memref<48x128xf32, #tpu.memory_space<vmem>>) target(%dma_start3A_150 : memref<48x128xf32, #tpu.memory_space<vmem_shared>>) target_semaphore(%arg14 : memref<!tpu.dma_semaphore, #tpu.memory_space<semaphore_mem>>)
    %add3A_154 = arith.constant 480 : i32
    %add3A_155 = arith.addi %mul3A_33, %add3A_154 : i32
    %dma_start3A_156 = arith.constant 0 : i32
    %dma_start3A_157 = arith.constant 0 : i32
    %dma_start3A_158 = tpu.memref_slice %arg8[%dma_start3A_156, %dma_start3A_157] : memref<50x128xf32, #tpu.memory_space<vmem>> -> memref<48x128xf32, #tpu.memory_space<vmem>>
    %dma_start3A_159 = arith.constant 0 : i32
    %dma_start3A_160 = tpu.memref_slice %arg13[%add3A_155, %dma_start3A_159] : memref<10000x128xf32, #tpu.memory_space<vmem_shared>> -> memref<48x128xf32, #tpu.memory_space<vmem_shared>>
    %dma_start3A_161 = arith.constant 0 : i32
    %dma_start3A_162 = tpu.memref_slice %arg13[%add3A_155, %dma_start3A_161] : memref<10000x128xf32, #tpu.memory_space<vmem_shared>> -> memref<48x128xf32, #tpu.memory_space<vmem_shared>>
    %dma_start3A_163 = arith.constant 0 : i32
    %dma_start3A_164 = arith.constant 0 : i32
    %dma_start3A_165 = tpu.memref_slice %arg8[%dma_start3A_163, %dma_start3A_164] : memref<50x128xf32, #tpu.memory_space<vmem>> -> memref<48x128xf32, #tpu.memory_space<vmem>>
    tpu.enqueue_dma source(%dma_start3A_165 : memref<48x128xf32, #tpu.memory_space<vmem>>) target(%dma_start3A_162 : memref<48x128xf32, #tpu.memory_space<vmem_shared>>) target_semaphore(%arg14 : memref<!tpu.dma_semaphore, #tpu.memory_space<semaphore_mem>>)
    %add3A_166 = arith.constant 528 : i32
    %add3A_167 = arith.addi %mul3A_33, %add3A_166 : i32
    %dma_start3A_168 = arith.constant 0 : i32
    %dma_start3A_169 = arith.constant 0 : i32
    %dma_start3A_170 = tpu.memref_slice %arg8[%dma_start3A_168, %dma_start3A_169] : memref<50x128xf32, #tpu.memory_space<vmem>> -> memref<48x128xf32, #tpu.memory_space<vmem>>
    %dma_start3A_171 = arith.constant 0 : i32
    %dma_start3A_172 = tpu.memref_slice %arg13[%add3A_167, %dma_start3A_171] : memref<10000x128xf32, #tpu.memory_space<vmem_shared>> -> memref<48x128xf32, #tpu.memory_space<vmem_shared>>
    %dma_start3A_173 = arith.constant 0 : i32
    %dma_start3A_174 = tpu.memref_slice %arg13[%add3A_167, %dma_start3A_173] : memref<10000x128xf32, #tpu.memory_space<vmem_shared>> -> memref<48x128xf32, #tpu.memory_space<vmem_shared>>
    %dma_start3A_175 = arith.constant 0 : i32
    %dma_start3A_176 = arith.constant 0 : i32
    %dma_start3A_177 = tpu.memref_slice %arg8[%dma_start3A_175, %dma_start3A_176] : memref<50x128xf32, #tpu.memory_space<vmem>> -> memref<48x128xf32, #tpu.memory_space<vmem>>
    tpu.enqueue_dma source(%dma_start3A_177 : memref<48x128xf32, #tpu.memory_space<vmem>>) target(%dma_start3A_174 : memref<48x128xf32, #tpu.memory_space<vmem_shared>>) target_semaphore(%arg14 : memref<!tpu.dma_semaphore, #tpu.memory_space<semaphore_mem>>)
    %add3A_178 = arith.constant 576 : i32
    %add3A_179 = arith.addi %mul3A_33, %add3A_178 : i32
    %dma_start3A_180 = arith.constant 0 : i32
    %dma_start3A_181 = arith.constant 0 : i32
    %dma_start3A_182 = tpu.memref_slice %arg8[%dma_start3A_180, %dma_start3A_181] : memref<50x128xf32, #tpu.memory_space<vmem>> -> memref<48x128xf32, #tpu.memory_space<vmem>>
    %dma_start3A_183 = arith.constant 0 : i32
    %dma_start3A_184 = tpu.memref_slice %arg13[%add3A_179, %dma_start3A_183] : memref<10000x128xf32, #tpu.memory_space<vmem_shared>> -> memref<48x128xf32, #tpu.memory_space<vmem_shared>>
    %dma_start3A_185 = arith.constant 0 : i32
    %dma_start3A_186 = tpu.memref_slice %arg13[%add3A_179, %dma_start3A_185] : memref<10000x128xf32, #tpu.memory_space<vmem_shared>> -> memref<48x128xf32, #tpu.memory_space<vmem_shared>>
    %dma_start3A_187 = arith.constant 0 : i32
    %dma_start3A_188 = arith.constant 0 : i32
    %dma_start3A_189 = tpu.memref_slice %arg8[%dma_start3A_187, %dma_start3A_188] : memref<50x128xf32, #tpu.memory_space<vmem>> -> memref<48x128xf32, #tpu.memory_space<vmem>>
    tpu.enqueue_dma source(%dma_start3A_189 : memref<48x128xf32, #tpu.memory_space<vmem>>) target(%dma_start3A_186 : memref<48x128xf32, #tpu.memory_space<vmem_shared>>) target_semaphore(%arg14 : memref<!tpu.dma_semaphore, #tpu.memory_space<semaphore_mem>>)
    %add3A_190 = arith.constant 0 : i32
    %add3A_191 = arith.addi %mul3A_33, %add3A_190 : i32
    %dma_wait3A = arith.constant 0 : i32
    %dma_wait3A_192 = arith.constant 0 : i32
    %dma_wait3A_193 = tpu.memref_slice %arg8[%dma_wait3A, %dma_wait3A_192] : memref<50x128xf32, #tpu.memory_space<vmem>> -> memref<48x128xf32, #tpu.memory_space<vmem>>
    %dma_wait3A_194 = arith.constant 0 : i32
    %dma_wait3A_195 = tpu.memref_slice %arg13[%add3A_191, %dma_wait3A_194] : memref<10000x128xf32, #tpu.memory_space<vmem_shared>> -> memref<48x128xf32, #tpu.memory_space<vmem_shared>>
    %dma_wait3A_196 = arith.constant 0 : i32
    %dma_wait3A_197 = tpu.memref_slice %arg13[%add3A_191, %dma_wait3A_196] : memref<10000x128xf32, #tpu.memory_space<vmem_shared>> -> memref<48x128xf32, #tpu.memory_space<vmem_shared>>
    %dma_wait3A_198 = arith.constant 0 : i32
    %dma_wait3A_199 = arith.constant 0 : i32
    %dma_wait3A_200 = tpu.memref_slice %arg8[%dma_wait3A_198, %dma_wait3A_199] : memref<50x128xf32, #tpu.memory_space<vmem>> -> memref<48x128xf32, #tpu.memory_space<vmem>>
    tpu.wait_dma2 semaphore(%arg14 : memref<!tpu.dma_semaphore, #tpu.memory_space<semaphore_mem>>) src(%dma_wait3A_200 : memref<48x128xf32, #tpu.memory_space<vmem>>) dst(%dma_wait3A_197 : memref<48x128xf32, #tpu.memory_space<vmem_shared>>)
    %add3A_201 = arith.constant 48 : i32
    %add3A_202 = arith.addi %mul3A_33, %add3A_201 : i32
    %dma_wait3A_203 = arith.constant 0 : i32
    %dma_wait3A_204 = arith.constant 0 : i32
    %dma_wait3A_205 = tpu.memref_slice %arg8[%dma_wait3A_203, %dma_wait3A_204] : memref<50x128xf32, #tpu.memory_space<vmem>> -> memref<48x128xf32, #tpu.memory_space<vmem>>
    %dma_wait3A_206 = arith.constant 0 : i32
    %dma_wait3A_207 = tpu.memref_slice %arg13[%add3A_202, %dma_wait3A_206] : memref<10000x128xf32, #tpu.memory_space<vmem_shared>> -> memref<48x128xf32, #tpu.memory_space<vmem_shared>>
    %dma_wait3A_208 = arith.constant 0 : i32
    %dma_wait3A_209 = tpu.memref_slice %arg13[%add3A_202, %dma_wait3A_208] : memref<10000x128xf32, #tpu.memory_space<vmem_shared>> -> memref<48x128xf32, #tpu.memory_space<vmem_shared>>
    %dma_wait3A_210 = arith.constant 0 : i32
    %dma_wait3A_211 = arith.constant 0 : i32
    %dma_wait3A_212 = tpu.memref_slice %arg8[%dma_wait3A_210, %dma_wait3A_211] : memref<50x128xf32, #tpu.memory_space<vmem>> -> memref<48x128xf32, #tpu.memory_space<vmem>>
    tpu.wait_dma2 semaphore(%arg14 : memref<!tpu.dma_semaphore, #tpu.memory_space<semaphore_mem>>) src(%dma_wait3A_212 : memref<48x128xf32, #tpu.memory_space<vmem>>) dst(%dma_wait3A_209 : memref<48x128xf32, #tpu.memory_space<vmem_shared>>)
    %add3A_213 = arith.constant 96 : i32
    %add3A_214 = arith.addi %mul3A_33, %add3A_213 : i32
    %dma_wait3A_215 = arith.constant 0 : i32
    %dma_wait3A_216 = arith.constant 0 : i32
    %dma_wait3A_217 = tpu.memref_slice %arg8[%dma_wait3A_215, %dma_wait3A_216] : memref<50x128xf32, #tpu.memory_space<vmem>> -> memref<48x128xf32, #tpu.memory_space<vmem>>
    %dma_wait3A_218 = arith.constant 0 : i32
    %dma_wait3A_219 = tpu.memref_slice %arg13[%add3A_214, %dma_wait3A_218] : memref<10000x128xf32, #tpu.memory_space<vmem_shared>> -> memref<48x128xf32, #tpu.memory_space<vmem_shared>>
    %dma_wait3A_220 = arith.constant 0 : i32
    %dma_wait3A_221 = tpu.memref_slice %arg13[%add3A_214, %dma_wait3A_220] : memref<10000x128xf32, #tpu.memory_space<vmem_shared>> -> memref<48x128xf32, #tpu.memory_space<vmem_shared>>
    %dma_wait3A_222 = arith.constant 0 : i32
    %dma_wait3A_223 = arith.constant 0 : i32
    %dma_wait3A_224 = tpu.memref_slice %arg8[%dma_wait3A_222, %dma_wait3A_223] : memref<50x128xf32, #tpu.memory_space<vmem>> -> memref<48x128xf32, #tpu.memory_space<vmem>>
    tpu.wait_dma2 semaphore(%arg14 : memref<!tpu.dma_semaphore, #tpu.memory_space<semaphore_mem>>) src(%dma_wait3A_224 : memref<48x128xf32, #tpu.memory_space<vmem>>) dst(%dma_wait3A_221 : memref<48x128xf32, #tpu.memory_space<vmem_shared>>)
    %add3A_225 = arith.constant 144 : i32
    %add3A_226 = arith.addi %mul3A_33, %add3A_225 : i32
    %dma_wait3A_227 = arith.constant 0 : i32
    %dma_wait3A_228 = arith.constant 0 : i32
    %dma_wait3A_229 = tpu.memref_slice %arg8[%dma_wait3A_227, %dma_wait3A_228] : memref<50x128xf32, #tpu.memory_space<vmem>> -> memref<48x128xf32, #tpu.memory_space<vmem>>
    %dma_wait3A_230 = arith.constant 0 : i32
    %dma_wait3A_231 = tpu.memref_slice %arg13[%add3A_226, %dma_wait3A_230] : memref<10000x128xf32, #tpu.memory_space<vmem_shared>> -> memref<48x128xf32, #tpu.memory_space<vmem_shared>>
    %dma_wait3A_232 = arith.constant 0 : i32
    %dma_wait3A_233 = tpu.memref_slice %arg13[%add3A_226, %dma_wait3A_232] : memref<10000x128xf32, #tpu.memory_space<vmem_shared>> -> memref<48x128xf32, #tpu.memory_space<vmem_shared>>
    %dma_wait3A_234 = arith.constant 0 : i32
    %dma_wait3A_235 = arith.constant 0 : i32
    %dma_wait3A_236 = tpu.memref_slice %arg8[%dma_wait3A_234, %dma_wait3A_235] : memref<50x128xf32, #tpu.memory_space<vmem>> -> memref<48x128xf32, #tpu.memory_space<vmem>>
    tpu.wait_dma2 semaphore(%arg14 : memref<!tpu.dma_semaphore, #tpu.memory_space<semaphore_mem>>) src(%dma_wait3A_236 : memref<48x128xf32, #tpu.memory_space<vmem>>) dst(%dma_wait3A_233 : memref<48x128xf32, #tpu.memory_space<vmem_shared>>)
    %add3A_237 = arith.constant 192 : i32
    %add3A_238 = arith.addi %mul3A_33, %add3A_237 : i32
    %dma_wait3A_239 = arith.constant 0 : i32
    %dma_wait3A_240 = arith.constant 0 : i32
    %dma_wait3A_241 = tpu.memref_slice %arg8[%dma_wait3A_239, %dma_wait3A_240] : memref<50x128xf32, #tpu.memory_space<vmem>> -> memref<48x128xf32, #tpu.memory_space<vmem>>
    %dma_wait3A_242 = arith.constant 0 : i32
    %dma_wait3A_243 = tpu.memref_slice %arg13[%add3A_238, %dma_wait3A_242] : memref<10000x128xf32, #tpu.memory_space<vmem_shared>> -> memref<48x128xf32, #tpu.memory_space<vmem_shared>>
    %dma_wait3A_244 = arith.constant 0 : i32
    %dma_wait3A_245 = tpu.memref_slice %arg13[%add3A_238, %dma_wait3A_244] : memref<10000x128xf32, #tpu.memory_space<vmem_shared>> -> memref<48x128xf32, #tpu.memory_space<vmem_shared>>
    %dma_wait3A_246 = arith.constant 0 : i32
    %dma_wait3A_247 = arith.constant 0 : i32
    %dma_wait3A_248 = tpu.memref_slice %arg8[%dma_wait3A_246, %dma_wait3A_247] : memref<50x128xf32, #tpu.memory_space<vmem>> -> memref<48x128xf32, #tpu.memory_space<vmem>>
    tpu.wait_dma2 semaphore(%arg14 : memref<!tpu.dma_semaphore, #tpu.memory_space<semaphore_mem>>) src(%dma_wait3A_248 : memref<48x128xf32, #tpu.memory_space<vmem>>) dst(%dma_wait3A_245 : memref<48x128xf32, #tpu.memory_space<vmem_shared>>)
    %add3A_249 = arith.constant 240 : i32
    %add3A_250 = arith.addi %mul3A_33, %add3A_249 : i32
    %dma_wait3A_251 = arith.constant 0 : i32
    %dma_wait3A_252 = arith.constant 0 : i32
    %dma_wait3A_253 = tpu.memref_slice %arg8[%dma_wait3A_251, %dma_wait3A_252] : memref<50x128xf32, #tpu.memory_space<vmem>> -> memref<48x128xf32, #tpu.memory_space<vmem>>
    %dma_wait3A_254 = arith.constant 0 : i32
    %dma_wait3A_255 = tpu.memref_slice %arg13[%add3A_250, %dma_wait3A_254] : memref<10000x128xf32, #tpu.memory_space<vmem_shared>> -> memref<48x128xf32, #tpu.memory_space<vmem_shared>>
    %dma_wait3A_256 = arith.constant 0 : i32
    %dma_wait3A_257 = tpu.memref_slice %arg13[%add3A_250, %dma_wait3A_256] : memref<10000x128xf32, #tpu.memory_space<vmem_shared>> -> memref<48x128xf32, #tpu.memory_space<vmem_shared>>
    %dma_wait3A_258 = arith.constant 0 : i32
    %dma_wait3A_259 = arith.constant 0 : i32
    %dma_wait3A_260 = tpu.memref_slice %arg8[%dma_wait3A_258, %dma_wait3A_259] : memref<50x128xf32, #tpu.memory_space<vmem>> -> memref<48x128xf32, #tpu.memory_space<vmem>>
    tpu.wait_dma2 semaphore(%arg14 : memref<!tpu.dma_semaphore, #tpu.memory_space<semaphore_mem>>) src(%dma_wait3A_260 : memref<48x128xf32, #tpu.memory_space<vmem>>) dst(%dma_wait3A_257 : memref<48x128xf32, #tpu.memory_space<vmem_shared>>)
    %add3A_261 = arith.constant 288 : i32
    %add3A_262 = arith.addi %mul3A_33, %add3A_261 : i32
    %dma_wait3A_263 = arith.constant 0 : i32
    %dma_wait3A_264 = arith.constant 0 : i32
    %dma_wait3A_265 = tpu.memref_slice %arg8[%dma_wait3A_263, %dma_wait3A_264] : memref<50x128xf32, #tpu.memory_space<vmem>> -> memref<48x128xf32, #tpu.memory_space<vmem>>
    %dma_wait3A_266 = arith.constant 0 : i32
    %dma_wait3A_267 = tpu.memref_slice %arg13[%add3A_262, %dma_wait3A_266] : memref<10000x128xf32, #tpu.memory_space<vmem_shared>> -> memref<48x128xf32, #tpu.memory_space<vmem_shared>>
    %dma_wait3A_268 = arith.constant 0 : i32
    %dma_wait3A_269 = tpu.memref_slice %arg13[%add3A_262, %dma_wait3A_268] : memref<10000x128xf32, #tpu.memory_space<vmem_shared>> -> memref<48x128xf32, #tpu.memory_space<vmem_shared>>
    %dma_wait3A_270 = arith.constant 0 : i32
    %dma_wait3A_271 = arith.constant 0 : i32
    %dma_wait3A_272 = tpu.memref_slice %arg8[%dma_wait3A_270, %dma_wait3A_271] : memref<50x128xf32, #tpu.memory_space<vmem>> -> memref<48x128xf32, #tpu.memory_space<vmem>>
    tpu.wait_dma2 semaphore(%arg14 : memref<!tpu.dma_semaphore, #tpu.memory_space<semaphore_mem>>) src(%dma_wait3A_272 : memref<48x128xf32, #tpu.memory_space<vmem>>) dst(%dma_wait3A_269 : memref<48x128xf32, #tpu.memory_space<vmem_shared>>)
    %add3A_273 = arith.constant 336 : i32
    %add3A_274 = arith.addi %mul3A_33, %add3A_273 : i32
    %dma_wait3A_275 = arith.constant 0 : i32
    %dma_wait3A_276 = arith.constant 0 : i32
    %dma_wait3A_277 = tpu.memref_slice %arg8[%dma_wait3A_275, %dma_wait3A_276] : memref<50x128xf32, #tpu.memory_space<vmem>> -> memref<48x128xf32, #tpu.memory_space<vmem>>
    %dma_wait3A_278 = arith.constant 0 : i32
    %dma_wait3A_279 = tpu.memref_slice %arg13[%add3A_274, %dma_wait3A_278] : memref<10000x128xf32, #tpu.memory_space<vmem_shared>> -> memref<48x128xf32, #tpu.memory_space<vmem_shared>>
    %dma_wait3A_280 = arith.constant 0 : i32
    %dma_wait3A_281 = tpu.memref_slice %arg13[%add3A_274, %dma_wait3A_280] : memref<10000x128xf32, #tpu.memory_space<vmem_shared>> -> memref<48x128xf32, #tpu.memory_space<vmem_shared>>
    %dma_wait3A_282 = arith.constant 0 : i32
    %dma_wait3A_283 = arith.constant 0 : i32
    %dma_wait3A_284 = tpu.memref_slice %arg8[%dma_wait3A_282, %dma_wait3A_283] : memref<50x128xf32, #tpu.memory_space<vmem>> -> memref<48x128xf32, #tpu.memory_space<vmem>>
    tpu.wait_dma2 semaphore(%arg14 : memref<!tpu.dma_semaphore, #tpu.memory_space<semaphore_mem>>) src(%dma_wait3A_284 : memref<48x128xf32, #tpu.memory_space<vmem>>) dst(%dma_wait3A_281 : memref<48x128xf32, #tpu.memory_space<vmem_shared>>)
    %add3A_285 = arith.constant 384 : i32
    %add3A_286 = arith.addi %mul3A_33, %add3A_285 : i32
    %dma_wait3A_287 = arith.constant 0 : i32
    %dma_wait3A_288 = arith.constant 0 : i32
    %dma_wait3A_289 = tpu.memref_slice %arg8[%dma_wait3A_287, %dma_wait3A_288] : memref<50x128xf32, #tpu.memory_space<vmem>> -> memref<48x128xf32, #tpu.memory_space<vmem>>
    %dma_wait3A_290 = arith.constant 0 : i32
    %dma_wait3A_291 = tpu.memref_slice %arg13[%add3A_286, %dma_wait3A_290] : memref<10000x128xf32, #tpu.memory_space<vmem_shared>> -> memref<48x128xf32, #tpu.memory_space<vmem_shared>>
    %dma_wait3A_292 = arith.constant 0 : i32
    %dma_wait3A_293 = tpu.memref_slice %arg13[%add3A_286, %dma_wait3A_292] : memref<10000x128xf32, #tpu.memory_space<vmem_shared>> -> memref<48x128xf32, #tpu.memory_space<vmem_shared>>
    %dma_wait3A_294 = arith.constant 0 : i32
    %dma_wait3A_295 = arith.constant 0 : i32
    %dma_wait3A_296 = tpu.memref_slice %arg8[%dma_wait3A_294, %dma_wait3A_295] : memref<50x128xf32, #tpu.memory_space<vmem>> -> memref<48x128xf32, #tpu.memory_space<vmem>>
    tpu.wait_dma2 semaphore(%arg14 : memref<!tpu.dma_semaphore, #tpu.memory_space<semaphore_mem>>) src(%dma_wait3A_296 : memref<48x128xf32, #tpu.memory_space<vmem>>) dst(%dma_wait3A_293 : memref<48x128xf32, #tpu.memory_space<vmem_shared>>)
    %add3A_297 = arith.constant 432 : i32
    %add3A_298 = arith.addi %mul3A_33, %add3A_297 : i32
    %dma_wait3A_299 = arith.constant 0 : i32
    %dma_wait3A_300 = arith.constant 0 : i32
    %dma_wait3A_301 = tpu.memref_slice %arg8[%dma_wait3A_299, %dma_wait3A_300] : memref<50x128xf32, #tpu.memory_space<vmem>> -> memref<48x128xf32, #tpu.memory_space<vmem>>
    %dma_wait3A_302 = arith.constant 0 : i32
    %dma_wait3A_303 = tpu.memref_slice %arg13[%add3A_298, %dma_wait3A_302] : memref<10000x128xf32, #tpu.memory_space<vmem_shared>> -> memref<48x128xf32, #tpu.memory_space<vmem_shared>>
    %dma_wait3A_304 = arith.constant 0 : i32
    %dma_wait3A_305 = tpu.memref_slice %arg13[%add3A_298, %dma_wait3A_304] : memref<10000x128xf32, #tpu.memory_space<vmem_shared>> -> memref<48x128xf32, #tpu.memory_space<vmem_shared>>
    %dma_wait3A_306 = arith.constant 0 : i32
    %dma_wait3A_307 = arith.constant 0 : i32
    %dma_wait3A_308 = tpu.memref_slice %arg8[%dma_wait3A_306, %dma_wait3A_307] : memref<50x128xf32, #tpu.memory_space<vmem>> -> memref<48x128xf32, #tpu.memory_space<vmem>>
    tpu.wait_dma2 semaphore(%arg14 : memref<!tpu.dma_semaphore, #tpu.memory_space<semaphore_mem>>) src(%dma_wait3A_308 : memref<48x128xf32, #tpu.memory_space<vmem>>) dst(%dma_wait3A_305 : memref<48x128xf32, #tpu.memory_space<vmem_shared>>)
    %add3A_309 = arith.constant 480 : i32
    %add3A_310 = arith.addi %mul3A_33, %add3A_309 : i32
    %dma_wait3A_311 = arith.constant 0 : i32
    %dma_wait3A_312 = arith.constant 0 : i32
    %dma_wait3A_313 = tpu.memref_slice %arg8[%dma_wait3A_311, %dma_wait3A_312] : memref<50x128xf32, #tpu.memory_space<vmem>> -> memref<48x128xf32, #tpu.memory_space<vmem>>
    %dma_wait3A_314 = arith.constant 0 : i32
    %dma_wait3A_315 = tpu.memref_slice %arg13[%add3A_310, %dma_wait3A_314] : memref<10000x128xf32, #tpu.memory_space<vmem_shared>> -> memref<48x128xf32, #tpu.memory_space<vmem_shared>>
    %dma_wait3A_316 = arith.constant 0 : i32
    %dma_wait3A_317 = tpu.memref_slice %arg13[%add3A_310, %dma_wait3A_316] : memref<10000x128xf32, #tpu.memory_space<vmem_shared>> -> memref<48x128xf32, #tpu.memory_space<vmem_shared>>
    %dma_wait3A_318 = arith.constant 0 : i32
    %dma_wait3A_319 = arith.constant 0 : i32
    %dma_wait3A_320 = tpu.memref_slice %arg8[%dma_wait3A_318, %dma_wait3A_319] : memref<50x128xf32, #tpu.memory_space<vmem>> -> memref<48x128xf32, #tpu.memory_space<vmem>>
    tpu.wait_dma2 semaphore(%arg14 : memref<!tpu.dma_semaphore, #tpu.memory_space<semaphore_mem>>) src(%dma_wait3A_320 : memref<48x128xf32, #tpu.memory_space<vmem>>) dst(%dma_wait3A_317 : memref<48x128xf32, #tpu.memory_space<vmem_shared>>)
    %add3A_321 = arith.constant 528 : i32
    %add3A_322 = arith.addi %mul3A_33, %add3A_321 : i32
    %dma_wait3A_323 = arith.constant 0 : i32
    %dma_wait3A_324 = arith.constant 0 : i32
    %dma_wait3A_325 = tpu.memref_slice %arg8[%dma_wait3A_323, %dma_wait3A_324] : memref<50x128xf32, #tpu.memory_space<vmem>> -> memref<48x128xf32, #tpu.memory_space<vmem>>
    %dma_wait3A_326 = arith.constant 0 : i32
    %dma_wait3A_327 = tpu.memref_slice %arg13[%add3A_322, %dma_wait3A_326] : memref<10000x128xf32, #tpu.memory_space<vmem_shared>> -> memref<48x128xf32, #tpu.memory_space<vmem_shared>>
    %dma_wait3A_328 = arith.constant 0 : i32
    %dma_wait3A_329 = tpu.memref_slice %arg13[%add3A_322, %dma_wait3A_328] : memref<10000x128xf32, #tpu.memory_space<vmem_shared>> -> memref<48x128xf32, #tpu.memory_space<vmem_shared>>
    %dma_wait3A_330 = arith.constant 0 : i32
    %dma_wait3A_331 = arith.constant 0 : i32
    %dma_wait3A_332 = tpu.memref_slice %arg8[%dma_wait3A_330, %dma_wait3A_331] : memref<50x128xf32, #tpu.memory_space<vmem>> -> memref<48x128xf32, #tpu.memory_space<vmem>>
    tpu.wait_dma2 semaphore(%arg14 : memref<!tpu.dma_semaphore, #tpu.memory_space<semaphore_mem>>) src(%dma_wait3A_332 : memref<48x128xf32, #tpu.memory_space<vmem>>) dst(%dma_wait3A_329 : memref<48x128xf32, #tpu.memory_space<vmem_shared>>)
    %add3A_333 = arith.constant 576 : i32
    %add3A_334 = arith.addi %mul3A_33, %add3A_333 : i32
    %dma_wait3A_335 = arith.constant 0 : i32
    %dma_wait3A_336 = arith.constant 0 : i32
    %dma_wait3A_337 = tpu.memref_slice %arg8[%dma_wait3A_335, %dma_wait3A_336] : memref<50x128xf32, #tpu.memory_space<vmem>> -> memref<48x128xf32, #tpu.memory_space<vmem>>
    %dma_wait3A_338 = arith.constant 0 : i32
    %dma_wait3A_339 = tpu.memref_slice %arg13[%add3A_334, %dma_wait3A_338] : memref<10000x128xf32, #tpu.memory_space<vmem_shared>> -> memref<48x128xf32, #tpu.memory_space<vmem_shared>>
    %dma_wait3A_340 = arith.constant 0 : i32
    %dma_wait3A_341 = tpu.memref_slice %arg13[%add3A_334, %dma_wait3A_340] : memref<10000x128xf32, #tpu.memory_space<vmem_shared>> -> memref<48x128xf32, #tpu.memory_space<vmem_shared>>
    %dma_wait3A_342 = arith.constant 0 : i32
    %dma_wait3A_343 = arith.constant 0 : i32
    %dma_wait3A_344 = tpu.memref_slice %arg8[%dma_wait3A_342, %dma_wait3A_343] : memref<50x128xf32, #tpu.memory_space<vmem>> -> memref<48x128xf32, #tpu.memory_space<vmem>>
    tpu.wait_dma2 semaphore(%arg14 : memref<!tpu.dma_semaphore, #tpu.memory_space<semaphore_mem>>) src(%dma_wait3A_344 : memref<48x128xf32, #tpu.memory_space<vmem>>) dst(%dma_wait3A_341 : memref<48x128xf32, #tpu.memory_space<vmem_shared>>)
    %eq3A = arith.constant 15 : i32
    %eq3A_345 = arith.cmpi eq, %arg1, %eq3A : i32
    %convert_element_type3A = arith.extui %eq3A_345 : i1 to i32
    %cond3A = arith.constant 0 : i32
    %cond3A_346 = arith.cmpi ne, %convert_element_type3A, %cond3A : i32
    scf.if %cond3A_346 {
      "tpu.region"() ({
        %run_scoped3A_1557 = tpu.sem_alloc : memref<!tpu.dma_semaphore, #tpu.memory_space<semaphore_mem>>
        %dma_start3A_1558 = arith.constant 0 : i32
        %dma_start3A_1559 = arith.constant 0 : i32
        %dma_start3A_1560 = tpu.memref_slice %arg8[%dma_start3A_1558, %dma_start3A_1559] : memref<50x128xf32, #tpu.memory_space<vmem>> -> memref<16x128xf32, #tpu.memory_space<vmem>>
        %dma_start3A_1561 = arith.constant 9984 : i32
        %dma_start3A_1562 = arith.constant 0 : i32
        %dma_start3A_1563 = tpu.memref_slice %arg13[%dma_start3A_1561, %dma_start3A_1562] : memref<10000x128xf32, #tpu.memory_space<vmem_shared>> -> memref<16x128xf32, #tpu.memory_space<vmem_shared>>
        %dma_start3A_1564 = arith.constant 9984 : i32
        %dma_start3A_1565 = arith.constant 0 : i32
        %dma_start3A_1566 = tpu.memref_slice %arg13[%dma_start3A_1564, %dma_start3A_1565] : memref<10000x128xf32, #tpu.memory_space<vmem_shared>> -> memref<16x128xf32, #tpu.memory_space<vmem_shared>>
        %dma_start3A_1567 = arith.constant 0 : i32
        %dma_start3A_1568 = arith.constant 0 : i32
        %dma_start3A_1569 = tpu.memref_slice %arg8[%dma_start3A_1567, %dma_start3A_1568] : memref<50x128xf32, #tpu.memory_space<vmem>> -> memref<16x128xf32, #tpu.memory_space<vmem>>
        tpu.enqueue_dma source(%dma_start3A_1569 : memref<16x128xf32, #tpu.memory_space<vmem>>) target(%dma_start3A_1566 : memref<16x128xf32, #tpu.memory_space<vmem_shared>>) target_semaphore(%run_scoped3A_1557 : memref<!tpu.dma_semaphore, #tpu.memory_space<semaphore_mem>>)
        %dma_wait3A_1570 = arith.constant 0 : i32
        %dma_wait3A_1571 = arith.constant 0 : i32
        %dma_wait3A_1572 = tpu.memref_slice %arg8[%dma_wait3A_1570, %dma_wait3A_1571] : memref<50x128xf32, #tpu.memory_space<vmem>> -> memref<16x128xf32, #tpu.memory_space<vmem>>
        %dma_wait3A_1573 = arith.constant 9984 : i32
        %dma_wait3A_1574 = arith.constant 0 : i32
        %dma_wait3A_1575 = tpu.memref_slice %arg13[%dma_wait3A_1573, %dma_wait3A_1574] : memref<10000x128xf32, #tpu.memory_space<vmem_shared>> -> memref<16x128xf32, #tpu.memory_space<vmem_shared>>
        %dma_wait3A_1576 = arith.constant 9984 : i32
        %dma_wait3A_1577 = arith.constant 0 : i32
        %dma_wait3A_1578 = tpu.memref_slice %arg13[%dma_wait3A_1576, %dma_wait3A_1577] : memref<10000x128xf32, #tpu.memory_space<vmem_shared>> -> memref<16x128xf32, #tpu.memory_space<vmem_shared>>
        %dma_wait3A_1579 = arith.constant 0 : i32
        %dma_wait3A_1580 = arith.constant 0 : i32
        %dma_wait3A_1581 = tpu.memref_slice %arg8[%dma_wait3A_1579, %dma_wait3A_1580] : memref<50x128xf32, #tpu.memory_space<vmem>> -> memref<16x128xf32, #tpu.memory_space<vmem>>
        tpu.wait_dma2 semaphore(%run_scoped3A_1557 : memref<!tpu.dma_semaphore, #tpu.memory_space<semaphore_mem>>) src(%dma_wait3A_1581 : memref<16x128xf32, #tpu.memory_space<vmem>>) dst(%dma_wait3A_1578 : memref<16x128xf32, #tpu.memory_space<vmem_shared>>)
        tpu.yield
      }) : () -> ()
    } else {
    }
    %barrier3A = arith.constant 0 : index
    tpu.barrier barrier_id(%barrier3A)
    %iota3A = tpu.iota {dimensions = array<i32: 0>} : vector<16xi32>
    %ge3A = arith.constant 14 : i32
    %ge3A_347 = vector.broadcast %ge3A : i32 to vector<16xi32>
    %ge3A_348 = arith.cmpi sge, %iota3A, %ge3A_347 : vector<16xi32>
    %dma_wait3A_349 = arith.constant 0 : i32
    %dma_wait3A_350 = arith.constant 0 : i32
    %dma_wait3A_351 = arith.constant 0 : i32
    %dma_wait3A_352 = tpu.memref_slice %arg3[%dma_wait3A_349, %add3A, %dma_wait3A_350, %dma_wait3A_351] : memref<2x32x200x50xi32, #tpu.memory_space<hbm>> -> memref<1x1x40x50xi32, #tpu.memory_space<hbm>>
    %dma_wait3A_353 = tpu.memref_squeeze %dma_wait3A_352 : memref<1x1x40x50xi32, #tpu.memory_space<hbm>> -> memref<40x50xi32, #tpu.memory_space<hbm>>
    %dma_wait3A_354 = arith.constant 0 : i32
    %dma_wait3A_355 = arith.constant 0 : i32
    %dma_wait3A_356 = tpu.memref_slice %arg3[%dma_wait3A_349, %add3A, %dma_wait3A_354, %dma_wait3A_355] : memref<2x32x200x50xi32, #tpu.memory_space<hbm>> -> memref<1x1x40x50xi32, #tpu.memory_space<hbm>>
    %dma_wait3A_357 = tpu.memref_squeeze %dma_wait3A_356 : memref<1x1x40x50xi32, #tpu.memory_space<hbm>> -> memref<40x50xi32, #tpu.memory_space<hbm>>
    tpu.wait_dma2 semaphore(%arg16 : memref<!tpu.dma_semaphore, #tpu.memory_space<semaphore_mem>>) src(%dma_wait3A_357 : memref<40x50xi32, #tpu.memory_space<hbm>>) dst(%arg6 : memref<40x50xi32, #tpu.memory_space<vmem>>)
    %dma_wait3A_358 = arith.constant 1 : i32
    %dma_wait3A_359 = arith.constant 0 : i32
    %dma_wait3A_360 = arith.constant 0 : i32
    %dma_wait3A_361 = tpu.memref_slice %arg3[%dma_wait3A_358, %add3A, %dma_wait3A_359, %dma_wait3A_360] : memref<2x32x200x50xi32, #tpu.memory_space<hbm>> -> memref<1x1x40x50xi32, #tpu.memory_space<hbm>>
    %dma_wait3A_362 = tpu.memref_squeeze %dma_wait3A_361 : memref<1x1x40x50xi32, #tpu.memory_space<hbm>> -> memref<40x50xi32, #tpu.memory_space<hbm>>
    %dma_wait3A_363 = arith.constant 0 : i32
    %dma_wait3A_364 = arith.constant 0 : i32
    %dma_wait3A_365 = tpu.memref_slice %arg3[%dma_wait3A_358, %add3A, %dma_wait3A_363, %dma_wait3A_364] : memref<2x32x200x50xi32, #tpu.memory_space<hbm>> -> memref<1x1x40x50xi32, #tpu.memory_space<hbm>>
    %dma_wait3A_366 = tpu.memref_squeeze %dma_wait3A_365 : memref<1x1x40x50xi32, #tpu.memory_space<hbm>> -> memref<40x50xi32, #tpu.memory_space<hbm>>
    tpu.wait_dma2 semaphore(%arg17 : memref<!tpu.dma_semaphore, #tpu.memory_space<semaphore_mem>>) src(%dma_wait3A_366 : memref<40x50xi32, #tpu.memory_space<hbm>>) dst(%arg7 : memref<40x50xi32, #tpu.memory_space<vmem>>)
    %dma_start3A_367 = arith.constant 0 : i32
    %dma_start3A_368 = arith.constant 0 : i32
    %dma_start3A_369 = tpu.memref_slice %arg6[%dma_start3A_367, %dma_start3A_368] : memref<40x50xi32, #tpu.memory_space<vmem>> -> memref<1x50xi32, #tpu.memory_space<vmem>>
    %dma_start3A_370 = tpu.memref_squeeze %dma_start3A_369 : memref<1x50xi32, #tpu.memory_space<vmem>> -> memref<50xi32, #tpu.memory_space<vmem>>
    %dma_start3A_371 = arith.constant 0 : i32
    %dma_start3A_372 = arith.constant 0 : i32
    %dma_start3A_373 = tpu.memref_slice %arg2[%dma_start3A_371, %dma_start3A_372] : memref<10000x128xf32, #tpu.memory_space<hbm>> -> memref<10000x128xf32, #tpu.memory_space<hbm>>
    tpu.enqueue_indirect_dma source(%dma_start3A_373 : memref<10000x128xf32, #tpu.memory_space<hbm>>) target(%arg8 : memref<50x128xf32, #tpu.memory_space<vmem>>) offsets(%dma_start3A_370 : memref<50xi32, #tpu.memory_space<vmem>>) semaphore(%arg14 : memref<!tpu.dma_semaphore, #tpu.memory_space<semaphore_mem>>)
    %dma_start3A_374 = arith.constant 1 : i32
    %dma_start3A_375 = arith.constant 0 : i32
    %dma_start3A_376 = tpu.memref_slice %arg6[%dma_start3A_374, %dma_start3A_375] : memref<40x50xi32, #tpu.memory_space<vmem>> -> memref<1x50xi32, #tpu.memory_space<vmem>>
    %dma_start3A_377 = tpu.memref_squeeze %dma_start3A_376 : memref<1x50xi32, #tpu.memory_space<vmem>> -> memref<50xi32, #tpu.memory_space<vmem>>
    %dma_start3A_378 = arith.constant 0 : i32
    %dma_start3A_379 = arith.constant 0 : i32
    %dma_start3A_380 = tpu.memref_slice %arg2[%dma_start3A_378, %dma_start3A_379] : memref<10000x128xf32, #tpu.memory_space<hbm>> -> memref<10000x128xf32, #tpu.memory_space<hbm>>
    tpu.enqueue_indirect_dma source(%dma_start3A_380 : memref<10000x128xf32, #tpu.memory_space<hbm>>) target(%arg9 : memref<50x128xf32, #tpu.memory_space<vmem>>) offsets(%dma_start3A_377 : memref<50xi32, #tpu.memory_space<vmem>>) semaphore(%arg15 : memref<!tpu.dma_semaphore, #tpu.memory_space<semaphore_mem>>)
    %dma_start3A_381 = arith.constant 2 : i32
    %dma_start3A_382 = arith.constant 0 : i32
    %dma_start3A_383 = tpu.memref_slice %arg6[%dma_start3A_381, %dma_start3A_382] : memref<40x50xi32, #tpu.memory_space<vmem>> -> memref<1x50xi32, #tpu.memory_space<vmem>>
    %dma_start3A_384 = tpu.memref_squeeze %dma_start3A_383 : memref<1x50xi32, #tpu.memory_space<vmem>> -> memref<50xi32, #tpu.memory_space<vmem>>
    %dma_start3A_385 = arith.constant 0 : i32
    %dma_start3A_386 = arith.constant 0 : i32
    %dma_start3A_387 = tpu.memref_slice %arg2[%dma_start3A_385, %dma_start3A_386] : memref<10000x128xf32, #tpu.memory_space<hbm>> -> memref<10000x128xf32, #tpu.memory_space<hbm>>
    tpu.enqueue_indirect_dma source(%dma_start3A_387 : memref<10000x128xf32, #tpu.memory_space<hbm>>) target(%arg10 : memref<50x128xf32, #tpu.memory_space<vmem>>) offsets(%dma_start3A_384 : memref<50xi32, #tpu.memory_space<vmem>>) semaphore(%arg16 : memref<!tpu.dma_semaphore, #tpu.memory_space<semaphore_mem>>)
    %dma_start3A_388 = arith.constant 3 : i32
    %dma_start3A_389 = arith.constant 0 : i32
    %dma_start3A_390 = tpu.memref_slice %arg6[%dma_start3A_388, %dma_start3A_389] : memref<40x50xi32, #tpu.memory_space<vmem>> -> memref<1x50xi32, #tpu.memory_space<vmem>>
    %dma_start3A_391 = tpu.memref_squeeze %dma_start3A_390 : memref<1x50xi32, #tpu.memory_space<vmem>> -> memref<50xi32, #tpu.memory_space<vmem>>
    %dma_start3A_392 = arith.constant 0 : i32
    %dma_start3A_393 = arith.constant 0 : i32
    %dma_start3A_394 = tpu.memref_slice %arg2[%dma_start3A_392, %dma_start3A_393] : memref<10000x128xf32, #tpu.memory_space<hbm>> -> memref<10000x128xf32, #tpu.memory_space<hbm>>
    tpu.enqueue_indirect_dma source(%dma_start3A_394 : memref<10000x128xf32, #tpu.memory_space<hbm>>) target(%arg11 : memref<50x128xf32, #tpu.memory_space<vmem>>) offsets(%dma_start3A_391 : memref<50xi32, #tpu.memory_space<vmem>>) semaphore(%arg17 : memref<!tpu.dma_semaphore, #tpu.memory_space<semaphore_mem>>)
    %scan3A_395 = arith.constant 0 : i32
    %scan3A_396 = arith.constant 0 : i32
    %scan3A_397 = arith.constant 9 : i32
    %scan3A_398 = arith.addi %scan3A_396, %scan3A_397 : i32
    %scan3A_399 = arith.constant 1 : i32
    scf.for %scan3A_1557 = %scan3A_396 to %scan3A_398 step %scan3A_399  : i32 {
      %mul3A_1558 = arith.constant 4 : i32
      %mul3A_1559 = arith.muli %mul3A_1558, %scan3A_1557 : i32
      %add3A_1560 = arith.constant 0 : i32
      %add3A_1561 = arith.addi %mul3A_1559, %add3A_1560 : i32
      %dma_wait3A_1562 = arith.constant 0 : i32
      %dma_wait3A_1563 = tpu.memref_slice %arg6[%add3A_1561, %dma_wait3A_1562] : memref<40x50xi32, #tpu.memory_space<vmem>> -> memref<1x50xi32, #tpu.memory_space<vmem>>
      %dma_wait3A_1564 = tpu.memref_squeeze %dma_wait3A_1563 : memref<1x50xi32, #tpu.memory_space<vmem>> -> memref<50xi32, #tpu.memory_space<vmem>>
      %dma_wait3A_1565 = arith.constant 0 : i32
      %dma_wait3A_1566 = arith.constant 0 : i32
      %dma_wait3A_1567 = tpu.memref_slice %arg2[%dma_wait3A_1565, %dma_wait3A_1566] : memref<10000x128xf32, #tpu.memory_space<hbm>> -> memref<10000x128xf32, #tpu.memory_space<hbm>>
      tpu.wait_indirect_dma semaphore(%arg14 : memref<!tpu.dma_semaphore, #tpu.memory_space<semaphore_mem>>) src(%dma_wait3A_1567 : memref<10000x128xf32, #tpu.memory_space<hbm>>) dst(%arg8 : memref<50x128xf32, #tpu.memory_space<vmem>>)
      %mul3A_1568 = arith.constant 4 : i32
      %mul3A_1569 = arith.muli %mul3A_1568, %scan3A_1557 : i32
      %add3A_1570 = arith.constant 0 : i32
      %add3A_1571 = arith.addi %mul3A_1569, %add3A_1570 : i32
      "tpu.region"() ({
        %run_scoped3A_1726 = tpu.sem_alloc : memref<!tpu.dma_semaphore, #tpu.memory_space<semaphore_mem>>
        %dma_start3A_1727 = arith.constant 0 : i32
        %dma_start3A_1728 = tpu.memref_slice %arg7[%add3A_1571, %dma_start3A_1727] : memref<40x50xi32, #tpu.memory_space<vmem>> -> memref<1x50xi32, #tpu.memory_space<vmem>>
        %dma_start3A_1729 = tpu.memref_squeeze %dma_start3A_1728 : memref<1x50xi32, #tpu.memory_space<vmem>> -> memref<50xi32, #tpu.memory_space<vmem>>
        %dma_start3A_1730 = arith.constant 0 : i32
        %dma_start3A_1731 = arith.constant 0 : i32
        %dma_start3A_1732 = tpu.memref_slice %arg13[%dma_start3A_1730, %dma_start3A_1731] : memref<10000x128xf32, #tpu.memory_space<vmem_shared>> -> memref<10000x128xf32, #tpu.memory_space<vmem_shared>>
        tpu.enqueue_indirect_dma source(%arg8 : memref<50x128xf32, #tpu.memory_space<vmem>>) target(%dma_start3A_1732 : memref<10000x128xf32, #tpu.memory_space<vmem_shared>>) offsets(%dma_start3A_1729 : memref<50xi32, #tpu.memory_space<vmem>>) semaphore(%run_scoped3A_1726 : memref<!tpu.dma_semaphore, #tpu.memory_space<semaphore_mem>>) {add = true}
        %dma_wait3A_1733 = arith.constant 0 : i32
        %dma_wait3A_1734 = tpu.memref_slice %arg7[%add3A_1571, %dma_wait3A_1733] : memref<40x50xi32, #tpu.memory_space<vmem>> -> memref<1x50xi32, #tpu.memory_space<vmem>>
        %dma_wait3A_1735 = tpu.memref_squeeze %dma_wait3A_1734 : memref<1x50xi32, #tpu.memory_space<vmem>> -> memref<50xi32, #tpu.memory_space<vmem>>
        %dma_wait3A_1736 = arith.constant 0 : i32
        %dma_wait3A_1737 = arith.constant 0 : i32
        %dma_wait3A_1738 = tpu.memref_slice %arg13[%dma_wait3A_1736, %dma_wait3A_1737] : memref<10000x128xf32, #tpu.memory_space<vmem_shared>> -> memref<10000x128xf32, #tpu.memory_space<vmem_shared>>
        tpu.wait_indirect_dma semaphore(%run_scoped3A_1726 : memref<!tpu.dma_semaphore, #tpu.memory_space<semaphore_mem>>) src(%arg8 : memref<50x128xf32, #tpu.memory_space<vmem>>) dst(%dma_wait3A_1738 : memref<10000x128xf32, #tpu.memory_space<vmem_shared>>)
        tpu.yield
      }) : () -> ()
      %add3A_1572 = arith.constant 1 : i32
      %add3A_1573 = arith.addi %scan3A_1557, %add3A_1572 : i32
      %mul3A_1574 = arith.constant 4 : i32
      %mul3A_1575 = arith.muli %mul3A_1574, %add3A_1573 : i32
      %add3A_1576 = arith.constant 0 : i32
      %add3A_1577 = arith.addi %mul3A_1575, %add3A_1576 : i32
      %dma_start3A_1578 = arith.constant 0 : i32
      %dma_start3A_1579 = tpu.memref_slice %arg6[%add3A_1577, %dma_start3A_1578] : memref<40x50xi32, #tpu.memory_space<vmem>> -> memref<1x50xi32, #tpu.memory_space<vmem>>
      %dma_start3A_1580 = tpu.memref_squeeze %dma_start3A_1579 : memref<1x50xi32, #tpu.memory_space<vmem>> -> memref<50xi32, #tpu.memory_space<vmem>>
      %dma_start3A_1581 = arith.constant 0 : i32
      %dma_start3A_1582 = arith.constant 0 : i32
      %dma_start3A_1583 = tpu.memref_slice %arg2[%dma_start3A_1581, %dma_start3A_1582] : memref<10000x128xf32, #tpu.memory_space<hbm>> -> memref<10000x128xf32, #tpu.memory_space<hbm>>
      tpu.enqueue_indirect_dma source(%dma_start3A_1583 : memref<10000x128xf32, #tpu.memory_space<hbm>>) target(%arg8 : memref<50x128xf32, #tpu.memory_space<vmem>>) offsets(%dma_start3A_1580 : memref<50xi32, #tpu.memory_space<vmem>>) semaphore(%arg14 : memref<!tpu.dma_semaphore, #tpu.memory_space<semaphore_mem>>)
      %mul3A_1584 = arith.constant 4 : i32
      %mul3A_1585 = arith.muli %mul3A_1584, %scan3A_1557 : i32
      %add3A_1586 = arith.constant 1 : i32
      %add3A_1587 = arith.addi %mul3A_1585, %add3A_1586 : i32
      %dma_wait3A_1588 = arith.constant 0 : i32
      %dma_wait3A_1589 = tpu.memref_slice %arg6[%add3A_1587, %dma_wait3A_1588] : memref<40x50xi32, #tpu.memory_space<vmem>> -> memref<1x50xi32, #tpu.memory_space<vmem>>
      %dma_wait3A_1590 = tpu.memref_squeeze %dma_wait3A_1589 : memref<1x50xi32, #tpu.memory_space<vmem>> -> memref<50xi32, #tpu.memory_space<vmem>>
      %dma_wait3A_1591 = arith.constant 0 : i32
      %dma_wait3A_1592 = arith.constant 0 : i32
      %dma_wait3A_1593 = tpu.memref_slice %arg2[%dma_wait3A_1591, %dma_wait3A_1592] : memref<10000x128xf32, #tpu.memory_space<hbm>> -> memref<10000x128xf32, #tpu.memory_space<hbm>>
      tpu.wait_indirect_dma semaphore(%arg15 : memref<!tpu.dma_semaphore, #tpu.memory_space<semaphore_mem>>) src(%dma_wait3A_1593 : memref<10000x128xf32, #tpu.memory_space<hbm>>) dst(%arg9 : memref<50x128xf32, #tpu.memory_space<vmem>>)
      %mul3A_1594 = arith.constant 4 : i32
      %mul3A_1595 = arith.muli %mul3A_1594, %scan3A_1557 : i32
      %add3A_1596 = arith.constant 1 : i32
      %add3A_1597 = arith.addi %mul3A_1595, %add3A_1596 : i32
      "tpu.region"() ({
        %run_scoped3A_1726 = tpu.sem_alloc : memref<!tpu.dma_semaphore, #tpu.memory_space<semaphore_mem>>
        %dma_start3A_1727 = arith.constant 0 : i32
        %dma_start3A_1728 = tpu.memref_slice %arg7[%add3A_1597, %dma_start3A_1727] : memref<40x50xi32, #tpu.memory_space<vmem>> -> memref<1x50xi32, #tpu.memory_space<vmem>>
        %dma_start3A_1729 = tpu.memref_squeeze %dma_start3A_1728 : memref<1x50xi32, #tpu.memory_space<vmem>> -> memref<50xi32, #tpu.memory_space<vmem>>
        %dma_start3A_1730 = arith.constant 0 : i32
        %dma_start3A_1731 = arith.constant 0 : i32
        %dma_start3A_1732 = tpu.memref_slice %arg13[%dma_start3A_1730, %dma_start3A_1731] : memref<10000x128xf32, #tpu.memory_space<vmem_shared>> -> memref<10000x128xf32, #tpu.memory_space<vmem_shared>>
        tpu.enqueue_indirect_dma source(%arg9 : memref<50x128xf32, #tpu.memory_space<vmem>>) target(%dma_start3A_1732 : memref<10000x128xf32, #tpu.memory_space<vmem_shared>>) offsets(%dma_start3A_1729 : memref<50xi32, #tpu.memory_space<vmem>>) semaphore(%run_scoped3A_1726 : memref<!tpu.dma_semaphore, #tpu.memory_space<semaphore_mem>>) {add = true}
        %dma_wait3A_1733 = arith.constant 0 : i32
        %dma_wait3A_1734 = tpu.memref_slice %arg7[%add3A_1597, %dma_wait3A_1733] : memref<40x50xi32, #tpu.memory_space<vmem>> -> memref<1x50xi32, #tpu.memory_space<vmem>>
        %dma_wait3A_1735 = tpu.memref_squeeze %dma_wait3A_1734 : memref<1x50xi32, #tpu.memory_space<vmem>> -> memref<50xi32, #tpu.memory_space<vmem>>
        %dma_wait3A_1736 = arith.constant 0 : i32
        %dma_wait3A_1737 = arith.constant 0 : i32
        %dma_wait3A_1738 = tpu.memref_slice %arg13[%dma_wait3A_1736, %dma_wait3A_1737] : memref<10000x128xf32, #tpu.memory_space<vmem_shared>> -> memref<10000x128xf32, #tpu.memory_space<vmem_shared>>
        tpu.wait_indirect_dma semaphore(%run_scoped3A_1726 : memref<!tpu.dma_semaphore, #tpu.memory_space<semaphore_mem>>) src(%arg9 : memref<50x128xf32, #tpu.memory_space<vmem>>) dst(%dma_wait3A_1738 : memref<10000x128xf32, #tpu.memory_space<vmem_shared>>)
        tpu.yield
      }) : () -> ()
      %add3A_1598 = arith.constant 1 : i32
      %add3A_1599 = arith.addi %scan3A_1557, %add3A_1598 : i32
      %mul3A_1600 = arith.constant 4 : i32
      %mul3A_1601 = arith.muli %mul3A_1600, %add3A_1599 : i32
      %add3A_1602 = arith.constant 1 : i32
      %add3A_1603 = arith.addi %mul3A_1601, %add3A_1602 : i32
      %dma_start3A_1604 = arith.constant 0 : i32
      %dma_start3A_1605 = tpu.memref_slice %arg6[%add3A_1603, %dma_start3A_1604] : memref<40x50xi32, #tpu.memory_space<vmem>> -> memref<1x50xi32, #tpu.memory_space<vmem>>
      %dma_start3A_1606 = tpu.memref_squeeze %dma_start3A_1605 : memref<1x50xi32, #tpu.memory_space<vmem>> -> memref<50xi32, #tpu.memory_space<vmem>>
      %dma_start3A_1607 = arith.constant 0 : i32
      %dma_start3A_1608 = arith.constant 0 : i32
      %dma_start3A_1609 = tpu.memref_slice %arg2[%dma_start3A_1607, %dma_start3A_1608] : memref<10000x128xf32, #tpu.memory_space<hbm>> -> memref<10000x128xf32, #tpu.memory_space<hbm>>
      tpu.enqueue_indirect_dma source(%dma_start3A_1609 : memref<10000x128xf32, #tpu.memory_space<hbm>>) target(%arg9 : memref<50x128xf32, #tpu.memory_space<vmem>>) offsets(%dma_start3A_1606 : memref<50xi32, #tpu.memory_space<vmem>>) semaphore(%arg15 : memref<!tpu.dma_semaphore, #tpu.memory_space<semaphore_mem>>)
      %mul3A_1610 = arith.constant 4 : i32
      %mul3A_1611 = arith.muli %mul3A_1610, %scan3A_1557 : i32
      %add3A_1612 = arith.constant 2 : i32
      %add3A_1613 = arith.addi %mul3A_1611, %add3A_1612 : i32
      %dma_wait3A_1614 = arith.constant 0 : i32
      %dma_wait3A_1615 = tpu.memref_slice %arg6[%add3A_1613, %dma_wait3A_1614] : memref<40x50xi32, #tpu.memory_space<vmem>> -> memref<1x50xi32, #tpu.memory_space<vmem>>
      %dma_wait3A_1616 = tpu.memref_squeeze %dma_wait3A_1615 : memref<1x50xi32, #tpu.memory_space<vmem>> -> memref<50xi32, #tpu.memory_space<vmem>>
      %dma_wait3A_1617 = arith.constant 0 : i32
      %dma_wait3A_1618 = arith.constant 0 : i32
      %dma_wait3A_1619 = tpu.memref_slice %arg2[%dma_wait3A_1617, %dma_wait3A_1618] : memref<10000x128xf32, #tpu.memory_space<hbm>> -> memref<10000x128xf32, #tpu.memory_space<hbm>>
      tpu.wait_indirect_dma semaphore(%arg16 : memref<!tpu.dma_semaphore, #tpu.memory_space<semaphore_mem>>) src(%dma_wait3A_1619 : memref<10000x128xf32, #tpu.memory_space<hbm>>) dst(%arg10 : memref<50x128xf32, #tpu.memory_space<vmem>>)
      %mul3A_1620 = arith.constant 4 : i32
      %mul3A_1621 = arith.muli %mul3A_1620, %scan3A_1557 : i32
      %add3A_1622 = arith.constant 2 : i32
      %add3A_1623 = arith.addi %mul3A_1621, %add3A_1622 : i32
      "tpu.region"() ({
        %run_scoped3A_1726 = tpu.sem_alloc : memref<!tpu.dma_semaphore, #tpu.memory_space<semaphore_mem>>
        %dma_start3A_1727 = arith.constant 0 : i32
        %dma_start3A_1728 = tpu.memref_slice %arg7[%add3A_1623, %dma_start3A_1727] : memref<40x50xi32, #tpu.memory_space<vmem>> -> memref<1x50xi32, #tpu.memory_space<vmem>>
        %dma_start3A_1729 = tpu.memref_squeeze %dma_start3A_1728 : memref<1x50xi32, #tpu.memory_space<vmem>> -> memref<50xi32, #tpu.memory_space<vmem>>
        %dma_start3A_1730 = arith.constant 0 : i32
        %dma_start3A_1731 = arith.constant 0 : i32
        %dma_start3A_1732 = tpu.memref_slice %arg13[%dma_start3A_1730, %dma_start3A_1731] : memref<10000x128xf32, #tpu.memory_space<vmem_shared>> -> memref<10000x128xf32, #tpu.memory_space<vmem_shared>>
        tpu.enqueue_indirect_dma source(%arg10 : memref<50x128xf32, #tpu.memory_space<vmem>>) target(%dma_start3A_1732 : memref<10000x128xf32, #tpu.memory_space<vmem_shared>>) offsets(%dma_start3A_1729 : memref<50xi32, #tpu.memory_space<vmem>>) semaphore(%run_scoped3A_1726 : memref<!tpu.dma_semaphore, #tpu.memory_space<semaphore_mem>>) {add = true}
        %dma_wait3A_1733 = arith.constant 0 : i32
        %dma_wait3A_1734 = tpu.memref_slice %arg7[%add3A_1623, %dma_wait3A_1733] : memref<40x50xi32, #tpu.memory_space<vmem>> -> memref<1x50xi32, #tpu.memory_space<vmem>>
        %dma_wait3A_1735 = tpu.memref_squeeze %dma_wait3A_1734 : memref<1x50xi32, #tpu.memory_space<vmem>> -> memref<50xi32, #tpu.memory_space<vmem>>
        %dma_wait3A_1736 = arith.constant 0 : i32
        %dma_wait3A_1737 = arith.constant 0 : i32
        %dma_wait3A_1738 = tpu.memref_slice %arg13[%dma_wait3A_1736, %dma_wait3A_1737] : memref<10000x128xf32, #tpu.memory_space<vmem_shared>> -> memref<10000x128xf32, #tpu.memory_space<vmem_shared>>
        tpu.wait_indirect_dma semaphore(%run_scoped3A_1726 : memref<!tpu.dma_semaphore, #tpu.memory_space<semaphore_mem>>) src(%arg10 : memref<50x128xf32, #tpu.memory_space<vmem>>) dst(%dma_wait3A_1738 : memref<10000x128xf32, #tpu.memory_space<vmem_shared>>)
        tpu.yield
      }) : () -> ()
      %add3A_1624 = arith.constant 1 : i32
      %add3A_1625 = arith.addi %scan3A_1557, %add3A_1624 : i32
      %mul3A_1626 = arith.constant 4 : i32
      %mul3A_1627 = arith.muli %mul3A_1626, %add3A_1625 : i32
      %add3A_1628 = arith.constant 2 : i32
      %add3A_1629 = arith.addi %mul3A_1627, %add3A_1628 : i32
      %dma_start3A_1630 = arith.constant 0 : i32
      %dma_start3A_1631 = tpu.memref_slice %arg6[%add3A_1629, %dma_start3A_1630] : memref<40x50xi32, #tpu.memory_space<vmem>> -> memref<1x50xi32, #tpu.memory_space<vmem>>
      %dma_start3A_1632 = tpu.memref_squeeze %dma_start3A_1631 : memref<1x50xi32, #tpu.memory_space<vmem>> -> memref<50xi32, #tpu.memory_space<vmem>>
      %dma_start3A_1633 = arith.constant 0 : i32
      %dma_start3A_1634 = arith.constant 0 : i32
      %dma_start3A_1635 = tpu.memref_slice %arg2[%dma_start3A_1633, %dma_start3A_1634] : memref<10000x128xf32, #tpu.memory_space<hbm>> -> memref<10000x128xf32, #tpu.memory_space<hbm>>
      tpu.enqueue_indirect_dma source(%dma_start3A_1635 : memref<10000x128xf32, #tpu.memory_space<hbm>>) target(%arg10 : memref<50x128xf32, #tpu.memory_space<vmem>>) offsets(%dma_start3A_1632 : memref<50xi32, #tpu.memory_space<vmem>>) semaphore(%arg16 : memref<!tpu.dma_semaphore, #tpu.memory_space<semaphore_mem>>)
      %mul3A_1636 = arith.constant 4 : i32
      %mul3A_1637 = arith.muli %mul3A_1636, %scan3A_1557 : i32
      %add3A_1638 = arith.constant 3 : i32
      %add3A_1639 = arith.addi %mul3A_1637, %add3A_1638 : i32
      %dma_wait3A_1640 = arith.constant 0 : i32
      %dma_wait3A_1641 = tpu.memref_slice %arg6[%add3A_1639, %dma_wait3A_1640] : memref<40x50xi32, #tpu.memory_space<vmem>> -> memref<1x50xi32, #tpu.memory_space<vmem>>
      %dma_wait3A_1642 = tpu.memref_squeeze %dma_wait3A_1641 : memref<1x50xi32, #tpu.memory_space<vmem>> -> memref<50xi32, #tpu.memory_space<vmem>>
      %dma_wait3A_1643 = arith.constant 0 : i32
      %dma_wait3A_1644 = arith.constant 0 : i32
      %dma_wait3A_1645 = tpu.memref_slice %arg2[%dma_wait3A_1643, %dma_wait3A_1644] : memref<10000x128xf32, #tpu.memory_space<hbm>> -> memref<10000x128xf32, #tpu.memory_space<hbm>>
      tpu.wait_indirect_dma semaphore(%arg17 : memref<!tpu.dma_semaphore, #tpu.memory_space<semaphore_mem>>) src(%dma_wait3A_1645 : memref<10000x128xf32, #tpu.memory_space<hbm>>) dst(%arg11 : memref<50x128xf32, #tpu.memory_space<vmem>>)
      %mul3A_1646 = arith.constant 4 : i32
      %mul3A_1647 = arith.muli %mul3A_1646, %scan3A_1557 : i32
      %add3A_1648 = arith.constant 3 : i32
      %add3A_1649 = arith.addi %mul3A_1647, %add3A_1648 : i32
      "tpu.region"() ({
        %run_scoped3A_1726 = tpu.sem_alloc : memref<!tpu.dma_semaphore, #tpu.memory_space<semaphore_mem>>
        %dma_start3A_1727 = arith.constant 0 : i32
        %dma_start3A_1728 = tpu.memref_slice %arg7[%add3A_1649, %dma_start3A_1727] : memref<40x50xi32, #tpu.memory_space<vmem>> -> memref<1x50xi32, #tpu.memory_space<vmem>>
        %dma_start3A_1729 = tpu.memref_squeeze %dma_start3A_1728 : memref<1x50xi32, #tpu.memory_space<vmem>> -> memref<50xi32, #tpu.memory_space<vmem>>
        %dma_start3A_1730 = arith.constant 0 : i32
        %dma_start3A_1731 = arith.constant 0 : i32
        %dma_start3A_1732 = tpu.memref_slice %arg13[%dma_start3A_1730, %dma_start3A_1731] : memref<10000x128xf32, #tpu.memory_space<vmem_shared>> -> memref<10000x128xf32, #tpu.memory_space<vmem_shared>>
        tpu.enqueue_indirect_dma source(%arg11 : memref<50x128xf32, #tpu.memory_space<vmem>>) target(%dma_start3A_1732 : memref<10000x128xf32, #tpu.memory_space<vmem_shared>>) offsets(%dma_start3A_1729 : memref<50xi32, #tpu.memory_space<vmem>>) semaphore(%run_scoped3A_1726 : memref<!tpu.dma_semaphore, #tpu.memory_space<semaphore_mem>>) {add = true}
        %dma_wait3A_1733 = arith.constant 0 : i32
        %dma_wait3A_1734 = tpu.memref_slice %arg7[%add3A_1649, %dma_wait3A_1733] : memref<40x50xi32, #tpu.memory_space<vmem>> -> memref<1x50xi32, #tpu.memory_space<vmem>>
        %dma_wait3A_1735 = tpu.memref_squeeze %dma_wait3A_1734 : memref<1x50xi32, #tpu.memory_space<vmem>> -> memref<50xi32, #tpu.memory_space<vmem>>
        %dma_wait3A_1736 = arith.constant 0 : i32
        %dma_wait3A_1737 = arith.constant 0 : i32
        %dma_wait3A_1738 = tpu.memref_slice %arg13[%dma_wait3A_1736, %dma_wait3A_1737] : memref<10000x128xf32, #tpu.memory_space<vmem_shared>> -> memref<10000x128xf32, #tpu.memory_space<vmem_shared>>
        tpu.wait_indirect_dma semaphore(%run_scoped3A_1726 : memref<!tpu.dma_semaphore, #tpu.memory_space<semaphore_mem>>) src(%arg11 : memref<50x128xf32, #tpu.memory_space<vmem>>) dst(%dma_wait3A_1738 : memref<10000x128xf32, #tpu.memory_space<vmem_shared>>)
        tpu.yield
      }) : () -> ()
      %add3A_1650 = arith.constant 1 : i32
      %add3A_1651 = arith.addi %scan3A_1557, %add3A_1650 : i32
      %mul3A_1652 = arith.constant 4 : i32
      %mul3A_1653 = arith.muli %mul3A_1652, %add3A_1651 : i32
      %add3A_1654 = arith.constant 3 : i32
      %add3A_1655 = arith.addi %mul3A_1653, %add3A_1654 : i32
      %dma_start3A_1656 = arith.constant 0 : i32
      %dma_start3A_1657 = tpu.memref_slice %arg6[%add3A_1655, %dma_start3A_1656] : memref<40x50xi32, #tpu.memory_space<vmem>> -> memref<1x50xi32, #tpu.memory_space<vmem>>
      %dma_start3A_1658 = tpu.memref_squeeze %dma_start3A_1657 : memref<1x50xi32, #tpu.memory_space<vmem>> -> memref<50xi32, #tpu.memory_space<vmem>>
      %dma_start3A_1659 = arith.constant 0 : i32
      %dma_start3A_1660 = arith.constant 0 : i32
      %dma_start3A_1661 = tpu.memref_slice %arg2[%dma_start3A_1659, %dma_start3A_1660] : memref<10000x128xf32, #tpu.memory_space<hbm>> -> memref<10000x128xf32, #tpu.memory_space<hbm>>
      tpu.enqueue_indirect_dma source(%dma_start3A_1661 : memref<10000x128xf32, #tpu.memory_space<hbm>>) target(%arg11 : memref<50x128xf32, #tpu.memory_space<vmem>>) offsets(%dma_start3A_1658 : memref<50xi32, #tpu.memory_space<vmem>>) semaphore(%arg17 : memref<!tpu.dma_semaphore, #tpu.memory_space<semaphore_mem>>)
      %mul3A_1662 = arith.constant 4 : i32
      %mul3A_1663 = arith.muli %mul3A_1662, %scan3A_1557 : i32
      %add3A_1664 = arith.constant 0 : i32
      %add3A_1665 = arith.addi %mul3A_1663, %add3A_1664 : i32
      %get3A_1666 = arith.index_cast %add3A_1665 : i32 to index
      %get3A_1667 = arith.constant 0 : index
      %get3A_1668 = tpu.vector_load %arg7[%get3A_1666, %get3A_1667] {strides = array<i32>} : memref<40x50xi32, #tpu.memory_space<vmem>>, vector<16xi32>,
      tpu.vector_store_idx %arg12[%get3A_1668], %broadcast_in_dim3A_3 {add = true} : memref<10000xf32, #tpu.memory_space<vmem>>[vector<16xi32>], vector<16xf32>,
      %get3A_1669 = arith.index_cast %add3A_1665 : i32 to index
      %get3A_1670 = arith.constant 16 : index
      %get3A_1671 = tpu.vector_load %arg7[%get3A_1669, %get3A_1670] {strides = array<i32>} : memref<40x50xi32, #tpu.memory_space<vmem>>, vector<16xi32>,
      tpu.vector_store_idx %arg12[%get3A_1671], %broadcast_in_dim3A_3 {add = true} : memref<10000xf32, #tpu.memory_space<vmem>>[vector<16xi32>], vector<16xf32>,
      %get3A_1672 = arith.index_cast %add3A_1665 : i32 to index
      %get3A_1673 = arith.constant 32 : index
      %get3A_1674 = tpu.vector_load %arg7[%get3A_1672, %get3A_1673] {strides = array<i32>} : memref<40x50xi32, #tpu.memory_space<vmem>>, vector<16xi32>,
      tpu.vector_store_idx %arg12[%get3A_1674], %broadcast_in_dim3A_3 {add = true} : memref<10000xf32, #tpu.memory_space<vmem>>[vector<16xi32>], vector<16xf32>,
      %get3A_1675 = arith.index_cast %add3A_1665 : i32 to index
      %get3A_1676 = arith.constant 34 : index
      %get3A_1677 = tpu.vector_load %arg7[%get3A_1675, %get3A_1676] {strides = array<i32>} : memref<40x50xi32, #tpu.memory_space<vmem>>, vector<16xi32>,
      tpu.vector_store_idx %arg12[%get3A_1677], %broadcast_in_dim3A_3 masked %ge3A_348 {add = true} : memref<10000xf32, #tpu.memory_space<vmem>>[vector<16xi32>], vector<16xf32>, vector<16xi1>
      %mul3A_1678 = arith.constant 4 : i32
      %mul3A_1679 = arith.muli %mul3A_1678, %scan3A_1557 : i32
      %add3A_1680 = arith.constant 1 : i32
      %add3A_1681 = arith.addi %mul3A_1679, %add3A_1680 : i32
      %get3A_1682 = arith.index_cast %add3A_1681 : i32 to index
      %get3A_1683 = arith.constant 0 : index
      %get3A_1684 = tpu.vector_load %arg7[%get3A_1682, %get3A_1683] {strides = array<i32>} : memref<40x50xi32, #tpu.memory_space<vmem>>, vector<16xi32>,
      tpu.vector_store_idx %arg12[%get3A_1684], %broadcast_in_dim3A_3 {add = true} : memref<10000xf32, #tpu.memory_space<vmem>>[vector<16xi32>], vector<16xf32>,
      %get3A_1685 = arith.index_cast %add3A_1681 : i32 to index
      %get3A_1686 = arith.constant 16 : index
      %get3A_1687 = tpu.vector_load %arg7[%get3A_1685, %get3A_1686] {strides = array<i32>} : memref<40x50xi32, #tpu.memory_space<vmem>>, vector<16xi32>,
      tpu.vector_store_idx %arg12[%get3A_1687], %broadcast_in_dim3A_3 {add = true} : memref<10000xf32, #tpu.memory_space<vmem>>[vector<16xi32>], vector<16xf32>,
      %get3A_1688 = arith.index_cast %add3A_1681 : i32 to index
      %get3A_1689 = arith.constant 32 : index
      %get3A_1690 = tpu.vector_load %arg7[%get3A_1688, %get3A_1689] {strides = array<i32>} : memref<40x50xi32, #tpu.memory_space<vmem>>, vector<16xi32>,
      tpu.vector_store_idx %arg12[%get3A_1690], %broadcast_in_dim3A_3 {add = true} : memref<10000xf32, #tpu.memory_space<vmem>>[vector<16xi32>], vector<16xf32>,
      %get3A_1691 = arith.index_cast %add3A_1681 : i32 to index
      %get3A_1692 = arith.constant 34 : index
      %get3A_1693 = tpu.vector_load %arg7[%get3A_1691, %get3A_1692] {strides = array<i32>} : memref<40x50xi32, #tpu.memory_space<vmem>>, vector<16xi32>,
      tpu.vector_store_idx %arg12[%get3A_1693], %broadcast_in_dim3A_3 masked %ge3A_348 {add = true} : memref<10000xf32, #tpu.memory_space<vmem>>[vector<16xi32>], vector<16xf32>, vector<16xi1>
      %mul3A_1694 = arith.constant 4 : i32
      %mul3A_1695 = arith.muli %mul3A_1694, %scan3A_1557 : i32
      %add3A_1696 = arith.constant 2 : i32
      %add3A_1697 = arith.addi %mul3A_1695, %add3A_1696 : i32
      %get3A_1698 = arith.index_cast %add3A_1697 : i32 to index
      %get3A_1699 = arith.constant 0 : index
      %get3A_1700 = tpu.vector_load %arg7[%get3A_1698, %get3A_1699] {strides = array<i32>} : memref<40x50xi32, #tpu.memory_space<vmem>>, vector<16xi32>,
      tpu.vector_store_idx %arg12[%get3A_1700], %broadcast_in_dim3A_3 {add = true} : memref<10000xf32, #tpu.memory_space<vmem>>[vector<16xi32>], vector<16xf32>,
      %get3A_1701 = arith.index_cast %add3A_1697 : i32 to index
      %get3A_1702 = arith.constant 16 : index
      %get3A_1703 = tpu.vector_load %arg7[%get3A_1701, %get3A_1702] {strides = array<i32>} : memref<40x50xi32, #tpu.memory_space<vmem>>, vector<16xi32>,
      tpu.vector_store_idx %arg12[%get3A_1703], %broadcast_in_dim3A_3 {add = true} : memref<10000xf32, #tpu.memory_space<vmem>>[vector<16xi32>], vector<16xf32>,
      %get3A_1704 = arith.index_cast %add3A_1697 : i32 to index
      %get3A_1705 = arith.constant 32 : index
      %get3A_1706 = tpu.vector_load %arg7[%get3A_1704, %get3A_1705] {strides = array<i32>} : memref<40x50xi32, #tpu.memory_space<vmem>>, vector<16xi32>,
      tpu.vector_store_idx %arg12[%get3A_1706], %broadcast_in_dim3A_3 {add = true} : memref<10000xf32, #tpu.memory_space<vmem>>[vector<16xi32>], vector<16xf32>,
      %get3A_1707 = arith.index_cast %add3A_1697 : i32 to index
      %get3A_1708 = arith.constant 34 : index
      %get3A_1709 = tpu.vector_load %arg7[%get3A_1707, %get3A_1708] {strides = array<i32>} : memref<40x50xi32, #tpu.memory_space<vmem>>, vector<16xi32>,
      tpu.vector_store_idx %arg12[%get3A_1709], %broadcast_in_dim3A_3 masked %ge3A_348 {add = true} : memref<10000xf32, #tpu.memory_space<vmem>>[vector<16xi32>], vector<16xf32>, vector<16xi1>
      %mul3A_1710 = arith.constant 4 : i32
      %mul3A_1711 = arith.muli %mul3A_1710, %scan3A_1557 : i32
      %add3A_1712 = arith.constant 3 : i32
      %add3A_1713 = arith.addi %mul3A_1711, %add3A_1712 : i32
      %get3A_1714 = arith.index_cast %add3A_1713 : i32 to index
      %get3A_1715 = arith.constant 0 : index
      %get3A_1716 = tpu.vector_load %arg7[%get3A_1714, %get3A_1715] {strides = array<i32>} : memref<40x50xi32, #tpu.memory_space<vmem>>, vector<16xi32>,
      tpu.vector_store_idx %arg12[%get3A_1716], %broadcast_in_dim3A_3 {add = true} : memref<10000xf32, #tpu.memory_space<vmem>>[vector<16xi32>], vector<16xf32>,
      %get3A_1717 = arith.index_cast %add3A_1713 : i32 to index
      %get3A_1718 = arith.constant 16 : index
      %get3A_1719 = tpu.vector_load %arg7[%get3A_1717, %get3A_1718] {strides = array<i32>} : memref<40x50xi32, #tpu.memory_space<vmem>>, vector<16xi32>,
      tpu.vector_store_idx %arg12[%get3A_1719], %broadcast_in_dim3A_3 {add = true} : memref<10000xf32, #tpu.memory_space<vmem>>[vector<16xi32>], vector<16xf32>,
      %get3A_1720 = arith.index_cast %add3A_1713 : i32 to index
      %get3A_1721 = arith.constant 32 : index
      %get3A_1722 = tpu.vector_load %arg7[%get3A_1720, %get3A_1721] {strides = array<i32>} : memref<40x50xi32, #tpu.memory_space<vmem>>, vector<16xi32>,
      tpu.vector_store_idx %arg12[%get3A_1722], %broadcast_in_dim3A_3 {add = true} : memref<10000xf32, #tpu.memory_space<vmem>>[vector<16xi32>], vector<16xf32>,
      %get3A_1723 = arith.index_cast %add3A_1713 : i32 to index
      %get3A_1724 = arith.constant 34 : index
      %get3A_1725 = tpu.vector_load %arg7[%get3A_1723, %get3A_1724] {strides = array<i32>} : memref<40x50xi32, #tpu.memory_space<vmem>>, vector<16xi32>,
      tpu.vector_store_idx %arg12[%get3A_1725], %broadcast_in_dim3A_3 masked %ge3A_348 {add = true} : memref<10000xf32, #tpu.memory_space<vmem>>[vector<16xi32>], vector<16xf32>, vector<16xi1>
    }
    %scan3A_400 = arith.constant 9 : i32
    %dma_wait3A_401 = arith.constant 36 : i32
    %dma_wait3A_402 = arith.constant 0 : i32
    %dma_wait3A_403 = tpu.memref_slice %arg6[%dma_wait3A_401, %dma_wait3A_402] : memref<40x50xi32, #tpu.memory_space<vmem>> -> memref<1x50xi32, #tpu.memory_space<vmem>>
    %dma_wait3A_404 = tpu.memref_squeeze %dma_wait3A_403 : memref<1x50xi32, #tpu.memory_space<vmem>> -> memref<50xi32, #tpu.memory_space<vmem>>
    %dma_wait3A_405 = arith.constant 0 : i32
    %dma_wait3A_406 = arith.constant 0 : i32
    %dma_wait3A_407 = tpu.memref_slice %arg2[%dma_wait3A_405, %dma_wait3A_406] : memref<10000x128xf32, #tpu.memory_space<hbm>> -> memref<10000x128xf32, #tpu.memory_space<hbm>>
    tpu.wait_indirect_dma semaphore(%arg14 : memref<!tpu.dma_semaphore, #tpu.memory_space<semaphore_mem>>) src(%dma_wait3A_407 : memref<10000x128xf32, #tpu.memory_space<hbm>>) dst(%arg8 : memref<50x128xf32, #tpu.memory_space<vmem>>)
    %run_scoped3A = arith.constant 36 : i32
    "tpu.region"() ({
      %run_scoped3A_1557 = tpu.sem_alloc : memref<!tpu.dma_semaphore, #tpu.memory_space<semaphore_mem>>
      %dma_start3A_1558 = arith.constant 0 : i32
      %dma_start3A_1559 = tpu.memref_slice %arg7[%run_scoped3A, %dma_start3A_1558] : memref<40x50xi32, #tpu.memory_space<vmem>> -> memref<1x50xi32, #tpu.memory_space<vmem>>
      %dma_start3A_1560 = tpu.memref_squeeze %dma_start3A_1559 : memref<1x50xi32, #tpu.memory_space<vmem>> -> memref<50xi32, #tpu.memory_space<vmem>>
      %dma_start3A_1561 = arith.constant 0 : i32
      %dma_start3A_1562 = arith.constant 0 : i32
      %dma_start3A_1563 = tpu.memref_slice %arg13[%dma_start3A_1561, %dma_start3A_1562] : memref<10000x128xf32, #tpu.memory_space<vmem_shared>> -> memref<10000x128xf32, #tpu.memory_space<vmem_shared>>
      tpu.enqueue_indirect_dma source(%arg8 : memref<50x128xf32, #tpu.memory_space<vmem>>) target(%dma_start3A_1563 : memref<10000x128xf32, #tpu.memory_space<vmem_shared>>) offsets(%dma_start3A_1560 : memref<50xi32, #tpu.memory_space<vmem>>) semaphore(%run_scoped3A_1557 : memref<!tpu.dma_semaphore, #tpu.memory_space<semaphore_mem>>) {add = true}
      %dma_wait3A_1564 = arith.constant 0 : i32
      %dma_wait3A_1565 = tpu.memref_slice %arg7[%run_scoped3A, %dma_wait3A_1564] : memref<40x50xi32, #tpu.memory_space<vmem>> -> memref<1x50xi32, #tpu.memory_space<vmem>>
      %dma_wait3A_1566 = tpu.memref_squeeze %dma_wait3A_1565 : memref<1x50xi32, #tpu.memory_space<vmem>> -> memref<50xi32, #tpu.memory_space<vmem>>
      %dma_wait3A_1567 = arith.constant 0 : i32
      %dma_wait3A_1568 = arith.constant 0 : i32
      %dma_wait3A_1569 = tpu.memref_slice %arg13[%dma_wait3A_1567, %dma_wait3A_1568] : memref<10000x128xf32, #tpu.memory_space<vmem_shared>> -> memref<10000x128xf32, #tpu.memory_space<vmem_shared>>
      tpu.wait_indirect_dma semaphore(%run_scoped3A_1557 : memref<!tpu.dma_semaphore, #tpu.memory_space<semaphore_mem>>) src(%arg8 : memref<50x128xf32, #tpu.memory_space<vmem>>) dst(%dma_wait3A_1569 : memref<10000x128xf32, #tpu.memory_space<vmem_shared>>)
      tpu.yield
    }) : () -> ()
    %dma_wait3A_408 = arith.constant 37 : i32
    %dma_wait3A_409 = arith.constant 0 : i32
    %dma_wait3A_410 = tpu.memref_slice %arg6[%dma_wait3A_408, %dma_wait3A_409] : memref<40x50xi32, #tpu.memory_space<vmem>> -> memref<1x50xi32, #tpu.memory_space<vmem>>
    %dma_wait3A_411 = tpu.memref_squeeze %dma_wait3A_410 : memref<1x50xi32, #tpu.memory_space<vmem>> -> memref<50xi32, #tpu.memory_space<vmem>>
    %dma_wait3A_412 = arith.constant 0 : i32
    %dma_wait3A_413 = arith.constant 0 : i32
    %dma_wait3A_414 = tpu.memref_slice %arg2[%dma_wait3A_412, %dma_wait3A_413] : memref<10000x128xf32, #tpu.memory_space<hbm>> -> memref<10000x128xf32, #tpu.memory_space<hbm>>
    tpu.wait_indirect_dma semaphore(%arg15 : memref<!tpu.dma_semaphore, #tpu.memory_space<semaphore_mem>>) src(%dma_wait3A_414 : memref<10000x128xf32, #tpu.memory_space<hbm>>) dst(%arg9 : memref<50x128xf32, #tpu.memory_space<vmem>>)
    %run_scoped3A_415 = arith.constant 37 : i32
    "tpu.region"() ({
      %run_scoped3A_1557 = tpu.sem_alloc : memref<!tpu.dma_semaphore, #tpu.memory_space<semaphore_mem>>
      %dma_start3A_1558 = arith.constant 0 : i32
      %dma_start3A_1559 = tpu.memref_slice %arg7[%run_scoped3A_415, %dma_start3A_1558] : memref<40x50xi32, #tpu.memory_space<vmem>> -> memref<1x50xi32, #tpu.memory_space<vmem>>
      %dma_start3A_1560 = tpu.memref_squeeze %dma_start3A_1559 : memref<1x50xi32, #tpu.memory_space<vmem>> -> memref<50xi32, #tpu.memory_space<vmem>>
      %dma_start3A_1561 = arith.constant 0 : i32
      %dma_start3A_1562 = arith.constant 0 : i32
      %dma_start3A_1563 = tpu.memref_slice %arg13[%dma_start3A_1561, %dma_start3A_1562] : memref<10000x128xf32, #tpu.memory_space<vmem_shared>> -> memref<10000x128xf32, #tpu.memory_space<vmem_shared>>
      tpu.enqueue_indirect_dma source(%arg9 : memref<50x128xf32, #tpu.memory_space<vmem>>) target(%dma_start3A_1563 : memref<10000x128xf32, #tpu.memory_space<vmem_shared>>) offsets(%dma_start3A_1560 : memref<50xi32, #tpu.memory_space<vmem>>) semaphore(%run_scoped3A_1557 : memref<!tpu.dma_semaphore, #tpu.memory_space<semaphore_mem>>) {add = true}
      %dma_wait3A_1564 = arith.constant 0 : i32
      %dma_wait3A_1565 = tpu.memref_slice %arg7[%run_scoped3A_415, %dma_wait3A_1564] : memref<40x50xi32, #tpu.memory_space<vmem>> -> memref<1x50xi32, #tpu.memory_space<vmem>>
      %dma_wait3A_1566 = tpu.memref_squeeze %dma_wait3A_1565 : memref<1x50xi32, #tpu.memory_space<vmem>> -> memref<50xi32, #tpu.memory_space<vmem>>
      %dma_wait3A_1567 = arith.constant 0 : i32
      %dma_wait3A_1568 = arith.constant 0 : i32
      %dma_wait3A_1569 = tpu.memref_slice %arg13[%dma_wait3A_1567, %dma_wait3A_1568] : memref<10000x128xf32, #tpu.memory_space<vmem_shared>> -> memref<10000x128xf32, #tpu.memory_space<vmem_shared>>
      tpu.wait_indirect_dma semaphore(%run_scoped3A_1557 : memref<!tpu.dma_semaphore, #tpu.memory_space<semaphore_mem>>) src(%arg9 : memref<50x128xf32, #tpu.memory_space<vmem>>) dst(%dma_wait3A_1569 : memref<10000x128xf32, #tpu.memory_space<vmem_shared>>)
      tpu.yield
    }) : () -> ()
    %dma_wait3A_416 = arith.constant 38 : i32
    %dma_wait3A_417 = arith.constant 0 : i32
    %dma_wait3A_418 = tpu.memref_slice %arg6[%dma_wait3A_416, %dma_wait3A_417] : memref<40x50xi32, #tpu.memory_space<vmem>> -> memref<1x50xi32, #tpu.memory_space<vmem>>
    %dma_wait3A_419 = tpu.memref_squeeze %dma_wait3A_418 : memref<1x50xi32, #tpu.memory_space<vmem>> -> memref<50xi32, #tpu.memory_space<vmem>>
    %dma_wait3A_420 = arith.constant 0 : i32
    %dma_wait3A_421 = arith.constant 0 : i32
    %dma_wait3A_422 = tpu.memref_slice %arg2[%dma_wait3A_420, %dma_wait3A_421] : memref<10000x128xf32, #tpu.memory_space<hbm>> -> memref<10000x128xf32, #tpu.memory_space<hbm>>
    tpu.wait_indirect_dma semaphore(%arg16 : memref<!tpu.dma_semaphore, #tpu.memory_space<semaphore_mem>>) src(%dma_wait3A_422 : memref<10000x128xf32, #tpu.memory_space<hbm>>) dst(%arg10 : memref<50x128xf32, #tpu.memory_space<vmem>>)
    %run_scoped3A_423 = arith.constant 38 : i32
    "tpu.region"() ({
      %run_scoped3A_1557 = tpu.sem_alloc : memref<!tpu.dma_semaphore, #tpu.memory_space<semaphore_mem>>
      %dma_start3A_1558 = arith.constant 0 : i32
      %dma_start3A_1559 = tpu.memref_slice %arg7[%run_scoped3A_423, %dma_start3A_1558] : memref<40x50xi32, #tpu.memory_space<vmem>> -> memref<1x50xi32, #tpu.memory_space<vmem>>
      %dma_start3A_1560 = tpu.memref_squeeze %dma_start3A_1559 : memref<1x50xi32, #tpu.memory_space<vmem>> -> memref<50xi32, #tpu.memory_space<vmem>>
      %dma_start3A_1561 = arith.constant 0 : i32
      %dma_start3A_1562 = arith.constant 0 : i32
      %dma_start3A_1563 = tpu.memref_slice %arg13[%dma_start3A_1561, %dma_start3A_1562] : memref<10000x128xf32, #tpu.memory_space<vmem_shared>> -> memref<10000x128xf32, #tpu.memory_space<vmem_shared>>
      tpu.enqueue_indirect_dma source(%arg10 : memref<50x128xf32, #tpu.memory_space<vmem>>) target(%dma_start3A_1563 : memref<10000x128xf32, #tpu.memory_space<vmem_shared>>) offsets(%dma_start3A_1560 : memref<50xi32, #tpu.memory_space<vmem>>) semaphore(%run_scoped3A_1557 : memref<!tpu.dma_semaphore, #tpu.memory_space<semaphore_mem>>) {add = true}
      %dma_wait3A_1564 = arith.constant 0 : i32
      %dma_wait3A_1565 = tpu.memref_slice %arg7[%run_scoped3A_423, %dma_wait3A_1564] : memref<40x50xi32, #tpu.memory_space<vmem>> -> memref<1x50xi32, #tpu.memory_space<vmem>>
      %dma_wait3A_1566 = tpu.memref_squeeze %dma_wait3A_1565 : memref<1x50xi32, #tpu.memory_space<vmem>> -> memref<50xi32, #tpu.memory_space<vmem>>
      %dma_wait3A_1567 = arith.constant 0 : i32
      %dma_wait3A_1568 = arith.constant 0 : i32
      %dma_wait3A_1569 = tpu.memref_slice %arg13[%dma_wait3A_1567, %dma_wait3A_1568] : memref<10000x128xf32, #tpu.memory_space<vmem_shared>> -> memref<10000x128xf32, #tpu.memory_space<vmem_shared>>
      tpu.wait_indirect_dma semaphore(%run_scoped3A_1557 : memref<!tpu.dma_semaphore, #tpu.memory_space<semaphore_mem>>) src(%arg10 : memref<50x128xf32, #tpu.memory_space<vmem>>) dst(%dma_wait3A_1569 : memref<10000x128xf32, #tpu.memory_space<vmem_shared>>)
      tpu.yield
    }) : () -> ()
    %dma_wait3A_424 = arith.constant 39 : i32
    %dma_wait3A_425 = arith.constant 0 : i32
    %dma_wait3A_426 = tpu.memref_slice %arg6[%dma_wait3A_424, %dma_wait3A_425] : memref<40x50xi32, #tpu.memory_space<vmem>> -> memref<1x50xi32, #tpu.memory_space<vmem>>
    %dma_wait3A_427 = tpu.memref_squeeze %dma_wait3A_426 : memref<1x50xi32, #tpu.memory_space<vmem>> -> memref<50xi32, #tpu.memory_space<vmem>>
    %dma_wait3A_428 = arith.constant 0 : i32
    %dma_wait3A_429 = arith.constant 0 : i32
    %dma_wait3A_430 = tpu.memref_slice %arg2[%dma_wait3A_428, %dma_wait3A_429] : memref<10000x128xf32, #tpu.memory_space<hbm>> -> memref<10000x128xf32, #tpu.memory_space<hbm>>
    tpu.wait_indirect_dma semaphore(%arg17 : memref<!tpu.dma_semaphore, #tpu.memory_space<semaphore_mem>>) src(%dma_wait3A_430 : memref<10000x128xf32, #tpu.memory_space<hbm>>) dst(%arg11 : memref<50x128xf32, #tpu.memory_space<vmem>>)
    %run_scoped3A_431 = arith.constant 39 : i32
    "tpu.region"() ({
      %run_scoped3A_1557 = tpu.sem_alloc : memref<!tpu.dma_semaphore, #tpu.memory_space<semaphore_mem>>
      %dma_start3A_1558 = arith.constant 0 : i32
      %dma_start3A_1559 = tpu.memref_slice %arg7[%run_scoped3A_431, %dma_start3A_1558] : memref<40x50xi32, #tpu.memory_space<vmem>> -> memref<1x50xi32, #tpu.memory_space<vmem>>
      %dma_start3A_1560 = tpu.memref_squeeze %dma_start3A_1559 : memref<1x50xi32, #tpu.memory_space<vmem>> -> memref<50xi32, #tpu.memory_space<vmem>>
      %dma_start3A_1561 = arith.constant 0 : i32
      %dma_start3A_1562 = arith.constant 0 : i32
      %dma_start3A_1563 = tpu.memref_slice %arg13[%dma_start3A_1561, %dma_start3A_1562] : memref<10000x128xf32, #tpu.memory_space<vmem_shared>> -> memref<10000x128xf32, #tpu.memory_space<vmem_shared>>
      tpu.enqueue_indirect_dma source(%arg11 : memref<50x128xf32, #tpu.memory_space<vmem>>) target(%dma_start3A_1563 : memref<10000x128xf32, #tpu.memory_space<vmem_shared>>) offsets(%dma_start3A_1560 : memref<50xi32, #tpu.memory_space<vmem>>) semaphore(%run_scoped3A_1557 : memref<!tpu.dma_semaphore, #tpu.memory_space<semaphore_mem>>) {add = true}
      %dma_wait3A_1564 = arith.constant 0 : i32
      %dma_wait3A_1565 = tpu.memref_slice %arg7[%run_scoped3A_431, %dma_wait3A_1564] : memref<40x50xi32, #tpu.memory_space<vmem>> -> memref<1x50xi32, #tpu.memory_space<vmem>>
      %dma_wait3A_1566 = tpu.memref_squeeze %dma_wait3A_1565 : memref<1x50xi32, #tpu.memory_space<vmem>> -> memref<50xi32, #tpu.memory_space<vmem>>
      %dma_wait3A_1567 = arith.constant 0 : i32
      %dma_wait3A_1568 = arith.constant 0 : i32
      %dma_wait3A_1569 = tpu.memref_slice %arg13[%dma_wait3A_1567, %dma_wait3A_1568] : memref<10000x128xf32, #tpu.memory_space<vmem_shared>> -> memref<10000x128xf32, #tpu.memory_space<vmem_shared>>
      tpu.wait_indirect_dma semaphore(%run_scoped3A_1557 : memref<!tpu.dma_semaphore, #tpu.memory_space<semaphore_mem>>) src(%arg11 : memref<50x128xf32, #tpu.memory_space<vmem>>) dst(%dma_wait3A_1569 : memref<10000x128xf32, #tpu.memory_space<vmem_shared>>)
      tpu.yield
    }) : () -> ()
    %get3A = arith.constant 36 : i32
    %get3A_432 = arith.index_cast %get3A : i32 to index
    %get3A_433 = arith.constant 0 : index
    %get3A_434 = tpu.vector_load %arg7[%get3A_432, %get3A_433] {strides = array<i32>} : memref<40x50xi32, #tpu.memory_space<vmem>>, vector<16xi32>,
    tpu.vector_store_idx %arg12[%get3A_434], %broadcast_in_dim3A_3 {add = true} : memref<10000xf32, #tpu.memory_space<vmem>>[vector<16xi32>], vector<16xf32>,
    %get3A_435 = arith.constant 36 : i32
    %get3A_436 = arith.index_cast %get3A_435 : i32 to index
    %get3A_437 = arith.constant 16 : index
    %get3A_438 = tpu.vector_load %arg7[%get3A_436, %get3A_437] {strides = array<i32>} : memref<40x50xi32, #tpu.memory_space<vmem>>, vector<16xi32>,
    tpu.vector_store_idx %arg12[%get3A_438], %broadcast_in_dim3A_3 {add = true} : memref<10000xf32, #tpu.memory_space<vmem>>[vector<16xi32>], vector<16xf32>,
    %get3A_439 = arith.constant 36 : i32
    %get3A_440 = arith.index_cast %get3A_439 : i32 to index
    %get3A_441 = arith.constant 32 : index
    %get3A_442 = tpu.vector_load %arg7[%get3A_440, %get3A_441] {strides = array<i32>} : memref<40x50xi32, #tpu.memory_space<vmem>>, vector<16xi32>,
    tpu.vector_store_idx %arg12[%get3A_442], %broadcast_in_dim3A_3 {add = true} : memref<10000xf32, #tpu.memory_space<vmem>>[vector<16xi32>], vector<16xf32>,
    %get3A_443 = arith.constant 36 : i32
    %get3A_444 = arith.index_cast %get3A_443 : i32 to index
    %get3A_445 = arith.constant 34 : index
    %get3A_446 = tpu.vector_load %arg7[%get3A_444, %get3A_445] {strides = array<i32>} : memref<40x50xi32, #tpu.memory_space<vmem>>, vector<16xi32>,
    tpu.vector_store_idx %arg12[%get3A_446], %broadcast_in_dim3A_3 masked %ge3A_348 {add = true} : memref<10000xf32, #tpu.memory_space<vmem>>[vector<16xi32>], vector<16xf32>, vector<16xi1>
    %get3A_447 = arith.constant 37 : i32
    %get3A_448 = arith.index_cast %get3A_447 : i32 to index
    %get3A_449 = arith.constant 0 : index
    %get3A_450 = tpu.vector_load %arg7[%get3A_448, %get3A_449] {strides = array<i32>} : memref<40x50xi32, #tpu.memory_space<vmem>>, vector<16xi32>,
    tpu.vector_store_idx %arg12[%get3A_450], %broadcast_in_dim3A_3 {add = true} : memref<10000xf32, #tpu.memory_space<vmem>>[vector<16xi32>], vector<16xf32>,
    %get3A_451 = arith.constant 37 : i32
    %get3A_452 = arith.index_cast %get3A_451 : i32 to index
    %get3A_453 = arith.constant 16 : index
    %get3A_454 = tpu.vector_load %arg7[%get3A_452, %get3A_453] {strides = array<i32>} : memref<40x50xi32, #tpu.memory_space<vmem>>, vector<16xi32>,
    tpu.vector_store_idx %arg12[%get3A_454], %broadcast_in_dim3A_3 {add = true} : memref<10000xf32, #tpu.memory_space<vmem>>[vector<16xi32>], vector<16xf32>,
    %get3A_455 = arith.constant 37 : i32
    %get3A_456 = arith.index_cast %get3A_455 : i32 to index
    %get3A_457 = arith.constant 32 : index
    %get3A_458 = tpu.vector_load %arg7[%get3A_456, %get3A_457] {strides = array<i32>} : memref<40x50xi32, #tpu.memory_space<vmem>>, vector<16xi32>,
    tpu.vector_store_idx %arg12[%get3A_458], %broadcast_in_dim3A_3 {add = true} : memref<10000xf32, #tpu.memory_space<vmem>>[vector<16xi32>], vector<16xf32>,
    %get3A_459 = arith.constant 37 : i32
    %get3A_460 = arith.index_cast %get3A_459 : i32 to index
    %get3A_461 = arith.constant 34 : index
    %get3A_462 = tpu.vector_load %arg7[%get3A_460, %get3A_461] {strides = array<i32>} : memref<40x50xi32, #tpu.memory_space<vmem>>, vector<16xi32>,
    tpu.vector_store_idx %arg12[%get3A_462], %broadcast_in_dim3A_3 masked %ge3A_348 {add = true} : memref<10000xf32, #tpu.memory_space<vmem>>[vector<16xi32>], vector<16xf32>, vector<16xi1>
    %get3A_463 = arith.constant 38 : i32
    %get3A_464 = arith.index_cast %get3A_463 : i32 to index
    %get3A_465 = arith.constant 0 : index
    %get3A_466 = tpu.vector_load %arg7[%get3A_464, %get3A_465] {strides = array<i32>} : memref<40x50xi32, #tpu.memory_space<vmem>>, vector<16xi32>,
    tpu.vector_store_idx %arg12[%get3A_466], %broadcast_in_dim3A_3 {add = true} : memref<10000xf32, #tpu.memory_space<vmem>>[vector<16xi32>], vector<16xf32>,
    %get3A_467 = arith.constant 38 : i32
    %get3A_468 = arith.index_cast %get3A_467 : i32 to index
    %get3A_469 = arith.constant 16 : index
    %get3A_470 = tpu.vector_load %arg7[%get3A_468, %get3A_469] {strides = array<i32>} : memref<40x50xi32, #tpu.memory_space<vmem>>, vector<16xi32>,
    tpu.vector_store_idx %arg12[%get3A_470], %broadcast_in_dim3A_3 {add = true} : memref<10000xf32, #tpu.memory_space<vmem>>[vector<16xi32>], vector<16xf32>,
    %get3A_471 = arith.constant 38 : i32
    %get3A_472 = arith.index_cast %get3A_471 : i32 to index
    %get3A_473 = arith.constant 32 : index
    %get3A_474 = tpu.vector_load %arg7[%get3A_472, %get3A_473] {strides = array<i32>} : memref<40x50xi32, #tpu.memory_space<vmem>>, vector<16xi32>,
    tpu.vector_store_idx %arg12[%get3A_474], %broadcast_in_dim3A_3 {add = true} : memref<10000xf32, #tpu.memory_space<vmem>>[vector<16xi32>], vector<16xf32>,
    %get3A_475 = arith.constant 38 : i32
    %get3A_476 = arith.index_cast %get3A_475 : i32 to index
    %get3A_477 = arith.constant 34 : index
    %get3A_478 = tpu.vector_load %arg7[%get3A_476, %get3A_477] {strides = array<i32>} : memref<40x50xi32, #tpu.memory_space<vmem>>, vector<16xi32>,
    tpu.vector_store_idx %arg12[%get3A_478], %broadcast_in_dim3A_3 masked %ge3A_348 {add = true} : memref<10000xf32, #tpu.memory_space<vmem>>[vector<16xi32>], vector<16xf32>, vector<16xi1>
    %get3A_479 = arith.constant 39 : i32
    %get3A_480 = arith.index_cast %get3A_479 : i32 to index
    %get3A_481 = arith.constant 0 : index
    %get3A_482 = tpu.vector_load %arg7[%get3A_480, %get3A_481] {strides = array<i32>} : memref<40x50xi32, #tpu.memory_space<vmem>>, vector<16xi32>,
    tpu.vector_store_idx %arg12[%get3A_482], %broadcast_in_dim3A_3 {add = true} : memref<10000xf32, #tpu.memory_space<vmem>>[vector<16xi32>], vector<16xf32>,
    %get3A_483 = arith.constant 39 : i32
    %get3A_484 = arith.index_cast %get3A_483 : i32 to index
    %get3A_485 = arith.constant 16 : index
    %get3A_486 = tpu.vector_load %arg7[%get3A_484, %get3A_485] {strides = array<i32>} : memref<40x50xi32, #tpu.memory_space<vmem>>, vector<16xi32>,
    tpu.vector_store_idx %arg12[%get3A_486], %broadcast_in_dim3A_3 {add = true} : memref<10000xf32, #tpu.memory_space<vmem>>[vector<16xi32>], vector<16xf32>,
    %get3A_487 = arith.constant 39 : i32
    %get3A_488 = arith.index_cast %get3A_487 : i32 to index
    %get3A_489 = arith.constant 32 : index
    %get3A_490 = tpu.vector_load %arg7[%get3A_488, %get3A_489] {strides = array<i32>} : memref<40x50xi32, #tpu.memory_space<vmem>>, vector<16xi32>,
    tpu.vector_store_idx %arg12[%get3A_490], %broadcast_in_dim3A_3 {add = true} : memref<10000xf32, #tpu.memory_space<vmem>>[vector<16xi32>], vector<16xf32>,
    %get3A_491 = arith.constant 39 : i32
    %get3A_492 = arith.index_cast %get3A_491 : i32 to index
    %get3A_493 = arith.constant 34 : index
    %get3A_494 = tpu.vector_load %arg7[%get3A_492, %get3A_493] {strides = array<i32>} : memref<40x50xi32, #tpu.memory_space<vmem>>, vector<16xi32>,
    tpu.vector_store_idx %arg12[%get3A_494], %broadcast_in_dim3A_3 masked %ge3A_348 {add = true} : memref<10000xf32, #tpu.memory_space<vmem>>[vector<16xi32>], vector<16xf32>, vector<16xi1>
    %dma_start3A_495 = arith.constant 0 : i32
    %dma_start3A_496 = arith.constant 40 : i32
    %dma_start3A_497 = arith.constant 0 : i32
    %dma_start3A_498 = tpu.memref_slice %arg3[%dma_start3A_495, %add3A, %dma_start3A_496, %dma_start3A_497] : memref<2x32x200x50xi32, #tpu.memory_space<hbm>> -> memref<1x1x40x50xi32, #tpu.memory_space<hbm>>
    %dma_start3A_499 = tpu.memref_squeeze %dma_start3A_498 : memref<1x1x40x50xi32, #tpu.memory_space<hbm>> -> memref<40x50xi32, #tpu.memory_space<hbm>>
    %dma_start3A_500 = arith.constant 40 : i32
    %dma_start3A_501 = arith.constant 0 : i32
    %dma_start3A_502 = tpu.memref_slice %arg3[%dma_start3A_495, %add3A, %dma_start3A_500, %dma_start3A_501] : memref<2x32x200x50xi32, #tpu.memory_space<hbm>> -> memref<1x1x40x50xi32, #tpu.memory_space<hbm>>
    %dma_start3A_503 = tpu.memref_squeeze %dma_start3A_502 : memref<1x1x40x50xi32, #tpu.memory_space<hbm>> -> memref<40x50xi32, #tpu.memory_space<hbm>>
    tpu.enqueue_dma source(%dma_start3A_503 : memref<40x50xi32, #tpu.memory_space<hbm>>) target(%arg6 : memref<40x50xi32, #tpu.memory_space<vmem>>) target_semaphore(%arg16 : memref<!tpu.dma_semaphore, #tpu.memory_space<semaphore_mem>>)
    %dma_start3A_504 = arith.constant 1 : i32
    %dma_start3A_505 = arith.constant 40 : i32
    %dma_start3A_506 = arith.constant 0 : i32
    %dma_start3A_507 = tpu.memref_slice %arg3[%dma_start3A_504, %add3A, %dma_start3A_505, %dma_start3A_506] : memref<2x32x200x50xi32, #tpu.memory_space<hbm>> -> memref<1x1x40x50xi32, #tpu.memory_space<hbm>>
    %dma_start3A_508 = tpu.memref_squeeze %dma_start3A_507 : memref<1x1x40x50xi32, #tpu.memory_space<hbm>> -> memref<40x50xi32, #tpu.memory_space<hbm>>
    %dma_start3A_509 = arith.constant 40 : i32
    %dma_start3A_510 = arith.constant 0 : i32
    %dma_start3A_511 = tpu.memref_slice %arg3[%dma_start3A_504, %add3A, %dma_start3A_509, %dma_start3A_510] : memref<2x32x200x50xi32, #tpu.memory_space<hbm>> -> memref<1x1x40x50xi32, #tpu.memory_space<hbm>>
    %dma_start3A_512 = tpu.memref_squeeze %dma_start3A_511 : memref<1x1x40x50xi32, #tpu.memory_space<hbm>> -> memref<40x50xi32, #tpu.memory_space<hbm>>
    tpu.enqueue_dma source(%dma_start3A_512 : memref<40x50xi32, #tpu.memory_space<hbm>>) target(%arg7 : memref<40x50xi32, #tpu.memory_space<vmem>>) target_semaphore(%arg17 : memref<!tpu.dma_semaphore, #tpu.memory_space<semaphore_mem>>)
    %dma_wait3A_513 = arith.constant 0 : i32
    %dma_wait3A_514 = arith.constant 40 : i32
    %dma_wait3A_515 = arith.constant 0 : i32
    %dma_wait3A_516 = tpu.memref_slice %arg3[%dma_wait3A_513, %add3A, %dma_wait3A_514, %dma_wait3A_515] : memref<2x32x200x50xi32, #tpu.memory_space<hbm>> -> memref<1x1x40x50xi32, #tpu.memory_space<hbm>>
    %dma_wait3A_517 = tpu.memref_squeeze %dma_wait3A_516 : memref<1x1x40x50xi32, #tpu.memory_space<hbm>> -> memref<40x50xi32, #tpu.memory_space<hbm>>
    %dma_wait3A_518 = arith.constant 40 : i32
    %dma_wait3A_519 = arith.constant 0 : i32
    %dma_wait3A_520 = tpu.memref_slice %arg3[%dma_wait3A_513, %add3A, %dma_wait3A_518, %dma_wait3A_519] : memref<2x32x200x50xi32, #tpu.memory_space<hbm>> -> memref<1x1x40x50xi32, #tpu.memory_space<hbm>>
    %dma_wait3A_521 = tpu.memref_squeeze %dma_wait3A_520 : memref<1x1x40x50xi32, #tpu.memory_space<hbm>> -> memref<40x50xi32, #tpu.memory_space<hbm>>
    tpu.wait_dma2 semaphore(%arg16 : memref<!tpu.dma_semaphore, #tpu.memory_space<semaphore_mem>>) src(%dma_wait3A_521 : memref<40x50xi32, #tpu.memory_space<hbm>>) dst(%arg6 : memref<40x50xi32, #tpu.memory_space<vmem>>)
    %dma_wait3A_522 = arith.constant 1 : i32
    %dma_wait3A_523 = arith.constant 40 : i32
    %dma_wait3A_524 = arith.constant 0 : i32
    %dma_wait3A_525 = tpu.memref_slice %arg3[%dma_wait3A_522, %add3A, %dma_wait3A_523, %dma_wait3A_524] : memref<2x32x200x50xi32, #tpu.memory_space<hbm>> -> memref<1x1x40x50xi32, #tpu.memory_space<hbm>>
    %dma_wait3A_526 = tpu.memref_squeeze %dma_wait3A_525 : memref<1x1x40x50xi32, #tpu.memory_space<hbm>> -> memref<40x50xi32, #tpu.memory_space<hbm>>
    %dma_wait3A_527 = arith.constant 40 : i32
    %dma_wait3A_528 = arith.constant 0 : i32
    %dma_wait3A_529 = tpu.memref_slice %arg3[%dma_wait3A_522, %add3A, %dma_wait3A_527, %dma_wait3A_528] : memref<2x32x200x50xi32, #tpu.memory_space<hbm>> -> memref<1x1x40x50xi32, #tpu.memory_space<hbm>>
    %dma_wait3A_530 = tpu.memref_squeeze %dma_wait3A_529 : memref<1x1x40x50xi32, #tpu.memory_space<hbm>> -> memref<40x50xi32, #tpu.memory_space<hbm>>
    tpu.wait_dma2 semaphore(%arg17 : memref<!tpu.dma_semaphore, #tpu.memory_space<semaphore_mem>>) src(%dma_wait3A_530 : memref<40x50xi32, #tpu.memory_space<hbm>>) dst(%arg7 : memref<40x50xi32, #tpu.memory_space<vmem>>)
    %dma_start3A_531 = arith.constant 0 : i32
    %dma_start3A_532 = arith.constant 0 : i32
    %dma_start3A_533 = tpu.memref_slice %arg6[%dma_start3A_531, %dma_start3A_532] : memref<40x50xi32, #tpu.memory_space<vmem>> -> memref<1x50xi32, #tpu.memory_space<vmem>>
    %dma_start3A_534 = tpu.memref_squeeze %dma_start3A_533 : memref<1x50xi32, #tpu.memory_space<vmem>> -> memref<50xi32, #tpu.memory_space<vmem>>
    %dma_start3A_535 = arith.constant 0 : i32
    %dma_start3A_536 = arith.constant 0 : i32
    %dma_start3A_537 = tpu.memref_slice %arg2[%dma_start3A_535, %dma_start3A_536] : memref<10000x128xf32, #tpu.memory_space<hbm>> -> memref<10000x128xf32, #tpu.memory_space<hbm>>
    tpu.enqueue_indirect_dma source(%dma_start3A_537 : memref<10000x128xf32, #tpu.memory_space<hbm>>) target(%arg8 : memref<50x128xf32, #tpu.memory_space<vmem>>) offsets(%dma_start3A_534 : memref<50xi32, #tpu.memory_space<vmem>>) semaphore(%arg14 : memref<!tpu.dma_semaphore, #tpu.memory_space<semaphore_mem>>)
    %dma_start3A_538 = arith.constant 1 : i32
    %dma_start3A_539 = arith.constant 0 : i32
    %dma_start3A_540 = tpu.memref_slice %arg6[%dma_start3A_538, %dma_start3A_539] : memref<40x50xi32, #tpu.memory_space<vmem>> -> memref<1x50xi32, #tpu.memory_space<vmem>>
    %dma_start3A_541 = tpu.memref_squeeze %dma_start3A_540 : memref<1x50xi32, #tpu.memory_space<vmem>> -> memref<50xi32, #tpu.memory_space<vmem>>
    %dma_start3A_542 = arith.constant 0 : i32
    %dma_start3A_543 = arith.constant 0 : i32
    %dma_start3A_544 = tpu.memref_slice %arg2[%dma_start3A_542, %dma_start3A_543] : memref<10000x128xf32, #tpu.memory_space<hbm>> -> memref<10000x128xf32, #tpu.memory_space<hbm>>
    tpu.enqueue_indirect_dma source(%dma_start3A_544 : memref<10000x128xf32, #tpu.memory_space<hbm>>) target(%arg9 : memref<50x128xf32, #tpu.memory_space<vmem>>) offsets(%dma_start3A_541 : memref<50xi32, #tpu.memory_space<vmem>>) semaphore(%arg15 : memref<!tpu.dma_semaphore, #tpu.memory_space<semaphore_mem>>)
    %dma_start3A_545 = arith.constant 2 : i32
    %dma_start3A_546 = arith.constant 0 : i32
    %dma_start3A_547 = tpu.memref_slice %arg6[%dma_start3A_545, %dma_start3A_546] : memref<40x50xi32, #tpu.memory_space<vmem>> -> memref<1x50xi32, #tpu.memory_space<vmem>>
    %dma_start3A_548 = tpu.memref_squeeze %dma_start3A_547 : memref<1x50xi32, #tpu.memory_space<vmem>> -> memref<50xi32, #tpu.memory_space<vmem>>
    %dma_start3A_549 = arith.constant 0 : i32
    %dma_start3A_550 = arith.constant 0 : i32
    %dma_start3A_551 = tpu.memref_slice %arg2[%dma_start3A_549, %dma_start3A_550] : memref<10000x128xf32, #tpu.memory_space<hbm>> -> memref<10000x128xf32, #tpu.memory_space<hbm>>
    tpu.enqueue_indirect_dma source(%dma_start3A_551 : memref<10000x128xf32, #tpu.memory_space<hbm>>) target(%arg10 : memref<50x128xf32, #tpu.memory_space<vmem>>) offsets(%dma_start3A_548 : memref<50xi32, #tpu.memory_space<vmem>>) semaphore(%arg16 : memref<!tpu.dma_semaphore, #tpu.memory_space<semaphore_mem>>)
    %dma_start3A_552 = arith.constant 3 : i32
    %dma_start3A_553 = arith.constant 0 : i32
    %dma_start3A_554 = tpu.memref_slice %arg6[%dma_start3A_552, %dma_start3A_553] : memref<40x50xi32, #tpu.memory_space<vmem>> -> memref<1x50xi32, #tpu.memory_space<vmem>>
    %dma_start3A_555 = tpu.memref_squeeze %dma_start3A_554 : memref<1x50xi32, #tpu.memory_space<vmem>> -> memref<50xi32, #tpu.memory_space<vmem>>
    %dma_start3A_556 = arith.constant 0 : i32
    %dma_start3A_557 = arith.constant 0 : i32
    %dma_start3A_558 = tpu.memref_slice %arg2[%dma_start3A_556, %dma_start3A_557] : memref<10000x128xf32, #tpu.memory_space<hbm>> -> memref<10000x128xf32, #tpu.memory_space<hbm>>
    tpu.enqueue_indirect_dma source(%dma_start3A_558 : memref<10000x128xf32, #tpu.memory_space<hbm>>) target(%arg11 : memref<50x128xf32, #tpu.memory_space<vmem>>) offsets(%dma_start3A_555 : memref<50xi32, #tpu.memory_space<vmem>>) semaphore(%arg17 : memref<!tpu.dma_semaphore, #tpu.memory_space<semaphore_mem>>)
    %scan3A_559 = arith.constant 0 : i32
    %scan3A_560 = arith.constant 0 : i32
    %scan3A_561 = arith.constant 9 : i32
    %scan3A_562 = arith.addi %scan3A_560, %scan3A_561 : i32
    %scan3A_563 = arith.constant 1 : i32
    scf.for %scan3A_1557 = %scan3A_560 to %scan3A_562 step %scan3A_563  : i32 {
      %mul3A_1558 = arith.constant 4 : i32
      %mul3A_1559 = arith.muli %mul3A_1558, %scan3A_1557 : i32
      %add3A_1560 = arith.constant 0 : i32
      %add3A_1561 = arith.addi %mul3A_1559, %add3A_1560 : i32
      %dma_wait3A_1562 = arith.constant 0 : i32
      %dma_wait3A_1563 = tpu.memref_slice %arg6[%add3A_1561, %dma_wait3A_1562] : memref<40x50xi32, #tpu.memory_space<vmem>> -> memref<1x50xi32, #tpu.memory_space<vmem>>
      %dma_wait3A_1564 = tpu.memref_squeeze %dma_wait3A_1563 : memref<1x50xi32, #tpu.memory_space<vmem>> -> memref<50xi32, #tpu.memory_space<vmem>>
      %dma_wait3A_1565 = arith.constant 0 : i32
      %dma_wait3A_1566 = arith.constant 0 : i32
      %dma_wait3A_1567 = tpu.memref_slice %arg2[%dma_wait3A_1565, %dma_wait3A_1566] : memref<10000x128xf32, #tpu.memory_space<hbm>> -> memref<10000x128xf32, #tpu.memory_space<hbm>>
      tpu.wait_indirect_dma semaphore(%arg14 : memref<!tpu.dma_semaphore, #tpu.memory_space<semaphore_mem>>) src(%dma_wait3A_1567 : memref<10000x128xf32, #tpu.memory_space<hbm>>) dst(%arg8 : memref<50x128xf32, #tpu.memory_space<vmem>>)
      %mul3A_1568 = arith.constant 4 : i32
      %mul3A_1569 = arith.muli %mul3A_1568, %scan3A_1557 : i32
      %add3A_1570 = arith.constant 0 : i32
      %add3A_1571 = arith.addi %mul3A_1569, %add3A_1570 : i32
      "tpu.region"() ({
        %run_scoped3A_1726 = tpu.sem_alloc : memref<!tpu.dma_semaphore, #tpu.memory_space<semaphore_mem>>
        %dma_start3A_1727 = arith.constant 0 : i32
        %dma_start3A_1728 = tpu.memref_slice %arg7[%add3A_1571, %dma_start3A_1727] : memref<40x50xi32, #tpu.memory_space<vmem>> -> memref<1x50xi32, #tpu.memory_space<vmem>>
        %dma_start3A_1729 = tpu.memref_squeeze %dma_start3A_1728 : memref<1x50xi32, #tpu.memory_space<vmem>> -> memref<50xi32, #tpu.memory_space<vmem>>
        %dma_start3A_1730 = arith.constant 0 : i32
        %dma_start3A_1731 = arith.constant 0 : i32
        %dma_start3A_1732 = tpu.memref_slice %arg13[%dma_start3A_1730, %dma_start3A_1731] : memref<10000x128xf32, #tpu.memory_space<vmem_shared>> -> memref<10000x128xf32, #tpu.memory_space<vmem_shared>>
        tpu.enqueue_indirect_dma source(%arg8 : memref<50x128xf32, #tpu.memory_space<vmem>>) target(%dma_start3A_1732 : memref<10000x128xf32, #tpu.memory_space<vmem_shared>>) offsets(%dma_start3A_1729 : memref<50xi32, #tpu.memory_space<vmem>>) semaphore(%run_scoped3A_1726 : memref<!tpu.dma_semaphore, #tpu.memory_space<semaphore_mem>>) {add = true}
        %dma_wait3A_1733 = arith.constant 0 : i32
        %dma_wait3A_1734 = tpu.memref_slice %arg7[%add3A_1571, %dma_wait3A_1733] : memref<40x50xi32, #tpu.memory_space<vmem>> -> memref<1x50xi32, #tpu.memory_space<vmem>>
        %dma_wait3A_1735 = tpu.memref_squeeze %dma_wait3A_1734 : memref<1x50xi32, #tpu.memory_space<vmem>> -> memref<50xi32, #tpu.memory_space<vmem>>
        %dma_wait3A_1736 = arith.constant 0 : i32
        %dma_wait3A_1737 = arith.constant 0 : i32
        %dma_wait3A_1738 = tpu.memref_slice %arg13[%dma_wait3A_1736, %dma_wait3A_1737] : memref<10000x128xf32, #tpu.memory_space<vmem_shared>> -> memref<10000x128xf32, #tpu.memory_space<vmem_shared>>
        tpu.wait_indirect_dma semaphore(%run_scoped3A_1726 : memref<!tpu.dma_semaphore, #tpu.memory_space<semaphore_mem>>) src(%arg8 : memref<50x128xf32, #tpu.memory_space<vmem>>) dst(%dma_wait3A_1738 : memref<10000x128xf32, #tpu.memory_space<vmem_shared>>)
        tpu.yield
      }) : () -> ()
      %add3A_1572 = arith.constant 1 : i32
      %add3A_1573 = arith.addi %scan3A_1557, %add3A_1572 : i32
      %mul3A_1574 = arith.constant 4 : i32
      %mul3A_1575 = arith.muli %mul3A_1574, %add3A_1573 : i32
      %add3A_1576 = arith.constant 0 : i32
      %add3A_1577 = arith.addi %mul3A_1575, %add3A_1576 : i32
      %dma_start3A_1578 = arith.constant 0 : i32
      %dma_start3A_1579 = tpu.memref_slice %arg6[%add3A_1577, %dma_start3A_1578] : memref<40x50xi32, #tpu.memory_space<vmem>> -> memref<1x50xi32, #tpu.memory_space<vmem>>
      %dma_start3A_1580 = tpu.memref_squeeze %dma_start3A_1579 : memref<1x50xi32, #tpu.memory_space<vmem>> -> memref<50xi32, #tpu.memory_space<vmem>>
      %dma_start3A_1581 = arith.constant 0 : i32
      %dma_start3A_1582 = arith.constant 0 : i32
      %dma_start3A_1583 = tpu.memref_slice %arg2[%dma_start3A_1581, %dma_start3A_1582] : memref<10000x128xf32, #tpu.memory_space<hbm>> -> memref<10000x128xf32, #tpu.memory_space<hbm>>
      tpu.enqueue_indirect_dma source(%dma_start3A_1583 : memref<10000x128xf32, #tpu.memory_space<hbm>>) target(%arg8 : memref<50x128xf32, #tpu.memory_space<vmem>>) offsets(%dma_start3A_1580 : memref<50xi32, #tpu.memory_space<vmem>>) semaphore(%arg14 : memref<!tpu.dma_semaphore, #tpu.memory_space<semaphore_mem>>)
      %mul3A_1584 = arith.constant 4 : i32
      %mul3A_1585 = arith.muli %mul3A_1584, %scan3A_1557 : i32
      %add3A_1586 = arith.constant 1 : i32
      %add3A_1587 = arith.addi %mul3A_1585, %add3A_1586 : i32
      %dma_wait3A_1588 = arith.constant 0 : i32
      %dma_wait3A_1589 = tpu.memref_slice %arg6[%add3A_1587, %dma_wait3A_1588] : memref<40x50xi32, #tpu.memory_space<vmem>> -> memref<1x50xi32, #tpu.memory_space<vmem>>
      %dma_wait3A_1590 = tpu.memref_squeeze %dma_wait3A_1589 : memref<1x50xi32, #tpu.memory_space<vmem>> -> memref<50xi32, #tpu.memory_space<vmem>>
      %dma_wait3A_1591 = arith.constant 0 : i32
      %dma_wait3A_1592 = arith.constant 0 : i32
      %dma_wait3A_1593 = tpu.memref_slice %arg2[%dma_wait3A_1591, %dma_wait3A_1592] : memref<10000x128xf32, #tpu.memory_space<hbm>> -> memref<10000x128xf32, #tpu.memory_space<hbm>>
      tpu.wait_indirect_dma semaphore(%arg15 : memref<!tpu.dma_semaphore, #tpu.memory_space<semaphore_mem>>) src(%dma_wait3A_1593 : memref<10000x128xf32, #tpu.memory_space<hbm>>) dst(%arg9 : memref<50x128xf32, #tpu.memory_space<vmem>>)
      %mul3A_1594 = arith.constant 4 : i32
      %mul3A_1595 = arith.muli %mul3A_1594, %scan3A_1557 : i32
      %add3A_1596 = arith.constant 1 : i32
      %add3A_1597 = arith.addi %mul3A_1595, %add3A_1596 : i32
      "tpu.region"() ({
        %run_scoped3A_1726 = tpu.sem_alloc : memref<!tpu.dma_semaphore, #tpu.memory_space<semaphore_mem>>
        %dma_start3A_1727 = arith.constant 0 : i32
        %dma_start3A_1728 = tpu.memref_slice %arg7[%add3A_1597, %dma_start3A_1727] : memref<40x50xi32, #tpu.memory_space<vmem>> -> memref<1x50xi32, #tpu.memory_space<vmem>>
        %dma_start3A_1729 = tpu.memref_squeeze %dma_start3A_1728 : memref<1x50xi32, #tpu.memory_space<vmem>> -> memref<50xi32, #tpu.memory_space<vmem>>
        %dma_start3A_1730 = arith.constant 0 : i32
        %dma_start3A_1731 = arith.constant 0 : i32
        %dma_start3A_1732 = tpu.memref_slice %arg13[%dma_start3A_1730, %dma_start3A_1731] : memref<10000x128xf32, #tpu.memory_space<vmem_shared>> -> memref<10000x128xf32, #tpu.memory_space<vmem_shared>>
        tpu.enqueue_indirect_dma source(%arg9 : memref<50x128xf32, #tpu.memory_space<vmem>>) target(%dma_start3A_1732 : memref<10000x128xf32, #tpu.memory_space<vmem_shared>>) offsets(%dma_start3A_1729 : memref<50xi32, #tpu.memory_space<vmem>>) semaphore(%run_scoped3A_1726 : memref<!tpu.dma_semaphore, #tpu.memory_space<semaphore_mem>>) {add = true}
        %dma_wait3A_1733 = arith.constant 0 : i32
        %dma_wait3A_1734 = tpu.memref_slice %arg7[%add3A_1597, %dma_wait3A_1733] : memref<40x50xi32, #tpu.memory_space<vmem>> -> memref<1x50xi32, #tpu.memory_space<vmem>>
        %dma_wait3A_1735 = tpu.memref_squeeze %dma_wait3A_1734 : memref<1x50xi32, #tpu.memory_space<vmem>> -> memref<50xi32, #tpu.memory_space<vmem>>
        %dma_wait3A_1736 = arith.constant 0 : i32
        %dma_wait3A_1737 = arith.constant 0 : i32
        %dma_wait3A_1738 = tpu.memref_slice %arg13[%dma_wait3A_1736, %dma_wait3A_1737] : memref<10000x128xf32, #tpu.memory_space<vmem_shared>> -> memref<10000x128xf32, #tpu.memory_space<vmem_shared>>
        tpu.wait_indirect_dma semaphore(%run_scoped3A_1726 : memref<!tpu.dma_semaphore, #tpu.memory_space<semaphore_mem>>) src(%arg9 : memref<50x128xf32, #tpu.memory_space<vmem>>) dst(%dma_wait3A_1738 : memref<10000x128xf32, #tpu.memory_space<vmem_shared>>)
        tpu.yield
      }) : () -> ()
      %add3A_1598 = arith.constant 1 : i32
      %add3A_1599 = arith.addi %scan3A_1557, %add3A_1598 : i32
      %mul3A_1600 = arith.constant 4 : i32
      %mul3A_1601 = arith.muli %mul3A_1600, %add3A_1599 : i32
      %add3A_1602 = arith.constant 1 : i32
      %add3A_1603 = arith.addi %mul3A_1601, %add3A_1602 : i32
      %dma_start3A_1604 = arith.constant 0 : i32
      %dma_start3A_1605 = tpu.memref_slice %arg6[%add3A_1603, %dma_start3A_1604] : memref<40x50xi32, #tpu.memory_space<vmem>> -> memref<1x50xi32, #tpu.memory_space<vmem>>
      %dma_start3A_1606 = tpu.memref_squeeze %dma_start3A_1605 : memref<1x50xi32, #tpu.memory_space<vmem>> -> memref<50xi32, #tpu.memory_space<vmem>>
      %dma_start3A_1607 = arith.constant 0 : i32
      %dma_start3A_1608 = arith.constant 0 : i32
      %dma_start3A_1609 = tpu.memref_slice %arg2[%dma_start3A_1607, %dma_start3A_1608] : memref<10000x128xf32, #tpu.memory_space<hbm>> -> memref<10000x128xf32, #tpu.memory_space<hbm>>
      tpu.enqueue_indirect_dma source(%dma_start3A_1609 : memref<10000x128xf32, #tpu.memory_space<hbm>>) target(%arg9 : memref<50x128xf32, #tpu.memory_space<vmem>>) offsets(%dma_start3A_1606 : memref<50xi32, #tpu.memory_space<vmem>>) semaphore(%arg15 : memref<!tpu.dma_semaphore, #tpu.memory_space<semaphore_mem>>)
      %mul3A_1610 = arith.constant 4 : i32
      %mul3A_1611 = arith.muli %mul3A_1610, %scan3A_1557 : i32
      %add3A_1612 = arith.constant 2 : i32
      %add3A_1613 = arith.addi %mul3A_1611, %add3A_1612 : i32
      %dma_wait3A_1614 = arith.constant 0 : i32
      %dma_wait3A_1615 = tpu.memref_slice %arg6[%add3A_1613, %dma_wait3A_1614] : memref<40x50xi32, #tpu.memory_space<vmem>> -> memref<1x50xi32, #tpu.memory_space<vmem>>
      %dma_wait3A_1616 = tpu.memref_squeeze %dma_wait3A_1615 : memref<1x50xi32, #tpu.memory_space<vmem>> -> memref<50xi32, #tpu.memory_space<vmem>>
      %dma_wait3A_1617 = arith.constant 0 : i32
      %dma_wait3A_1618 = arith.constant 0 : i32
      %dma_wait3A_1619 = tpu.memref_slice %arg2[%dma_wait3A_1617, %dma_wait3A_1618] : memref<10000x128xf32, #tpu.memory_space<hbm>> -> memref<10000x128xf32, #tpu.memory_space<hbm>>
      tpu.wait_indirect_dma semaphore(%arg16 : memref<!tpu.dma_semaphore, #tpu.memory_space<semaphore_mem>>) src(%dma_wait3A_1619 : memref<10000x128xf32, #tpu.memory_space<hbm>>) dst(%arg10 : memref<50x128xf32, #tpu.memory_space<vmem>>)
      %mul3A_1620 = arith.constant 4 : i32
      %mul3A_1621 = arith.muli %mul3A_1620, %scan3A_1557 : i32
      %add3A_1622 = arith.constant 2 : i32
      %add3A_1623 = arith.addi %mul3A_1621, %add3A_1622 : i32
      "tpu.region"() ({
        %run_scoped3A_1726 = tpu.sem_alloc : memref<!tpu.dma_semaphore, #tpu.memory_space<semaphore_mem>>
        %dma_start3A_1727 = arith.constant 0 : i32
        %dma_start3A_1728 = tpu.memref_slice %arg7[%add3A_1623, %dma_start3A_1727] : memref<40x50xi32, #tpu.memory_space<vmem>> -> memref<1x50xi32, #tpu.memory_space<vmem>>
        %dma_start3A_1729 = tpu.memref_squeeze %dma_start3A_1728 : memref<1x50xi32, #tpu.memory_space<vmem>> -> memref<50xi32, #tpu.memory_space<vmem>>
        %dma_start3A_1730 = arith.constant 0 : i32
        %dma_start3A_1731 = arith.constant 0 : i32
        %dma_start3A_1732 = tpu.memref_slice %arg13[%dma_start3A_1730, %dma_start3A_1731] : memref<10000x128xf32, #tpu.memory_space<vmem_shared>> -> memref<10000x128xf32, #tpu.memory_space<vmem_shared>>
        tpu.enqueue_indirect_dma source(%arg10 : memref<50x128xf32, #tpu.memory_space<vmem>>) target(%dma_start3A_1732 : memref<10000x128xf32, #tpu.memory_space<vmem_shared>>) offsets(%dma_start3A_1729 : memref<50xi32, #tpu.memory_space<vmem>>) semaphore(%run_scoped3A_1726 : memref<!tpu.dma_semaphore, #tpu.memory_space<semaphore_mem>>) {add = true}
        %dma_wait3A_1733 = arith.constant 0 : i32
        %dma_wait3A_1734 = tpu.memref_slice %arg7[%add3A_1623, %dma_wait3A_1733] : memref<40x50xi32, #tpu.memory_space<vmem>> -> memref<1x50xi32, #tpu.memory_space<vmem>>
        %dma_wait3A_1735 = tpu.memref_squeeze %dma_wait3A_1734 : memref<1x50xi32, #tpu.memory_space<vmem>> -> memref<50xi32, #tpu.memory_space<vmem>>
        %dma_wait3A_1736 = arith.constant 0 : i32
        %dma_wait3A_1737 = arith.constant 0 : i32
        %dma_wait3A_1738 = tpu.memref_slice %arg13[%dma_wait3A_1736, %dma_wait3A_1737] : memref<10000x128xf32, #tpu.memory_space<vmem_shared>> -> memref<10000x128xf32, #tpu.memory_space<vmem_shared>>
        tpu.wait_indirect_dma semaphore(%run_scoped3A_1726 : memref<!tpu.dma_semaphore, #tpu.memory_space<semaphore_mem>>) src(%arg10 : memref<50x128xf32, #tpu.memory_space<vmem>>) dst(%dma_wait3A_1738 : memref<10000x128xf32, #tpu.memory_space<vmem_shared>>)
        tpu.yield
      }) : () -> ()
      %add3A_1624 = arith.constant 1 : i32
      %add3A_1625 = arith.addi %scan3A_1557, %add3A_1624 : i32
      %mul3A_1626 = arith.constant 4 : i32
      %mul3A_1627 = arith.muli %mul3A_1626, %add3A_1625 : i32
      %add3A_1628 = arith.constant 2 : i32
      %add3A_1629 = arith.addi %mul3A_1627, %add3A_1628 : i32
      %dma_start3A_1630 = arith.constant 0 : i32
      %dma_start3A_1631 = tpu.memref_slice %arg6[%add3A_1629, %dma_start3A_1630] : memref<40x50xi32, #tpu.memory_space<vmem>> -> memref<1x50xi32, #tpu.memory_space<vmem>>
      %dma_start3A_1632 = tpu.memref_squeeze %dma_start3A_1631 : memref<1x50xi32, #tpu.memory_space<vmem>> -> memref<50xi32, #tpu.memory_space<vmem>>
      %dma_start3A_1633 = arith.constant 0 : i32
      %dma_start3A_1634 = arith.constant 0 : i32
      %dma_start3A_1635 = tpu.memref_slice %arg2[%dma_start3A_1633, %dma_start3A_1634] : memref<10000x128xf32, #tpu.memory_space<hbm>> -> memref<10000x128xf32, #tpu.memory_space<hbm>>
      tpu.enqueue_indirect_dma source(%dma_start3A_1635 : memref<10000x128xf32, #tpu.memory_space<hbm>>) target(%arg10 : memref<50x128xf32, #tpu.memory_space<vmem>>) offsets(%dma_start3A_1632 : memref<50xi32, #tpu.memory_space<vmem>>) semaphore(%arg16 : memref<!tpu.dma_semaphore, #tpu.memory_space<semaphore_mem>>)
      %mul3A_1636 = arith.constant 4 : i32
      %mul3A_1637 = arith.muli %mul3A_1636, %scan3A_1557 : i32
      %add3A_1638 = arith.constant 3 : i32
      %add3A_1639 = arith.addi %mul3A_1637, %add3A_1638 : i32
      %dma_wait3A_1640 = arith.constant 0 : i32
      %dma_wait3A_1641 = tpu.memref_slice %arg6[%add3A_1639, %dma_wait3A_1640] : memref<40x50xi32, #tpu.memory_space<vmem>> -> memref<1x50xi32, #tpu.memory_space<vmem>>
      %dma_wait3A_1642 = tpu.memref_squeeze %dma_wait3A_1641 : memref<1x50xi32, #tpu.memory_space<vmem>> -> memref<50xi32, #tpu.memory_space<vmem>>
      %dma_wait3A_1643 = arith.constant 0 : i32
      %dma_wait3A_1644 = arith.constant 0 : i32
      %dma_wait3A_1645 = tpu.memref_slice %arg2[%dma_wait3A_1643, %dma_wait3A_1644] : memref<10000x128xf32, #tpu.memory_space<hbm>> -> memref<10000x128xf32, #tpu.memory_space<hbm>>
      tpu.wait_indirect_dma semaphore(%arg17 : memref<!tpu.dma_semaphore, #tpu.memory_space<semaphore_mem>>) src(%dma_wait3A_1645 : memref<10000x128xf32, #tpu.memory_space<hbm>>) dst(%arg11 : memref<50x128xf32, #tpu.memory_space<vmem>>)
      %mul3A_1646 = arith.constant 4 : i32
      %mul3A_1647 = arith.muli %mul3A_1646, %scan3A_1557 : i32
      %add3A_1648 = arith.constant 3 : i32
      %add3A_1649 = arith.addi %mul3A_1647, %add3A_1648 : i32
      "tpu.region"() ({
        %run_scoped3A_1726 = tpu.sem_alloc : memref<!tpu.dma_semaphore, #tpu.memory_space<semaphore_mem>>
        %dma_start3A_1727 = arith.constant 0 : i32
        %dma_start3A_1728 = tpu.memref_slice %arg7[%add3A_1649, %dma_start3A_1727] : memref<40x50xi32, #tpu.memory_space<vmem>> -> memref<1x50xi32, #tpu.memory_space<vmem>>
        %dma_start3A_1729 = tpu.memref_squeeze %dma_start3A_1728 : memref<1x50xi32, #tpu.memory_space<vmem>> -> memref<50xi32, #tpu.memory_space<vmem>>
        %dma_start3A_1730 = arith.constant 0 : i32
        %dma_start3A_1731 = arith.constant 0 : i32
        %dma_start3A_1732 = tpu.memref_slice %arg13[%dma_start3A_1730, %dma_start3A_1731] : memref<10000x128xf32, #tpu.memory_space<vmem_shared>> -> memref<10000x128xf32, #tpu.memory_space<vmem_shared>>
        tpu.enqueue_indirect_dma source(%arg11 : memref<50x128xf32, #tpu.memory_space<vmem>>) target(%dma_start3A_1732 : memref<10000x128xf32, #tpu.memory_space<vmem_shared>>) offsets(%dma_start3A_1729 : memref<50xi32, #tpu.memory_space<vmem>>) semaphore(%run_scoped3A_1726 : memref<!tpu.dma_semaphore, #tpu.memory_space<semaphore_mem>>) {add = true}
        %dma_wait3A_1733 = arith.constant 0 : i32
        %dma_wait3A_1734 = tpu.memref_slice %arg7[%add3A_1649, %dma_wait3A_1733] : memref<40x50xi32, #tpu.memory_space<vmem>> -> memref<1x50xi32, #tpu.memory_space<vmem>>
        %dma_wait3A_1735 = tpu.memref_squeeze %dma_wait3A_1734 : memref<1x50xi32, #tpu.memory_space<vmem>> -> memref<50xi32, #tpu.memory_space<vmem>>
        %dma_wait3A_1736 = arith.constant 0 : i32
        %dma_wait3A_1737 = arith.constant 0 : i32
        %dma_wait3A_1738 = tpu.memref_slice %arg13[%dma_wait3A_1736, %dma_wait3A_1737] : memref<10000x128xf32, #tpu.memory_space<vmem_shared>> -> memref<10000x128xf32, #tpu.memory_space<vmem_shared>>
        tpu.wait_indirect_dma semaphore(%run_scoped3A_1726 : memref<!tpu.dma_semaphore, #tpu.memory_space<semaphore_mem>>) src(%arg11 : memref<50x128xf32, #tpu.memory_space<vmem>>) dst(%dma_wait3A_1738 : memref<10000x128xf32, #tpu.memory_space<vmem_shared>>)
        tpu.yield
      }) : () -> ()
      %add3A_1650 = arith.constant 1 : i32
      %add3A_1651 = arith.addi %scan3A_1557, %add3A_1650 : i32
      %mul3A_1652 = arith.constant 4 : i32
      %mul3A_1653 = arith.muli %mul3A_1652, %add3A_1651 : i32
      %add3A_1654 = arith.constant 3 : i32
      %add3A_1655 = arith.addi %mul3A_1653, %add3A_1654 : i32
      %dma_start3A_1656 = arith.constant 0 : i32
      %dma_start3A_1657 = tpu.memref_slice %arg6[%add3A_1655, %dma_start3A_1656] : memref<40x50xi32, #tpu.memory_space<vmem>> -> memref<1x50xi32, #tpu.memory_space<vmem>>
      %dma_start3A_1658 = tpu.memref_squeeze %dma_start3A_1657 : memref<1x50xi32, #tpu.memory_space<vmem>> -> memref<50xi32, #tpu.memory_space<vmem>>
      %dma_start3A_1659 = arith.constant 0 : i32
      %dma_start3A_1660 = arith.constant 0 : i32
      %dma_start3A_1661 = tpu.memref_slice %arg2[%dma_start3A_1659, %dma_start3A_1660] : memref<10000x128xf32, #tpu.memory_space<hbm>> -> memref<10000x128xf32, #tpu.memory_space<hbm>>
      tpu.enqueue_indirect_dma source(%dma_start3A_1661 : memref<10000x128xf32, #tpu.memory_space<hbm>>) target(%arg11 : memref<50x128xf32, #tpu.memory_space<vmem>>) offsets(%dma_start3A_1658 : memref<50xi32, #tpu.memory_space<vmem>>) semaphore(%arg17 : memref<!tpu.dma_semaphore, #tpu.memory_space<semaphore_mem>>)
      %mul3A_1662 = arith.constant 4 : i32
      %mul3A_1663 = arith.muli %mul3A_1662, %scan3A_1557 : i32
      %add3A_1664 = arith.constant 0 : i32
      %add3A_1665 = arith.addi %mul3A_1663, %add3A_1664 : i32
      %get3A_1666 = arith.index_cast %add3A_1665 : i32 to index
      %get3A_1667 = arith.constant 0 : index
      %get3A_1668 = tpu.vector_load %arg7[%get3A_1666, %get3A_1667] {strides = array<i32>} : memref<40x50xi32, #tpu.memory_space<vmem>>, vector<16xi32>,
      tpu.vector_store_idx %arg12[%get3A_1668], %broadcast_in_dim3A_3 {add = true} : memref<10000xf32, #tpu.memory_space<vmem>>[vector<16xi32>], vector<16xf32>,
      %get3A_1669 = arith.index_cast %add3A_1665 : i32 to index
      %get3A_1670 = arith.constant 16 : index
      %get3A_1671 = tpu.vector_load %arg7[%get3A_1669, %get3A_1670] {strides = array<i32>} : memref<40x50xi32, #tpu.memory_space<vmem>>, vector<16xi32>,
      tpu.vector_store_idx %arg12[%get3A_1671], %broadcast_in_dim3A_3 {add = true} : memref<10000xf32, #tpu.memory_space<vmem>>[vector<16xi32>], vector<16xf32>,
      %get3A_1672 = arith.index_cast %add3A_1665 : i32 to index
      %get3A_1673 = arith.constant 32 : index
      %get3A_1674 = tpu.vector_load %arg7[%get3A_1672, %get3A_1673] {strides = array<i32>} : memref<40x50xi32, #tpu.memory_space<vmem>>, vector<16xi32>,
      tpu.vector_store_idx %arg12[%get3A_1674], %broadcast_in_dim3A_3 {add = true} : memref<10000xf32, #tpu.memory_space<vmem>>[vector<16xi32>], vector<16xf32>,
      %get3A_1675 = arith.index_cast %add3A_1665 : i32 to index
      %get3A_1676 = arith.constant 34 : index
      %get3A_1677 = tpu.vector_load %arg7[%get3A_1675, %get3A_1676] {strides = array<i32>} : memref<40x50xi32, #tpu.memory_space<vmem>>, vector<16xi32>,
      tpu.vector_store_idx %arg12[%get3A_1677], %broadcast_in_dim3A_3 masked %ge3A_348 {add = true} : memref<10000xf32, #tpu.memory_space<vmem>>[vector<16xi32>], vector<16xf32>, vector<16xi1>
      %mul3A_1678 = arith.constant 4 : i32
      %mul3A_1679 = arith.muli %mul3A_1678, %scan3A_1557 : i32
      %add3A_1680 = arith.constant 1 : i32
      %add3A_1681 = arith.addi %mul3A_1679, %add3A_1680 : i32
      %get3A_1682 = arith.index_cast %add3A_1681 : i32 to index
      %get3A_1683 = arith.constant 0 : index
      %get3A_1684 = tpu.vector_load %arg7[%get3A_1682, %get3A_1683] {strides = array<i32>} : memref<40x50xi32, #tpu.memory_space<vmem>>, vector<16xi32>,
      tpu.vector_store_idx %arg12[%get3A_1684], %broadcast_in_dim3A_3 {add = true} : memref<10000xf32, #tpu.memory_space<vmem>>[vector<16xi32>], vector<16xf32>,
      %get3A_1685 = arith.index_cast %add3A_1681 : i32 to index
      %get3A_1686 = arith.constant 16 : index
      %get3A_1687 = tpu.vector_load %arg7[%get3A_1685, %get3A_1686] {strides = array<i32>} : memref<40x50xi32, #tpu.memory_space<vmem>>, vector<16xi32>,
      tpu.vector_store_idx %arg12[%get3A_1687], %broadcast_in_dim3A_3 {add = true} : memref<10000xf32, #tpu.memory_space<vmem>>[vector<16xi32>], vector<16xf32>,
      %get3A_1688 = arith.index_cast %add3A_1681 : i32 to index
      %get3A_1689 = arith.constant 32 : index
      %get3A_1690 = tpu.vector_load %arg7[%get3A_1688, %get3A_1689] {strides = array<i32>} : memref<40x50xi32, #tpu.memory_space<vmem>>, vector<16xi32>,
      tpu.vector_store_idx %arg12[%get3A_1690], %broadcast_in_dim3A_3 {add = true} : memref<10000xf32, #tpu.memory_space<vmem>>[vector<16xi32>], vector<16xf32>,
      %get3A_1691 = arith.index_cast %add3A_1681 : i32 to index
      %get3A_1692 = arith.constant 34 : index
      %get3A_1693 = tpu.vector_load %arg7[%get3A_1691, %get3A_1692] {strides = array<i32>} : memref<40x50xi32, #tpu.memory_space<vmem>>, vector<16xi32>,
      tpu.vector_store_idx %arg12[%get3A_1693], %broadcast_in_dim3A_3 masked %ge3A_348 {add = true} : memref<10000xf32, #tpu.memory_space<vmem>>[vector<16xi32>], vector<16xf32>, vector<16xi1>
      %mul3A_1694 = arith.constant 4 : i32
      %mul3A_1695 = arith.muli %mul3A_1694, %scan3A_1557 : i32
      %add3A_1696 = arith.constant 2 : i32
      %add3A_1697 = arith.addi %mul3A_1695, %add3A_1696 : i32
      %get3A_1698 = arith.index_cast %add3A_1697 : i32 to index
      %get3A_1699 = arith.constant 0 : index
      %get3A_1700 = tpu.vector_load %arg7[%get3A_1698, %get3A_1699] {strides = array<i32>} : memref<40x50xi32, #tpu.memory_space<vmem>>, vector<16xi32>,
      tpu.vector_store_idx %arg12[%get3A_1700], %broadcast_in_dim3A_3 {add = true} : memref<10000xf32, #tpu.memory_space<vmem>>[vector<16xi32>], vector<16xf32>,
      %get3A_1701 = arith.index_cast %add3A_1697 : i32 to index
      %get3A_1702 = arith.constant 16 : index
      %get3A_1703 = tpu.vector_load %arg7[%get3A_1701, %get3A_1702] {strides = array<i32>} : memref<40x50xi32, #tpu.memory_space<vmem>>, vector<16xi32>,
      tpu.vector_store_idx %arg12[%get3A_1703], %broadcast_in_dim3A_3 {add = true} : memref<10000xf32, #tpu.memory_space<vmem>>[vector<16xi32>], vector<16xf32>,
      %get3A_1704 = arith.index_cast %add3A_1697 : i32 to index
      %get3A_1705 = arith.constant 32 : index
      %get3A_1706 = tpu.vector_load %arg7[%get3A_1704, %get3A_1705] {strides = array<i32>} : memref<40x50xi32, #tpu.memory_space<vmem>>, vector<16xi32>,
      tpu.vector_store_idx %arg12[%get3A_1706], %broadcast_in_dim3A_3 {add = true} : memref<10000xf32, #tpu.memory_space<vmem>>[vector<16xi32>], vector<16xf32>,
      %get3A_1707 = arith.index_cast %add3A_1697 : i32 to index
      %get3A_1708 = arith.constant 34 : index
      %get3A_1709 = tpu.vector_load %arg7[%get3A_1707, %get3A_1708] {strides = array<i32>} : memref<40x50xi32, #tpu.memory_space<vmem>>, vector<16xi32>,
      tpu.vector_store_idx %arg12[%get3A_1709], %broadcast_in_dim3A_3 masked %ge3A_348 {add = true} : memref<10000xf32, #tpu.memory_space<vmem>>[vector<16xi32>], vector<16xf32>, vector<16xi1>
      %mul3A_1710 = arith.constant 4 : i32
      %mul3A_1711 = arith.muli %mul3A_1710, %scan3A_1557 : i32
      %add3A_1712 = arith.constant 3 : i32
      %add3A_1713 = arith.addi %mul3A_1711, %add3A_1712 : i32
      %get3A_1714 = arith.index_cast %add3A_1713 : i32 to index
      %get3A_1715 = arith.constant 0 : index
      %get3A_1716 = tpu.vector_load %arg7[%get3A_1714, %get3A_1715] {strides = array<i32>} : memref<40x50xi32, #tpu.memory_space<vmem>>, vector<16xi32>,
      tpu.vector_store_idx %arg12[%get3A_1716], %broadcast_in_dim3A_3 {add = true} : memref<10000xf32, #tpu.memory_space<vmem>>[vector<16xi32>], vector<16xf32>,
      %get3A_1717 = arith.index_cast %add3A_1713 : i32 to index
      %get3A_1718 = arith.constant 16 : index
      %get3A_1719 = tpu.vector_load %arg7[%get3A_1717, %get3A_1718] {strides = array<i32>} : memref<40x50xi32, #tpu.memory_space<vmem>>, vector<16xi32>,
      tpu.vector_store_idx %arg12[%get3A_1719], %broadcast_in_dim3A_3 {add = true} : memref<10000xf32, #tpu.memory_space<vmem>>[vector<16xi32>], vector<16xf32>,
      %get3A_1720 = arith.index_cast %add3A_1713 : i32 to index
      %get3A_1721 = arith.constant 32 : index
      %get3A_1722 = tpu.vector_load %arg7[%get3A_1720, %get3A_1721] {strides = array<i32>} : memref<40x50xi32, #tpu.memory_space<vmem>>, vector<16xi32>,
      tpu.vector_store_idx %arg12[%get3A_1722], %broadcast_in_dim3A_3 {add = true} : memref<10000xf32, #tpu.memory_space<vmem>>[vector<16xi32>], vector<16xf32>,
      %get3A_1723 = arith.index_cast %add3A_1713 : i32 to index
      %get3A_1724 = arith.constant 34 : index
      %get3A_1725 = tpu.vector_load %arg7[%get3A_1723, %get3A_1724] {strides = array<i32>} : memref<40x50xi32, #tpu.memory_space<vmem>>, vector<16xi32>,
      tpu.vector_store_idx %arg12[%get3A_1725], %broadcast_in_dim3A_3 masked %ge3A_348 {add = true} : memref<10000xf32, #tpu.memory_space<vmem>>[vector<16xi32>], vector<16xf32>, vector<16xi1>
    }
    %scan3A_564 = arith.constant 9 : i32
    %dma_wait3A_565 = arith.constant 36 : i32
    %dma_wait3A_566 = arith.constant 0 : i32
    %dma_wait3A_567 = tpu.memref_slice %arg6[%dma_wait3A_565, %dma_wait3A_566] : memref<40x50xi32, #tpu.memory_space<vmem>> -> memref<1x50xi32, #tpu.memory_space<vmem>>
    %dma_wait3A_568 = tpu.memref_squeeze %dma_wait3A_567 : memref<1x50xi32, #tpu.memory_space<vmem>> -> memref<50xi32, #tpu.memory_space<vmem>>
    %dma_wait3A_569 = arith.constant 0 : i32
    %dma_wait3A_570 = arith.constant 0 : i32
    %dma_wait3A_571 = tpu.memref_slice %arg2[%dma_wait3A_569, %dma_wait3A_570] : memref<10000x128xf32, #tpu.memory_space<hbm>> -> memref<10000x128xf32, #tpu.memory_space<hbm>>
    tpu.wait_indirect_dma semaphore(%arg14 : memref<!tpu.dma_semaphore, #tpu.memory_space<semaphore_mem>>) src(%dma_wait3A_571 : memref<10000x128xf32, #tpu.memory_space<hbm>>) dst(%arg8 : memref<50x128xf32, #tpu.memory_space<vmem>>)
    %run_scoped3A_572 = arith.constant 36 : i32
    "tpu.region"() ({
      %run_scoped3A_1557 = tpu.sem_alloc : memref<!tpu.dma_semaphore, #tpu.memory_space<semaphore_mem>>
      %dma_start3A_1558 = arith.constant 0 : i32
      %dma_start3A_1559 = tpu.memref_slice %arg7[%run_scoped3A_572, %dma_start3A_1558] : memref<40x50xi32, #tpu.memory_space<vmem>> -> memref<1x50xi32, #tpu.memory_space<vmem>>
      %dma_start3A_1560 = tpu.memref_squeeze %dma_start3A_1559 : memref<1x50xi32, #tpu.memory_space<vmem>> -> memref<50xi32, #tpu.memory_space<vmem>>
      %dma_start3A_1561 = arith.constant 0 : i32
      %dma_start3A_1562 = arith.constant 0 : i32
      %dma_start3A_1563 = tpu.memref_slice %arg13[%dma_start3A_1561, %dma_start3A_1562] : memref<10000x128xf32, #tpu.memory_space<vmem_shared>> -> memref<10000x128xf32, #tpu.memory_space<vmem_shared>>
      tpu.enqueue_indirect_dma source(%arg8 : memref<50x128xf32, #tpu.memory_space<vmem>>) target(%dma_start3A_1563 : memref<10000x128xf32, #tpu.memory_space<vmem_shared>>) offsets(%dma_start3A_1560 : memref<50xi32, #tpu.memory_space<vmem>>) semaphore(%run_scoped3A_1557 : memref<!tpu.dma_semaphore, #tpu.memory_space<semaphore_mem>>) {add = true}
      %dma_wait3A_1564 = arith.constant 0 : i32
      %dma_wait3A_1565 = tpu.memref_slice %arg7[%run_scoped3A_572, %dma_wait3A_1564] : memref<40x50xi32, #tpu.memory_space<vmem>> -> memref<1x50xi32, #tpu.memory_space<vmem>>
      %dma_wait3A_1566 = tpu.memref_squeeze %dma_wait3A_1565 : memref<1x50xi32, #tpu.memory_space<vmem>> -> memref<50xi32, #tpu.memory_space<vmem>>
      %dma_wait3A_1567 = arith.constant 0 : i32
      %dma_wait3A_1568 = arith.constant 0 : i32
      %dma_wait3A_1569 = tpu.memref_slice %arg13[%dma_wait3A_1567, %dma_wait3A_1568] : memref<10000x128xf32, #tpu.memory_space<vmem_shared>> -> memref<10000x128xf32, #tpu.memory_space<vmem_shared>>
      tpu.wait_indirect_dma semaphore(%run_scoped3A_1557 : memref<!tpu.dma_semaphore, #tpu.memory_space<semaphore_mem>>) src(%arg8 : memref<50x128xf32, #tpu.memory_space<vmem>>) dst(%dma_wait3A_1569 : memref<10000x128xf32, #tpu.memory_space<vmem_shared>>)
      tpu.yield
    }) : () -> ()
    %dma_wait3A_573 = arith.constant 37 : i32
    %dma_wait3A_574 = arith.constant 0 : i32
    %dma_wait3A_575 = tpu.memref_slice %arg6[%dma_wait3A_573, %dma_wait3A_574] : memref<40x50xi32, #tpu.memory_space<vmem>> -> memref<1x50xi32, #tpu.memory_space<vmem>>
    %dma_wait3A_576 = tpu.memref_squeeze %dma_wait3A_575 : memref<1x50xi32, #tpu.memory_space<vmem>> -> memref<50xi32, #tpu.memory_space<vmem>>
    %dma_wait3A_577 = arith.constant 0 : i32
    %dma_wait3A_578 = arith.constant 0 : i32
    %dma_wait3A_579 = tpu.memref_slice %arg2[%dma_wait3A_577, %dma_wait3A_578] : memref<10000x128xf32, #tpu.memory_space<hbm>> -> memref<10000x128xf32, #tpu.memory_space<hbm>>
    tpu.wait_indirect_dma semaphore(%arg15 : memref<!tpu.dma_semaphore, #tpu.memory_space<semaphore_mem>>) src(%dma_wait3A_579 : memref<10000x128xf32, #tpu.memory_space<hbm>>) dst(%arg9 : memref<50x128xf32, #tpu.memory_space<vmem>>)
    %run_scoped3A_580 = arith.constant 37 : i32
    "tpu.region"() ({
      %run_scoped3A_1557 = tpu.sem_alloc : memref<!tpu.dma_semaphore, #tpu.memory_space<semaphore_mem>>
      %dma_start3A_1558 = arith.constant 0 : i32
      %dma_start3A_1559 = tpu.memref_slice %arg7[%run_scoped3A_580, %dma_start3A_1558] : memref<40x50xi32, #tpu.memory_space<vmem>> -> memref<1x50xi32, #tpu.memory_space<vmem>>
      %dma_start3A_1560 = tpu.memref_squeeze %dma_start3A_1559 : memref<1x50xi32, #tpu.memory_space<vmem>> -> memref<50xi32, #tpu.memory_space<vmem>>
      %dma_start3A_1561 = arith.constant 0 : i32
      %dma_start3A_1562 = arith.constant 0 : i32
      %dma_start3A_1563 = tpu.memref_slice %arg13[%dma_start3A_1561, %dma_start3A_1562] : memref<10000x128xf32, #tpu.memory_space<vmem_shared>> -> memref<10000x128xf32, #tpu.memory_space<vmem_shared>>
      tpu.enqueue_indirect_dma source(%arg9 : memref<50x128xf32, #tpu.memory_space<vmem>>) target(%dma_start3A_1563 : memref<10000x128xf32, #tpu.memory_space<vmem_shared>>) offsets(%dma_start3A_1560 : memref<50xi32, #tpu.memory_space<vmem>>) semaphore(%run_scoped3A_1557 : memref<!tpu.dma_semaphore, #tpu.memory_space<semaphore_mem>>) {add = true}
      %dma_wait3A_1564 = arith.constant 0 : i32
      %dma_wait3A_1565 = tpu.memref_slice %arg7[%run_scoped3A_580, %dma_wait3A_1564] : memref<40x50xi32, #tpu.memory_space<vmem>> -> memref<1x50xi32, #tpu.memory_space<vmem>>
      %dma_wait3A_1566 = tpu.memref_squeeze %dma_wait3A_1565 : memref<1x50xi32, #tpu.memory_space<vmem>> -> memref<50xi32, #tpu.memory_space<vmem>>
      %dma_wait3A_1567 = arith.constant 0 : i32
      %dma_wait3A_1568 = arith.constant 0 : i32
      %dma_wait3A_1569 = tpu.memref_slice %arg13[%dma_wait3A_1567, %dma_wait3A_1568] : memref<10000x128xf32, #tpu.memory_space<vmem_shared>> -> memref<10000x128xf32, #tpu.memory_space<vmem_shared>>
      tpu.wait_indirect_dma semaphore(%run_scoped3A_1557 : memref<!tpu.dma_semaphore, #tpu.memory_space<semaphore_mem>>) src(%arg9 : memref<50x128xf32, #tpu.memory_space<vmem>>) dst(%dma_wait3A_1569 : memref<10000x128xf32, #tpu.memory_space<vmem_shared>>)
      tpu.yield
    }) : () -> ()
    %dma_wait3A_581 = arith.constant 38 : i32
    %dma_wait3A_582 = arith.constant 0 : i32
    %dma_wait3A_583 = tpu.memref_slice %arg6[%dma_wait3A_581, %dma_wait3A_582] : memref<40x50xi32, #tpu.memory_space<vmem>> -> memref<1x50xi32, #tpu.memory_space<vmem>>
    %dma_wait3A_584 = tpu.memref_squeeze %dma_wait3A_583 : memref<1x50xi32, #tpu.memory_space<vmem>> -> memref<50xi32, #tpu.memory_space<vmem>>
    %dma_wait3A_585 = arith.constant 0 : i32
    %dma_wait3A_586 = arith.constant 0 : i32
    %dma_wait3A_587 = tpu.memref_slice %arg2[%dma_wait3A_585, %dma_wait3A_586] : memref<10000x128xf32, #tpu.memory_space<hbm>> -> memref<10000x128xf32, #tpu.memory_space<hbm>>
    tpu.wait_indirect_dma semaphore(%arg16 : memref<!tpu.dma_semaphore, #tpu.memory_space<semaphore_mem>>) src(%dma_wait3A_587 : memref<10000x128xf32, #tpu.memory_space<hbm>>) dst(%arg10 : memref<50x128xf32, #tpu.memory_space<vmem>>)
    %run_scoped3A_588 = arith.constant 38 : i32
    "tpu.region"() ({
      %run_scoped3A_1557 = tpu.sem_alloc : memref<!tpu.dma_semaphore, #tpu.memory_space<semaphore_mem>>
      %dma_start3A_1558 = arith.constant 0 : i32
      %dma_start3A_1559 = tpu.memref_slice %arg7[%run_scoped3A_588, %dma_start3A_1558] : memref<40x50xi32, #tpu.memory_space<vmem>> -> memref<1x50xi32, #tpu.memory_space<vmem>>
      %dma_start3A_1560 = tpu.memref_squeeze %dma_start3A_1559 : memref<1x50xi32, #tpu.memory_space<vmem>> -> memref<50xi32, #tpu.memory_space<vmem>>
      %dma_start3A_1561 = arith.constant 0 : i32
      %dma_start3A_1562 = arith.constant 0 : i32
      %dma_start3A_1563 = tpu.memref_slice %arg13[%dma_start3A_1561, %dma_start3A_1562] : memref<10000x128xf32, #tpu.memory_space<vmem_shared>> -> memref<10000x128xf32, #tpu.memory_space<vmem_shared>>
      tpu.enqueue_indirect_dma source(%arg10 : memref<50x128xf32, #tpu.memory_space<vmem>>) target(%dma_start3A_1563 : memref<10000x128xf32, #tpu.memory_space<vmem_shared>>) offsets(%dma_start3A_1560 : memref<50xi32, #tpu.memory_space<vmem>>) semaphore(%run_scoped3A_1557 : memref<!tpu.dma_semaphore, #tpu.memory_space<semaphore_mem>>) {add = true}
      %dma_wait3A_1564 = arith.constant 0 : i32
      %dma_wait3A_1565 = tpu.memref_slice %arg7[%run_scoped3A_588, %dma_wait3A_1564] : memref<40x50xi32, #tpu.memory_space<vmem>> -> memref<1x50xi32, #tpu.memory_space<vmem>>
      %dma_wait3A_1566 = tpu.memref_squeeze %dma_wait3A_1565 : memref<1x50xi32, #tpu.memory_space<vmem>> -> memref<50xi32, #tpu.memory_space<vmem>>
      %dma_wait3A_1567 = arith.constant 0 : i32
      %dma_wait3A_1568 = arith.constant 0 : i32
      %dma_wait3A_1569 = tpu.memref_slice %arg13[%dma_wait3A_1567, %dma_wait3A_1568] : memref<10000x128xf32, #tpu.memory_space<vmem_shared>> -> memref<10000x128xf32, #tpu.memory_space<vmem_shared>>
      tpu.wait_indirect_dma semaphore(%run_scoped3A_1557 : memref<!tpu.dma_semaphore, #tpu.memory_space<semaphore_mem>>) src(%arg10 : memref<50x128xf32, #tpu.memory_space<vmem>>) dst(%dma_wait3A_1569 : memref<10000x128xf32, #tpu.memory_space<vmem_shared>>)
      tpu.yield
    }) : () -> ()
    %dma_wait3A_589 = arith.constant 39 : i32
    %dma_wait3A_590 = arith.constant 0 : i32
    %dma_wait3A_591 = tpu.memref_slice %arg6[%dma_wait3A_589, %dma_wait3A_590] : memref<40x50xi32, #tpu.memory_space<vmem>> -> memref<1x50xi32, #tpu.memory_space<vmem>>
    %dma_wait3A_592 = tpu.memref_squeeze %dma_wait3A_591 : memref<1x50xi32, #tpu.memory_space<vmem>> -> memref<50xi32, #tpu.memory_space<vmem>>
    %dma_wait3A_593 = arith.constant 0 : i32
    %dma_wait3A_594 = arith.constant 0 : i32
    %dma_wait3A_595 = tpu.memref_slice %arg2[%dma_wait3A_593, %dma_wait3A_594] : memref<10000x128xf32, #tpu.memory_space<hbm>> -> memref<10000x128xf32, #tpu.memory_space<hbm>>
    tpu.wait_indirect_dma semaphore(%arg17 : memref<!tpu.dma_semaphore, #tpu.memory_space<semaphore_mem>>) src(%dma_wait3A_595 : memref<10000x128xf32, #tpu.memory_space<hbm>>) dst(%arg11 : memref<50x128xf32, #tpu.memory_space<vmem>>)
    %run_scoped3A_596 = arith.constant 39 : i32
    "tpu.region"() ({
      %run_scoped3A_1557 = tpu.sem_alloc : memref<!tpu.dma_semaphore, #tpu.memory_space<semaphore_mem>>
      %dma_start3A_1558 = arith.constant 0 : i32
      %dma_start3A_1559 = tpu.memref_slice %arg7[%run_scoped3A_596, %dma_start3A_1558] : memref<40x50xi32, #tpu.memory_space<vmem>> -> memref<1x50xi32, #tpu.memory_space<vmem>>
      %dma_start3A_1560 = tpu.memref_squeeze %dma_start3A_1559 : memref<1x50xi32, #tpu.memory_space<vmem>> -> memref<50xi32, #tpu.memory_space<vmem>>
      %dma_start3A_1561 = arith.constant 0 : i32
      %dma_start3A_1562 = arith.constant 0 : i32
      %dma_start3A_1563 = tpu.memref_slice %arg13[%dma_start3A_1561, %dma_start3A_1562] : memref<10000x128xf32, #tpu.memory_space<vmem_shared>> -> memref<10000x128xf32, #tpu.memory_space<vmem_shared>>
      tpu.enqueue_indirect_dma source(%arg11 : memref<50x128xf32, #tpu.memory_space<vmem>>) target(%dma_start3A_1563 : memref<10000x128xf32, #tpu.memory_space<vmem_shared>>) offsets(%dma_start3A_1560 : memref<50xi32, #tpu.memory_space<vmem>>) semaphore(%run_scoped3A_1557 : memref<!tpu.dma_semaphore, #tpu.memory_space<semaphore_mem>>) {add = true}
      %dma_wait3A_1564 = arith.constant 0 : i32
      %dma_wait3A_1565 = tpu.memref_slice %arg7[%run_scoped3A_596, %dma_wait3A_1564] : memref<40x50xi32, #tpu.memory_space<vmem>> -> memref<1x50xi32, #tpu.memory_space<vmem>>
      %dma_wait3A_1566 = tpu.memref_squeeze %dma_wait3A_1565 : memref<1x50xi32, #tpu.memory_space<vmem>> -> memref<50xi32, #tpu.memory_space<vmem>>
      %dma_wait3A_1567 = arith.constant 0 : i32
      %dma_wait3A_1568 = arith.constant 0 : i32
      %dma_wait3A_1569 = tpu.memref_slice %arg13[%dma_wait3A_1567, %dma_wait3A_1568] : memref<10000x128xf32, #tpu.memory_space<vmem_shared>> -> memref<10000x128xf32, #tpu.memory_space<vmem_shared>>
      tpu.wait_indirect_dma semaphore(%run_scoped3A_1557 : memref<!tpu.dma_semaphore, #tpu.memory_space<semaphore_mem>>) src(%arg11 : memref<50x128xf32, #tpu.memory_space<vmem>>) dst(%dma_wait3A_1569 : memref<10000x128xf32, #tpu.memory_space<vmem_shared>>)
      tpu.yield
    }) : () -> ()
    %get3A_597 = arith.constant 36 : i32
    %get3A_598 = arith.index_cast %get3A_597 : i32 to index
    %get3A_599 = arith.constant 0 : index
    %get3A_600 = tpu.vector_load %arg7[%get3A_598, %get3A_599] {strides = array<i32>} : memref<40x50xi32, #tpu.memory_space<vmem>>, vector<16xi32>,
    tpu.vector_store_idx %arg12[%get3A_600], %broadcast_in_dim3A_3 {add = true} : memref<10000xf32, #tpu.memory_space<vmem>>[vector<16xi32>], vector<16xf32>,
    %get3A_601 = arith.constant 36 : i32
    %get3A_602 = arith.index_cast %get3A_601 : i32 to index
    %get3A_603 = arith.constant 16 : index
    %get3A_604 = tpu.vector_load %arg7[%get3A_602, %get3A_603] {strides = array<i32>} : memref<40x50xi32, #tpu.memory_space<vmem>>, vector<16xi32>,
    tpu.vector_store_idx %arg12[%get3A_604], %broadcast_in_dim3A_3 {add = true} : memref<10000xf32, #tpu.memory_space<vmem>>[vector<16xi32>], vector<16xf32>,
    %get3A_605 = arith.constant 36 : i32
    %get3A_606 = arith.index_cast %get3A_605 : i32 to index
    %get3A_607 = arith.constant 32 : index
    %get3A_608 = tpu.vector_load %arg7[%get3A_606, %get3A_607] {strides = array<i32>} : memref<40x50xi32, #tpu.memory_space<vmem>>, vector<16xi32>,
    tpu.vector_store_idx %arg12[%get3A_608], %broadcast_in_dim3A_3 {add = true} : memref<10000xf32, #tpu.memory_space<vmem>>[vector<16xi32>], vector<16xf32>,
    %get3A_609 = arith.constant 36 : i32
    %get3A_610 = arith.index_cast %get3A_609 : i32 to index
    %get3A_611 = arith.constant 34 : index
    %get3A_612 = tpu.vector_load %arg7[%get3A_610, %get3A_611] {strides = array<i32>} : memref<40x50xi32, #tpu.memory_space<vmem>>, vector<16xi32>,
    tpu.vector_store_idx %arg12[%get3A_612], %broadcast_in_dim3A_3 masked %ge3A_348 {add = true} : memref<10000xf32, #tpu.memory_space<vmem>>[vector<16xi32>], vector<16xf32>, vector<16xi1>
    %get3A_613 = arith.constant 37 : i32
    %get3A_614 = arith.index_cast %get3A_613 : i32 to index
    %get3A_615 = arith.constant 0 : index
    %get3A_616 = tpu.vector_load %arg7[%get3A_614, %get3A_615] {strides = array<i32>} : memref<40x50xi32, #tpu.memory_space<vmem>>, vector<16xi32>,
    tpu.vector_store_idx %arg12[%get3A_616], %broadcast_in_dim3A_3 {add = true} : memref<10000xf32, #tpu.memory_space<vmem>>[vector<16xi32>], vector<16xf32>,
    %get3A_617 = arith.constant 37 : i32
    %get3A_618 = arith.index_cast %get3A_617 : i32 to index
    %get3A_619 = arith.constant 16 : index
    %get3A_620 = tpu.vector_load %arg7[%get3A_618, %get3A_619] {strides = array<i32>} : memref<40x50xi32, #tpu.memory_space<vmem>>, vector<16xi32>,
    tpu.vector_store_idx %arg12[%get3A_620], %broadcast_in_dim3A_3 {add = true} : memref<10000xf32, #tpu.memory_space<vmem>>[vector<16xi32>], vector<16xf32>,
    %get3A_621 = arith.constant 37 : i32
    %get3A_622 = arith.index_cast %get3A_621 : i32 to index
    %get3A_623 = arith.constant 32 : index
    %get3A_624 = tpu.vector_load %arg7[%get3A_622, %get3A_623] {strides = array<i32>} : memref<40x50xi32, #tpu.memory_space<vmem>>, vector<16xi32>,
    tpu.vector_store_idx %arg12[%get3A_624], %broadcast_in_dim3A_3 {add = true} : memref<10000xf32, #tpu.memory_space<vmem>>[vector<16xi32>], vector<16xf32>,
    %get3A_625 = arith.constant 37 : i32
    %get3A_626 = arith.index_cast %get3A_625 : i32 to index
    %get3A_627 = arith.constant 34 : index
    %get3A_628 = tpu.vector_load %arg7[%get3A_626, %get3A_627] {strides = array<i32>} : memref<40x50xi32, #tpu.memory_space<vmem>>, vector<16xi32>,
    tpu.vector_store_idx %arg12[%get3A_628], %broadcast_in_dim3A_3 masked %ge3A_348 {add = true} : memref<10000xf32, #tpu.memory_space<vmem>>[vector<16xi32>], vector<16xf32>, vector<16xi1>
    %get3A_629 = arith.constant 38 : i32
    %get3A_630 = arith.index_cast %get3A_629 : i32 to index
    %get3A_631 = arith.constant 0 : index
    %get3A_632 = tpu.vector_load %arg7[%get3A_630, %get3A_631] {strides = array<i32>} : memref<40x50xi32, #tpu.memory_space<vmem>>, vector<16xi32>,
    tpu.vector_store_idx %arg12[%get3A_632], %broadcast_in_dim3A_3 {add = true} : memref<10000xf32, #tpu.memory_space<vmem>>[vector<16xi32>], vector<16xf32>,
    %get3A_633 = arith.constant 38 : i32
    %get3A_634 = arith.index_cast %get3A_633 : i32 to index
    %get3A_635 = arith.constant 16 : index
    %get3A_636 = tpu.vector_load %arg7[%get3A_634, %get3A_635] {strides = array<i32>} : memref<40x50xi32, #tpu.memory_space<vmem>>, vector<16xi32>,
    tpu.vector_store_idx %arg12[%get3A_636], %broadcast_in_dim3A_3 {add = true} : memref<10000xf32, #tpu.memory_space<vmem>>[vector<16xi32>], vector<16xf32>,
    %get3A_637 = arith.constant 38 : i32
    %get3A_638 = arith.index_cast %get3A_637 : i32 to index
    %get3A_639 = arith.constant 32 : index
    %get3A_640 = tpu.vector_load %arg7[%get3A_638, %get3A_639] {strides = array<i32>} : memref<40x50xi32, #tpu.memory_space<vmem>>, vector<16xi32>,
    tpu.vector_store_idx %arg12[%get3A_640], %broadcast_in_dim3A_3 {add = true} : memref<10000xf32, #tpu.memory_space<vmem>>[vector<16xi32>], vector<16xf32>,
    %get3A_641 = arith.constant 38 : i32
    %get3A_642 = arith.index_cast %get3A_641 : i32 to index
    %get3A_643 = arith.constant 34 : index
    %get3A_644 = tpu.vector_load %arg7[%get3A_642, %get3A_643] {strides = array<i32>} : memref<40x50xi32, #tpu.memory_space<vmem>>, vector<16xi32>,
    tpu.vector_store_idx %arg12[%get3A_644], %broadcast_in_dim3A_3 masked %ge3A_348 {add = true} : memref<10000xf32, #tpu.memory_space<vmem>>[vector<16xi32>], vector<16xf32>, vector<16xi1>
    %get3A_645 = arith.constant 39 : i32
    %get3A_646 = arith.index_cast %get3A_645 : i32 to index
    %get3A_647 = arith.constant 0 : index
    %get3A_648 = tpu.vector_load %arg7[%get3A_646, %get3A_647] {strides = array<i32>} : memref<40x50xi32, #tpu.memory_space<vmem>>, vector<16xi32>,
    tpu.vector_store_idx %arg12[%get3A_648], %broadcast_in_dim3A_3 {add = true} : memref<10000xf32, #tpu.memory_space<vmem>>[vector<16xi32>], vector<16xf32>,
    %get3A_649 = arith.constant 39 : i32
    %get3A_650 = arith.index_cast %get3A_649 : i32 to index
    %get3A_651 = arith.constant 16 : index
    %get3A_652 = tpu.vector_load %arg7[%get3A_650, %get3A_651] {strides = array<i32>} : memref<40x50xi32, #tpu.memory_space<vmem>>, vector<16xi32>,
    tpu.vector_store_idx %arg12[%get3A_652], %broadcast_in_dim3A_3 {add = true} : memref<10000xf32, #tpu.memory_space<vmem>>[vector<16xi32>], vector<16xf32>,
    %get3A_653 = arith.constant 39 : i32
    %get3A_654 = arith.index_cast %get3A_653 : i32 to index
    %get3A_655 = arith.constant 32 : index
    %get3A_656 = tpu.vector_load %arg7[%get3A_654, %get3A_655] {strides = array<i32>} : memref<40x50xi32, #tpu.memory_space<vmem>>, vector<16xi32>,
    tpu.vector_store_idx %arg12[%get3A_656], %broadcast_in_dim3A_3 {add = true} : memref<10000xf32, #tpu.memory_space<vmem>>[vector<16xi32>], vector<16xf32>,
    %get3A_657 = arith.constant 39 : i32
    %get3A_658 = arith.index_cast %get3A_657 : i32 to index
    %get3A_659 = arith.constant 34 : index
    %get3A_660 = tpu.vector_load %arg7[%get3A_658, %get3A_659] {strides = array<i32>} : memref<40x50xi32, #tpu.memory_space<vmem>>, vector<16xi32>,
    tpu.vector_store_idx %arg12[%get3A_660], %broadcast_in_dim3A_3 masked %ge3A_348 {add = true} : memref<10000xf32, #tpu.memory_space<vmem>>[vector<16xi32>], vector<16xf32>, vector<16xi1>
    %dma_start3A_661 = arith.constant 0 : i32
    %dma_start3A_662 = arith.constant 80 : i32
    %dma_start3A_663 = arith.constant 0 : i32
    %dma_start3A_664 = tpu.memref_slice %arg3[%dma_start3A_661, %add3A, %dma_start3A_662, %dma_start3A_663] : memref<2x32x200x50xi32, #tpu.memory_space<hbm>> -> memref<1x1x40x50xi32, #tpu.memory_space<hbm>>
    %dma_start3A_665 = tpu.memref_squeeze %dma_start3A_664 : memref<1x1x40x50xi32, #tpu.memory_space<hbm>> -> memref<40x50xi32, #tpu.memory_space<hbm>>
    %dma_start3A_666 = arith.constant 80 : i32
    %dma_start3A_667 = arith.constant 0 : i32
    %dma_start3A_668 = tpu.memref_slice %arg3[%dma_start3A_661, %add3A, %dma_start3A_666, %dma_start3A_667] : memref<2x32x200x50xi32, #tpu.memory_space<hbm>> -> memref<1x1x40x50xi32, #tpu.memory_space<hbm>>
    %dma_start3A_669 = tpu.memref_squeeze %dma_start3A_668 : memref<1x1x40x50xi32, #tpu.memory_space<hbm>> -> memref<40x50xi32, #tpu.memory_space<hbm>>
    tpu.enqueue_dma source(%dma_start3A_669 : memref<40x50xi32, #tpu.memory_space<hbm>>) target(%arg6 : memref<40x50xi32, #tpu.memory_space<vmem>>) target_semaphore(%arg16 : memref<!tpu.dma_semaphore, #tpu.memory_space<semaphore_mem>>)
    %dma_start3A_670 = arith.constant 1 : i32
    %dma_start3A_671 = arith.constant 80 : i32
    %dma_start3A_672 = arith.constant 0 : i32
    %dma_start3A_673 = tpu.memref_slice %arg3[%dma_start3A_670, %add3A, %dma_start3A_671, %dma_start3A_672] : memref<2x32x200x50xi32, #tpu.memory_space<hbm>> -> memref<1x1x40x50xi32, #tpu.memory_space<hbm>>
    %dma_start3A_674 = tpu.memref_squeeze %dma_start3A_673 : memref<1x1x40x50xi32, #tpu.memory_space<hbm>> -> memref<40x50xi32, #tpu.memory_space<hbm>>
    %dma_start3A_675 = arith.constant 80 : i32
    %dma_start3A_676 = arith.constant 0 : i32
    %dma_start3A_677 = tpu.memref_slice %arg3[%dma_start3A_670, %add3A, %dma_start3A_675, %dma_start3A_676] : memref<2x32x200x50xi32, #tpu.memory_space<hbm>> -> memref<1x1x40x50xi32, #tpu.memory_space<hbm>>
    %dma_start3A_678 = tpu.memref_squeeze %dma_start3A_677 : memref<1x1x40x50xi32, #tpu.memory_space<hbm>> -> memref<40x50xi32, #tpu.memory_space<hbm>>
    tpu.enqueue_dma source(%dma_start3A_678 : memref<40x50xi32, #tpu.memory_space<hbm>>) target(%arg7 : memref<40x50xi32, #tpu.memory_space<vmem>>) target_semaphore(%arg17 : memref<!tpu.dma_semaphore, #tpu.memory_space<semaphore_mem>>)
    %dma_wait3A_679 = arith.constant 0 : i32
    %dma_wait3A_680 = arith.constant 80 : i32
    %dma_wait3A_681 = arith.constant 0 : i32
    %dma_wait3A_682 = tpu.memref_slice %arg3[%dma_wait3A_679, %add3A, %dma_wait3A_680, %dma_wait3A_681] : memref<2x32x200x50xi32, #tpu.memory_space<hbm>> -> memref<1x1x40x50xi32, #tpu.memory_space<hbm>>
    %dma_wait3A_683 = tpu.memref_squeeze %dma_wait3A_682 : memref<1x1x40x50xi32, #tpu.memory_space<hbm>> -> memref<40x50xi32, #tpu.memory_space<hbm>>
    %dma_wait3A_684 = arith.constant 80 : i32
    %dma_wait3A_685 = arith.constant 0 : i32
    %dma_wait3A_686 = tpu.memref_slice %arg3[%dma_wait3A_679, %add3A, %dma_wait3A_684, %dma_wait3A_685] : memref<2x32x200x50xi32, #tpu.memory_space<hbm>> -> memref<1x1x40x50xi32, #tpu.memory_space<hbm>>
    %dma_wait3A_687 = tpu.memref_squeeze %dma_wait3A_686 : memref<1x1x40x50xi32, #tpu.memory_space<hbm>> -> memref<40x50xi32, #tpu.memory_space<hbm>>
    tpu.wait_dma2 semaphore(%arg16 : memref<!tpu.dma_semaphore, #tpu.memory_space<semaphore_mem>>) src(%dma_wait3A_687 : memref<40x50xi32, #tpu.memory_space<hbm>>) dst(%arg6 : memref<40x50xi32, #tpu.memory_space<vmem>>)
    %dma_wait3A_688 = arith.constant 1 : i32
    %dma_wait3A_689 = arith.constant 80 : i32
    %dma_wait3A_690 = arith.constant 0 : i32
    %dma_wait3A_691 = tpu.memref_slice %arg3[%dma_wait3A_688, %add3A, %dma_wait3A_689, %dma_wait3A_690] : memref<2x32x200x50xi32, #tpu.memory_space<hbm>> -> memref<1x1x40x50xi32, #tpu.memory_space<hbm>>
    %dma_wait3A_692 = tpu.memref_squeeze %dma_wait3A_691 : memref<1x1x40x50xi32, #tpu.memory_space<hbm>> -> memref<40x50xi32, #tpu.memory_space<hbm>>
    %dma_wait3A_693 = arith.constant 80 : i32
    %dma_wait3A_694 = arith.constant 0 : i32
    %dma_wait3A_695 = tpu.memref_slice %arg3[%dma_wait3A_688, %add3A, %dma_wait3A_693, %dma_wait3A_694] : memref<2x32x200x50xi32, #tpu.memory_space<hbm>> -> memref<1x1x40x50xi32, #tpu.memory_space<hbm>>
    %dma_wait3A_696 = tpu.memref_squeeze %dma_wait3A_695 : memref<1x1x40x50xi32, #tpu.memory_space<hbm>> -> memref<40x50xi32, #tpu.memory_space<hbm>>
    tpu.wait_dma2 semaphore(%arg17 : memref<!tpu.dma_semaphore, #tpu.memory_space<semaphore_mem>>) src(%dma_wait3A_696 : memref<40x50xi32, #tpu.memory_space<hbm>>) dst(%arg7 : memref<40x50xi32, #tpu.memory_space<vmem>>)
    %dma_start3A_697 = arith.constant 0 : i32
    %dma_start3A_698 = arith.constant 0 : i32
    %dma_start3A_699 = tpu.memref_slice %arg6[%dma_start3A_697, %dma_start3A_698] : memref<40x50xi32, #tpu.memory_space<vmem>> -> memref<1x50xi32, #tpu.memory_space<vmem>>
    %dma_start3A_700 = tpu.memref_squeeze %dma_start3A_699 : memref<1x50xi32, #tpu.memory_space<vmem>> -> memref<50xi32, #tpu.memory_space<vmem>>
    %dma_start3A_701 = arith.constant 0 : i32
    %dma_start3A_702 = arith.constant 0 : i32
    %dma_start3A_703 = tpu.memref_slice %arg2[%dma_start3A_701, %dma_start3A_702] : memref<10000x128xf32, #tpu.memory_space<hbm>> -> memref<10000x128xf32, #tpu.memory_space<hbm>>
    tpu.enqueue_indirect_dma source(%dma_start3A_703 : memref<10000x128xf32, #tpu.memory_space<hbm>>) target(%arg8 : memref<50x128xf32, #tpu.memory_space<vmem>>) offsets(%dma_start3A_700 : memref<50xi32, #tpu.memory_space<vmem>>) semaphore(%arg14 : memref<!tpu.dma_semaphore, #tpu.memory_space<semaphore_mem>>)
    %dma_start3A_704 = arith.constant 1 : i32
    %dma_start3A_705 = arith.constant 0 : i32
    %dma_start3A_706 = tpu.memref_slice %arg6[%dma_start3A_704, %dma_start3A_705] : memref<40x50xi32, #tpu.memory_space<vmem>> -> memref<1x50xi32, #tpu.memory_space<vmem>>
    %dma_start3A_707 = tpu.memref_squeeze %dma_start3A_706 : memref<1x50xi32, #tpu.memory_space<vmem>> -> memref<50xi32, #tpu.memory_space<vmem>>
    %dma_start3A_708 = arith.constant 0 : i32
    %dma_start3A_709 = arith.constant 0 : i32
    %dma_start3A_710 = tpu.memref_slice %arg2[%dma_start3A_708, %dma_start3A_709] : memref<10000x128xf32, #tpu.memory_space<hbm>> -> memref<10000x128xf32, #tpu.memory_space<hbm>>
    tpu.enqueue_indirect_dma source(%dma_start3A_710 : memref<10000x128xf32, #tpu.memory_space<hbm>>) target(%arg9 : memref<50x128xf32, #tpu.memory_space<vmem>>) offsets(%dma_start3A_707 : memref<50xi32, #tpu.memory_space<vmem>>) semaphore(%arg15 : memref<!tpu.dma_semaphore, #tpu.memory_space<semaphore_mem>>)
    %dma_start3A_711 = arith.constant 2 : i32
    %dma_start3A_712 = arith.constant 0 : i32
    %dma_start3A_713 = tpu.memref_slice %arg6[%dma_start3A_711, %dma_start3A_712] : memref<40x50xi32, #tpu.memory_space<vmem>> -> memref<1x50xi32, #tpu.memory_space<vmem>>
    %dma_start3A_714 = tpu.memref_squeeze %dma_start3A_713 : memref<1x50xi32, #tpu.memory_space<vmem>> -> memref<50xi32, #tpu.memory_space<vmem>>
    %dma_start3A_715 = arith.constant 0 : i32
    %dma_start3A_716 = arith.constant 0 : i32
    %dma_start3A_717 = tpu.memref_slice %arg2[%dma_start3A_715, %dma_start3A_716] : memref<10000x128xf32, #tpu.memory_space<hbm>> -> memref<10000x128xf32, #tpu.memory_space<hbm>>
    tpu.enqueue_indirect_dma source(%dma_start3A_717 : memref<10000x128xf32, #tpu.memory_space<hbm>>) target(%arg10 : memref<50x128xf32, #tpu.memory_space<vmem>>) offsets(%dma_start3A_714 : memref<50xi32, #tpu.memory_space<vmem>>) semaphore(%arg16 : memref<!tpu.dma_semaphore, #tpu.memory_space<semaphore_mem>>)
    %dma_start3A_718 = arith.constant 3 : i32
    %dma_start3A_719 = arith.constant 0 : i32
    %dma_start3A_720 = tpu.memref_slice %arg6[%dma_start3A_718, %dma_start3A_719] : memref<40x50xi32, #tpu.memory_space<vmem>> -> memref<1x50xi32, #tpu.memory_space<vmem>>
    %dma_start3A_721 = tpu.memref_squeeze %dma_start3A_720 : memref<1x50xi32, #tpu.memory_space<vmem>> -> memref<50xi32, #tpu.memory_space<vmem>>
    %dma_start3A_722 = arith.constant 0 : i32
    %dma_start3A_723 = arith.constant 0 : i32
    %dma_start3A_724 = tpu.memref_slice %arg2[%dma_start3A_722, %dma_start3A_723] : memref<10000x128xf32, #tpu.memory_space<hbm>> -> memref<10000x128xf32, #tpu.memory_space<hbm>>
    tpu.enqueue_indirect_dma source(%dma_start3A_724 : memref<10000x128xf32, #tpu.memory_space<hbm>>) target(%arg11 : memref<50x128xf32, #tpu.memory_space<vmem>>) offsets(%dma_start3A_721 : memref<50xi32, #tpu.memory_space<vmem>>) semaphore(%arg17 : memref<!tpu.dma_semaphore, #tpu.memory_space<semaphore_mem>>)
    %scan3A_725 = arith.constant 0 : i32
    %scan3A_726 = arith.constant 0 : i32
    %scan3A_727 = arith.constant 9 : i32
    %scan3A_728 = arith.addi %scan3A_726, %scan3A_727 : i32
    %scan3A_729 = arith.constant 1 : i32
    scf.for %scan3A_1557 = %scan3A_726 to %scan3A_728 step %scan3A_729  : i32 {
      %mul3A_1558 = arith.constant 4 : i32
      %mul3A_1559 = arith.muli %mul3A_1558, %scan3A_1557 : i32
      %add3A_1560 = arith.constant 0 : i32
      %add3A_1561 = arith.addi %mul3A_1559, %add3A_1560 : i32
      %dma_wait3A_1562 = arith.constant 0 : i32
      %dma_wait3A_1563 = tpu.memref_slice %arg6[%add3A_1561, %dma_wait3A_1562] : memref<40x50xi32, #tpu.memory_space<vmem>> -> memref<1x50xi32, #tpu.memory_space<vmem>>
      %dma_wait3A_1564 = tpu.memref_squeeze %dma_wait3A_1563 : memref<1x50xi32, #tpu.memory_space<vmem>> -> memref<50xi32, #tpu.memory_space<vmem>>
      %dma_wait3A_1565 = arith.constant 0 : i32
      %dma_wait3A_1566 = arith.constant 0 : i32
      %dma_wait3A_1567 = tpu.memref_slice %arg2[%dma_wait3A_1565, %dma_wait3A_1566] : memref<10000x128xf32, #tpu.memory_space<hbm>> -> memref<10000x128xf32, #tpu.memory_space<hbm>>
      tpu.wait_indirect_dma semaphore(%arg14 : memref<!tpu.dma_semaphore, #tpu.memory_space<semaphore_mem>>) src(%dma_wait3A_1567 : memref<10000x128xf32, #tpu.memory_space<hbm>>) dst(%arg8 : memref<50x128xf32, #tpu.memory_space<vmem>>)
      %mul3A_1568 = arith.constant 4 : i32
      %mul3A_1569 = arith.muli %mul3A_1568, %scan3A_1557 : i32
      %add3A_1570 = arith.constant 0 : i32
      %add3A_1571 = arith.addi %mul3A_1569, %add3A_1570 : i32
      "tpu.region"() ({
        %run_scoped3A_1726 = tpu.sem_alloc : memref<!tpu.dma_semaphore, #tpu.memory_space<semaphore_mem>>
        %dma_start3A_1727 = arith.constant 0 : i32
        %dma_start3A_1728 = tpu.memref_slice %arg7[%add3A_1571, %dma_start3A_1727] : memref<40x50xi32, #tpu.memory_space<vmem>> -> memref<1x50xi32, #tpu.memory_space<vmem>>
        %dma_start3A_1729 = tpu.memref_squeeze %dma_start3A_1728 : memref<1x50xi32, #tpu.memory_space<vmem>> -> memref<50xi32, #tpu.memory_space<vmem>>
        %dma_start3A_1730 = arith.constant 0 : i32
        %dma_start3A_1731 = arith.constant 0 : i32
        %dma_start3A_1732 = tpu.memref_slice %arg13[%dma_start3A_1730, %dma_start3A_1731] : memref<10000x128xf32, #tpu.memory_space<vmem_shared>> -> memref<10000x128xf32, #tpu.memory_space<vmem_shared>>
        tpu.enqueue_indirect_dma source(%arg8 : memref<50x128xf32, #tpu.memory_space<vmem>>) target(%dma_start3A_1732 : memref<10000x128xf32, #tpu.memory_space<vmem_shared>>) offsets(%dma_start3A_1729 : memref<50xi32, #tpu.memory_space<vmem>>) semaphore(%run_scoped3A_1726 : memref<!tpu.dma_semaphore, #tpu.memory_space<semaphore_mem>>) {add = true}
        %dma_wait3A_1733 = arith.constant 0 : i32
        %dma_wait3A_1734 = tpu.memref_slice %arg7[%add3A_1571, %dma_wait3A_1733] : memref<40x50xi32, #tpu.memory_space<vmem>> -> memref<1x50xi32, #tpu.memory_space<vmem>>
        %dma_wait3A_1735 = tpu.memref_squeeze %dma_wait3A_1734 : memref<1x50xi32, #tpu.memory_space<vmem>> -> memref<50xi32, #tpu.memory_space<vmem>>
        %dma_wait3A_1736 = arith.constant 0 : i32
        %dma_wait3A_1737 = arith.constant 0 : i32
        %dma_wait3A_1738 = tpu.memref_slice %arg13[%dma_wait3A_1736, %dma_wait3A_1737] : memref<10000x128xf32, #tpu.memory_space<vmem_shared>> -> memref<10000x128xf32, #tpu.memory_space<vmem_shared>>
        tpu.wait_indirect_dma semaphore(%run_scoped3A_1726 : memref<!tpu.dma_semaphore, #tpu.memory_space<semaphore_mem>>) src(%arg8 : memref<50x128xf32, #tpu.memory_space<vmem>>) dst(%dma_wait3A_1738 : memref<10000x128xf32, #tpu.memory_space<vmem_shared>>)
        tpu.yield
      }) : () -> ()
      %add3A_1572 = arith.constant 1 : i32
      %add3A_1573 = arith.addi %scan3A_1557, %add3A_1572 : i32
      %mul3A_1574 = arith.constant 4 : i32
      %mul3A_1575 = arith.muli %mul3A_1574, %add3A_1573 : i32
      %add3A_1576 = arith.constant 0 : i32
      %add3A_1577 = arith.addi %mul3A_1575, %add3A_1576 : i32
      %dma_start3A_1578 = arith.constant 0 : i32
      %dma_start3A_1579 = tpu.memref_slice %arg6[%add3A_1577, %dma_start3A_1578] : memref<40x50xi32, #tpu.memory_space<vmem>> -> memref<1x50xi32, #tpu.memory_space<vmem>>
      %dma_start3A_1580 = tpu.memref_squeeze %dma_start3A_1579 : memref<1x50xi32, #tpu.memory_space<vmem>> -> memref<50xi32, #tpu.memory_space<vmem>>
      %dma_start3A_1581 = arith.constant 0 : i32
      %dma_start3A_1582 = arith.constant 0 : i32
      %dma_start3A_1583 = tpu.memref_slice %arg2[%dma_start3A_1581, %dma_start3A_1582] : memref<10000x128xf32, #tpu.memory_space<hbm>> -> memref<10000x128xf32, #tpu.memory_space<hbm>>
      tpu.enqueue_indirect_dma source(%dma_start3A_1583 : memref<10000x128xf32, #tpu.memory_space<hbm>>) target(%arg8 : memref<50x128xf32, #tpu.memory_space<vmem>>) offsets(%dma_start3A_1580 : memref<50xi32, #tpu.memory_space<vmem>>) semaphore(%arg14 : memref<!tpu.dma_semaphore, #tpu.memory_space<semaphore_mem>>)
      %mul3A_1584 = arith.constant 4 : i32
      %mul3A_1585 = arith.muli %mul3A_1584, %scan3A_1557 : i32
      %add3A_1586 = arith.constant 1 : i32
      %add3A_1587 = arith.addi %mul3A_1585, %add3A_1586 : i32
      %dma_wait3A_1588 = arith.constant 0 : i32
      %dma_wait3A_1589 = tpu.memref_slice %arg6[%add3A_1587, %dma_wait3A_1588] : memref<40x50xi32, #tpu.memory_space<vmem>> -> memref<1x50xi32, #tpu.memory_space<vmem>>
      %dma_wait3A_1590 = tpu.memref_squeeze %dma_wait3A_1589 : memref<1x50xi32, #tpu.memory_space<vmem>> -> memref<50xi32, #tpu.memory_space<vmem>>
      %dma_wait3A_1591 = arith.constant 0 : i32
      %dma_wait3A_1592 = arith.constant 0 : i32
      %dma_wait3A_1593 = tpu.memref_slice %arg2[%dma_wait3A_1591, %dma_wait3A_1592] : memref<10000x128xf32, #tpu.memory_space<hbm>> -> memref<10000x128xf32, #tpu.memory_space<hbm>>
      tpu.wait_indirect_dma semaphore(%arg15 : memref<!tpu.dma_semaphore, #tpu.memory_space<semaphore_mem>>) src(%dma_wait3A_1593 : memref<10000x128xf32, #tpu.memory_space<hbm>>) dst(%arg9 : memref<50x128xf32, #tpu.memory_space<vmem>>)
      %mul3A_1594 = arith.constant 4 : i32
      %mul3A_1595 = arith.muli %mul3A_1594, %scan3A_1557 : i32
      %add3A_1596 = arith.constant 1 : i32
      %add3A_1597 = arith.addi %mul3A_1595, %add3A_1596 : i32
      "tpu.region"() ({
        %run_scoped3A_1726 = tpu.sem_alloc : memref<!tpu.dma_semaphore, #tpu.memory_space<semaphore_mem>>
        %dma_start3A_1727 = arith.constant 0 : i32
        %dma_start3A_1728 = tpu.memref_slice %arg7[%add3A_1597, %dma_start3A_1727] : memref<40x50xi32, #tpu.memory_space<vmem>> -> memref<1x50xi32, #tpu.memory_space<vmem>>
        %dma_start3A_1729 = tpu.memref_squeeze %dma_start3A_1728 : memref<1x50xi32, #tpu.memory_space<vmem>> -> memref<50xi32, #tpu.memory_space<vmem>>
        %dma_start3A_1730 = arith.constant 0 : i32
        %dma_start3A_1731 = arith.constant 0 : i32
        %dma_start3A_1732 = tpu.memref_slice %arg13[%dma_start3A_1730, %dma_start3A_1731] : memref<10000x128xf32, #tpu.memory_space<vmem_shared>> -> memref<10000x128xf32, #tpu.memory_space<vmem_shared>>
        tpu.enqueue_indirect_dma source(%arg9 : memref<50x128xf32, #tpu.memory_space<vmem>>) target(%dma_start3A_1732 : memref<10000x128xf32, #tpu.memory_space<vmem_shared>>) offsets(%dma_start3A_1729 : memref<50xi32, #tpu.memory_space<vmem>>) semaphore(%run_scoped3A_1726 : memref<!tpu.dma_semaphore, #tpu.memory_space<semaphore_mem>>) {add = true}
        %dma_wait3A_1733 = arith.constant 0 : i32
        %dma_wait3A_1734 = tpu.memref_slice %arg7[%add3A_1597, %dma_wait3A_1733] : memref<40x50xi32, #tpu.memory_space<vmem>> -> memref<1x50xi32, #tpu.memory_space<vmem>>
        %dma_wait3A_1735 = tpu.memref_squeeze %dma_wait3A_1734 : memref<1x50xi32, #tpu.memory_space<vmem>> -> memref<50xi32, #tpu.memory_space<vmem>>
        %dma_wait3A_1736 = arith.constant 0 : i32
        %dma_wait3A_1737 = arith.constant 0 : i32
        %dma_wait3A_1738 = tpu.memref_slice %arg13[%dma_wait3A_1736, %dma_wait3A_1737] : memref<10000x128xf32, #tpu.memory_space<vmem_shared>> -> memref<10000x128xf32, #tpu.memory_space<vmem_shared>>
        tpu.wait_indirect_dma semaphore(%run_scoped3A_1726 : memref<!tpu.dma_semaphore, #tpu.memory_space<semaphore_mem>>) src(%arg9 : memref<50x128xf32, #tpu.memory_space<vmem>>) dst(%dma_wait3A_1738 : memref<10000x128xf32, #tpu.memory_space<vmem_shared>>)
        tpu.yield
      }) : () -> ()
      %add3A_1598 = arith.constant 1 : i32
      %add3A_1599 = arith.addi %scan3A_1557, %add3A_1598 : i32
      %mul3A_1600 = arith.constant 4 : i32
      %mul3A_1601 = arith.muli %mul3A_1600, %add3A_1599 : i32
      %add3A_1602 = arith.constant 1 : i32
      %add3A_1603 = arith.addi %mul3A_1601, %add3A_1602 : i32
      %dma_start3A_1604 = arith.constant 0 : i32
      %dma_start3A_1605 = tpu.memref_slice %arg6[%add3A_1603, %dma_start3A_1604] : memref<40x50xi32, #tpu.memory_space<vmem>> -> memref<1x50xi32, #tpu.memory_space<vmem>>
      %dma_start3A_1606 = tpu.memref_squeeze %dma_start3A_1605 : memref<1x50xi32, #tpu.memory_space<vmem>> -> memref<50xi32, #tpu.memory_space<vmem>>
      %dma_start3A_1607 = arith.constant 0 : i32
      %dma_start3A_1608 = arith.constant 0 : i32
      %dma_start3A_1609 = tpu.memref_slice %arg2[%dma_start3A_1607, %dma_start3A_1608] : memref<10000x128xf32, #tpu.memory_space<hbm>> -> memref<10000x128xf32, #tpu.memory_space<hbm>>
      tpu.enqueue_indirect_dma source(%dma_start3A_1609 : memref<10000x128xf32, #tpu.memory_space<hbm>>) target(%arg9 : memref<50x128xf32, #tpu.memory_space<vmem>>) offsets(%dma_start3A_1606 : memref<50xi32, #tpu.memory_space<vmem>>) semaphore(%arg15 : memref<!tpu.dma_semaphore, #tpu.memory_space<semaphore_mem>>)
      %mul3A_1610 = arith.constant 4 : i32
      %mul3A_1611 = arith.muli %mul3A_1610, %scan3A_1557 : i32
      %add3A_1612 = arith.constant 2 : i32
      %add3A_1613 = arith.addi %mul3A_1611, %add3A_1612 : i32
      %dma_wait3A_1614 = arith.constant 0 : i32
      %dma_wait3A_1615 = tpu.memref_slice %arg6[%add3A_1613, %dma_wait3A_1614] : memref<40x50xi32, #tpu.memory_space<vmem>> -> memref<1x50xi32, #tpu.memory_space<vmem>>
      %dma_wait3A_1616 = tpu.memref_squeeze %dma_wait3A_1615 : memref<1x50xi32, #tpu.memory_space<vmem>> -> memref<50xi32, #tpu.memory_space<vmem>>
      %dma_wait3A_1617 = arith.constant 0 : i32
      %dma_wait3A_1618 = arith.constant 0 : i32
      %dma_wait3A_1619 = tpu.memref_slice %arg2[%dma_wait3A_1617, %dma_wait3A_1618] : memref<10000x128xf32, #tpu.memory_space<hbm>> -> memref<10000x128xf32, #tpu.memory_space<hbm>>
      tpu.wait_indirect_dma semaphore(%arg16 : memref<!tpu.dma_semaphore, #tpu.memory_space<semaphore_mem>>) src(%dma_wait3A_1619 : memref<10000x128xf32, #tpu.memory_space<hbm>>) dst(%arg10 : memref<50x128xf32, #tpu.memory_space<vmem>>)
      %mul3A_1620 = arith.constant 4 : i32
      %mul3A_1621 = arith.muli %mul3A_1620, %scan3A_1557 : i32
      %add3A_1622 = arith.constant 2 : i32
      %add3A_1623 = arith.addi %mul3A_1621, %add3A_1622 : i32
      "tpu.region"() ({
        %run_scoped3A_1726 = tpu.sem_alloc : memref<!tpu.dma_semaphore, #tpu.memory_space<semaphore_mem>>
        %dma_start3A_1727 = arith.constant 0 : i32
        %dma_start3A_1728 = tpu.memref_slice %arg7[%add3A_1623, %dma_start3A_1727] : memref<40x50xi32, #tpu.memory_space<vmem>> -> memref<1x50xi32, #tpu.memory_space<vmem>>
        %dma_start3A_1729 = tpu.memref_squeeze %dma_start3A_1728 : memref<1x50xi32, #tpu.memory_space<vmem>> -> memref<50xi32, #tpu.memory_space<vmem>>
        %dma_start3A_1730 = arith.constant 0 : i32
        %dma_start3A_1731 = arith.constant 0 : i32
        %dma_start3A_1732 = tpu.memref_slice %arg13[%dma_start3A_1730, %dma_start3A_1731] : memref<10000x128xf32, #tpu.memory_space<vmem_shared>> -> memref<10000x128xf32, #tpu.memory_space<vmem_shared>>
        tpu.enqueue_indirect_dma source(%arg10 : memref<50x128xf32, #tpu.memory_space<vmem>>) target(%dma_start3A_1732 : memref<10000x128xf32, #tpu.memory_space<vmem_shared>>) offsets(%dma_start3A_1729 : memref<50xi32, #tpu.memory_space<vmem>>) semaphore(%run_scoped3A_1726 : memref<!tpu.dma_semaphore, #tpu.memory_space<semaphore_mem>>) {add = true}
        %dma_wait3A_1733 = arith.constant 0 : i32
        %dma_wait3A_1734 = tpu.memref_slice %arg7[%add3A_1623, %dma_wait3A_1733] : memref<40x50xi32, #tpu.memory_space<vmem>> -> memref<1x50xi32, #tpu.memory_space<vmem>>
        %dma_wait3A_1735 = tpu.memref_squeeze %dma_wait3A_1734 : memref<1x50xi32, #tpu.memory_space<vmem>> -> memref<50xi32, #tpu.memory_space<vmem>>
        %dma_wait3A_1736 = arith.constant 0 : i32
        %dma_wait3A_1737 = arith.constant 0 : i32
        %dma_wait3A_1738 = tpu.memref_slice %arg13[%dma_wait3A_1736, %dma_wait3A_1737] : memref<10000x128xf32, #tpu.memory_space<vmem_shared>> -> memref<10000x128xf32, #tpu.memory_space<vmem_shared>>
        tpu.wait_indirect_dma semaphore(%run_scoped3A_1726 : memref<!tpu.dma_semaphore, #tpu.memory_space<semaphore_mem>>) src(%arg10 : memref<50x128xf32, #tpu.memory_space<vmem>>) dst(%dma_wait3A_1738 : memref<10000x128xf32, #tpu.memory_space<vmem_shared>>)
        tpu.yield
      }) : () -> ()
      %add3A_1624 = arith.constant 1 : i32
      %add3A_1625 = arith.addi %scan3A_1557, %add3A_1624 : i32
      %mul3A_1626 = arith.constant 4 : i32
      %mul3A_1627 = arith.muli %mul3A_1626, %add3A_1625 : i32
      %add3A_1628 = arith.constant 2 : i32
      %add3A_1629 = arith.addi %mul3A_1627, %add3A_1628 : i32
      %dma_start3A_1630 = arith.constant 0 : i32
      %dma_start3A_1631 = tpu.memref_slice %arg6[%add3A_1629, %dma_start3A_1630] : memref<40x50xi32, #tpu.memory_space<vmem>> -> memref<1x50xi32, #tpu.memory_space<vmem>>
      %dma_start3A_1632 = tpu.memref_squeeze %dma_start3A_1631 : memref<1x50xi32, #tpu.memory_space<vmem>> -> memref<50xi32, #tpu.memory_space<vmem>>
      %dma_start3A_1633 = arith.constant 0 : i32
      %dma_start3A_1634 = arith.constant 0 : i32
      %dma_start3A_1635 = tpu.memref_slice %arg2[%dma_start3A_1633, %dma_start3A_1634] : memref<10000x128xf32, #tpu.memory_space<hbm>> -> memref<10000x128xf32, #tpu.memory_space<hbm>>
      tpu.enqueue_indirect_dma source(%dma_start3A_1635 : memref<10000x128xf32, #tpu.memory_space<hbm>>) target(%arg10 : memref<50x128xf32, #tpu.memory_space<vmem>>) offsets(%dma_start3A_1632 : memref<50xi32, #tpu.memory_space<vmem>>) semaphore(%arg16 : memref<!tpu.dma_semaphore, #tpu.memory_space<semaphore_mem>>)
      %mul3A_1636 = arith.constant 4 : i32
      %mul3A_1637 = arith.muli %mul3A_1636, %scan3A_1557 : i32
      %add3A_1638 = arith.constant 3 : i32
      %add3A_1639 = arith.addi %mul3A_1637, %add3A_1638 : i32
      %dma_wait3A_1640 = arith.constant 0 : i32
      %dma_wait3A_1641 = tpu.memref_slice %arg6[%add3A_1639, %dma_wait3A_1640] : memref<40x50xi32, #tpu.memory_space<vmem>> -> memref<1x50xi32, #tpu.memory_space<vmem>>
      %dma_wait3A_1642 = tpu.memref_squeeze %dma_wait3A_1641 : memref<1x50xi32, #tpu.memory_space<vmem>> -> memref<50xi32, #tpu.memory_space<vmem>>
      %dma_wait3A_1643 = arith.constant 0 : i32
      %dma_wait3A_1644 = arith.constant 0 : i32
      %dma_wait3A_1645 = tpu.memref_slice %arg2[%dma_wait3A_1643, %dma_wait3A_1644] : memref<10000x128xf32, #tpu.memory_space<hbm>> -> memref<10000x128xf32, #tpu.memory_space<hbm>>
      tpu.wait_indirect_dma semaphore(%arg17 : memref<!tpu.dma_semaphore, #tpu.memory_space<semaphore_mem>>) src(%dma_wait3A_1645 : memref<10000x128xf32, #tpu.memory_space<hbm>>) dst(%arg11 : memref<50x128xf32, #tpu.memory_space<vmem>>)
      %mul3A_1646 = arith.constant 4 : i32
      %mul3A_1647 = arith.muli %mul3A_1646, %scan3A_1557 : i32
      %add3A_1648 = arith.constant 3 : i32
      %add3A_1649 = arith.addi %mul3A_1647, %add3A_1648 : i32
      "tpu.region"() ({
        %run_scoped3A_1726 = tpu.sem_alloc : memref<!tpu.dma_semaphore, #tpu.memory_space<semaphore_mem>>
        %dma_start3A_1727 = arith.constant 0 : i32
        %dma_start3A_1728 = tpu.memref_slice %arg7[%add3A_1649, %dma_start3A_1727] : memref<40x50xi32, #tpu.memory_space<vmem>> -> memref<1x50xi32, #tpu.memory_space<vmem>>
        %dma_start3A_1729 = tpu.memref_squeeze %dma_start3A_1728 : memref<1x50xi32, #tpu.memory_space<vmem>> -> memref<50xi32, #tpu.memory_space<vmem>>
        %dma_start3A_1730 = arith.constant 0 : i32
        %dma_start3A_1731 = arith.constant 0 : i32
        %dma_start3A_1732 = tpu.memref_slice %arg13[%dma_start3A_1730, %dma_start3A_1731] : memref<10000x128xf32, #tpu.memory_space<vmem_shared>> -> memref<10000x128xf32, #tpu.memory_space<vmem_shared>>
        tpu.enqueue_indirect_dma source(%arg11 : memref<50x128xf32, #tpu.memory_space<vmem>>) target(%dma_start3A_1732 : memref<10000x128xf32, #tpu.memory_space<vmem_shared>>) offsets(%dma_start3A_1729 : memref<50xi32, #tpu.memory_space<vmem>>) semaphore(%run_scoped3A_1726 : memref<!tpu.dma_semaphore, #tpu.memory_space<semaphore_mem>>) {add = true}
        %dma_wait3A_1733 = arith.constant 0 : i32
        %dma_wait3A_1734 = tpu.memref_slice %arg7[%add3A_1649, %dma_wait3A_1733] : memref<40x50xi32, #tpu.memory_space<vmem>> -> memref<1x50xi32, #tpu.memory_space<vmem>>
        %dma_wait3A_1735 = tpu.memref_squeeze %dma_wait3A_1734 : memref<1x50xi32, #tpu.memory_space<vmem>> -> memref<50xi32, #tpu.memory_space<vmem>>
        %dma_wait3A_1736 = arith.constant 0 : i32
        %dma_wait3A_1737 = arith.constant 0 : i32
        %dma_wait3A_1738 = tpu.memref_slice %arg13[%dma_wait3A_1736, %dma_wait3A_1737] : memref<10000x128xf32, #tpu.memory_space<vmem_shared>> -> memref<10000x128xf32, #tpu.memory_space<vmem_shared>>
        tpu.wait_indirect_dma semaphore(%run_scoped3A_1726 : memref<!tpu.dma_semaphore, #tpu.memory_space<semaphore_mem>>) src(%arg11 : memref<50x128xf32, #tpu.memory_space<vmem>>) dst(%dma_wait3A_1738 : memref<10000x128xf32, #tpu.memory_space<vmem_shared>>)
        tpu.yield
      }) : () -> ()
      %add3A_1650 = arith.constant 1 : i32
      %add3A_1651 = arith.addi %scan3A_1557, %add3A_1650 : i32
      %mul3A_1652 = arith.constant 4 : i32
      %mul3A_1653 = arith.muli %mul3A_1652, %add3A_1651 : i32
      %add3A_1654 = arith.constant 3 : i32
      %add3A_1655 = arith.addi %mul3A_1653, %add3A_1654 : i32
      %dma_start3A_1656 = arith.constant 0 : i32
      %dma_start3A_1657 = tpu.memref_slice %arg6[%add3A_1655, %dma_start3A_1656] : memref<40x50xi32, #tpu.memory_space<vmem>> -> memref<1x50xi32, #tpu.memory_space<vmem>>
      %dma_start3A_1658 = tpu.memref_squeeze %dma_start3A_1657 : memref<1x50xi32, #tpu.memory_space<vmem>> -> memref<50xi32, #tpu.memory_space<vmem>>
      %dma_start3A_1659 = arith.constant 0 : i32
      %dma_start3A_1660 = arith.constant 0 : i32
      %dma_start3A_1661 = tpu.memref_slice %arg2[%dma_start3A_1659, %dma_start3A_1660] : memref<10000x128xf32, #tpu.memory_space<hbm>> -> memref<10000x128xf32, #tpu.memory_space<hbm>>
      tpu.enqueue_indirect_dma source(%dma_start3A_1661 : memref<10000x128xf32, #tpu.memory_space<hbm>>) target(%arg11 : memref<50x128xf32, #tpu.memory_space<vmem>>) offsets(%dma_start3A_1658 : memref<50xi32, #tpu.memory_space<vmem>>) semaphore(%arg17 : memref<!tpu.dma_semaphore, #tpu.memory_space<semaphore_mem>>)
      %mul3A_1662 = arith.constant 4 : i32
      %mul3A_1663 = arith.muli %mul3A_1662, %scan3A_1557 : i32
      %add3A_1664 = arith.constant 0 : i32
      %add3A_1665 = arith.addi %mul3A_1663, %add3A_1664 : i32
      %get3A_1666 = arith.index_cast %add3A_1665 : i32 to index
      %get3A_1667 = arith.constant 0 : index
      %get3A_1668 = tpu.vector_load %arg7[%get3A_1666, %get3A_1667] {strides = array<i32>} : memref<40x50xi32, #tpu.memory_space<vmem>>, vector<16xi32>,
      tpu.vector_store_idx %arg12[%get3A_1668], %broadcast_in_dim3A_3 {add = true} : memref<10000xf32, #tpu.memory_space<vmem>>[vector<16xi32>], vector<16xf32>,
      %get3A_1669 = arith.index_cast %add3A_1665 : i32 to index
      %get3A_1670 = arith.constant 16 : index
      %get3A_1671 = tpu.vector_load %arg7[%get3A_1669, %get3A_1670] {strides = array<i32>} : memref<40x50xi32, #tpu.memory_space<vmem>>, vector<16xi32>,
      tpu.vector_store_idx %arg12[%get3A_1671], %broadcast_in_dim3A_3 {add = true} : memref<10000xf32, #tpu.memory_space<vmem>>[vector<16xi32>], vector<16xf32>,
      %get3A_1672 = arith.index_cast %add3A_1665 : i32 to index
      %get3A_1673 = arith.constant 32 : index
      %get3A_1674 = tpu.vector_load %arg7[%get3A_1672, %get3A_1673] {strides = array<i32>} : memref<40x50xi32, #tpu.memory_space<vmem>>, vector<16xi32>,
      tpu.vector_store_idx %arg12[%get3A_1674], %broadcast_in_dim3A_3 {add = true} : memref<10000xf32, #tpu.memory_space<vmem>>[vector<16xi32>], vector<16xf32>,
      %get3A_1675 = arith.index_cast %add3A_1665 : i32 to index
      %get3A_1676 = arith.constant 34 : index
      %get3A_1677 = tpu.vector_load %arg7[%get3A_1675, %get3A_1676] {strides = array<i32>} : memref<40x50xi32, #tpu.memory_space<vmem>>, vector<16xi32>,
      tpu.vector_store_idx %arg12[%get3A_1677], %broadcast_in_dim3A_3 masked %ge3A_348 {add = true} : memref<10000xf32, #tpu.memory_space<vmem>>[vector<16xi32>], vector<16xf32>, vector<16xi1>
      %mul3A_1678 = arith.constant 4 : i32
      %mul3A_1679 = arith.muli %mul3A_1678, %scan3A_1557 : i32
      %add3A_1680 = arith.constant 1 : i32
      %add3A_1681 = arith.addi %mul3A_1679, %add3A_1680 : i32
      %get3A_1682 = arith.index_cast %add3A_1681 : i32 to index
      %get3A_1683 = arith.constant 0 : index
      %get3A_1684 = tpu.vector_load %arg7[%get3A_1682, %get3A_1683] {strides = array<i32>} : memref<40x50xi32, #tpu.memory_space<vmem>>, vector<16xi32>,
      tpu.vector_store_idx %arg12[%get3A_1684], %broadcast_in_dim3A_3 {add = true} : memref<10000xf32, #tpu.memory_space<vmem>>[vector<16xi32>], vector<16xf32>,
      %get3A_1685 = arith.index_cast %add3A_1681 : i32 to index
      %get3A_1686 = arith.constant 16 : index
      %get3A_1687 = tpu.vector_load %arg7[%get3A_1685, %get3A_1686] {strides = array<i32>} : memref<40x50xi32, #tpu.memory_space<vmem>>, vector<16xi32>,
      tpu.vector_store_idx %arg12[%get3A_1687], %broadcast_in_dim3A_3 {add = true} : memref<10000xf32, #tpu.memory_space<vmem>>[vector<16xi32>], vector<16xf32>,
      %get3A_1688 = arith.index_cast %add3A_1681 : i32 to index
      %get3A_1689 = arith.constant 32 : index
      %get3A_1690 = tpu.vector_load %arg7[%get3A_1688, %get3A_1689] {strides = array<i32>} : memref<40x50xi32, #tpu.memory_space<vmem>>, vector<16xi32>,
      tpu.vector_store_idx %arg12[%get3A_1690], %broadcast_in_dim3A_3 {add = true} : memref<10000xf32, #tpu.memory_space<vmem>>[vector<16xi32>], vector<16xf32>,
      %get3A_1691 = arith.index_cast %add3A_1681 : i32 to index
      %get3A_1692 = arith.constant 34 : index
      %get3A_1693 = tpu.vector_load %arg7[%get3A_1691, %get3A_1692] {strides = array<i32>} : memref<40x50xi32, #tpu.memory_space<vmem>>, vector<16xi32>,
      tpu.vector_store_idx %arg12[%get3A_1693], %broadcast_in_dim3A_3 masked %ge3A_348 {add = true} : memref<10000xf32, #tpu.memory_space<vmem>>[vector<16xi32>], vector<16xf32>, vector<16xi1>
      %mul3A_1694 = arith.constant 4 : i32
      %mul3A_1695 = arith.muli %mul3A_1694, %scan3A_1557 : i32
      %add3A_1696 = arith.constant 2 : i32
      %add3A_1697 = arith.addi %mul3A_1695, %add3A_1696 : i32
      %get3A_1698 = arith.index_cast %add3A_1697 : i32 to index
      %get3A_1699 = arith.constant 0 : index
      %get3A_1700 = tpu.vector_load %arg7[%get3A_1698, %get3A_1699] {strides = array<i32>} : memref<40x50xi32, #tpu.memory_space<vmem>>, vector<16xi32>,
      tpu.vector_store_idx %arg12[%get3A_1700], %broadcast_in_dim3A_3 {add = true} : memref<10000xf32, #tpu.memory_space<vmem>>[vector<16xi32>], vector<16xf32>,
      %get3A_1701 = arith.index_cast %add3A_1697 : i32 to index
      %get3A_1702 = arith.constant 16 : index
      %get3A_1703 = tpu.vector_load %arg7[%get3A_1701, %get3A_1702] {strides = array<i32>} : memref<40x50xi32, #tpu.memory_space<vmem>>, vector<16xi32>,
      tpu.vector_store_idx %arg12[%get3A_1703], %broadcast_in_dim3A_3 {add = true} : memref<10000xf32, #tpu.memory_space<vmem>>[vector<16xi32>], vector<16xf32>,
      %get3A_1704 = arith.index_cast %add3A_1697 : i32 to index
      %get3A_1705 = arith.constant 32 : index
      %get3A_1706 = tpu.vector_load %arg7[%get3A_1704, %get3A_1705] {strides = array<i32>} : memref<40x50xi32, #tpu.memory_space<vmem>>, vector<16xi32>,
      tpu.vector_store_idx %arg12[%get3A_1706], %broadcast_in_dim3A_3 {add = true} : memref<10000xf32, #tpu.memory_space<vmem>>[vector<16xi32>], vector<16xf32>,
      %get3A_1707 = arith.index_cast %add3A_1697 : i32 to index
      %get3A_1708 = arith.constant 34 : index
      %get3A_1709 = tpu.vector_load %arg7[%get3A_1707, %get3A_1708] {strides = array<i32>} : memref<40x50xi32, #tpu.memory_space<vmem>>, vector<16xi32>,
      tpu.vector_store_idx %arg12[%get3A_1709], %broadcast_in_dim3A_3 masked %ge3A_348 {add = true} : memref<10000xf32, #tpu.memory_space<vmem>>[vector<16xi32>], vector<16xf32>, vector<16xi1>
      %mul3A_1710 = arith.constant 4 : i32
      %mul3A_1711 = arith.muli %mul3A_1710, %scan3A_1557 : i32
      %add3A_1712 = arith.constant 3 : i32
      %add3A_1713 = arith.addi %mul3A_1711, %add3A_1712 : i32
      %get3A_1714 = arith.index_cast %add3A_1713 : i32 to index
      %get3A_1715 = arith.constant 0 : index
      %get3A_1716 = tpu.vector_load %arg7[%get3A_1714, %get3A_1715] {strides = array<i32>} : memref<40x50xi32, #tpu.memory_space<vmem>>, vector<16xi32>,
      tpu.vector_store_idx %arg12[%get3A_1716], %broadcast_in_dim3A_3 {add = true} : memref<10000xf32, #tpu.memory_space<vmem>>[vector<16xi32>], vector<16xf32>,
      %get3A_1717 = arith.index_cast %add3A_1713 : i32 to index
      %get3A_1718 = arith.constant 16 : index
      %get3A_1719 = tpu.vector_load %arg7[%get3A_1717, %get3A_1718] {strides = array<i32>} : memref<40x50xi32, #tpu.memory_space<vmem>>, vector<16xi32>,
      tpu.vector_store_idx %arg12[%get3A_1719], %broadcast_in_dim3A_3 {add = true} : memref<10000xf32, #tpu.memory_space<vmem>>[vector<16xi32>], vector<16xf32>,
      %get3A_1720 = arith.index_cast %add3A_1713 : i32 to index
      %get3A_1721 = arith.constant 32 : index
      %get3A_1722 = tpu.vector_load %arg7[%get3A_1720, %get3A_1721] {strides = array<i32>} : memref<40x50xi32, #tpu.memory_space<vmem>>, vector<16xi32>,
      tpu.vector_store_idx %arg12[%get3A_1722], %broadcast_in_dim3A_3 {add = true} : memref<10000xf32, #tpu.memory_space<vmem>>[vector<16xi32>], vector<16xf32>,
      %get3A_1723 = arith.index_cast %add3A_1713 : i32 to index
      %get3A_1724 = arith.constant 34 : index
      %get3A_1725 = tpu.vector_load %arg7[%get3A_1723, %get3A_1724] {strides = array<i32>} : memref<40x50xi32, #tpu.memory_space<vmem>>, vector<16xi32>,
      tpu.vector_store_idx %arg12[%get3A_1725], %broadcast_in_dim3A_3 masked %ge3A_348 {add = true} : memref<10000xf32, #tpu.memory_space<vmem>>[vector<16xi32>], vector<16xf32>, vector<16xi1>
    }
    %scan3A_730 = arith.constant 9 : i32
    %dma_wait3A_731 = arith.constant 36 : i32
    %dma_wait3A_732 = arith.constant 0 : i32
    %dma_wait3A_733 = tpu.memref_slice %arg6[%dma_wait3A_731, %dma_wait3A_732] : memref<40x50xi32, #tpu.memory_space<vmem>> -> memref<1x50xi32, #tpu.memory_space<vmem>>
    %dma_wait3A_734 = tpu.memref_squeeze %dma_wait3A_733 : memref<1x50xi32, #tpu.memory_space<vmem>> -> memref<50xi32, #tpu.memory_space<vmem>>
    %dma_wait3A_735 = arith.constant 0 : i32
    %dma_wait3A_736 = arith.constant 0 : i32
    %dma_wait3A_737 = tpu.memref_slice %arg2[%dma_wait3A_735, %dma_wait3A_736] : memref<10000x128xf32, #tpu.memory_space<hbm>> -> memref<10000x128xf32, #tpu.memory_space<hbm>>
    tpu.wait_indirect_dma semaphore(%arg14 : memref<!tpu.dma_semaphore, #tpu.memory_space<semaphore_mem>>) src(%dma_wait3A_737 : memref<10000x128xf32, #tpu.memory_space<hbm>>) dst(%arg8 : memref<50x128xf32, #tpu.memory_space<vmem>>)
    %run_scoped3A_738 = arith.constant 36 : i32
    "tpu.region"() ({
      %run_scoped3A_1557 = tpu.sem_alloc : memref<!tpu.dma_semaphore, #tpu.memory_space<semaphore_mem>>
      %dma_start3A_1558 = arith.constant 0 : i32
      %dma_start3A_1559 = tpu.memref_slice %arg7[%run_scoped3A_738, %dma_start3A_1558] : memref<40x50xi32, #tpu.memory_space<vmem>> -> memref<1x50xi32, #tpu.memory_space<vmem>>
      %dma_start3A_1560 = tpu.memref_squeeze %dma_start3A_1559 : memref<1x50xi32, #tpu.memory_space<vmem>> -> memref<50xi32, #tpu.memory_space<vmem>>
      %dma_start3A_1561 = arith.constant 0 : i32
      %dma_start3A_1562 = arith.constant 0 : i32
      %dma_start3A_1563 = tpu.memref_slice %arg13[%dma_start3A_1561, %dma_start3A_1562] : memref<10000x128xf32, #tpu.memory_space<vmem_shared>> -> memref<10000x128xf32, #tpu.memory_space<vmem_shared>>
      tpu.enqueue_indirect_dma source(%arg8 : memref<50x128xf32, #tpu.memory_space<vmem>>) target(%dma_start3A_1563 : memref<10000x128xf32, #tpu.memory_space<vmem_shared>>) offsets(%dma_start3A_1560 : memref<50xi32, #tpu.memory_space<vmem>>) semaphore(%run_scoped3A_1557 : memref<!tpu.dma_semaphore, #tpu.memory_space<semaphore_mem>>) {add = true}
      %dma_wait3A_1564 = arith.constant 0 : i32
      %dma_wait3A_1565 = tpu.memref_slice %arg7[%run_scoped3A_738, %dma_wait3A_1564] : memref<40x50xi32, #tpu.memory_space<vmem>> -> memref<1x50xi32, #tpu.memory_space<vmem>>
      %dma_wait3A_1566 = tpu.memref_squeeze %dma_wait3A_1565 : memref<1x50xi32, #tpu.memory_space<vmem>> -> memref<50xi32, #tpu.memory_space<vmem>>
      %dma_wait3A_1567 = arith.constant 0 : i32
      %dma_wait3A_1568 = arith.constant 0 : i32
      %dma_wait3A_1569 = tpu.memref_slice %arg13[%dma_wait3A_1567, %dma_wait3A_1568] : memref<10000x128xf32, #tpu.memory_space<vmem_shared>> -> memref<10000x128xf32, #tpu.memory_space<vmem_shared>>
      tpu.wait_indirect_dma semaphore(%run_scoped3A_1557 : memref<!tpu.dma_semaphore, #tpu.memory_space<semaphore_mem>>) src(%arg8 : memref<50x128xf32, #tpu.memory_space<vmem>>) dst(%dma_wait3A_1569 : memref<10000x128xf32, #tpu.memory_space<vmem_shared>>)
      tpu.yield
    }) : () -> ()
    %dma_wait3A_739 = arith.constant 37 : i32
    %dma_wait3A_740 = arith.constant 0 : i32
    %dma_wait3A_741 = tpu.memref_slice %arg6[%dma_wait3A_739, %dma_wait3A_740] : memref<40x50xi32, #tpu.memory_space<vmem>> -> memref<1x50xi32, #tpu.memory_space<vmem>>
    %dma_wait3A_742 = tpu.memref_squeeze %dma_wait3A_741 : memref<1x50xi32, #tpu.memory_space<vmem>> -> memref<50xi32, #tpu.memory_space<vmem>>
    %dma_wait3A_743 = arith.constant 0 : i32
    %dma_wait3A_744 = arith.constant 0 : i32
    %dma_wait3A_745 = tpu.memref_slice %arg2[%dma_wait3A_743, %dma_wait3A_744] : memref<10000x128xf32, #tpu.memory_space<hbm>> -> memref<10000x128xf32, #tpu.memory_space<hbm>>
    tpu.wait_indirect_dma semaphore(%arg15 : memref<!tpu.dma_semaphore, #tpu.memory_space<semaphore_mem>>) src(%dma_wait3A_745 : memref<10000x128xf32, #tpu.memory_space<hbm>>) dst(%arg9 : memref<50x128xf32, #tpu.memory_space<vmem>>)
    %run_scoped3A_746 = arith.constant 37 : i32
    "tpu.region"() ({
      %run_scoped3A_1557 = tpu.sem_alloc : memref<!tpu.dma_semaphore, #tpu.memory_space<semaphore_mem>>
      %dma_start3A_1558 = arith.constant 0 : i32
      %dma_start3A_1559 = tpu.memref_slice %arg7[%run_scoped3A_746, %dma_start3A_1558] : memref<40x50xi32, #tpu.memory_space<vmem>> -> memref<1x50xi32, #tpu.memory_space<vmem>>
      %dma_start3A_1560 = tpu.memref_squeeze %dma_start3A_1559 : memref<1x50xi32, #tpu.memory_space<vmem>> -> memref<50xi32, #tpu.memory_space<vmem>>
      %dma_start3A_1561 = arith.constant 0 : i32
      %dma_start3A_1562 = arith.constant 0 : i32
      %dma_start3A_1563 = tpu.memref_slice %arg13[%dma_start3A_1561, %dma_start3A_1562] : memref<10000x128xf32, #tpu.memory_space<vmem_shared>> -> memref<10000x128xf32, #tpu.memory_space<vmem_shared>>
      tpu.enqueue_indirect_dma source(%arg9 : memref<50x128xf32, #tpu.memory_space<vmem>>) target(%dma_start3A_1563 : memref<10000x128xf32, #tpu.memory_space<vmem_shared>>) offsets(%dma_start3A_1560 : memref<50xi32, #tpu.memory_space<vmem>>) semaphore(%run_scoped3A_1557 : memref<!tpu.dma_semaphore, #tpu.memory_space<semaphore_mem>>) {add = true}
      %dma_wait3A_1564 = arith.constant 0 : i32
      %dma_wait3A_1565 = tpu.memref_slice %arg7[%run_scoped3A_746, %dma_wait3A_1564] : memref<40x50xi32, #tpu.memory_space<vmem>> -> memref<1x50xi32, #tpu.memory_space<vmem>>
      %dma_wait3A_1566 = tpu.memref_squeeze %dma_wait3A_1565 : memref<1x50xi32, #tpu.memory_space<vmem>> -> memref<50xi32, #tpu.memory_space<vmem>>
      %dma_wait3A_1567 = arith.constant 0 : i32
      %dma_wait3A_1568 = arith.constant 0 : i32
      %dma_wait3A_1569 = tpu.memref_slice %arg13[%dma_wait3A_1567, %dma_wait3A_1568] : memref<10000x128xf32, #tpu.memory_space<vmem_shared>> -> memref<10000x128xf32, #tpu.memory_space<vmem_shared>>
      tpu.wait_indirect_dma semaphore(%run_scoped3A_1557 : memref<!tpu.dma_semaphore, #tpu.memory_space<semaphore_mem>>) src(%arg9 : memref<50x128xf32, #tpu.memory_space<vmem>>) dst(%dma_wait3A_1569 : memref<10000x128xf32, #tpu.memory_space<vmem_shared>>)
      tpu.yield
    }) : () -> ()
    %dma_wait3A_747 = arith.constant 38 : i32
    %dma_wait3A_748 = arith.constant 0 : i32
    %dma_wait3A_749 = tpu.memref_slice %arg6[%dma_wait3A_747, %dma_wait3A_748] : memref<40x50xi32, #tpu.memory_space<vmem>> -> memref<1x50xi32, #tpu.memory_space<vmem>>
    %dma_wait3A_750 = tpu.memref_squeeze %dma_wait3A_749 : memref<1x50xi32, #tpu.memory_space<vmem>> -> memref<50xi32, #tpu.memory_space<vmem>>
    %dma_wait3A_751 = arith.constant 0 : i32
    %dma_wait3A_752 = arith.constant 0 : i32
    %dma_wait3A_753 = tpu.memref_slice %arg2[%dma_wait3A_751, %dma_wait3A_752] : memref<10000x128xf32, #tpu.memory_space<hbm>> -> memref<10000x128xf32, #tpu.memory_space<hbm>>
    tpu.wait_indirect_dma semaphore(%arg16 : memref<!tpu.dma_semaphore, #tpu.memory_space<semaphore_mem>>) src(%dma_wait3A_753 : memref<10000x128xf32, #tpu.memory_space<hbm>>) dst(%arg10 : memref<50x128xf32, #tpu.memory_space<vmem>>)
    %run_scoped3A_754 = arith.constant 38 : i32
    "tpu.region"() ({
      %run_scoped3A_1557 = tpu.sem_alloc : memref<!tpu.dma_semaphore, #tpu.memory_space<semaphore_mem>>
      %dma_start3A_1558 = arith.constant 0 : i32
      %dma_start3A_1559 = tpu.memref_slice %arg7[%run_scoped3A_754, %dma_start3A_1558] : memref<40x50xi32, #tpu.memory_space<vmem>> -> memref<1x50xi32, #tpu.memory_space<vmem>>
      %dma_start3A_1560 = tpu.memref_squeeze %dma_start3A_1559 : memref<1x50xi32, #tpu.memory_space<vmem>> -> memref<50xi32, #tpu.memory_space<vmem>>
      %dma_start3A_1561 = arith.constant 0 : i32
      %dma_start3A_1562 = arith.constant 0 : i32
      %dma_start3A_1563 = tpu.memref_slice %arg13[%dma_start3A_1561, %dma_start3A_1562] : memref<10000x128xf32, #tpu.memory_space<vmem_shared>> -> memref<10000x128xf32, #tpu.memory_space<vmem_shared>>
      tpu.enqueue_indirect_dma source(%arg10 : memref<50x128xf32, #tpu.memory_space<vmem>>) target(%dma_start3A_1563 : memref<10000x128xf32, #tpu.memory_space<vmem_shared>>) offsets(%dma_start3A_1560 : memref<50xi32, #tpu.memory_space<vmem>>) semaphore(%run_scoped3A_1557 : memref<!tpu.dma_semaphore, #tpu.memory_space<semaphore_mem>>) {add = true}
      %dma_wait3A_1564 = arith.constant 0 : i32
      %dma_wait3A_1565 = tpu.memref_slice %arg7[%run_scoped3A_754, %dma_wait3A_1564] : memref<40x50xi32, #tpu.memory_space<vmem>> -> memref<1x50xi32, #tpu.memory_space<vmem>>
      %dma_wait3A_1566 = tpu.memref_squeeze %dma_wait3A_1565 : memref<1x50xi32, #tpu.memory_space<vmem>> -> memref<50xi32, #tpu.memory_space<vmem>>
      %dma_wait3A_1567 = arith.constant 0 : i32
      %dma_wait3A_1568 = arith.constant 0 : i32
      %dma_wait3A_1569 = tpu.memref_slice %arg13[%dma_wait3A_1567, %dma_wait3A_1568] : memref<10000x128xf32, #tpu.memory_space<vmem_shared>> -> memref<10000x128xf32, #tpu.memory_space<vmem_shared>>
      tpu.wait_indirect_dma semaphore(%run_scoped3A_1557 : memref<!tpu.dma_semaphore, #tpu.memory_space<semaphore_mem>>) src(%arg10 : memref<50x128xf32, #tpu.memory_space<vmem>>) dst(%dma_wait3A_1569 : memref<10000x128xf32, #tpu.memory_space<vmem_shared>>)
      tpu.yield
    }) : () -> ()
    %dma_wait3A_755 = arith.constant 39 : i32
    %dma_wait3A_756 = arith.constant 0 : i32
    %dma_wait3A_757 = tpu.memref_slice %arg6[%dma_wait3A_755, %dma_wait3A_756] : memref<40x50xi32, #tpu.memory_space<vmem>> -> memref<1x50xi32, #tpu.memory_space<vmem>>
    %dma_wait3A_758 = tpu.memref_squeeze %dma_wait3A_757 : memref<1x50xi32, #tpu.memory_space<vmem>> -> memref<50xi32, #tpu.memory_space<vmem>>
    %dma_wait3A_759 = arith.constant 0 : i32
    %dma_wait3A_760 = arith.constant 0 : i32
    %dma_wait3A_761 = tpu.memref_slice %arg2[%dma_wait3A_759, %dma_wait3A_760] : memref<10000x128xf32, #tpu.memory_space<hbm>> -> memref<10000x128xf32, #tpu.memory_space<hbm>>
    tpu.wait_indirect_dma semaphore(%arg17 : memref<!tpu.dma_semaphore, #tpu.memory_space<semaphore_mem>>) src(%dma_wait3A_761 : memref<10000x128xf32, #tpu.memory_space<hbm>>) dst(%arg11 : memref<50x128xf32, #tpu.memory_space<vmem>>)
    %run_scoped3A_762 = arith.constant 39 : i32
    "tpu.region"() ({
      %run_scoped3A_1557 = tpu.sem_alloc : memref<!tpu.dma_semaphore, #tpu.memory_space<semaphore_mem>>
      %dma_start3A_1558 = arith.constant 0 : i32
      %dma_start3A_1559 = tpu.memref_slice %arg7[%run_scoped3A_762, %dma_start3A_1558] : memref<40x50xi32, #tpu.memory_space<vmem>> -> memref<1x50xi32, #tpu.memory_space<vmem>>
      %dma_start3A_1560 = tpu.memref_squeeze %dma_start3A_1559 : memref<1x50xi32, #tpu.memory_space<vmem>> -> memref<50xi32, #tpu.memory_space<vmem>>
      %dma_start3A_1561 = arith.constant 0 : i32
      %dma_start3A_1562 = arith.constant 0 : i32
      %dma_start3A_1563 = tpu.memref_slice %arg13[%dma_start3A_1561, %dma_start3A_1562] : memref<10000x128xf32, #tpu.memory_space<vmem_shared>> -> memref<10000x128xf32, #tpu.memory_space<vmem_shared>>
      tpu.enqueue_indirect_dma source(%arg11 : memref<50x128xf32, #tpu.memory_space<vmem>>) target(%dma_start3A_1563 : memref<10000x128xf32, #tpu.memory_space<vmem_shared>>) offsets(%dma_start3A_1560 : memref<50xi32, #tpu.memory_space<vmem>>) semaphore(%run_scoped3A_1557 : memref<!tpu.dma_semaphore, #tpu.memory_space<semaphore_mem>>) {add = true}
      %dma_wait3A_1564 = arith.constant 0 : i32
      %dma_wait3A_1565 = tpu.memref_slice %arg7[%run_scoped3A_762, %dma_wait3A_1564] : memref<40x50xi32, #tpu.memory_space<vmem>> -> memref<1x50xi32, #tpu.memory_space<vmem>>
      %dma_wait3A_1566 = tpu.memref_squeeze %dma_wait3A_1565 : memref<1x50xi32, #tpu.memory_space<vmem>> -> memref<50xi32, #tpu.memory_space<vmem>>
      %dma_wait3A_1567 = arith.constant 0 : i32
      %dma_wait3A_1568 = arith.constant 0 : i32
      %dma_wait3A_1569 = tpu.memref_slice %arg13[%dma_wait3A_1567, %dma_wait3A_1568] : memref<10000x128xf32, #tpu.memory_space<vmem_shared>> -> memref<10000x128xf32, #tpu.memory_space<vmem_shared>>
      tpu.wait_indirect_dma semaphore(%run_scoped3A_1557 : memref<!tpu.dma_semaphore, #tpu.memory_space<semaphore_mem>>) src(%arg11 : memref<50x128xf32, #tpu.memory_space<vmem>>) dst(%dma_wait3A_1569 : memref<10000x128xf32, #tpu.memory_space<vmem_shared>>)
      tpu.yield
    }) : () -> ()
    %get3A_763 = arith.constant 36 : i32
    %get3A_764 = arith.index_cast %get3A_763 : i32 to index
    %get3A_765 = arith.constant 0 : index
    %get3A_766 = tpu.vector_load %arg7[%get3A_764, %get3A_765] {strides = array<i32>} : memref<40x50xi32, #tpu.memory_space<vmem>>, vector<16xi32>,
    tpu.vector_store_idx %arg12[%get3A_766], %broadcast_in_dim3A_3 {add = true} : memref<10000xf32, #tpu.memory_space<vmem>>[vector<16xi32>], vector<16xf32>,
    %get3A_767 = arith.constant 36 : i32
    %get3A_768 = arith.index_cast %get3A_767 : i32 to index
    %get3A_769 = arith.constant 16 : index
    %get3A_770 = tpu.vector_load %arg7[%get3A_768, %get3A_769] {strides = array<i32>} : memref<40x50xi32, #tpu.memory_space<vmem>>, vector<16xi32>,
    tpu.vector_store_idx %arg12[%get3A_770], %broadcast_in_dim3A_3 {add = true} : memref<10000xf32, #tpu.memory_space<vmem>>[vector<16xi32>], vector<16xf32>,
    %get3A_771 = arith.constant 36 : i32
    %get3A_772 = arith.index_cast %get3A_771 : i32 to index
    %get3A_773 = arith.constant 32 : index
    %get3A_774 = tpu.vector_load %arg7[%get3A_772, %get3A_773] {strides = array<i32>} : memref<40x50xi32, #tpu.memory_space<vmem>>, vector<16xi32>,
    tpu.vector_store_idx %arg12[%get3A_774], %broadcast_in_dim3A_3 {add = true} : memref<10000xf32, #tpu.memory_space<vmem>>[vector<16xi32>], vector<16xf32>,
    %get3A_775 = arith.constant 36 : i32
    %get3A_776 = arith.index_cast %get3A_775 : i32 to index
    %get3A_777 = arith.constant 34 : index
    %get3A_778 = tpu.vector_load %arg7[%get3A_776, %get3A_777] {strides = array<i32>} : memref<40x50xi32, #tpu.memory_space<vmem>>, vector<16xi32>,
    tpu.vector_store_idx %arg12[%get3A_778], %broadcast_in_dim3A_3 masked %ge3A_348 {add = true} : memref<10000xf32, #tpu.memory_space<vmem>>[vector<16xi32>], vector<16xf32>, vector<16xi1>
    %get3A_779 = arith.constant 37 : i32
    %get3A_780 = arith.index_cast %get3A_779 : i32 to index
    %get3A_781 = arith.constant 0 : index
    %get3A_782 = tpu.vector_load %arg7[%get3A_780, %get3A_781] {strides = array<i32>} : memref<40x50xi32, #tpu.memory_space<vmem>>, vector<16xi32>,
    tpu.vector_store_idx %arg12[%get3A_782], %broadcast_in_dim3A_3 {add = true} : memref<10000xf32, #tpu.memory_space<vmem>>[vector<16xi32>], vector<16xf32>,
    %get3A_783 = arith.constant 37 : i32
    %get3A_784 = arith.index_cast %get3A_783 : i32 to index
    %get3A_785 = arith.constant 16 : index
    %get3A_786 = tpu.vector_load %arg7[%get3A_784, %get3A_785] {strides = array<i32>} : memref<40x50xi32, #tpu.memory_space<vmem>>, vector<16xi32>,
    tpu.vector_store_idx %arg12[%get3A_786], %broadcast_in_dim3A_3 {add = true} : memref<10000xf32, #tpu.memory_space<vmem>>[vector<16xi32>], vector<16xf32>,
    %get3A_787 = arith.constant 37 : i32
    %get3A_788 = arith.index_cast %get3A_787 : i32 to index
    %get3A_789 = arith.constant 32 : index
    %get3A_790 = tpu.vector_load %arg7[%get3A_788, %get3A_789] {strides = array<i32>} : memref<40x50xi32, #tpu.memory_space<vmem>>, vector<16xi32>,
    tpu.vector_store_idx %arg12[%get3A_790], %broadcast_in_dim3A_3 {add = true} : memref<10000xf32, #tpu.memory_space<vmem>>[vector<16xi32>], vector<16xf32>,
    %get3A_791 = arith.constant 37 : i32
    %get3A_792 = arith.index_cast %get3A_791 : i32 to index
    %get3A_793 = arith.constant 34 : index
    %get3A_794 = tpu.vector_load %arg7[%get3A_792, %get3A_793] {strides = array<i32>} : memref<40x50xi32, #tpu.memory_space<vmem>>, vector<16xi32>,
    tpu.vector_store_idx %arg12[%get3A_794], %broadcast_in_dim3A_3 masked %ge3A_348 {add = true} : memref<10000xf32, #tpu.memory_space<vmem>>[vector<16xi32>], vector<16xf32>, vector<16xi1>
    %get3A_795 = arith.constant 38 : i32
    %get3A_796 = arith.index_cast %get3A_795 : i32 to index
    %get3A_797 = arith.constant 0 : index
    %get3A_798 = tpu.vector_load %arg7[%get3A_796, %get3A_797] {strides = array<i32>} : memref<40x50xi32, #tpu.memory_space<vmem>>, vector<16xi32>,
    tpu.vector_store_idx %arg12[%get3A_798], %broadcast_in_dim3A_3 {add = true} : memref<10000xf32, #tpu.memory_space<vmem>>[vector<16xi32>], vector<16xf32>,
    %get3A_799 = arith.constant 38 : i32
    %get3A_800 = arith.index_cast %get3A_799 : i32 to index
    %get3A_801 = arith.constant 16 : index
    %get3A_802 = tpu.vector_load %arg7[%get3A_800, %get3A_801] {strides = array<i32>} : memref<40x50xi32, #tpu.memory_space<vmem>>, vector<16xi32>,
    tpu.vector_store_idx %arg12[%get3A_802], %broadcast_in_dim3A_3 {add = true} : memref<10000xf32, #tpu.memory_space<vmem>>[vector<16xi32>], vector<16xf32>,
    %get3A_803 = arith.constant 38 : i32
    %get3A_804 = arith.index_cast %get3A_803 : i32 to index
    %get3A_805 = arith.constant 32 : index
    %get3A_806 = tpu.vector_load %arg7[%get3A_804, %get3A_805] {strides = array<i32>} : memref<40x50xi32, #tpu.memory_space<vmem>>, vector<16xi32>,
    tpu.vector_store_idx %arg12[%get3A_806], %broadcast_in_dim3A_3 {add = true} : memref<10000xf32, #tpu.memory_space<vmem>>[vector<16xi32>], vector<16xf32>,
    %get3A_807 = arith.constant 38 : i32
    %get3A_808 = arith.index_cast %get3A_807 : i32 to index
    %get3A_809 = arith.constant 34 : index
    %get3A_810 = tpu.vector_load %arg7[%get3A_808, %get3A_809] {strides = array<i32>} : memref<40x50xi32, #tpu.memory_space<vmem>>, vector<16xi32>,
    tpu.vector_store_idx %arg12[%get3A_810], %broadcast_in_dim3A_3 masked %ge3A_348 {add = true} : memref<10000xf32, #tpu.memory_space<vmem>>[vector<16xi32>], vector<16xf32>, vector<16xi1>
    %get3A_811 = arith.constant 39 : i32
    %get3A_812 = arith.index_cast %get3A_811 : i32 to index
    %get3A_813 = arith.constant 0 : index
    %get3A_814 = tpu.vector_load %arg7[%get3A_812, %get3A_813] {strides = array<i32>} : memref<40x50xi32, #tpu.memory_space<vmem>>, vector<16xi32>,
    tpu.vector_store_idx %arg12[%get3A_814], %broadcast_in_dim3A_3 {add = true} : memref<10000xf32, #tpu.memory_space<vmem>>[vector<16xi32>], vector<16xf32>,
    %get3A_815 = arith.constant 39 : i32
    %get3A_816 = arith.index_cast %get3A_815 : i32 to index
    %get3A_817 = arith.constant 16 : index
    %get3A_818 = tpu.vector_load %arg7[%get3A_816, %get3A_817] {strides = array<i32>} : memref<40x50xi32, #tpu.memory_space<vmem>>, vector<16xi32>,
    tpu.vector_store_idx %arg12[%get3A_818], %broadcast_in_dim3A_3 {add = true} : memref<10000xf32, #tpu.memory_space<vmem>>[vector<16xi32>], vector<16xf32>,
    %get3A_819 = arith.constant 39 : i32
    %get3A_820 = arith.index_cast %get3A_819 : i32 to index
    %get3A_821 = arith.constant 32 : index
    %get3A_822 = tpu.vector_load %arg7[%get3A_820, %get3A_821] {strides = array<i32>} : memref<40x50xi32, #tpu.memory_space<vmem>>, vector<16xi32>,
    tpu.vector_store_idx %arg12[%get3A_822], %broadcast_in_dim3A_3 {add = true} : memref<10000xf32, #tpu.memory_space<vmem>>[vector<16xi32>], vector<16xf32>,
    %get3A_823 = arith.constant 39 : i32
    %get3A_824 = arith.index_cast %get3A_823 : i32 to index
    %get3A_825 = arith.constant 34 : index
    %get3A_826 = tpu.vector_load %arg7[%get3A_824, %get3A_825] {strides = array<i32>} : memref<40x50xi32, #tpu.memory_space<vmem>>, vector<16xi32>,
    tpu.vector_store_idx %arg12[%get3A_826], %broadcast_in_dim3A_3 masked %ge3A_348 {add = true} : memref<10000xf32, #tpu.memory_space<vmem>>[vector<16xi32>], vector<16xf32>, vector<16xi1>
    %dma_start3A_827 = arith.constant 0 : i32
    %dma_start3A_828 = arith.constant 120 : i32
    %dma_start3A_829 = arith.constant 0 : i32
    %dma_start3A_830 = tpu.memref_slice %arg3[%dma_start3A_827, %add3A, %dma_start3A_828, %dma_start3A_829] : memref<2x32x200x50xi32, #tpu.memory_space<hbm>> -> memref<1x1x40x50xi32, #tpu.memory_space<hbm>>
    %dma_start3A_831 = tpu.memref_squeeze %dma_start3A_830 : memref<1x1x40x50xi32, #tpu.memory_space<hbm>> -> memref<40x50xi32, #tpu.memory_space<hbm>>
    %dma_start3A_832 = arith.constant 120 : i32
    %dma_start3A_833 = arith.constant 0 : i32
    %dma_start3A_834 = tpu.memref_slice %arg3[%dma_start3A_827, %add3A, %dma_start3A_832, %dma_start3A_833] : memref<2x32x200x50xi32, #tpu.memory_space<hbm>> -> memref<1x1x40x50xi32, #tpu.memory_space<hbm>>
    %dma_start3A_835 = tpu.memref_squeeze %dma_start3A_834 : memref<1x1x40x50xi32, #tpu.memory_space<hbm>> -> memref<40x50xi32, #tpu.memory_space<hbm>>
    tpu.enqueue_dma source(%dma_start3A_835 : memref<40x50xi32, #tpu.memory_space<hbm>>) target(%arg6 : memref<40x50xi32, #tpu.memory_space<vmem>>) target_semaphore(%arg16 : memref<!tpu.dma_semaphore, #tpu.memory_space<semaphore_mem>>)
    %dma_start3A_836 = arith.constant 1 : i32
    %dma_start3A_837 = arith.constant 120 : i32
    %dma_start3A_838 = arith.constant 0 : i32
    %dma_start3A_839 = tpu.memref_slice %arg3[%dma_start3A_836, %add3A, %dma_start3A_837, %dma_start3A_838] : memref<2x32x200x50xi32, #tpu.memory_space<hbm>> -> memref<1x1x40x50xi32, #tpu.memory_space<hbm>>
    %dma_start3A_840 = tpu.memref_squeeze %dma_start3A_839 : memref<1x1x40x50xi32, #tpu.memory_space<hbm>> -> memref<40x50xi32, #tpu.memory_space<hbm>>
    %dma_start3A_841 = arith.constant 120 : i32
    %dma_start3A_842 = arith.constant 0 : i32
    %dma_start3A_843 = tpu.memref_slice %arg3[%dma_start3A_836, %add3A, %dma_start3A_841, %dma_start3A_842] : memref<2x32x200x50xi32, #tpu.memory_space<hbm>> -> memref<1x1x40x50xi32, #tpu.memory_space<hbm>>
    %dma_start3A_844 = tpu.memref_squeeze %dma_start3A_843 : memref<1x1x40x50xi32, #tpu.memory_space<hbm>> -> memref<40x50xi32, #tpu.memory_space<hbm>>
    tpu.enqueue_dma source(%dma_start3A_844 : memref<40x50xi32, #tpu.memory_space<hbm>>) target(%arg7 : memref<40x50xi32, #tpu.memory_space<vmem>>) target_semaphore(%arg17 : memref<!tpu.dma_semaphore, #tpu.memory_space<semaphore_mem>>)
    %dma_wait3A_845 = arith.constant 0 : i32
    %dma_wait3A_846 = arith.constant 120 : i32
    %dma_wait3A_847 = arith.constant 0 : i32
    %dma_wait3A_848 = tpu.memref_slice %arg3[%dma_wait3A_845, %add3A, %dma_wait3A_846, %dma_wait3A_847] : memref<2x32x200x50xi32, #tpu.memory_space<hbm>> -> memref<1x1x40x50xi32, #tpu.memory_space<hbm>>
    %dma_wait3A_849 = tpu.memref_squeeze %dma_wait3A_848 : memref<1x1x40x50xi32, #tpu.memory_space<hbm>> -> memref<40x50xi32, #tpu.memory_space<hbm>>
    %dma_wait3A_850 = arith.constant 120 : i32
    %dma_wait3A_851 = arith.constant 0 : i32
    %dma_wait3A_852 = tpu.memref_slice %arg3[%dma_wait3A_845, %add3A, %dma_wait3A_850, %dma_wait3A_851] : memref<2x32x200x50xi32, #tpu.memory_space<hbm>> -> memref<1x1x40x50xi32, #tpu.memory_space<hbm>>
    %dma_wait3A_853 = tpu.memref_squeeze %dma_wait3A_852 : memref<1x1x40x50xi32, #tpu.memory_space<hbm>> -> memref<40x50xi32, #tpu.memory_space<hbm>>
    tpu.wait_dma2 semaphore(%arg16 : memref<!tpu.dma_semaphore, #tpu.memory_space<semaphore_mem>>) src(%dma_wait3A_853 : memref<40x50xi32, #tpu.memory_space<hbm>>) dst(%arg6 : memref<40x50xi32, #tpu.memory_space<vmem>>)
    %dma_wait3A_854 = arith.constant 1 : i32
    %dma_wait3A_855 = arith.constant 120 : i32
    %dma_wait3A_856 = arith.constant 0 : i32
    %dma_wait3A_857 = tpu.memref_slice %arg3[%dma_wait3A_854, %add3A, %dma_wait3A_855, %dma_wait3A_856] : memref<2x32x200x50xi32, #tpu.memory_space<hbm>> -> memref<1x1x40x50xi32, #tpu.memory_space<hbm>>
    %dma_wait3A_858 = tpu.memref_squeeze %dma_wait3A_857 : memref<1x1x40x50xi32, #tpu.memory_space<hbm>> -> memref<40x50xi32, #tpu.memory_space<hbm>>
    %dma_wait3A_859 = arith.constant 120 : i32
    %dma_wait3A_860 = arith.constant 0 : i32
    %dma_wait3A_861 = tpu.memref_slice %arg3[%dma_wait3A_854, %add3A, %dma_wait3A_859, %dma_wait3A_860] : memref<2x32x200x50xi32, #tpu.memory_space<hbm>> -> memref<1x1x40x50xi32, #tpu.memory_space<hbm>>
    %dma_wait3A_862 = tpu.memref_squeeze %dma_wait3A_861 : memref<1x1x40x50xi32, #tpu.memory_space<hbm>> -> memref<40x50xi32, #tpu.memory_space<hbm>>
    tpu.wait_dma2 semaphore(%arg17 : memref<!tpu.dma_semaphore, #tpu.memory_space<semaphore_mem>>) src(%dma_wait3A_862 : memref<40x50xi32, #tpu.memory_space<hbm>>) dst(%arg7 : memref<40x50xi32, #tpu.memory_space<vmem>>)
    %dma_start3A_863 = arith.constant 0 : i32
    %dma_start3A_864 = arith.constant 0 : i32
    %dma_start3A_865 = tpu.memref_slice %arg6[%dma_start3A_863, %dma_start3A_864] : memref<40x50xi32, #tpu.memory_space<vmem>> -> memref<1x50xi32, #tpu.memory_space<vmem>>
    %dma_start3A_866 = tpu.memref_squeeze %dma_start3A_865 : memref<1x50xi32, #tpu.memory_space<vmem>> -> memref<50xi32, #tpu.memory_space<vmem>>
    %dma_start3A_867 = arith.constant 0 : i32
    %dma_start3A_868 = arith.constant 0 : i32
    %dma_start3A_869 = tpu.memref_slice %arg2[%dma_start3A_867, %dma_start3A_868] : memref<10000x128xf32, #tpu.memory_space<hbm>> -> memref<10000x128xf32, #tpu.memory_space<hbm>>
    tpu.enqueue_indirect_dma source(%dma_start3A_869 : memref<10000x128xf32, #tpu.memory_space<hbm>>) target(%arg8 : memref<50x128xf32, #tpu.memory_space<vmem>>) offsets(%dma_start3A_866 : memref<50xi32, #tpu.memory_space<vmem>>) semaphore(%arg14 : memref<!tpu.dma_semaphore, #tpu.memory_space<semaphore_mem>>)
    %dma_start3A_870 = arith.constant 1 : i32
    %dma_start3A_871 = arith.constant 0 : i32
    %dma_start3A_872 = tpu.memref_slice %arg6[%dma_start3A_870, %dma_start3A_871] : memref<40x50xi32, #tpu.memory_space<vmem>> -> memref<1x50xi32, #tpu.memory_space<vmem>>
    %dma_start3A_873 = tpu.memref_squeeze %dma_start3A_872 : memref<1x50xi32, #tpu.memory_space<vmem>> -> memref<50xi32, #tpu.memory_space<vmem>>
    %dma_start3A_874 = arith.constant 0 : i32
    %dma_start3A_875 = arith.constant 0 : i32
    %dma_start3A_876 = tpu.memref_slice %arg2[%dma_start3A_874, %dma_start3A_875] : memref<10000x128xf32, #tpu.memory_space<hbm>> -> memref<10000x128xf32, #tpu.memory_space<hbm>>
    tpu.enqueue_indirect_dma source(%dma_start3A_876 : memref<10000x128xf32, #tpu.memory_space<hbm>>) target(%arg9 : memref<50x128xf32, #tpu.memory_space<vmem>>) offsets(%dma_start3A_873 : memref<50xi32, #tpu.memory_space<vmem>>) semaphore(%arg15 : memref<!tpu.dma_semaphore, #tpu.memory_space<semaphore_mem>>)
    %dma_start3A_877 = arith.constant 2 : i32
    %dma_start3A_878 = arith.constant 0 : i32
    %dma_start3A_879 = tpu.memref_slice %arg6[%dma_start3A_877, %dma_start3A_878] : memref<40x50xi32, #tpu.memory_space<vmem>> -> memref<1x50xi32, #tpu.memory_space<vmem>>
    %dma_start3A_880 = tpu.memref_squeeze %dma_start3A_879 : memref<1x50xi32, #tpu.memory_space<vmem>> -> memref<50xi32, #tpu.memory_space<vmem>>
    %dma_start3A_881 = arith.constant 0 : i32
    %dma_start3A_882 = arith.constant 0 : i32
    %dma_start3A_883 = tpu.memref_slice %arg2[%dma_start3A_881, %dma_start3A_882] : memref<10000x128xf32, #tpu.memory_space<hbm>> -> memref<10000x128xf32, #tpu.memory_space<hbm>>
    tpu.enqueue_indirect_dma source(%dma_start3A_883 : memref<10000x128xf32, #tpu.memory_space<hbm>>) target(%arg10 : memref<50x128xf32, #tpu.memory_space<vmem>>) offsets(%dma_start3A_880 : memref<50xi32, #tpu.memory_space<vmem>>) semaphore(%arg16 : memref<!tpu.dma_semaphore, #tpu.memory_space<semaphore_mem>>)
    %dma_start3A_884 = arith.constant 3 : i32
    %dma_start3A_885 = arith.constant 0 : i32
    %dma_start3A_886 = tpu.memref_slice %arg6[%dma_start3A_884, %dma_start3A_885] : memref<40x50xi32, #tpu.memory_space<vmem>> -> memref<1x50xi32, #tpu.memory_space<vmem>>
    %dma_start3A_887 = tpu.memref_squeeze %dma_start3A_886 : memref<1x50xi32, #tpu.memory_space<vmem>> -> memref<50xi32, #tpu.memory_space<vmem>>
    %dma_start3A_888 = arith.constant 0 : i32
    %dma_start3A_889 = arith.constant 0 : i32
    %dma_start3A_890 = tpu.memref_slice %arg2[%dma_start3A_888, %dma_start3A_889] : memref<10000x128xf32, #tpu.memory_space<hbm>> -> memref<10000x128xf32, #tpu.memory_space<hbm>>
    tpu.enqueue_indirect_dma source(%dma_start3A_890 : memref<10000x128xf32, #tpu.memory_space<hbm>>) target(%arg11 : memref<50x128xf32, #tpu.memory_space<vmem>>) offsets(%dma_start3A_887 : memref<50xi32, #tpu.memory_space<vmem>>) semaphore(%arg17 : memref<!tpu.dma_semaphore, #tpu.memory_space<semaphore_mem>>)
    %scan3A_891 = arith.constant 0 : i32
    %scan3A_892 = arith.constant 0 : i32
    %scan3A_893 = arith.constant 9 : i32
    %scan3A_894 = arith.addi %scan3A_892, %scan3A_893 : i32
    %scan3A_895 = arith.constant 1 : i32
    scf.for %scan3A_1557 = %scan3A_892 to %scan3A_894 step %scan3A_895  : i32 {
      %mul3A_1558 = arith.constant 4 : i32
      %mul3A_1559 = arith.muli %mul3A_1558, %scan3A_1557 : i32
      %add3A_1560 = arith.constant 0 : i32
      %add3A_1561 = arith.addi %mul3A_1559, %add3A_1560 : i32
      %dma_wait3A_1562 = arith.constant 0 : i32
      %dma_wait3A_1563 = tpu.memref_slice %arg6[%add3A_1561, %dma_wait3A_1562] : memref<40x50xi32, #tpu.memory_space<vmem>> -> memref<1x50xi32, #tpu.memory_space<vmem>>
      %dma_wait3A_1564 = tpu.memref_squeeze %dma_wait3A_1563 : memref<1x50xi32, #tpu.memory_space<vmem>> -> memref<50xi32, #tpu.memory_space<vmem>>
      %dma_wait3A_1565 = arith.constant 0 : i32
      %dma_wait3A_1566 = arith.constant 0 : i32
      %dma_wait3A_1567 = tpu.memref_slice %arg2[%dma_wait3A_1565, %dma_wait3A_1566] : memref<10000x128xf32, #tpu.memory_space<hbm>> -> memref<10000x128xf32, #tpu.memory_space<hbm>>
      tpu.wait_indirect_dma semaphore(%arg14 : memref<!tpu.dma_semaphore, #tpu.memory_space<semaphore_mem>>) src(%dma_wait3A_1567 : memref<10000x128xf32, #tpu.memory_space<hbm>>) dst(%arg8 : memref<50x128xf32, #tpu.memory_space<vmem>>)
      %mul3A_1568 = arith.constant 4 : i32
      %mul3A_1569 = arith.muli %mul3A_1568, %scan3A_1557 : i32
      %add3A_1570 = arith.constant 0 : i32
      %add3A_1571 = arith.addi %mul3A_1569, %add3A_1570 : i32
      "tpu.region"() ({
        %run_scoped3A_1726 = tpu.sem_alloc : memref<!tpu.dma_semaphore, #tpu.memory_space<semaphore_mem>>
        %dma_start3A_1727 = arith.constant 0 : i32
        %dma_start3A_1728 = tpu.memref_slice %arg7[%add3A_1571, %dma_start3A_1727] : memref<40x50xi32, #tpu.memory_space<vmem>> -> memref<1x50xi32, #tpu.memory_space<vmem>>
        %dma_start3A_1729 = tpu.memref_squeeze %dma_start3A_1728 : memref<1x50xi32, #tpu.memory_space<vmem>> -> memref<50xi32, #tpu.memory_space<vmem>>
        %dma_start3A_1730 = arith.constant 0 : i32
        %dma_start3A_1731 = arith.constant 0 : i32
        %dma_start3A_1732 = tpu.memref_slice %arg13[%dma_start3A_1730, %dma_start3A_1731] : memref<10000x128xf32, #tpu.memory_space<vmem_shared>> -> memref<10000x128xf32, #tpu.memory_space<vmem_shared>>
        tpu.enqueue_indirect_dma source(%arg8 : memref<50x128xf32, #tpu.memory_space<vmem>>) target(%dma_start3A_1732 : memref<10000x128xf32, #tpu.memory_space<vmem_shared>>) offsets(%dma_start3A_1729 : memref<50xi32, #tpu.memory_space<vmem>>) semaphore(%run_scoped3A_1726 : memref<!tpu.dma_semaphore, #tpu.memory_space<semaphore_mem>>) {add = true}
        %dma_wait3A_1733 = arith.constant 0 : i32
        %dma_wait3A_1734 = tpu.memref_slice %arg7[%add3A_1571, %dma_wait3A_1733] : memref<40x50xi32, #tpu.memory_space<vmem>> -> memref<1x50xi32, #tpu.memory_space<vmem>>
        %dma_wait3A_1735 = tpu.memref_squeeze %dma_wait3A_1734 : memref<1x50xi32, #tpu.memory_space<vmem>> -> memref<50xi32, #tpu.memory_space<vmem>>
        %dma_wait3A_1736 = arith.constant 0 : i32
        %dma_wait3A_1737 = arith.constant 0 : i32
        %dma_wait3A_1738 = tpu.memref_slice %arg13[%dma_wait3A_1736, %dma_wait3A_1737] : memref<10000x128xf32, #tpu.memory_space<vmem_shared>> -> memref<10000x128xf32, #tpu.memory_space<vmem_shared>>
        tpu.wait_indirect_dma semaphore(%run_scoped3A_1726 : memref<!tpu.dma_semaphore, #tpu.memory_space<semaphore_mem>>) src(%arg8 : memref<50x128xf32, #tpu.memory_space<vmem>>) dst(%dma_wait3A_1738 : memref<10000x128xf32, #tpu.memory_space<vmem_shared>>)
        tpu.yield
      }) : () -> ()
      %add3A_1572 = arith.constant 1 : i32
      %add3A_1573 = arith.addi %scan3A_1557, %add3A_1572 : i32
      %mul3A_1574 = arith.constant 4 : i32
      %mul3A_1575 = arith.muli %mul3A_1574, %add3A_1573 : i32
      %add3A_1576 = arith.constant 0 : i32
      %add3A_1577 = arith.addi %mul3A_1575, %add3A_1576 : i32
      %dma_start3A_1578 = arith.constant 0 : i32
      %dma_start3A_1579 = tpu.memref_slice %arg6[%add3A_1577, %dma_start3A_1578] : memref<40x50xi32, #tpu.memory_space<vmem>> -> memref<1x50xi32, #tpu.memory_space<vmem>>
      %dma_start3A_1580 = tpu.memref_squeeze %dma_start3A_1579 : memref<1x50xi32, #tpu.memory_space<vmem>> -> memref<50xi32, #tpu.memory_space<vmem>>
      %dma_start3A_1581 = arith.constant 0 : i32
      %dma_start3A_1582 = arith.constant 0 : i32
      %dma_start3A_1583 = tpu.memref_slice %arg2[%dma_start3A_1581, %dma_start3A_1582] : memref<10000x128xf32, #tpu.memory_space<hbm>> -> memref<10000x128xf32, #tpu.memory_space<hbm>>
      tpu.enqueue_indirect_dma source(%dma_start3A_1583 : memref<10000x128xf32, #tpu.memory_space<hbm>>) target(%arg8 : memref<50x128xf32, #tpu.memory_space<vmem>>) offsets(%dma_start3A_1580 : memref<50xi32, #tpu.memory_space<vmem>>) semaphore(%arg14 : memref<!tpu.dma_semaphore, #tpu.memory_space<semaphore_mem>>)
      %mul3A_1584 = arith.constant 4 : i32
      %mul3A_1585 = arith.muli %mul3A_1584, %scan3A_1557 : i32
      %add3A_1586 = arith.constant 1 : i32
      %add3A_1587 = arith.addi %mul3A_1585, %add3A_1586 : i32
      %dma_wait3A_1588 = arith.constant 0 : i32
      %dma_wait3A_1589 = tpu.memref_slice %arg6[%add3A_1587, %dma_wait3A_1588] : memref<40x50xi32, #tpu.memory_space<vmem>> -> memref<1x50xi32, #tpu.memory_space<vmem>>
      %dma_wait3A_1590 = tpu.memref_squeeze %dma_wait3A_1589 : memref<1x50xi32, #tpu.memory_space<vmem>> -> memref<50xi32, #tpu.memory_space<vmem>>
      %dma_wait3A_1591 = arith.constant 0 : i32
      %dma_wait3A_1592 = arith.constant 0 : i32
      %dma_wait3A_1593 = tpu.memref_slice %arg2[%dma_wait3A_1591, %dma_wait3A_1592] : memref<10000x128xf32, #tpu.memory_space<hbm>> -> memref<10000x128xf32, #tpu.memory_space<hbm>>
      tpu.wait_indirect_dma semaphore(%arg15 : memref<!tpu.dma_semaphore, #tpu.memory_space<semaphore_mem>>) src(%dma_wait3A_1593 : memref<10000x128xf32, #tpu.memory_space<hbm>>) dst(%arg9 : memref<50x128xf32, #tpu.memory_space<vmem>>)
      %mul3A_1594 = arith.constant 4 : i32
      %mul3A_1595 = arith.muli %mul3A_1594, %scan3A_1557 : i32
      %add3A_1596 = arith.constant 1 : i32
      %add3A_1597 = arith.addi %mul3A_1595, %add3A_1596 : i32
      "tpu.region"() ({
        %run_scoped3A_1726 = tpu.sem_alloc : memref<!tpu.dma_semaphore, #tpu.memory_space<semaphore_mem>>
        %dma_start3A_1727 = arith.constant 0 : i32
        %dma_start3A_1728 = tpu.memref_slice %arg7[%add3A_1597, %dma_start3A_1727] : memref<40x50xi32, #tpu.memory_space<vmem>> -> memref<1x50xi32, #tpu.memory_space<vmem>>
        %dma_start3A_1729 = tpu.memref_squeeze %dma_start3A_1728 : memref<1x50xi32, #tpu.memory_space<vmem>> -> memref<50xi32, #tpu.memory_space<vmem>>
        %dma_start3A_1730 = arith.constant 0 : i32
        %dma_start3A_1731 = arith.constant 0 : i32
        %dma_start3A_1732 = tpu.memref_slice %arg13[%dma_start3A_1730, %dma_start3A_1731] : memref<10000x128xf32, #tpu.memory_space<vmem_shared>> -> memref<10000x128xf32, #tpu.memory_space<vmem_shared>>
        tpu.enqueue_indirect_dma source(%arg9 : memref<50x128xf32, #tpu.memory_space<vmem>>) target(%dma_start3A_1732 : memref<10000x128xf32, #tpu.memory_space<vmem_shared>>) offsets(%dma_start3A_1729 : memref<50xi32, #tpu.memory_space<vmem>>) semaphore(%run_scoped3A_1726 : memref<!tpu.dma_semaphore, #tpu.memory_space<semaphore_mem>>) {add = true}
        %dma_wait3A_1733 = arith.constant 0 : i32
        %dma_wait3A_1734 = tpu.memref_slice %arg7[%add3A_1597, %dma_wait3A_1733] : memref<40x50xi32, #tpu.memory_space<vmem>> -> memref<1x50xi32, #tpu.memory_space<vmem>>
        %dma_wait3A_1735 = tpu.memref_squeeze %dma_wait3A_1734 : memref<1x50xi32, #tpu.memory_space<vmem>> -> memref<50xi32, #tpu.memory_space<vmem>>
        %dma_wait3A_1736 = arith.constant 0 : i32
        %dma_wait3A_1737 = arith.constant 0 : i32
        %dma_wait3A_1738 = tpu.memref_slice %arg13[%dma_wait3A_1736, %dma_wait3A_1737] : memref<10000x128xf32, #tpu.memory_space<vmem_shared>> -> memref<10000x128xf32, #tpu.memory_space<vmem_shared>>
        tpu.wait_indirect_dma semaphore(%run_scoped3A_1726 : memref<!tpu.dma_semaphore, #tpu.memory_space<semaphore_mem>>) src(%arg9 : memref<50x128xf32, #tpu.memory_space<vmem>>) dst(%dma_wait3A_1738 : memref<10000x128xf32, #tpu.memory_space<vmem_shared>>)
        tpu.yield
      }) : () -> ()
      %add3A_1598 = arith.constant 1 : i32
      %add3A_1599 = arith.addi %scan3A_1557, %add3A_1598 : i32
      %mul3A_1600 = arith.constant 4 : i32
      %mul3A_1601 = arith.muli %mul3A_1600, %add3A_1599 : i32
      %add3A_1602 = arith.constant 1 : i32
      %add3A_1603 = arith.addi %mul3A_1601, %add3A_1602 : i32
      %dma_start3A_1604 = arith.constant 0 : i32
      %dma_start3A_1605 = tpu.memref_slice %arg6[%add3A_1603, %dma_start3A_1604] : memref<40x50xi32, #tpu.memory_space<vmem>> -> memref<1x50xi32, #tpu.memory_space<vmem>>
      %dma_start3A_1606 = tpu.memref_squeeze %dma_start3A_1605 : memref<1x50xi32, #tpu.memory_space<vmem>> -> memref<50xi32, #tpu.memory_space<vmem>>
      %dma_start3A_1607 = arith.constant 0 : i32
      %dma_start3A_1608 = arith.constant 0 : i32
      %dma_start3A_1609 = tpu.memref_slice %arg2[%dma_start3A_1607, %dma_start3A_1608] : memref<10000x128xf32, #tpu.memory_space<hbm>> -> memref<10000x128xf32, #tpu.memory_space<hbm>>
      tpu.enqueue_indirect_dma source(%dma_start3A_1609 : memref<10000x128xf32, #tpu.memory_space<hbm>>) target(%arg9 : memref<50x128xf32, #tpu.memory_space<vmem>>) offsets(%dma_start3A_1606 : memref<50xi32, #tpu.memory_space<vmem>>) semaphore(%arg15 : memref<!tpu.dma_semaphore, #tpu.memory_space<semaphore_mem>>)
      %mul3A_1610 = arith.constant 4 : i32
      %mul3A_1611 = arith.muli %mul3A_1610, %scan3A_1557 : i32
      %add3A_1612 = arith.constant 2 : i32
      %add3A_1613 = arith.addi %mul3A_1611, %add3A_1612 : i32
      %dma_wait3A_1614 = arith.constant 0 : i32
      %dma_wait3A_1615 = tpu.memref_slice %arg6[%add3A_1613, %dma_wait3A_1614] : memref<40x50xi32, #tpu.memory_space<vmem>> -> memref<1x50xi32, #tpu.memory_space<vmem>>
      %dma_wait3A_1616 = tpu.memref_squeeze %dma_wait3A_1615 : memref<1x50xi32, #tpu.memory_space<vmem>> -> memref<50xi32, #tpu.memory_space<vmem>>
      %dma_wait3A_1617 = arith.constant 0 : i32
      %dma_wait3A_1618 = arith.constant 0 : i32
      %dma_wait3A_1619 = tpu.memref_slice %arg2[%dma_wait3A_1617, %dma_wait3A_1618] : memref<10000x128xf32, #tpu.memory_space<hbm>> -> memref<10000x128xf32, #tpu.memory_space<hbm>>
      tpu.wait_indirect_dma semaphore(%arg16 : memref<!tpu.dma_semaphore, #tpu.memory_space<semaphore_mem>>) src(%dma_wait3A_1619 : memref<10000x128xf32, #tpu.memory_space<hbm>>) dst(%arg10 : memref<50x128xf32, #tpu.memory_space<vmem>>)
      %mul3A_1620 = arith.constant 4 : i32
      %mul3A_1621 = arith.muli %mul3A_1620, %scan3A_1557 : i32
      %add3A_1622 = arith.constant 2 : i32
      %add3A_1623 = arith.addi %mul3A_1621, %add3A_1622 : i32
      "tpu.region"() ({
        %run_scoped3A_1726 = tpu.sem_alloc : memref<!tpu.dma_semaphore, #tpu.memory_space<semaphore_mem>>
        %dma_start3A_1727 = arith.constant 0 : i32
        %dma_start3A_1728 = tpu.memref_slice %arg7[%add3A_1623, %dma_start3A_1727] : memref<40x50xi32, #tpu.memory_space<vmem>> -> memref<1x50xi32, #tpu.memory_space<vmem>>
        %dma_start3A_1729 = tpu.memref_squeeze %dma_start3A_1728 : memref<1x50xi32, #tpu.memory_space<vmem>> -> memref<50xi32, #tpu.memory_space<vmem>>
        %dma_start3A_1730 = arith.constant 0 : i32
        %dma_start3A_1731 = arith.constant 0 : i32
        %dma_start3A_1732 = tpu.memref_slice %arg13[%dma_start3A_1730, %dma_start3A_1731] : memref<10000x128xf32, #tpu.memory_space<vmem_shared>> -> memref<10000x128xf32, #tpu.memory_space<vmem_shared>>
        tpu.enqueue_indirect_dma source(%arg10 : memref<50x128xf32, #tpu.memory_space<vmem>>) target(%dma_start3A_1732 : memref<10000x128xf32, #tpu.memory_space<vmem_shared>>) offsets(%dma_start3A_1729 : memref<50xi32, #tpu.memory_space<vmem>>) semaphore(%run_scoped3A_1726 : memref<!tpu.dma_semaphore, #tpu.memory_space<semaphore_mem>>) {add = true}
        %dma_wait3A_1733 = arith.constant 0 : i32
        %dma_wait3A_1734 = tpu.memref_slice %arg7[%add3A_1623, %dma_wait3A_1733] : memref<40x50xi32, #tpu.memory_space<vmem>> -> memref<1x50xi32, #tpu.memory_space<vmem>>
        %dma_wait3A_1735 = tpu.memref_squeeze %dma_wait3A_1734 : memref<1x50xi32, #tpu.memory_space<vmem>> -> memref<50xi32, #tpu.memory_space<vmem>>
        %dma_wait3A_1736 = arith.constant 0 : i32
        %dma_wait3A_1737 = arith.constant 0 : i32
        %dma_wait3A_1738 = tpu.memref_slice %arg13[%dma_wait3A_1736, %dma_wait3A_1737] : memref<10000x128xf32, #tpu.memory_space<vmem_shared>> -> memref<10000x128xf32, #tpu.memory_space<vmem_shared>>
        tpu.wait_indirect_dma semaphore(%run_scoped3A_1726 : memref<!tpu.dma_semaphore, #tpu.memory_space<semaphore_mem>>) src(%arg10 : memref<50x128xf32, #tpu.memory_space<vmem>>) dst(%dma_wait3A_1738 : memref<10000x128xf32, #tpu.memory_space<vmem_shared>>)
        tpu.yield
      }) : () -> ()
      %add3A_1624 = arith.constant 1 : i32
      %add3A_1625 = arith.addi %scan3A_1557, %add3A_1624 : i32
      %mul3A_1626 = arith.constant 4 : i32
      %mul3A_1627 = arith.muli %mul3A_1626, %add3A_1625 : i32
      %add3A_1628 = arith.constant 2 : i32
      %add3A_1629 = arith.addi %mul3A_1627, %add3A_1628 : i32
      %dma_start3A_1630 = arith.constant 0 : i32
      %dma_start3A_1631 = tpu.memref_slice %arg6[%add3A_1629, %dma_start3A_1630] : memref<40x50xi32, #tpu.memory_space<vmem>> -> memref<1x50xi32, #tpu.memory_space<vmem>>
      %dma_start3A_1632 = tpu.memref_squeeze %dma_start3A_1631 : memref<1x50xi32, #tpu.memory_space<vmem>> -> memref<50xi32, #tpu.memory_space<vmem>>
      %dma_start3A_1633 = arith.constant 0 : i32
      %dma_start3A_1634 = arith.constant 0 : i32
      %dma_start3A_1635 = tpu.memref_slice %arg2[%dma_start3A_1633, %dma_start3A_1634] : memref<10000x128xf32, #tpu.memory_space<hbm>> -> memref<10000x128xf32, #tpu.memory_space<hbm>>
      tpu.enqueue_indirect_dma source(%dma_start3A_1635 : memref<10000x128xf32, #tpu.memory_space<hbm>>) target(%arg10 : memref<50x128xf32, #tpu.memory_space<vmem>>) offsets(%dma_start3A_1632 : memref<50xi32, #tpu.memory_space<vmem>>) semaphore(%arg16 : memref<!tpu.dma_semaphore, #tpu.memory_space<semaphore_mem>>)
      %mul3A_1636 = arith.constant 4 : i32
      %mul3A_1637 = arith.muli %mul3A_1636, %scan3A_1557 : i32
      %add3A_1638 = arith.constant 3 : i32
      %add3A_1639 = arith.addi %mul3A_1637, %add3A_1638 : i32
      %dma_wait3A_1640 = arith.constant 0 : i32
      %dma_wait3A_1641 = tpu.memref_slice %arg6[%add3A_1639, %dma_wait3A_1640] : memref<40x50xi32, #tpu.memory_space<vmem>> -> memref<1x50xi32, #tpu.memory_space<vmem>>
      %dma_wait3A_1642 = tpu.memref_squeeze %dma_wait3A_1641 : memref<1x50xi32, #tpu.memory_space<vmem>> -> memref<50xi32, #tpu.memory_space<vmem>>
      %dma_wait3A_1643 = arith.constant 0 : i32
      %dma_wait3A_1644 = arith.constant 0 : i32
      %dma_wait3A_1645 = tpu.memref_slice %arg2[%dma_wait3A_1643, %dma_wait3A_1644] : memref<10000x128xf32, #tpu.memory_space<hbm>> -> memref<10000x128xf32, #tpu.memory_space<hbm>>
      tpu.wait_indirect_dma semaphore(%arg17 : memref<!tpu.dma_semaphore, #tpu.memory_space<semaphore_mem>>) src(%dma_wait3A_1645 : memref<10000x128xf32, #tpu.memory_space<hbm>>) dst(%arg11 : memref<50x128xf32, #tpu.memory_space<vmem>>)
      %mul3A_1646 = arith.constant 4 : i32
      %mul3A_1647 = arith.muli %mul3A_1646, %scan3A_1557 : i32
      %add3A_1648 = arith.constant 3 : i32
      %add3A_1649 = arith.addi %mul3A_1647, %add3A_1648 : i32
      "tpu.region"() ({
        %run_scoped3A_1726 = tpu.sem_alloc : memref<!tpu.dma_semaphore, #tpu.memory_space<semaphore_mem>>
        %dma_start3A_1727 = arith.constant 0 : i32
        %dma_start3A_1728 = tpu.memref_slice %arg7[%add3A_1649, %dma_start3A_1727] : memref<40x50xi32, #tpu.memory_space<vmem>> -> memref<1x50xi32, #tpu.memory_space<vmem>>
        %dma_start3A_1729 = tpu.memref_squeeze %dma_start3A_1728 : memref<1x50xi32, #tpu.memory_space<vmem>> -> memref<50xi32, #tpu.memory_space<vmem>>
        %dma_start3A_1730 = arith.constant 0 : i32
        %dma_start3A_1731 = arith.constant 0 : i32
        %dma_start3A_1732 = tpu.memref_slice %arg13[%dma_start3A_1730, %dma_start3A_1731] : memref<10000x128xf32, #tpu.memory_space<vmem_shared>> -> memref<10000x128xf32, #tpu.memory_space<vmem_shared>>
        tpu.enqueue_indirect_dma source(%arg11 : memref<50x128xf32, #tpu.memory_space<vmem>>) target(%dma_start3A_1732 : memref<10000x128xf32, #tpu.memory_space<vmem_shared>>) offsets(%dma_start3A_1729 : memref<50xi32, #tpu.memory_space<vmem>>) semaphore(%run_scoped3A_1726 : memref<!tpu.dma_semaphore, #tpu.memory_space<semaphore_mem>>) {add = true}
        %dma_wait3A_1733 = arith.constant 0 : i32
        %dma_wait3A_1734 = tpu.memref_slice %arg7[%add3A_1649, %dma_wait3A_1733] : memref<40x50xi32, #tpu.memory_space<vmem>> -> memref<1x50xi32, #tpu.memory_space<vmem>>
        %dma_wait3A_1735 = tpu.memref_squeeze %dma_wait3A_1734 : memref<1x50xi32, #tpu.memory_space<vmem>> -> memref<50xi32, #tpu.memory_space<vmem>>
        %dma_wait3A_1736 = arith.constant 0 : i32
        %dma_wait3A_1737 = arith.constant 0 : i32
        %dma_wait3A_1738 = tpu.memref_slice %arg13[%dma_wait3A_1736, %dma_wait3A_1737] : memref<10000x128xf32, #tpu.memory_space<vmem_shared>> -> memref<10000x128xf32, #tpu.memory_space<vmem_shared>>
        tpu.wait_indirect_dma semaphore(%run_scoped3A_1726 : memref<!tpu.dma_semaphore, #tpu.memory_space<semaphore_mem>>) src(%arg11 : memref<50x128xf32, #tpu.memory_space<vmem>>) dst(%dma_wait3A_1738 : memref<10000x128xf32, #tpu.memory_space<vmem_shared>>)
        tpu.yield
      }) : () -> ()
      %add3A_1650 = arith.constant 1 : i32
      %add3A_1651 = arith.addi %scan3A_1557, %add3A_1650 : i32
      %mul3A_1652 = arith.constant 4 : i32
      %mul3A_1653 = arith.muli %mul3A_1652, %add3A_1651 : i32
      %add3A_1654 = arith.constant 3 : i32
      %add3A_1655 = arith.addi %mul3A_1653, %add3A_1654 : i32
      %dma_start3A_1656 = arith.constant 0 : i32
      %dma_start3A_1657 = tpu.memref_slice %arg6[%add3A_1655, %dma_start3A_1656] : memref<40x50xi32, #tpu.memory_space<vmem>> -> memref<1x50xi32, #tpu.memory_space<vmem>>
      %dma_start3A_1658 = tpu.memref_squeeze %dma_start3A_1657 : memref<1x50xi32, #tpu.memory_space<vmem>> -> memref<50xi32, #tpu.memory_space<vmem>>
      %dma_start3A_1659 = arith.constant 0 : i32
      %dma_start3A_1660 = arith.constant 0 : i32
      %dma_start3A_1661 = tpu.memref_slice %arg2[%dma_start3A_1659, %dma_start3A_1660] : memref<10000x128xf32, #tpu.memory_space<hbm>> -> memref<10000x128xf32, #tpu.memory_space<hbm>>
      tpu.enqueue_indirect_dma source(%dma_start3A_1661 : memref<10000x128xf32, #tpu.memory_space<hbm>>) target(%arg11 : memref<50x128xf32, #tpu.memory_space<vmem>>) offsets(%dma_start3A_1658 : memref<50xi32, #tpu.memory_space<vmem>>) semaphore(%arg17 : memref<!tpu.dma_semaphore, #tpu.memory_space<semaphore_mem>>)
      %mul3A_1662 = arith.constant 4 : i32
      %mul3A_1663 = arith.muli %mul3A_1662, %scan3A_1557 : i32
      %add3A_1664 = arith.constant 0 : i32
      %add3A_1665 = arith.addi %mul3A_1663, %add3A_1664 : i32
      %get3A_1666 = arith.index_cast %add3A_1665 : i32 to index
      %get3A_1667 = arith.constant 0 : index
      %get3A_1668 = tpu.vector_load %arg7[%get3A_1666, %get3A_1667] {strides = array<i32>} : memref<40x50xi32, #tpu.memory_space<vmem>>, vector<16xi32>,
      tpu.vector_store_idx %arg12[%get3A_1668], %broadcast_in_dim3A_3 {add = true} : memref<10000xf32, #tpu.memory_space<vmem>>[vector<16xi32>], vector<16xf32>,
      %get3A_1669 = arith.index_cast %add3A_1665 : i32 to index
      %get3A_1670 = arith.constant 16 : index
      %get3A_1671 = tpu.vector_load %arg7[%get3A_1669, %get3A_1670] {strides = array<i32>} : memref<40x50xi32, #tpu.memory_space<vmem>>, vector<16xi32>,
      tpu.vector_store_idx %arg12[%get3A_1671], %broadcast_in_dim3A_3 {add = true} : memref<10000xf32, #tpu.memory_space<vmem>>[vector<16xi32>], vector<16xf32>,
      %get3A_1672 = arith.index_cast %add3A_1665 : i32 to index
      %get3A_1673 = arith.constant 32 : index
      %get3A_1674 = tpu.vector_load %arg7[%get3A_1672, %get3A_1673] {strides = array<i32>} : memref<40x50xi32, #tpu.memory_space<vmem>>, vector<16xi32>,
      tpu.vector_store_idx %arg12[%get3A_1674], %broadcast_in_dim3A_3 {add = true} : memref<10000xf32, #tpu.memory_space<vmem>>[vector<16xi32>], vector<16xf32>,
      %get3A_1675 = arith.index_cast %add3A_1665 : i32 to index
      %get3A_1676 = arith.constant 34 : index
      %get3A_1677 = tpu.vector_load %arg7[%get3A_1675, %get3A_1676] {strides = array<i32>} : memref<40x50xi32, #tpu.memory_space<vmem>>, vector<16xi32>,
      tpu.vector_store_idx %arg12[%get3A_1677], %broadcast_in_dim3A_3 masked %ge3A_348 {add = true} : memref<10000xf32, #tpu.memory_space<vmem>>[vector<16xi32>], vector<16xf32>, vector<16xi1>
      %mul3A_1678 = arith.constant 4 : i32
      %mul3A_1679 = arith.muli %mul3A_1678, %scan3A_1557 : i32
      %add3A_1680 = arith.constant 1 : i32
      %add3A_1681 = arith.addi %mul3A_1679, %add3A_1680 : i32
      %get3A_1682 = arith.index_cast %add3A_1681 : i32 to index
      %get3A_1683 = arith.constant 0 : index
      %get3A_1684 = tpu.vector_load %arg7[%get3A_1682, %get3A_1683] {strides = array<i32>} : memref<40x50xi32, #tpu.memory_space<vmem>>, vector<16xi32>,
      tpu.vector_store_idx %arg12[%get3A_1684], %broadcast_in_dim3A_3 {add = true} : memref<10000xf32, #tpu.memory_space<vmem>>[vector<16xi32>], vector<16xf32>,
      %get3A_1685 = arith.index_cast %add3A_1681 : i32 to index
      %get3A_1686 = arith.constant 16 : index
      %get3A_1687 = tpu.vector_load %arg7[%get3A_1685, %get3A_1686] {strides = array<i32>} : memref<40x50xi32, #tpu.memory_space<vmem>>, vector<16xi32>,
      tpu.vector_store_idx %arg12[%get3A_1687], %broadcast_in_dim3A_3 {add = true} : memref<10000xf32, #tpu.memory_space<vmem>>[vector<16xi32>], vector<16xf32>,
      %get3A_1688 = arith.index_cast %add3A_1681 : i32 to index
      %get3A_1689 = arith.constant 32 : index
      %get3A_1690 = tpu.vector_load %arg7[%get3A_1688, %get3A_1689] {strides = array<i32>} : memref<40x50xi32, #tpu.memory_space<vmem>>, vector<16xi32>,
      tpu.vector_store_idx %arg12[%get3A_1690], %broadcast_in_dim3A_3 {add = true} : memref<10000xf32, #tpu.memory_space<vmem>>[vector<16xi32>], vector<16xf32>,
      %get3A_1691 = arith.index_cast %add3A_1681 : i32 to index
      %get3A_1692 = arith.constant 34 : index
      %get3A_1693 = tpu.vector_load %arg7[%get3A_1691, %get3A_1692] {strides = array<i32>} : memref<40x50xi32, #tpu.memory_space<vmem>>, vector<16xi32>,
      tpu.vector_store_idx %arg12[%get3A_1693], %broadcast_in_dim3A_3 masked %ge3A_348 {add = true} : memref<10000xf32, #tpu.memory_space<vmem>>[vector<16xi32>], vector<16xf32>, vector<16xi1>
      %mul3A_1694 = arith.constant 4 : i32
      %mul3A_1695 = arith.muli %mul3A_1694, %scan3A_1557 : i32
      %add3A_1696 = arith.constant 2 : i32
      %add3A_1697 = arith.addi %mul3A_1695, %add3A_1696 : i32
      %get3A_1698 = arith.index_cast %add3A_1697 : i32 to index
      %get3A_1699 = arith.constant 0 : index
      %get3A_1700 = tpu.vector_load %arg7[%get3A_1698, %get3A_1699] {strides = array<i32>} : memref<40x50xi32, #tpu.memory_space<vmem>>, vector<16xi32>,
      tpu.vector_store_idx %arg12[%get3A_1700], %broadcast_in_dim3A_3 {add = true} : memref<10000xf32, #tpu.memory_space<vmem>>[vector<16xi32>], vector<16xf32>,
      %get3A_1701 = arith.index_cast %add3A_1697 : i32 to index
      %get3A_1702 = arith.constant 16 : index
      %get3A_1703 = tpu.vector_load %arg7[%get3A_1701, %get3A_1702] {strides = array<i32>} : memref<40x50xi32, #tpu.memory_space<vmem>>, vector<16xi32>,
      tpu.vector_store_idx %arg12[%get3A_1703], %broadcast_in_dim3A_3 {add = true} : memref<10000xf32, #tpu.memory_space<vmem>>[vector<16xi32>], vector<16xf32>,
      %get3A_1704 = arith.index_cast %add3A_1697 : i32 to index
      %get3A_1705 = arith.constant 32 : index
      %get3A_1706 = tpu.vector_load %arg7[%get3A_1704, %get3A_1705] {strides = array<i32>} : memref<40x50xi32, #tpu.memory_space<vmem>>, vector<16xi32>,
      tpu.vector_store_idx %arg12[%get3A_1706], %broadcast_in_dim3A_3 {add = true} : memref<10000xf32, #tpu.memory_space<vmem>>[vector<16xi32>], vector<16xf32>,
      %get3A_1707 = arith.index_cast %add3A_1697 : i32 to index
      %get3A_1708 = arith.constant 34 : index
      %get3A_1709 = tpu.vector_load %arg7[%get3A_1707, %get3A_1708] {strides = array<i32>} : memref<40x50xi32, #tpu.memory_space<vmem>>, vector<16xi32>,
      tpu.vector_store_idx %arg12[%get3A_1709], %broadcast_in_dim3A_3 masked %ge3A_348 {add = true} : memref<10000xf32, #tpu.memory_space<vmem>>[vector<16xi32>], vector<16xf32>, vector<16xi1>
      %mul3A_1710 = arith.constant 4 : i32
      %mul3A_1711 = arith.muli %mul3A_1710, %scan3A_1557 : i32
      %add3A_1712 = arith.constant 3 : i32
      %add3A_1713 = arith.addi %mul3A_1711, %add3A_1712 : i32
      %get3A_1714 = arith.index_cast %add3A_1713 : i32 to index
      %get3A_1715 = arith.constant 0 : index
      %get3A_1716 = tpu.vector_load %arg7[%get3A_1714, %get3A_1715] {strides = array<i32>} : memref<40x50xi32, #tpu.memory_space<vmem>>, vector<16xi32>,
      tpu.vector_store_idx %arg12[%get3A_1716], %broadcast_in_dim3A_3 {add = true} : memref<10000xf32, #tpu.memory_space<vmem>>[vector<16xi32>], vector<16xf32>,
      %get3A_1717 = arith.index_cast %add3A_1713 : i32 to index
      %get3A_1718 = arith.constant 16 : index
      %get3A_1719 = tpu.vector_load %arg7[%get3A_1717, %get3A_1718] {strides = array<i32>} : memref<40x50xi32, #tpu.memory_space<vmem>>, vector<16xi32>,
      tpu.vector_store_idx %arg12[%get3A_1719], %broadcast_in_dim3A_3 {add = true} : memref<10000xf32, #tpu.memory_space<vmem>>[vector<16xi32>], vector<16xf32>,
      %get3A_1720 = arith.index_cast %add3A_1713 : i32 to index
      %get3A_1721 = arith.constant 32 : index
      %get3A_1722 = tpu.vector_load %arg7[%get3A_1720, %get3A_1721] {strides = array<i32>} : memref<40x50xi32, #tpu.memory_space<vmem>>, vector<16xi32>,
      tpu.vector_store_idx %arg12[%get3A_1722], %broadcast_in_dim3A_3 {add = true} : memref<10000xf32, #tpu.memory_space<vmem>>[vector<16xi32>], vector<16xf32>,
      %get3A_1723 = arith.index_cast %add3A_1713 : i32 to index
      %get3A_1724 = arith.constant 34 : index
      %get3A_1725 = tpu.vector_load %arg7[%get3A_1723, %get3A_1724] {strides = array<i32>} : memref<40x50xi32, #tpu.memory_space<vmem>>, vector<16xi32>,
      tpu.vector_store_idx %arg12[%get3A_1725], %broadcast_in_dim3A_3 masked %ge3A_348 {add = true} : memref<10000xf32, #tpu.memory_space<vmem>>[vector<16xi32>], vector<16xf32>, vector<16xi1>
    }
    %scan3A_896 = arith.constant 9 : i32
    %dma_wait3A_897 = arith.constant 36 : i32
    %dma_wait3A_898 = arith.constant 0 : i32
    %dma_wait3A_899 = tpu.memref_slice %arg6[%dma_wait3A_897, %dma_wait3A_898] : memref<40x50xi32, #tpu.memory_space<vmem>> -> memref<1x50xi32, #tpu.memory_space<vmem>>
    %dma_wait3A_900 = tpu.memref_squeeze %dma_wait3A_899 : memref<1x50xi32, #tpu.memory_space<vmem>> -> memref<50xi32, #tpu.memory_space<vmem>>
    %dma_wait3A_901 = arith.constant 0 : i32
    %dma_wait3A_902 = arith.constant 0 : i32
    %dma_wait3A_903 = tpu.memref_slice %arg2[%dma_wait3A_901, %dma_wait3A_902] : memref<10000x128xf32, #tpu.memory_space<hbm>> -> memref<10000x128xf32, #tpu.memory_space<hbm>>
    tpu.wait_indirect_dma semaphore(%arg14 : memref<!tpu.dma_semaphore, #tpu.memory_space<semaphore_mem>>) src(%dma_wait3A_903 : memref<10000x128xf32, #tpu.memory_space<hbm>>) dst(%arg8 : memref<50x128xf32, #tpu.memory_space<vmem>>)
    %run_scoped3A_904 = arith.constant 36 : i32
    "tpu.region"() ({
      %run_scoped3A_1557 = tpu.sem_alloc : memref<!tpu.dma_semaphore, #tpu.memory_space<semaphore_mem>>
      %dma_start3A_1558 = arith.constant 0 : i32
      %dma_start3A_1559 = tpu.memref_slice %arg7[%run_scoped3A_904, %dma_start3A_1558] : memref<40x50xi32, #tpu.memory_space<vmem>> -> memref<1x50xi32, #tpu.memory_space<vmem>>
      %dma_start3A_1560 = tpu.memref_squeeze %dma_start3A_1559 : memref<1x50xi32, #tpu.memory_space<vmem>> -> memref<50xi32, #tpu.memory_space<vmem>>
      %dma_start3A_1561 = arith.constant 0 : i32
      %dma_start3A_1562 = arith.constant 0 : i32
      %dma_start3A_1563 = tpu.memref_slice %arg13[%dma_start3A_1561, %dma_start3A_1562] : memref<10000x128xf32, #tpu.memory_space<vmem_shared>> -> memref<10000x128xf32, #tpu.memory_space<vmem_shared>>
      tpu.enqueue_indirect_dma source(%arg8 : memref<50x128xf32, #tpu.memory_space<vmem>>) target(%dma_start3A_1563 : memref<10000x128xf32, #tpu.memory_space<vmem_shared>>) offsets(%dma_start3A_1560 : memref<50xi32, #tpu.memory_space<vmem>>) semaphore(%run_scoped3A_1557 : memref<!tpu.dma_semaphore, #tpu.memory_space<semaphore_mem>>) {add = true}
      %dma_wait3A_1564 = arith.constant 0 : i32
      %dma_wait3A_1565 = tpu.memref_slice %arg7[%run_scoped3A_904, %dma_wait3A_1564] : memref<40x50xi32, #tpu.memory_space<vmem>> -> memref<1x50xi32, #tpu.memory_space<vmem>>
      %dma_wait3A_1566 = tpu.memref_squeeze %dma_wait3A_1565 : memref<1x50xi32, #tpu.memory_space<vmem>> -> memref<50xi32, #tpu.memory_space<vmem>>
      %dma_wait3A_1567 = arith.constant 0 : i32
      %dma_wait3A_1568 = arith.constant 0 : i32
      %dma_wait3A_1569 = tpu.memref_slice %arg13[%dma_wait3A_1567, %dma_wait3A_1568] : memref<10000x128xf32, #tpu.memory_space<vmem_shared>> -> memref<10000x128xf32, #tpu.memory_space<vmem_shared>>
      tpu.wait_indirect_dma semaphore(%run_scoped3A_1557 : memref<!tpu.dma_semaphore, #tpu.memory_space<semaphore_mem>>) src(%arg8 : memref<50x128xf32, #tpu.memory_space<vmem>>) dst(%dma_wait3A_1569 : memref<10000x128xf32, #tpu.memory_space<vmem_shared>>)
      tpu.yield
    }) : () -> ()
    %dma_wait3A_905 = arith.constant 37 : i32
    %dma_wait3A_906 = arith.constant 0 : i32
    %dma_wait3A_907 = tpu.memref_slice %arg6[%dma_wait3A_905, %dma_wait3A_906] : memref<40x50xi32, #tpu.memory_space<vmem>> -> memref<1x50xi32, #tpu.memory_space<vmem>>
    %dma_wait3A_908 = tpu.memref_squeeze %dma_wait3A_907 : memref<1x50xi32, #tpu.memory_space<vmem>> -> memref<50xi32, #tpu.memory_space<vmem>>
    %dma_wait3A_909 = arith.constant 0 : i32
    %dma_wait3A_910 = arith.constant 0 : i32
    %dma_wait3A_911 = tpu.memref_slice %arg2[%dma_wait3A_909, %dma_wait3A_910] : memref<10000x128xf32, #tpu.memory_space<hbm>> -> memref<10000x128xf32, #tpu.memory_space<hbm>>
    tpu.wait_indirect_dma semaphore(%arg15 : memref<!tpu.dma_semaphore, #tpu.memory_space<semaphore_mem>>) src(%dma_wait3A_911 : memref<10000x128xf32, #tpu.memory_space<hbm>>) dst(%arg9 : memref<50x128xf32, #tpu.memory_space<vmem>>)
    %run_scoped3A_912 = arith.constant 37 : i32
    "tpu.region"() ({
      %run_scoped3A_1557 = tpu.sem_alloc : memref<!tpu.dma_semaphore, #tpu.memory_space<semaphore_mem>>
      %dma_start3A_1558 = arith.constant 0 : i32
      %dma_start3A_1559 = tpu.memref_slice %arg7[%run_scoped3A_912, %dma_start3A_1558] : memref<40x50xi32, #tpu.memory_space<vmem>> -> memref<1x50xi32, #tpu.memory_space<vmem>>
      %dma_start3A_1560 = tpu.memref_squeeze %dma_start3A_1559 : memref<1x50xi32, #tpu.memory_space<vmem>> -> memref<50xi32, #tpu.memory_space<vmem>>
      %dma_start3A_1561 = arith.constant 0 : i32
      %dma_start3A_1562 = arith.constant 0 : i32
      %dma_start3A_1563 = tpu.memref_slice %arg13[%dma_start3A_1561, %dma_start3A_1562] : memref<10000x128xf32, #tpu.memory_space<vmem_shared>> -> memref<10000x128xf32, #tpu.memory_space<vmem_shared>>
      tpu.enqueue_indirect_dma source(%arg9 : memref<50x128xf32, #tpu.memory_space<vmem>>) target(%dma_start3A_1563 : memref<10000x128xf32, #tpu.memory_space<vmem_shared>>) offsets(%dma_start3A_1560 : memref<50xi32, #tpu.memory_space<vmem>>) semaphore(%run_scoped3A_1557 : memref<!tpu.dma_semaphore, #tpu.memory_space<semaphore_mem>>) {add = true}
      %dma_wait3A_1564 = arith.constant 0 : i32
      %dma_wait3A_1565 = tpu.memref_slice %arg7[%run_scoped3A_912, %dma_wait3A_1564] : memref<40x50xi32, #tpu.memory_space<vmem>> -> memref<1x50xi32, #tpu.memory_space<vmem>>
      %dma_wait3A_1566 = tpu.memref_squeeze %dma_wait3A_1565 : memref<1x50xi32, #tpu.memory_space<vmem>> -> memref<50xi32, #tpu.memory_space<vmem>>
      %dma_wait3A_1567 = arith.constant 0 : i32
      %dma_wait3A_1568 = arith.constant 0 : i32
      %dma_wait3A_1569 = tpu.memref_slice %arg13[%dma_wait3A_1567, %dma_wait3A_1568] : memref<10000x128xf32, #tpu.memory_space<vmem_shared>> -> memref<10000x128xf32, #tpu.memory_space<vmem_shared>>
      tpu.wait_indirect_dma semaphore(%run_scoped3A_1557 : memref<!tpu.dma_semaphore, #tpu.memory_space<semaphore_mem>>) src(%arg9 : memref<50x128xf32, #tpu.memory_space<vmem>>) dst(%dma_wait3A_1569 : memref<10000x128xf32, #tpu.memory_space<vmem_shared>>)
      tpu.yield
    }) : () -> ()
    %dma_wait3A_913 = arith.constant 38 : i32
    %dma_wait3A_914 = arith.constant 0 : i32
    %dma_wait3A_915 = tpu.memref_slice %arg6[%dma_wait3A_913, %dma_wait3A_914] : memref<40x50xi32, #tpu.memory_space<vmem>> -> memref<1x50xi32, #tpu.memory_space<vmem>>
    %dma_wait3A_916 = tpu.memref_squeeze %dma_wait3A_915 : memref<1x50xi32, #tpu.memory_space<vmem>> -> memref<50xi32, #tpu.memory_space<vmem>>
    %dma_wait3A_917 = arith.constant 0 : i32
    %dma_wait3A_918 = arith.constant 0 : i32
    %dma_wait3A_919 = tpu.memref_slice %arg2[%dma_wait3A_917, %dma_wait3A_918] : memref<10000x128xf32, #tpu.memory_space<hbm>> -> memref<10000x128xf32, #tpu.memory_space<hbm>>
    tpu.wait_indirect_dma semaphore(%arg16 : memref<!tpu.dma_semaphore, #tpu.memory_space<semaphore_mem>>) src(%dma_wait3A_919 : memref<10000x128xf32, #tpu.memory_space<hbm>>) dst(%arg10 : memref<50x128xf32, #tpu.memory_space<vmem>>)
    %run_scoped3A_920 = arith.constant 38 : i32
    "tpu.region"() ({
      %run_scoped3A_1557 = tpu.sem_alloc : memref<!tpu.dma_semaphore, #tpu.memory_space<semaphore_mem>>
      %dma_start3A_1558 = arith.constant 0 : i32
      %dma_start3A_1559 = tpu.memref_slice %arg7[%run_scoped3A_920, %dma_start3A_1558] : memref<40x50xi32, #tpu.memory_space<vmem>> -> memref<1x50xi32, #tpu.memory_space<vmem>>
      %dma_start3A_1560 = tpu.memref_squeeze %dma_start3A_1559 : memref<1x50xi32, #tpu.memory_space<vmem>> -> memref<50xi32, #tpu.memory_space<vmem>>
      %dma_start3A_1561 = arith.constant 0 : i32
      %dma_start3A_1562 = arith.constant 0 : i32
      %dma_start3A_1563 = tpu.memref_slice %arg13[%dma_start3A_1561, %dma_start3A_1562] : memref<10000x128xf32, #tpu.memory_space<vmem_shared>> -> memref<10000x128xf32, #tpu.memory_space<vmem_shared>>
      tpu.enqueue_indirect_dma source(%arg10 : memref<50x128xf32, #tpu.memory_space<vmem>>) target(%dma_start3A_1563 : memref<10000x128xf32, #tpu.memory_space<vmem_shared>>) offsets(%dma_start3A_1560 : memref<50xi32, #tpu.memory_space<vmem>>) semaphore(%run_scoped3A_1557 : memref<!tpu.dma_semaphore, #tpu.memory_space<semaphore_mem>>) {add = true}
      %dma_wait3A_1564 = arith.constant 0 : i32
      %dma_wait3A_1565 = tpu.memref_slice %arg7[%run_scoped3A_920, %dma_wait3A_1564] : memref<40x50xi32, #tpu.memory_space<vmem>> -> memref<1x50xi32, #tpu.memory_space<vmem>>
      %dma_wait3A_1566 = tpu.memref_squeeze %dma_wait3A_1565 : memref<1x50xi32, #tpu.memory_space<vmem>> -> memref<50xi32, #tpu.memory_space<vmem>>
      %dma_wait3A_1567 = arith.constant 0 : i32
      %dma_wait3A_1568 = arith.constant 0 : i32
      %dma_wait3A_1569 = tpu.memref_slice %arg13[%dma_wait3A_1567, %dma_wait3A_1568] : memref<10000x128xf32, #tpu.memory_space<vmem_shared>> -> memref<10000x128xf32, #tpu.memory_space<vmem_shared>>
      tpu.wait_indirect_dma semaphore(%run_scoped3A_1557 : memref<!tpu.dma_semaphore, #tpu.memory_space<semaphore_mem>>) src(%arg10 : memref<50x128xf32, #tpu.memory_space<vmem>>) dst(%dma_wait3A_1569 : memref<10000x128xf32, #tpu.memory_space<vmem_shared>>)
      tpu.yield
    }) : () -> ()
    %dma_wait3A_921 = arith.constant 39 : i32
    %dma_wait3A_922 = arith.constant 0 : i32
    %dma_wait3A_923 = tpu.memref_slice %arg6[%dma_wait3A_921, %dma_wait3A_922] : memref<40x50xi32, #tpu.memory_space<vmem>> -> memref<1x50xi32, #tpu.memory_space<vmem>>
    %dma_wait3A_924 = tpu.memref_squeeze %dma_wait3A_923 : memref<1x50xi32, #tpu.memory_space<vmem>> -> memref<50xi32, #tpu.memory_space<vmem>>
    %dma_wait3A_925 = arith.constant 0 : i32
    %dma_wait3A_926 = arith.constant 0 : i32
    %dma_wait3A_927 = tpu.memref_slice %arg2[%dma_wait3A_925, %dma_wait3A_926] : memref<10000x128xf32, #tpu.memory_space<hbm>> -> memref<10000x128xf32, #tpu.memory_space<hbm>>
    tpu.wait_indirect_dma semaphore(%arg17 : memref<!tpu.dma_semaphore, #tpu.memory_space<semaphore_mem>>) src(%dma_wait3A_927 : memref<10000x128xf32, #tpu.memory_space<hbm>>) dst(%arg11 : memref<50x128xf32, #tpu.memory_space<vmem>>)
    %run_scoped3A_928 = arith.constant 39 : i32
    "tpu.region"() ({
      %run_scoped3A_1557 = tpu.sem_alloc : memref<!tpu.dma_semaphore, #tpu.memory_space<semaphore_mem>>
      %dma_start3A_1558 = arith.constant 0 : i32
      %dma_start3A_1559 = tpu.memref_slice %arg7[%run_scoped3A_928, %dma_start3A_1558] : memref<40x50xi32, #tpu.memory_space<vmem>> -> memref<1x50xi32, #tpu.memory_space<vmem>>
      %dma_start3A_1560 = tpu.memref_squeeze %dma_start3A_1559 : memref<1x50xi32, #tpu.memory_space<vmem>> -> memref<50xi32, #tpu.memory_space<vmem>>
      %dma_start3A_1561 = arith.constant 0 : i32
      %dma_start3A_1562 = arith.constant 0 : i32
      %dma_start3A_1563 = tpu.memref_slice %arg13[%dma_start3A_1561, %dma_start3A_1562] : memref<10000x128xf32, #tpu.memory_space<vmem_shared>> -> memref<10000x128xf32, #tpu.memory_space<vmem_shared>>
      tpu.enqueue_indirect_dma source(%arg11 : memref<50x128xf32, #tpu.memory_space<vmem>>) target(%dma_start3A_1563 : memref<10000x128xf32, #tpu.memory_space<vmem_shared>>) offsets(%dma_start3A_1560 : memref<50xi32, #tpu.memory_space<vmem>>) semaphore(%run_scoped3A_1557 : memref<!tpu.dma_semaphore, #tpu.memory_space<semaphore_mem>>) {add = true}
      %dma_wait3A_1564 = arith.constant 0 : i32
      %dma_wait3A_1565 = tpu.memref_slice %arg7[%run_scoped3A_928, %dma_wait3A_1564] : memref<40x50xi32, #tpu.memory_space<vmem>> -> memref<1x50xi32, #tpu.memory_space<vmem>>
      %dma_wait3A_1566 = tpu.memref_squeeze %dma_wait3A_1565 : memref<1x50xi32, #tpu.memory_space<vmem>> -> memref<50xi32, #tpu.memory_space<vmem>>
      %dma_wait3A_1567 = arith.constant 0 : i32
      %dma_wait3A_1568 = arith.constant 0 : i32
      %dma_wait3A_1569 = tpu.memref_slice %arg13[%dma_wait3A_1567, %dma_wait3A_1568] : memref<10000x128xf32, #tpu.memory_space<vmem_shared>> -> memref<10000x128xf32, #tpu.memory_space<vmem_shared>>
      tpu.wait_indirect_dma semaphore(%run_scoped3A_1557 : memref<!tpu.dma_semaphore, #tpu.memory_space<semaphore_mem>>) src(%arg11 : memref<50x128xf32, #tpu.memory_space<vmem>>) dst(%dma_wait3A_1569 : memref<10000x128xf32, #tpu.memory_space<vmem_shared>>)
      tpu.yield
    }) : () -> ()
    %get3A_929 = arith.constant 36 : i32
    %get3A_930 = arith.index_cast %get3A_929 : i32 to index
    %get3A_931 = arith.constant 0 : index
    %get3A_932 = tpu.vector_load %arg7[%get3A_930, %get3A_931] {strides = array<i32>} : memref<40x50xi32, #tpu.memory_space<vmem>>, vector<16xi32>,
    tpu.vector_store_idx %arg12[%get3A_932], %broadcast_in_dim3A_3 {add = true} : memref<10000xf32, #tpu.memory_space<vmem>>[vector<16xi32>], vector<16xf32>,
    %get3A_933 = arith.constant 36 : i32
    %get3A_934 = arith.index_cast %get3A_933 : i32 to index
    %get3A_935 = arith.constant 16 : index
    %get3A_936 = tpu.vector_load %arg7[%get3A_934, %get3A_935] {strides = array<i32>} : memref<40x50xi32, #tpu.memory_space<vmem>>, vector<16xi32>,
    tpu.vector_store_idx %arg12[%get3A_936], %broadcast_in_dim3A_3 {add = true} : memref<10000xf32, #tpu.memory_space<vmem>>[vector<16xi32>], vector<16xf32>,
    %get3A_937 = arith.constant 36 : i32
    %get3A_938 = arith.index_cast %get3A_937 : i32 to index
    %get3A_939 = arith.constant 32 : index
    %get3A_940 = tpu.vector_load %arg7[%get3A_938, %get3A_939] {strides = array<i32>} : memref<40x50xi32, #tpu.memory_space<vmem>>, vector<16xi32>,
    tpu.vector_store_idx %arg12[%get3A_940], %broadcast_in_dim3A_3 {add = true} : memref<10000xf32, #tpu.memory_space<vmem>>[vector<16xi32>], vector<16xf32>,
    %get3A_941 = arith.constant 36 : i32
    %get3A_942 = arith.index_cast %get3A_941 : i32 to index
    %get3A_943 = arith.constant 34 : index
    %get3A_944 = tpu.vector_load %arg7[%get3A_942, %get3A_943] {strides = array<i32>} : memref<40x50xi32, #tpu.memory_space<vmem>>, vector<16xi32>,
    tpu.vector_store_idx %arg12[%get3A_944], %broadcast_in_dim3A_3 masked %ge3A_348 {add = true} : memref<10000xf32, #tpu.memory_space<vmem>>[vector<16xi32>], vector<16xf32>, vector<16xi1>
    %get3A_945 = arith.constant 37 : i32
    %get3A_946 = arith.index_cast %get3A_945 : i32 to index
    %get3A_947 = arith.constant 0 : index
    %get3A_948 = tpu.vector_load %arg7[%get3A_946, %get3A_947] {strides = array<i32>} : memref<40x50xi32, #tpu.memory_space<vmem>>, vector<16xi32>,
    tpu.vector_store_idx %arg12[%get3A_948], %broadcast_in_dim3A_3 {add = true} : memref<10000xf32, #tpu.memory_space<vmem>>[vector<16xi32>], vector<16xf32>,
    %get3A_949 = arith.constant 37 : i32
    %get3A_950 = arith.index_cast %get3A_949 : i32 to index
    %get3A_951 = arith.constant 16 : index
    %get3A_952 = tpu.vector_load %arg7[%get3A_950, %get3A_951] {strides = array<i32>} : memref<40x50xi32, #tpu.memory_space<vmem>>, vector<16xi32>,
    tpu.vector_store_idx %arg12[%get3A_952], %broadcast_in_dim3A_3 {add = true} : memref<10000xf32, #tpu.memory_space<vmem>>[vector<16xi32>], vector<16xf32>,
    %get3A_953 = arith.constant 37 : i32
    %get3A_954 = arith.index_cast %get3A_953 : i32 to index
    %get3A_955 = arith.constant 32 : index
    %get3A_956 = tpu.vector_load %arg7[%get3A_954, %get3A_955] {strides = array<i32>} : memref<40x50xi32, #tpu.memory_space<vmem>>, vector<16xi32>,
    tpu.vector_store_idx %arg12[%get3A_956], %broadcast_in_dim3A_3 {add = true} : memref<10000xf32, #tpu.memory_space<vmem>>[vector<16xi32>], vector<16xf32>,
    %get3A_957 = arith.constant 37 : i32
    %get3A_958 = arith.index_cast %get3A_957 : i32 to index
    %get3A_959 = arith.constant 34 : index
    %get3A_960 = tpu.vector_load %arg7[%get3A_958, %get3A_959] {strides = array<i32>} : memref<40x50xi32, #tpu.memory_space<vmem>>, vector<16xi32>,
    tpu.vector_store_idx %arg12[%get3A_960], %broadcast_in_dim3A_3 masked %ge3A_348 {add = true} : memref<10000xf32, #tpu.memory_space<vmem>>[vector<16xi32>], vector<16xf32>, vector<16xi1>
    %get3A_961 = arith.constant 38 : i32
    %get3A_962 = arith.index_cast %get3A_961 : i32 to index
    %get3A_963 = arith.constant 0 : index
    %get3A_964 = tpu.vector_load %arg7[%get3A_962, %get3A_963] {strides = array<i32>} : memref<40x50xi32, #tpu.memory_space<vmem>>, vector<16xi32>,
    tpu.vector_store_idx %arg12[%get3A_964], %broadcast_in_dim3A_3 {add = true} : memref<10000xf32, #tpu.memory_space<vmem>>[vector<16xi32>], vector<16xf32>,
    %get3A_965 = arith.constant 38 : i32
    %get3A_966 = arith.index_cast %get3A_965 : i32 to index
    %get3A_967 = arith.constant 16 : index
    %get3A_968 = tpu.vector_load %arg7[%get3A_966, %get3A_967] {strides = array<i32>} : memref<40x50xi32, #tpu.memory_space<vmem>>, vector<16xi32>,
    tpu.vector_store_idx %arg12[%get3A_968], %broadcast_in_dim3A_3 {add = true} : memref<10000xf32, #tpu.memory_space<vmem>>[vector<16xi32>], vector<16xf32>,
    %get3A_969 = arith.constant 38 : i32
    %get3A_970 = arith.index_cast %get3A_969 : i32 to index
    %get3A_971 = arith.constant 32 : index
    %get3A_972 = tpu.vector_load %arg7[%get3A_970, %get3A_971] {strides = array<i32>} : memref<40x50xi32, #tpu.memory_space<vmem>>, vector<16xi32>,
    tpu.vector_store_idx %arg12[%get3A_972], %broadcast_in_dim3A_3 {add = true} : memref<10000xf32, #tpu.memory_space<vmem>>[vector<16xi32>], vector<16xf32>,
    %get3A_973 = arith.constant 38 : i32
    %get3A_974 = arith.index_cast %get3A_973 : i32 to index
    %get3A_975 = arith.constant 34 : index
    %get3A_976 = tpu.vector_load %arg7[%get3A_974, %get3A_975] {strides = array<i32>} : memref<40x50xi32, #tpu.memory_space<vmem>>, vector<16xi32>,
    tpu.vector_store_idx %arg12[%get3A_976], %broadcast_in_dim3A_3 masked %ge3A_348 {add = true} : memref<10000xf32, #tpu.memory_space<vmem>>[vector<16xi32>], vector<16xf32>, vector<16xi1>
    %get3A_977 = arith.constant 39 : i32
    %get3A_978 = arith.index_cast %get3A_977 : i32 to index
    %get3A_979 = arith.constant 0 : index
    %get3A_980 = tpu.vector_load %arg7[%get3A_978, %get3A_979] {strides = array<i32>} : memref<40x50xi32, #tpu.memory_space<vmem>>, vector<16xi32>,
    tpu.vector_store_idx %arg12[%get3A_980], %broadcast_in_dim3A_3 {add = true} : memref<10000xf32, #tpu.memory_space<vmem>>[vector<16xi32>], vector<16xf32>,
    %get3A_981 = arith.constant 39 : i32
    %get3A_982 = arith.index_cast %get3A_981 : i32 to index
    %get3A_983 = arith.constant 16 : index
    %get3A_984 = tpu.vector_load %arg7[%get3A_982, %get3A_983] {strides = array<i32>} : memref<40x50xi32, #tpu.memory_space<vmem>>, vector<16xi32>,
    tpu.vector_store_idx %arg12[%get3A_984], %broadcast_in_dim3A_3 {add = true} : memref<10000xf32, #tpu.memory_space<vmem>>[vector<16xi32>], vector<16xf32>,
    %get3A_985 = arith.constant 39 : i32
    %get3A_986 = arith.index_cast %get3A_985 : i32 to index
    %get3A_987 = arith.constant 32 : index
    %get3A_988 = tpu.vector_load %arg7[%get3A_986, %get3A_987] {strides = array<i32>} : memref<40x50xi32, #tpu.memory_space<vmem>>, vector<16xi32>,
    tpu.vector_store_idx %arg12[%get3A_988], %broadcast_in_dim3A_3 {add = true} : memref<10000xf32, #tpu.memory_space<vmem>>[vector<16xi32>], vector<16xf32>,
    %get3A_989 = arith.constant 39 : i32
    %get3A_990 = arith.index_cast %get3A_989 : i32 to index
    %get3A_991 = arith.constant 34 : index
    %get3A_992 = tpu.vector_load %arg7[%get3A_990, %get3A_991] {strides = array<i32>} : memref<40x50xi32, #tpu.memory_space<vmem>>, vector<16xi32>,
    tpu.vector_store_idx %arg12[%get3A_992], %broadcast_in_dim3A_3 masked %ge3A_348 {add = true} : memref<10000xf32, #tpu.memory_space<vmem>>[vector<16xi32>], vector<16xf32>, vector<16xi1>
    %dma_start3A_993 = arith.constant 0 : i32
    %dma_start3A_994 = arith.constant 160 : i32
    %dma_start3A_995 = arith.constant 0 : i32
    %dma_start3A_996 = tpu.memref_slice %arg3[%dma_start3A_993, %add3A, %dma_start3A_994, %dma_start3A_995] : memref<2x32x200x50xi32, #tpu.memory_space<hbm>> -> memref<1x1x40x50xi32, #tpu.memory_space<hbm>>
    %dma_start3A_997 = tpu.memref_squeeze %dma_start3A_996 : memref<1x1x40x50xi32, #tpu.memory_space<hbm>> -> memref<40x50xi32, #tpu.memory_space<hbm>>
    %dma_start3A_998 = arith.constant 160 : i32
    %dma_start3A_999 = arith.constant 0 : i32
    %dma_start3A_1000 = tpu.memref_slice %arg3[%dma_start3A_993, %add3A, %dma_start3A_998, %dma_start3A_999] : memref<2x32x200x50xi32, #tpu.memory_space<hbm>> -> memref<1x1x40x50xi32, #tpu.memory_space<hbm>>
    %dma_start3A_1001 = tpu.memref_squeeze %dma_start3A_1000 : memref<1x1x40x50xi32, #tpu.memory_space<hbm>> -> memref<40x50xi32, #tpu.memory_space<hbm>>
    tpu.enqueue_dma source(%dma_start3A_1001 : memref<40x50xi32, #tpu.memory_space<hbm>>) target(%arg6 : memref<40x50xi32, #tpu.memory_space<vmem>>) target_semaphore(%arg16 : memref<!tpu.dma_semaphore, #tpu.memory_space<semaphore_mem>>)
    %dma_start3A_1002 = arith.constant 1 : i32
    %dma_start3A_1003 = arith.constant 160 : i32
    %dma_start3A_1004 = arith.constant 0 : i32
    %dma_start3A_1005 = tpu.memref_slice %arg3[%dma_start3A_1002, %add3A, %dma_start3A_1003, %dma_start3A_1004] : memref<2x32x200x50xi32, #tpu.memory_space<hbm>> -> memref<1x1x40x50xi32, #tpu.memory_space<hbm>>
    %dma_start3A_1006 = tpu.memref_squeeze %dma_start3A_1005 : memref<1x1x40x50xi32, #tpu.memory_space<hbm>> -> memref<40x50xi32, #tpu.memory_space<hbm>>
    %dma_start3A_1007 = arith.constant 160 : i32
    %dma_start3A_1008 = arith.constant 0 : i32
    %dma_start3A_1009 = tpu.memref_slice %arg3[%dma_start3A_1002, %add3A, %dma_start3A_1007, %dma_start3A_1008] : memref<2x32x200x50xi32, #tpu.memory_space<hbm>> -> memref<1x1x40x50xi32, #tpu.memory_space<hbm>>
    %dma_start3A_1010 = tpu.memref_squeeze %dma_start3A_1009 : memref<1x1x40x50xi32, #tpu.memory_space<hbm>> -> memref<40x50xi32, #tpu.memory_space<hbm>>
    tpu.enqueue_dma source(%dma_start3A_1010 : memref<40x50xi32, #tpu.memory_space<hbm>>) target(%arg7 : memref<40x50xi32, #tpu.memory_space<vmem>>) target_semaphore(%arg17 : memref<!tpu.dma_semaphore, #tpu.memory_space<semaphore_mem>>)
    %dma_wait3A_1011 = arith.constant 0 : i32
    %dma_wait3A_1012 = arith.constant 160 : i32
    %dma_wait3A_1013 = arith.constant 0 : i32
    %dma_wait3A_1014 = tpu.memref_slice %arg3[%dma_wait3A_1011, %add3A, %dma_wait3A_1012, %dma_wait3A_1013] : memref<2x32x200x50xi32, #tpu.memory_space<hbm>> -> memref<1x1x40x50xi32, #tpu.memory_space<hbm>>
    %dma_wait3A_1015 = tpu.memref_squeeze %dma_wait3A_1014 : memref<1x1x40x50xi32, #tpu.memory_space<hbm>> -> memref<40x50xi32, #tpu.memory_space<hbm>>
    %dma_wait3A_1016 = arith.constant 160 : i32
    %dma_wait3A_1017 = arith.constant 0 : i32
    %dma_wait3A_1018 = tpu.memref_slice %arg3[%dma_wait3A_1011, %add3A, %dma_wait3A_1016, %dma_wait3A_1017] : memref<2x32x200x50xi32, #tpu.memory_space<hbm>> -> memref<1x1x40x50xi32, #tpu.memory_space<hbm>>
    %dma_wait3A_1019 = tpu.memref_squeeze %dma_wait3A_1018 : memref<1x1x40x50xi32, #tpu.memory_space<hbm>> -> memref<40x50xi32, #tpu.memory_space<hbm>>
    tpu.wait_dma2 semaphore(%arg16 : memref<!tpu.dma_semaphore, #tpu.memory_space<semaphore_mem>>) src(%dma_wait3A_1019 : memref<40x50xi32, #tpu.memory_space<hbm>>) dst(%arg6 : memref<40x50xi32, #tpu.memory_space<vmem>>)
    %dma_wait3A_1020 = arith.constant 1 : i32
    %dma_wait3A_1021 = arith.constant 160 : i32
    %dma_wait3A_1022 = arith.constant 0 : i32
    %dma_wait3A_1023 = tpu.memref_slice %arg3[%dma_wait3A_1020, %add3A, %dma_wait3A_1021, %dma_wait3A_1022] : memref<2x32x200x50xi32, #tpu.memory_space<hbm>> -> memref<1x1x40x50xi32, #tpu.memory_space<hbm>>
    %dma_wait3A_1024 = tpu.memref_squeeze %dma_wait3A_1023 : memref<1x1x40x50xi32, #tpu.memory_space<hbm>> -> memref<40x50xi32, #tpu.memory_space<hbm>>
    %dma_wait3A_1025 = arith.constant 160 : i32
    %dma_wait3A_1026 = arith.constant 0 : i32
    %dma_wait3A_1027 = tpu.memref_slice %arg3[%dma_wait3A_1020, %add3A, %dma_wait3A_1025, %dma_wait3A_1026] : memref<2x32x200x50xi32, #tpu.memory_space<hbm>> -> memref<1x1x40x50xi32, #tpu.memory_space<hbm>>
    %dma_wait3A_1028 = tpu.memref_squeeze %dma_wait3A_1027 : memref<1x1x40x50xi32, #tpu.memory_space<hbm>> -> memref<40x50xi32, #tpu.memory_space<hbm>>
    tpu.wait_dma2 semaphore(%arg17 : memref<!tpu.dma_semaphore, #tpu.memory_space<semaphore_mem>>) src(%dma_wait3A_1028 : memref<40x50xi32, #tpu.memory_space<hbm>>) dst(%arg7 : memref<40x50xi32, #tpu.memory_space<vmem>>)
    %dma_start3A_1029 = arith.constant 0 : i32
    %dma_start3A_1030 = arith.constant 0 : i32
    %dma_start3A_1031 = tpu.memref_slice %arg6[%dma_start3A_1029, %dma_start3A_1030] : memref<40x50xi32, #tpu.memory_space<vmem>> -> memref<1x50xi32, #tpu.memory_space<vmem>>
    %dma_start3A_1032 = tpu.memref_squeeze %dma_start3A_1031 : memref<1x50xi32, #tpu.memory_space<vmem>> -> memref<50xi32, #tpu.memory_space<vmem>>
    %dma_start3A_1033 = arith.constant 0 : i32
    %dma_start3A_1034 = arith.constant 0 : i32
    %dma_start3A_1035 = tpu.memref_slice %arg2[%dma_start3A_1033, %dma_start3A_1034] : memref<10000x128xf32, #tpu.memory_space<hbm>> -> memref<10000x128xf32, #tpu.memory_space<hbm>>
    tpu.enqueue_indirect_dma source(%dma_start3A_1035 : memref<10000x128xf32, #tpu.memory_space<hbm>>) target(%arg8 : memref<50x128xf32, #tpu.memory_space<vmem>>) offsets(%dma_start3A_1032 : memref<50xi32, #tpu.memory_space<vmem>>) semaphore(%arg14 : memref<!tpu.dma_semaphore, #tpu.memory_space<semaphore_mem>>)
    %dma_start3A_1036 = arith.constant 1 : i32
    %dma_start3A_1037 = arith.constant 0 : i32
    %dma_start3A_1038 = tpu.memref_slice %arg6[%dma_start3A_1036, %dma_start3A_1037] : memref<40x50xi32, #tpu.memory_space<vmem>> -> memref<1x50xi32, #tpu.memory_space<vmem>>
    %dma_start3A_1039 = tpu.memref_squeeze %dma_start3A_1038 : memref<1x50xi32, #tpu.memory_space<vmem>> -> memref<50xi32, #tpu.memory_space<vmem>>
    %dma_start3A_1040 = arith.constant 0 : i32
    %dma_start3A_1041 = arith.constant 0 : i32
    %dma_start3A_1042 = tpu.memref_slice %arg2[%dma_start3A_1040, %dma_start3A_1041] : memref<10000x128xf32, #tpu.memory_space<hbm>> -> memref<10000x128xf32, #tpu.memory_space<hbm>>
    tpu.enqueue_indirect_dma source(%dma_start3A_1042 : memref<10000x128xf32, #tpu.memory_space<hbm>>) target(%arg9 : memref<50x128xf32, #tpu.memory_space<vmem>>) offsets(%dma_start3A_1039 : memref<50xi32, #tpu.memory_space<vmem>>) semaphore(%arg15 : memref<!tpu.dma_semaphore, #tpu.memory_space<semaphore_mem>>)
    %dma_start3A_1043 = arith.constant 2 : i32
    %dma_start3A_1044 = arith.constant 0 : i32
    %dma_start3A_1045 = tpu.memref_slice %arg6[%dma_start3A_1043, %dma_start3A_1044] : memref<40x50xi32, #tpu.memory_space<vmem>> -> memref<1x50xi32, #tpu.memory_space<vmem>>
    %dma_start3A_1046 = tpu.memref_squeeze %dma_start3A_1045 : memref<1x50xi32, #tpu.memory_space<vmem>> -> memref<50xi32, #tpu.memory_space<vmem>>
    %dma_start3A_1047 = arith.constant 0 : i32
    %dma_start3A_1048 = arith.constant 0 : i32
    %dma_start3A_1049 = tpu.memref_slice %arg2[%dma_start3A_1047, %dma_start3A_1048] : memref<10000x128xf32, #tpu.memory_space<hbm>> -> memref<10000x128xf32, #tpu.memory_space<hbm>>
    tpu.enqueue_indirect_dma source(%dma_start3A_1049 : memref<10000x128xf32, #tpu.memory_space<hbm>>) target(%arg10 : memref<50x128xf32, #tpu.memory_space<vmem>>) offsets(%dma_start3A_1046 : memref<50xi32, #tpu.memory_space<vmem>>) semaphore(%arg16 : memref<!tpu.dma_semaphore, #tpu.memory_space<semaphore_mem>>)
    %dma_start3A_1050 = arith.constant 3 : i32
    %dma_start3A_1051 = arith.constant 0 : i32
    %dma_start3A_1052 = tpu.memref_slice %arg6[%dma_start3A_1050, %dma_start3A_1051] : memref<40x50xi32, #tpu.memory_space<vmem>> -> memref<1x50xi32, #tpu.memory_space<vmem>>
    %dma_start3A_1053 = tpu.memref_squeeze %dma_start3A_1052 : memref<1x50xi32, #tpu.memory_space<vmem>> -> memref<50xi32, #tpu.memory_space<vmem>>
    %dma_start3A_1054 = arith.constant 0 : i32
    %dma_start3A_1055 = arith.constant 0 : i32
    %dma_start3A_1056 = tpu.memref_slice %arg2[%dma_start3A_1054, %dma_start3A_1055] : memref<10000x128xf32, #tpu.memory_space<hbm>> -> memref<10000x128xf32, #tpu.memory_space<hbm>>
    tpu.enqueue_indirect_dma source(%dma_start3A_1056 : memref<10000x128xf32, #tpu.memory_space<hbm>>) target(%arg11 : memref<50x128xf32, #tpu.memory_space<vmem>>) offsets(%dma_start3A_1053 : memref<50xi32, #tpu.memory_space<vmem>>) semaphore(%arg17 : memref<!tpu.dma_semaphore, #tpu.memory_space<semaphore_mem>>)
    %scan3A_1057 = arith.constant 0 : i32
    %scan3A_1058 = arith.constant 0 : i32
    %scan3A_1059 = arith.constant 9 : i32
    %scan3A_1060 = arith.addi %scan3A_1058, %scan3A_1059 : i32
    %scan3A_1061 = arith.constant 1 : i32
    scf.for %scan3A_1557 = %scan3A_1058 to %scan3A_1060 step %scan3A_1061  : i32 {
      %mul3A_1558 = arith.constant 4 : i32
      %mul3A_1559 = arith.muli %mul3A_1558, %scan3A_1557 : i32
      %add3A_1560 = arith.constant 0 : i32
      %add3A_1561 = arith.addi %mul3A_1559, %add3A_1560 : i32
      %dma_wait3A_1562 = arith.constant 0 : i32
      %dma_wait3A_1563 = tpu.memref_slice %arg6[%add3A_1561, %dma_wait3A_1562] : memref<40x50xi32, #tpu.memory_space<vmem>> -> memref<1x50xi32, #tpu.memory_space<vmem>>
      %dma_wait3A_1564 = tpu.memref_squeeze %dma_wait3A_1563 : memref<1x50xi32, #tpu.memory_space<vmem>> -> memref<50xi32, #tpu.memory_space<vmem>>
      %dma_wait3A_1565 = arith.constant 0 : i32
      %dma_wait3A_1566 = arith.constant 0 : i32
      %dma_wait3A_1567 = tpu.memref_slice %arg2[%dma_wait3A_1565, %dma_wait3A_1566] : memref<10000x128xf32, #tpu.memory_space<hbm>> -> memref<10000x128xf32, #tpu.memory_space<hbm>>
      tpu.wait_indirect_dma semaphore(%arg14 : memref<!tpu.dma_semaphore, #tpu.memory_space<semaphore_mem>>) src(%dma_wait3A_1567 : memref<10000x128xf32, #tpu.memory_space<hbm>>) dst(%arg8 : memref<50x128xf32, #tpu.memory_space<vmem>>)
      %mul3A_1568 = arith.constant 4 : i32
      %mul3A_1569 = arith.muli %mul3A_1568, %scan3A_1557 : i32
      %add3A_1570 = arith.constant 0 : i32
      %add3A_1571 = arith.addi %mul3A_1569, %add3A_1570 : i32
      "tpu.region"() ({
        %run_scoped3A_1726 = tpu.sem_alloc : memref<!tpu.dma_semaphore, #tpu.memory_space<semaphore_mem>>
        %dma_start3A_1727 = arith.constant 0 : i32
        %dma_start3A_1728 = tpu.memref_slice %arg7[%add3A_1571, %dma_start3A_1727] : memref<40x50xi32, #tpu.memory_space<vmem>> -> memref<1x50xi32, #tpu.memory_space<vmem>>
        %dma_start3A_1729 = tpu.memref_squeeze %dma_start3A_1728 : memref<1x50xi32, #tpu.memory_space<vmem>> -> memref<50xi32, #tpu.memory_space<vmem>>
        %dma_start3A_1730 = arith.constant 0 : i32
        %dma_start3A_1731 = arith.constant 0 : i32
        %dma_start3A_1732 = tpu.memref_slice %arg13[%dma_start3A_1730, %dma_start3A_1731] : memref<10000x128xf32, #tpu.memory_space<vmem_shared>> -> memref<10000x128xf32, #tpu.memory_space<vmem_shared>>
        tpu.enqueue_indirect_dma source(%arg8 : memref<50x128xf32, #tpu.memory_space<vmem>>) target(%dma_start3A_1732 : memref<10000x128xf32, #tpu.memory_space<vmem_shared>>) offsets(%dma_start3A_1729 : memref<50xi32, #tpu.memory_space<vmem>>) semaphore(%run_scoped3A_1726 : memref<!tpu.dma_semaphore, #tpu.memory_space<semaphore_mem>>) {add = true}
        %dma_wait3A_1733 = arith.constant 0 : i32
        %dma_wait3A_1734 = tpu.memref_slice %arg7[%add3A_1571, %dma_wait3A_1733] : memref<40x50xi32, #tpu.memory_space<vmem>> -> memref<1x50xi32, #tpu.memory_space<vmem>>
        %dma_wait3A_1735 = tpu.memref_squeeze %dma_wait3A_1734 : memref<1x50xi32, #tpu.memory_space<vmem>> -> memref<50xi32, #tpu.memory_space<vmem>>
        %dma_wait3A_1736 = arith.constant 0 : i32
        %dma_wait3A_1737 = arith.constant 0 : i32
        %dma_wait3A_1738 = tpu.memref_slice %arg13[%dma_wait3A_1736, %dma_wait3A_1737] : memref<10000x128xf32, #tpu.memory_space<vmem_shared>> -> memref<10000x128xf32, #tpu.memory_space<vmem_shared>>
        tpu.wait_indirect_dma semaphore(%run_scoped3A_1726 : memref<!tpu.dma_semaphore, #tpu.memory_space<semaphore_mem>>) src(%arg8 : memref<50x128xf32, #tpu.memory_space<vmem>>) dst(%dma_wait3A_1738 : memref<10000x128xf32, #tpu.memory_space<vmem_shared>>)
        tpu.yield
      }) : () -> ()
      %add3A_1572 = arith.constant 1 : i32
      %add3A_1573 = arith.addi %scan3A_1557, %add3A_1572 : i32
      %mul3A_1574 = arith.constant 4 : i32
      %mul3A_1575 = arith.muli %mul3A_1574, %add3A_1573 : i32
      %add3A_1576 = arith.constant 0 : i32
      %add3A_1577 = arith.addi %mul3A_1575, %add3A_1576 : i32
      %dma_start3A_1578 = arith.constant 0 : i32
      %dma_start3A_1579 = tpu.memref_slice %arg6[%add3A_1577, %dma_start3A_1578] : memref<40x50xi32, #tpu.memory_space<vmem>> -> memref<1x50xi32, #tpu.memory_space<vmem>>
      %dma_start3A_1580 = tpu.memref_squeeze %dma_start3A_1579 : memref<1x50xi32, #tpu.memory_space<vmem>> -> memref<50xi32, #tpu.memory_space<vmem>>
      %dma_start3A_1581 = arith.constant 0 : i32
      %dma_start3A_1582 = arith.constant 0 : i32
      %dma_start3A_1583 = tpu.memref_slice %arg2[%dma_start3A_1581, %dma_start3A_1582] : memref<10000x128xf32, #tpu.memory_space<hbm>> -> memref<10000x128xf32, #tpu.memory_space<hbm>>
      tpu.enqueue_indirect_dma source(%dma_start3A_1583 : memref<10000x128xf32, #tpu.memory_space<hbm>>) target(%arg8 : memref<50x128xf32, #tpu.memory_space<vmem>>) offsets(%dma_start3A_1580 : memref<50xi32, #tpu.memory_space<vmem>>) semaphore(%arg14 : memref<!tpu.dma_semaphore, #tpu.memory_space<semaphore_mem>>)
      %mul3A_1584 = arith.constant 4 : i32
      %mul3A_1585 = arith.muli %mul3A_1584, %scan3A_1557 : i32
      %add3A_1586 = arith.constant 1 : i32
      %add3A_1587 = arith.addi %mul3A_1585, %add3A_1586 : i32
      %dma_wait3A_1588 = arith.constant 0 : i32
      %dma_wait3A_1589 = tpu.memref_slice %arg6[%add3A_1587, %dma_wait3A_1588] : memref<40x50xi32, #tpu.memory_space<vmem>> -> memref<1x50xi32, #tpu.memory_space<vmem>>
      %dma_wait3A_1590 = tpu.memref_squeeze %dma_wait3A_1589 : memref<1x50xi32, #tpu.memory_space<vmem>> -> memref<50xi32, #tpu.memory_space<vmem>>
      %dma_wait3A_1591 = arith.constant 0 : i32
      %dma_wait3A_1592 = arith.constant 0 : i32
      %dma_wait3A_1593 = tpu.memref_slice %arg2[%dma_wait3A_1591, %dma_wait3A_1592] : memref<10000x128xf32, #tpu.memory_space<hbm>> -> memref<10000x128xf32, #tpu.memory_space<hbm>>
      tpu.wait_indirect_dma semaphore(%arg15 : memref<!tpu.dma_semaphore, #tpu.memory_space<semaphore_mem>>) src(%dma_wait3A_1593 : memref<10000x128xf32, #tpu.memory_space<hbm>>) dst(%arg9 : memref<50x128xf32, #tpu.memory_space<vmem>>)
      %mul3A_1594 = arith.constant 4 : i32
      %mul3A_1595 = arith.muli %mul3A_1594, %scan3A_1557 : i32
      %add3A_1596 = arith.constant 1 : i32
      %add3A_1597 = arith.addi %mul3A_1595, %add3A_1596 : i32
      "tpu.region"() ({
        %run_scoped3A_1726 = tpu.sem_alloc : memref<!tpu.dma_semaphore, #tpu.memory_space<semaphore_mem>>
        %dma_start3A_1727 = arith.constant 0 : i32
        %dma_start3A_1728 = tpu.memref_slice %arg7[%add3A_1597, %dma_start3A_1727] : memref<40x50xi32, #tpu.memory_space<vmem>> -> memref<1x50xi32, #tpu.memory_space<vmem>>
        %dma_start3A_1729 = tpu.memref_squeeze %dma_start3A_1728 : memref<1x50xi32, #tpu.memory_space<vmem>> -> memref<50xi32, #tpu.memory_space<vmem>>
        %dma_start3A_1730 = arith.constant 0 : i32
        %dma_start3A_1731 = arith.constant 0 : i32
        %dma_start3A_1732 = tpu.memref_slice %arg13[%dma_start3A_1730, %dma_start3A_1731] : memref<10000x128xf32, #tpu.memory_space<vmem_shared>> -> memref<10000x128xf32, #tpu.memory_space<vmem_shared>>
        tpu.enqueue_indirect_dma source(%arg9 : memref<50x128xf32, #tpu.memory_space<vmem>>) target(%dma_start3A_1732 : memref<10000x128xf32, #tpu.memory_space<vmem_shared>>) offsets(%dma_start3A_1729 : memref<50xi32, #tpu.memory_space<vmem>>) semaphore(%run_scoped3A_1726 : memref<!tpu.dma_semaphore, #tpu.memory_space<semaphore_mem>>) {add = true}
        %dma_wait3A_1733 = arith.constant 0 : i32
        %dma_wait3A_1734 = tpu.memref_slice %arg7[%add3A_1597, %dma_wait3A_1733] : memref<40x50xi32, #tpu.memory_space<vmem>> -> memref<1x50xi32, #tpu.memory_space<vmem>>
        %dma_wait3A_1735 = tpu.memref_squeeze %dma_wait3A_1734 : memref<1x50xi32, #tpu.memory_space<vmem>> -> memref<50xi32, #tpu.memory_space<vmem>>
        %dma_wait3A_1736 = arith.constant 0 : i32
        %dma_wait3A_1737 = arith.constant 0 : i32
        %dma_wait3A_1738 = tpu.memref_slice %arg13[%dma_wait3A_1736, %dma_wait3A_1737] : memref<10000x128xf32, #tpu.memory_space<vmem_shared>> -> memref<10000x128xf32, #tpu.memory_space<vmem_shared>>
        tpu.wait_indirect_dma semaphore(%run_scoped3A_1726 : memref<!tpu.dma_semaphore, #tpu.memory_space<semaphore_mem>>) src(%arg9 : memref<50x128xf32, #tpu.memory_space<vmem>>) dst(%dma_wait3A_1738 : memref<10000x128xf32, #tpu.memory_space<vmem_shared>>)
        tpu.yield
      }) : () -> ()
      %add3A_1598 = arith.constant 1 : i32
      %add3A_1599 = arith.addi %scan3A_1557, %add3A_1598 : i32
      %mul3A_1600 = arith.constant 4 : i32
      %mul3A_1601 = arith.muli %mul3A_1600, %add3A_1599 : i32
      %add3A_1602 = arith.constant 1 : i32
      %add3A_1603 = arith.addi %mul3A_1601, %add3A_1602 : i32
      %dma_start3A_1604 = arith.constant 0 : i32
      %dma_start3A_1605 = tpu.memref_slice %arg6[%add3A_1603, %dma_start3A_1604] : memref<40x50xi32, #tpu.memory_space<vmem>> -> memref<1x50xi32, #tpu.memory_space<vmem>>
      %dma_start3A_1606 = tpu.memref_squeeze %dma_start3A_1605 : memref<1x50xi32, #tpu.memory_space<vmem>> -> memref<50xi32, #tpu.memory_space<vmem>>
      %dma_start3A_1607 = arith.constant 0 : i32
      %dma_start3A_1608 = arith.constant 0 : i32
      %dma_start3A_1609 = tpu.memref_slice %arg2[%dma_start3A_1607, %dma_start3A_1608] : memref<10000x128xf32, #tpu.memory_space<hbm>> -> memref<10000x128xf32, #tpu.memory_space<hbm>>
      tpu.enqueue_indirect_dma source(%dma_start3A_1609 : memref<10000x128xf32, #tpu.memory_space<hbm>>) target(%arg9 : memref<50x128xf32, #tpu.memory_space<vmem>>) offsets(%dma_start3A_1606 : memref<50xi32, #tpu.memory_space<vmem>>) semaphore(%arg15 : memref<!tpu.dma_semaphore, #tpu.memory_space<semaphore_mem>>)
      %mul3A_1610 = arith.constant 4 : i32
      %mul3A_1611 = arith.muli %mul3A_1610, %scan3A_1557 : i32
      %add3A_1612 = arith.constant 2 : i32
      %add3A_1613 = arith.addi %mul3A_1611, %add3A_1612 : i32
      %dma_wait3A_1614 = arith.constant 0 : i32
      %dma_wait3A_1615 = tpu.memref_slice %arg6[%add3A_1613, %dma_wait3A_1614] : memref<40x50xi32, #tpu.memory_space<vmem>> -> memref<1x50xi32, #tpu.memory_space<vmem>>
      %dma_wait3A_1616 = tpu.memref_squeeze %dma_wait3A_1615 : memref<1x50xi32, #tpu.memory_space<vmem>> -> memref<50xi32, #tpu.memory_space<vmem>>
      %dma_wait3A_1617 = arith.constant 0 : i32
      %dma_wait3A_1618 = arith.constant 0 : i32
      %dma_wait3A_1619 = tpu.memref_slice %arg2[%dma_wait3A_1617, %dma_wait3A_1618] : memref<10000x128xf32, #tpu.memory_space<hbm>> -> memref<10000x128xf32, #tpu.memory_space<hbm>>
      tpu.wait_indirect_dma semaphore(%arg16 : memref<!tpu.dma_semaphore, #tpu.memory_space<semaphore_mem>>) src(%dma_wait3A_1619 : memref<10000x128xf32, #tpu.memory_space<hbm>>) dst(%arg10 : memref<50x128xf32, #tpu.memory_space<vmem>>)
      %mul3A_1620 = arith.constant 4 : i32
      %mul3A_1621 = arith.muli %mul3A_1620, %scan3A_1557 : i32
      %add3A_1622 = arith.constant 2 : i32
      %add3A_1623 = arith.addi %mul3A_1621, %add3A_1622 : i32
      "tpu.region"() ({
        %run_scoped3A_1726 = tpu.sem_alloc : memref<!tpu.dma_semaphore, #tpu.memory_space<semaphore_mem>>
        %dma_start3A_1727 = arith.constant 0 : i32
        %dma_start3A_1728 = tpu.memref_slice %arg7[%add3A_1623, %dma_start3A_1727] : memref<40x50xi32, #tpu.memory_space<vmem>> -> memref<1x50xi32, #tpu.memory_space<vmem>>
        %dma_start3A_1729 = tpu.memref_squeeze %dma_start3A_1728 : memref<1x50xi32, #tpu.memory_space<vmem>> -> memref<50xi32, #tpu.memory_space<vmem>>
        %dma_start3A_1730 = arith.constant 0 : i32
        %dma_start3A_1731 = arith.constant 0 : i32
        %dma_start3A_1732 = tpu.memref_slice %arg13[%dma_start3A_1730, %dma_start3A_1731] : memref<10000x128xf32, #tpu.memory_space<vmem_shared>> -> memref<10000x128xf32, #tpu.memory_space<vmem_shared>>
        tpu.enqueue_indirect_dma source(%arg10 : memref<50x128xf32, #tpu.memory_space<vmem>>) target(%dma_start3A_1732 : memref<10000x128xf32, #tpu.memory_space<vmem_shared>>) offsets(%dma_start3A_1729 : memref<50xi32, #tpu.memory_space<vmem>>) semaphore(%run_scoped3A_1726 : memref<!tpu.dma_semaphore, #tpu.memory_space<semaphore_mem>>) {add = true}
        %dma_wait3A_1733 = arith.constant 0 : i32
        %dma_wait3A_1734 = tpu.memref_slice %arg7[%add3A_1623, %dma_wait3A_1733] : memref<40x50xi32, #tpu.memory_space<vmem>> -> memref<1x50xi32, #tpu.memory_space<vmem>>
        %dma_wait3A_1735 = tpu.memref_squeeze %dma_wait3A_1734 : memref<1x50xi32, #tpu.memory_space<vmem>> -> memref<50xi32, #tpu.memory_space<vmem>>
        %dma_wait3A_1736 = arith.constant 0 : i32
        %dma_wait3A_1737 = arith.constant 0 : i32
        %dma_wait3A_1738 = tpu.memref_slice %arg13[%dma_wait3A_1736, %dma_wait3A_1737] : memref<10000x128xf32, #tpu.memory_space<vmem_shared>> -> memref<10000x128xf32, #tpu.memory_space<vmem_shared>>
        tpu.wait_indirect_dma semaphore(%run_scoped3A_1726 : memref<!tpu.dma_semaphore, #tpu.memory_space<semaphore_mem>>) src(%arg10 : memref<50x128xf32, #tpu.memory_space<vmem>>) dst(%dma_wait3A_1738 : memref<10000x128xf32, #tpu.memory_space<vmem_shared>>)
        tpu.yield
      }) : () -> ()
      %add3A_1624 = arith.constant 1 : i32
      %add3A_1625 = arith.addi %scan3A_1557, %add3A_1624 : i32
      %mul3A_1626 = arith.constant 4 : i32
      %mul3A_1627 = arith.muli %mul3A_1626, %add3A_1625 : i32
      %add3A_1628 = arith.constant 2 : i32
      %add3A_1629 = arith.addi %mul3A_1627, %add3A_1628 : i32
      %dma_start3A_1630 = arith.constant 0 : i32
      %dma_start3A_1631 = tpu.memref_slice %arg6[%add3A_1629, %dma_start3A_1630] : memref<40x50xi32, #tpu.memory_space<vmem>> -> memref<1x50xi32, #tpu.memory_space<vmem>>
      %dma_start3A_1632 = tpu.memref_squeeze %dma_start3A_1631 : memref<1x50xi32, #tpu.memory_space<vmem>> -> memref<50xi32, #tpu.memory_space<vmem>>
      %dma_start3A_1633 = arith.constant 0 : i32
      %dma_start3A_1634 = arith.constant 0 : i32
      %dma_start3A_1635 = tpu.memref_slice %arg2[%dma_start3A_1633, %dma_start3A_1634] : memref<10000x128xf32, #tpu.memory_space<hbm>> -> memref<10000x128xf32, #tpu.memory_space<hbm>>
      tpu.enqueue_indirect_dma source(%dma_start3A_1635 : memref<10000x128xf32, #tpu.memory_space<hbm>>) target(%arg10 : memref<50x128xf32, #tpu.memory_space<vmem>>) offsets(%dma_start3A_1632 : memref<50xi32, #tpu.memory_space<vmem>>) semaphore(%arg16 : memref<!tpu.dma_semaphore, #tpu.memory_space<semaphore_mem>>)
      %mul3A_1636 = arith.constant 4 : i32
      %mul3A_1637 = arith.muli %mul3A_1636, %scan3A_1557 : i32
      %add3A_1638 = arith.constant 3 : i32
      %add3A_1639 = arith.addi %mul3A_1637, %add3A_1638 : i32
      %dma_wait3A_1640 = arith.constant 0 : i32
      %dma_wait3A_1641 = tpu.memref_slice %arg6[%add3A_1639, %dma_wait3A_1640] : memref<40x50xi32, #tpu.memory_space<vmem>> -> memref<1x50xi32, #tpu.memory_space<vmem>>
      %dma_wait3A_1642 = tpu.memref_squeeze %dma_wait3A_1641 : memref<1x50xi32, #tpu.memory_space<vmem>> -> memref<50xi32, #tpu.memory_space<vmem>>
      %dma_wait3A_1643 = arith.constant 0 : i32
      %dma_wait3A_1644 = arith.constant 0 : i32
      %dma_wait3A_1645 = tpu.memref_slice %arg2[%dma_wait3A_1643, %dma_wait3A_1644] : memref<10000x128xf32, #tpu.memory_space<hbm>> -> memref<10000x128xf32, #tpu.memory_space<hbm>>
      tpu.wait_indirect_dma semaphore(%arg17 : memref<!tpu.dma_semaphore, #tpu.memory_space<semaphore_mem>>) src(%dma_wait3A_1645 : memref<10000x128xf32, #tpu.memory_space<hbm>>) dst(%arg11 : memref<50x128xf32, #tpu.memory_space<vmem>>)
      %mul3A_1646 = arith.constant 4 : i32
      %mul3A_1647 = arith.muli %mul3A_1646, %scan3A_1557 : i32
      %add3A_1648 = arith.constant 3 : i32
      %add3A_1649 = arith.addi %mul3A_1647, %add3A_1648 : i32
      "tpu.region"() ({
        %run_scoped3A_1726 = tpu.sem_alloc : memref<!tpu.dma_semaphore, #tpu.memory_space<semaphore_mem>>
        %dma_start3A_1727 = arith.constant 0 : i32
        %dma_start3A_1728 = tpu.memref_slice %arg7[%add3A_1649, %dma_start3A_1727] : memref<40x50xi32, #tpu.memory_space<vmem>> -> memref<1x50xi32, #tpu.memory_space<vmem>>
        %dma_start3A_1729 = tpu.memref_squeeze %dma_start3A_1728 : memref<1x50xi32, #tpu.memory_space<vmem>> -> memref<50xi32, #tpu.memory_space<vmem>>
        %dma_start3A_1730 = arith.constant 0 : i32
        %dma_start3A_1731 = arith.constant 0 : i32
        %dma_start3A_1732 = tpu.memref_slice %arg13[%dma_start3A_1730, %dma_start3A_1731] : memref<10000x128xf32, #tpu.memory_space<vmem_shared>> -> memref<10000x128xf32, #tpu.memory_space<vmem_shared>>
        tpu.enqueue_indirect_dma source(%arg11 : memref<50x128xf32, #tpu.memory_space<vmem>>) target(%dma_start3A_1732 : memref<10000x128xf32, #tpu.memory_space<vmem_shared>>) offsets(%dma_start3A_1729 : memref<50xi32, #tpu.memory_space<vmem>>) semaphore(%run_scoped3A_1726 : memref<!tpu.dma_semaphore, #tpu.memory_space<semaphore_mem>>) {add = true}
        %dma_wait3A_1733 = arith.constant 0 : i32
        %dma_wait3A_1734 = tpu.memref_slice %arg7[%add3A_1649, %dma_wait3A_1733] : memref<40x50xi32, #tpu.memory_space<vmem>> -> memref<1x50xi32, #tpu.memory_space<vmem>>
        %dma_wait3A_1735 = tpu.memref_squeeze %dma_wait3A_1734 : memref<1x50xi32, #tpu.memory_space<vmem>> -> memref<50xi32, #tpu.memory_space<vmem>>
        %dma_wait3A_1736 = arith.constant 0 : i32
        %dma_wait3A_1737 = arith.constant 0 : i32
        %dma_wait3A_1738 = tpu.memref_slice %arg13[%dma_wait3A_1736, %dma_wait3A_1737] : memref<10000x128xf32, #tpu.memory_space<vmem_shared>> -> memref<10000x128xf32, #tpu.memory_space<vmem_shared>>
        tpu.wait_indirect_dma semaphore(%run_scoped3A_1726 : memref<!tpu.dma_semaphore, #tpu.memory_space<semaphore_mem>>) src(%arg11 : memref<50x128xf32, #tpu.memory_space<vmem>>) dst(%dma_wait3A_1738 : memref<10000x128xf32, #tpu.memory_space<vmem_shared>>)
        tpu.yield
      }) : () -> ()
      %add3A_1650 = arith.constant 1 : i32
      %add3A_1651 = arith.addi %scan3A_1557, %add3A_1650 : i32
      %mul3A_1652 = arith.constant 4 : i32
      %mul3A_1653 = arith.muli %mul3A_1652, %add3A_1651 : i32
      %add3A_1654 = arith.constant 3 : i32
      %add3A_1655 = arith.addi %mul3A_1653, %add3A_1654 : i32
      %dma_start3A_1656 = arith.constant 0 : i32
      %dma_start3A_1657 = tpu.memref_slice %arg6[%add3A_1655, %dma_start3A_1656] : memref<40x50xi32, #tpu.memory_space<vmem>> -> memref<1x50xi32, #tpu.memory_space<vmem>>
      %dma_start3A_1658 = tpu.memref_squeeze %dma_start3A_1657 : memref<1x50xi32, #tpu.memory_space<vmem>> -> memref<50xi32, #tpu.memory_space<vmem>>
      %dma_start3A_1659 = arith.constant 0 : i32
      %dma_start3A_1660 = arith.constant 0 : i32
      %dma_start3A_1661 = tpu.memref_slice %arg2[%dma_start3A_1659, %dma_start3A_1660] : memref<10000x128xf32, #tpu.memory_space<hbm>> -> memref<10000x128xf32, #tpu.memory_space<hbm>>
      tpu.enqueue_indirect_dma source(%dma_start3A_1661 : memref<10000x128xf32, #tpu.memory_space<hbm>>) target(%arg11 : memref<50x128xf32, #tpu.memory_space<vmem>>) offsets(%dma_start3A_1658 : memref<50xi32, #tpu.memory_space<vmem>>) semaphore(%arg17 : memref<!tpu.dma_semaphore, #tpu.memory_space<semaphore_mem>>)
      %mul3A_1662 = arith.constant 4 : i32
      %mul3A_1663 = arith.muli %mul3A_1662, %scan3A_1557 : i32
      %add3A_1664 = arith.constant 0 : i32
      %add3A_1665 = arith.addi %mul3A_1663, %add3A_1664 : i32
      %get3A_1666 = arith.index_cast %add3A_1665 : i32 to index
      %get3A_1667 = arith.constant 0 : index
      %get3A_1668 = tpu.vector_load %arg7[%get3A_1666, %get3A_1667] {strides = array<i32>} : memref<40x50xi32, #tpu.memory_space<vmem>>, vector<16xi32>,
      tpu.vector_store_idx %arg12[%get3A_1668], %broadcast_in_dim3A_3 {add = true} : memref<10000xf32, #tpu.memory_space<vmem>>[vector<16xi32>], vector<16xf32>,
      %get3A_1669 = arith.index_cast %add3A_1665 : i32 to index
      %get3A_1670 = arith.constant 16 : index
      %get3A_1671 = tpu.vector_load %arg7[%get3A_1669, %get3A_1670] {strides = array<i32>} : memref<40x50xi32, #tpu.memory_space<vmem>>, vector<16xi32>,
      tpu.vector_store_idx %arg12[%get3A_1671], %broadcast_in_dim3A_3 {add = true} : memref<10000xf32, #tpu.memory_space<vmem>>[vector<16xi32>], vector<16xf32>,
      %get3A_1672 = arith.index_cast %add3A_1665 : i32 to index
      %get3A_1673 = arith.constant 32 : index
      %get3A_1674 = tpu.vector_load %arg7[%get3A_1672, %get3A_1673] {strides = array<i32>} : memref<40x50xi32, #tpu.memory_space<vmem>>, vector<16xi32>,
      tpu.vector_store_idx %arg12[%get3A_1674], %broadcast_in_dim3A_3 {add = true} : memref<10000xf32, #tpu.memory_space<vmem>>[vector<16xi32>], vector<16xf32>,
      %get3A_1675 = arith.index_cast %add3A_1665 : i32 to index
      %get3A_1676 = arith.constant 34 : index
      %get3A_1677 = tpu.vector_load %arg7[%get3A_1675, %get3A_1676] {strides = array<i32>} : memref<40x50xi32, #tpu.memory_space<vmem>>, vector<16xi32>,
      tpu.vector_store_idx %arg12[%get3A_1677], %broadcast_in_dim3A_3 masked %ge3A_348 {add = true} : memref<10000xf32, #tpu.memory_space<vmem>>[vector<16xi32>], vector<16xf32>, vector<16xi1>
      %mul3A_1678 = arith.constant 4 : i32
      %mul3A_1679 = arith.muli %mul3A_1678, %scan3A_1557 : i32
      %add3A_1680 = arith.constant 1 : i32
      %add3A_1681 = arith.addi %mul3A_1679, %add3A_1680 : i32
      %get3A_1682 = arith.index_cast %add3A_1681 : i32 to index
      %get3A_1683 = arith.constant 0 : index
      %get3A_1684 = tpu.vector_load %arg7[%get3A_1682, %get3A_1683] {strides = array<i32>} : memref<40x50xi32, #tpu.memory_space<vmem>>, vector<16xi32>,
      tpu.vector_store_idx %arg12[%get3A_1684], %broadcast_in_dim3A_3 {add = true} : memref<10000xf32, #tpu.memory_space<vmem>>[vector<16xi32>], vector<16xf32>,
      %get3A_1685 = arith.index_cast %add3A_1681 : i32 to index
      %get3A_1686 = arith.constant 16 : index
      %get3A_1687 = tpu.vector_load %arg7[%get3A_1685, %get3A_1686] {strides = array<i32>} : memref<40x50xi32, #tpu.memory_space<vmem>>, vector<16xi32>,
      tpu.vector_store_idx %arg12[%get3A_1687], %broadcast_in_dim3A_3 {add = true} : memref<10000xf32, #tpu.memory_space<vmem>>[vector<16xi32>], vector<16xf32>,
      %get3A_1688 = arith.index_cast %add3A_1681 : i32 to index
      %get3A_1689 = arith.constant 32 : index
      %get3A_1690 = tpu.vector_load %arg7[%get3A_1688, %get3A_1689] {strides = array<i32>} : memref<40x50xi32, #tpu.memory_space<vmem>>, vector<16xi32>,
      tpu.vector_store_idx %arg12[%get3A_1690], %broadcast_in_dim3A_3 {add = true} : memref<10000xf32, #tpu.memory_space<vmem>>[vector<16xi32>], vector<16xf32>,
      %get3A_1691 = arith.index_cast %add3A_1681 : i32 to index
      %get3A_1692 = arith.constant 34 : index
      %get3A_1693 = tpu.vector_load %arg7[%get3A_1691, %get3A_1692] {strides = array<i32>} : memref<40x50xi32, #tpu.memory_space<vmem>>, vector<16xi32>,
      tpu.vector_store_idx %arg12[%get3A_1693], %broadcast_in_dim3A_3 masked %ge3A_348 {add = true} : memref<10000xf32, #tpu.memory_space<vmem>>[vector<16xi32>], vector<16xf32>, vector<16xi1>
      %mul3A_1694 = arith.constant 4 : i32
      %mul3A_1695 = arith.muli %mul3A_1694, %scan3A_1557 : i32
      %add3A_1696 = arith.constant 2 : i32
      %add3A_1697 = arith.addi %mul3A_1695, %add3A_1696 : i32
      %get3A_1698 = arith.index_cast %add3A_1697 : i32 to index
      %get3A_1699 = arith.constant 0 : index
      %get3A_1700 = tpu.vector_load %arg7[%get3A_1698, %get3A_1699] {strides = array<i32>} : memref<40x50xi32, #tpu.memory_space<vmem>>, vector<16xi32>,
      tpu.vector_store_idx %arg12[%get3A_1700], %broadcast_in_dim3A_3 {add = true} : memref<10000xf32, #tpu.memory_space<vmem>>[vector<16xi32>], vector<16xf32>,
      %get3A_1701 = arith.index_cast %add3A_1697 : i32 to index
      %get3A_1702 = arith.constant 16 : index
      %get3A_1703 = tpu.vector_load %arg7[%get3A_1701, %get3A_1702] {strides = array<i32>} : memref<40x50xi32, #tpu.memory_space<vmem>>, vector<16xi32>,
      tpu.vector_store_idx %arg12[%get3A_1703], %broadcast_in_dim3A_3 {add = true} : memref<10000xf32, #tpu.memory_space<vmem>>[vector<16xi32>], vector<16xf32>,
      %get3A_1704 = arith.index_cast %add3A_1697 : i32 to index
      %get3A_1705 = arith.constant 32 : index
      %get3A_1706 = tpu.vector_load %arg7[%get3A_1704, %get3A_1705] {strides = array<i32>} : memref<40x50xi32, #tpu.memory_space<vmem>>, vector<16xi32>,
      tpu.vector_store_idx %arg12[%get3A_1706], %broadcast_in_dim3A_3 {add = true} : memref<10000xf32, #tpu.memory_space<vmem>>[vector<16xi32>], vector<16xf32>,
      %get3A_1707 = arith.index_cast %add3A_1697 : i32 to index
      %get3A_1708 = arith.constant 34 : index
      %get3A_1709 = tpu.vector_load %arg7[%get3A_1707, %get3A_1708] {strides = array<i32>} : memref<40x50xi32, #tpu.memory_space<vmem>>, vector<16xi32>,
      tpu.vector_store_idx %arg12[%get3A_1709], %broadcast_in_dim3A_3 masked %ge3A_348 {add = true} : memref<10000xf32, #tpu.memory_space<vmem>>[vector<16xi32>], vector<16xf32>, vector<16xi1>
      %mul3A_1710 = arith.constant 4 : i32
      %mul3A_1711 = arith.muli %mul3A_1710, %scan3A_1557 : i32
      %add3A_1712 = arith.constant 3 : i32
      %add3A_1713 = arith.addi %mul3A_1711, %add3A_1712 : i32
      %get3A_1714 = arith.index_cast %add3A_1713 : i32 to index
      %get3A_1715 = arith.constant 0 : index
      %get3A_1716 = tpu.vector_load %arg7[%get3A_1714, %get3A_1715] {strides = array<i32>} : memref<40x50xi32, #tpu.memory_space<vmem>>, vector<16xi32>,
      tpu.vector_store_idx %arg12[%get3A_1716], %broadcast_in_dim3A_3 {add = true} : memref<10000xf32, #tpu.memory_space<vmem>>[vector<16xi32>], vector<16xf32>,
      %get3A_1717 = arith.index_cast %add3A_1713 : i32 to index
      %get3A_1718 = arith.constant 16 : index
      %get3A_1719 = tpu.vector_load %arg7[%get3A_1717, %get3A_1718] {strides = array<i32>} : memref<40x50xi32, #tpu.memory_space<vmem>>, vector<16xi32>,
      tpu.vector_store_idx %arg12[%get3A_1719], %broadcast_in_dim3A_3 {add = true} : memref<10000xf32, #tpu.memory_space<vmem>>[vector<16xi32>], vector<16xf32>,
      %get3A_1720 = arith.index_cast %add3A_1713 : i32 to index
      %get3A_1721 = arith.constant 32 : index
      %get3A_1722 = tpu.vector_load %arg7[%get3A_1720, %get3A_1721] {strides = array<i32>} : memref<40x50xi32, #tpu.memory_space<vmem>>, vector<16xi32>,
      tpu.vector_store_idx %arg12[%get3A_1722], %broadcast_in_dim3A_3 {add = true} : memref<10000xf32, #tpu.memory_space<vmem>>[vector<16xi32>], vector<16xf32>,
      %get3A_1723 = arith.index_cast %add3A_1713 : i32 to index
      %get3A_1724 = arith.constant 34 : index
      %get3A_1725 = tpu.vector_load %arg7[%get3A_1723, %get3A_1724] {strides = array<i32>} : memref<40x50xi32, #tpu.memory_space<vmem>>, vector<16xi32>,
      tpu.vector_store_idx %arg12[%get3A_1725], %broadcast_in_dim3A_3 masked %ge3A_348 {add = true} : memref<10000xf32, #tpu.memory_space<vmem>>[vector<16xi32>], vector<16xf32>, vector<16xi1>
    }
    %scan3A_1062 = arith.constant 9 : i32
    %dma_wait3A_1063 = arith.constant 36 : i32
    %dma_wait3A_1064 = arith.constant 0 : i32
    %dma_wait3A_1065 = tpu.memref_slice %arg6[%dma_wait3A_1063, %dma_wait3A_1064] : memref<40x50xi32, #tpu.memory_space<vmem>> -> memref<1x50xi32, #tpu.memory_space<vmem>>
    %dma_wait3A_1066 = tpu.memref_squeeze %dma_wait3A_1065 : memref<1x50xi32, #tpu.memory_space<vmem>> -> memref<50xi32, #tpu.memory_space<vmem>>
    %dma_wait3A_1067 = arith.constant 0 : i32
    %dma_wait3A_1068 = arith.constant 0 : i32
    %dma_wait3A_1069 = tpu.memref_slice %arg2[%dma_wait3A_1067, %dma_wait3A_1068] : memref<10000x128xf32, #tpu.memory_space<hbm>> -> memref<10000x128xf32, #tpu.memory_space<hbm>>
    tpu.wait_indirect_dma semaphore(%arg14 : memref<!tpu.dma_semaphore, #tpu.memory_space<semaphore_mem>>) src(%dma_wait3A_1069 : memref<10000x128xf32, #tpu.memory_space<hbm>>) dst(%arg8 : memref<50x128xf32, #tpu.memory_space<vmem>>)
    %run_scoped3A_1070 = arith.constant 36 : i32
    "tpu.region"() ({
      %run_scoped3A_1557 = tpu.sem_alloc : memref<!tpu.dma_semaphore, #tpu.memory_space<semaphore_mem>>
      %dma_start3A_1558 = arith.constant 0 : i32
      %dma_start3A_1559 = tpu.memref_slice %arg7[%run_scoped3A_1070, %dma_start3A_1558] : memref<40x50xi32, #tpu.memory_space<vmem>> -> memref<1x50xi32, #tpu.memory_space<vmem>>
      %dma_start3A_1560 = tpu.memref_squeeze %dma_start3A_1559 : memref<1x50xi32, #tpu.memory_space<vmem>> -> memref<50xi32, #tpu.memory_space<vmem>>
      %dma_start3A_1561 = arith.constant 0 : i32
      %dma_start3A_1562 = arith.constant 0 : i32
      %dma_start3A_1563 = tpu.memref_slice %arg13[%dma_start3A_1561, %dma_start3A_1562] : memref<10000x128xf32, #tpu.memory_space<vmem_shared>> -> memref<10000x128xf32, #tpu.memory_space<vmem_shared>>
      tpu.enqueue_indirect_dma source(%arg8 : memref<50x128xf32, #tpu.memory_space<vmem>>) target(%dma_start3A_1563 : memref<10000x128xf32, #tpu.memory_space<vmem_shared>>) offsets(%dma_start3A_1560 : memref<50xi32, #tpu.memory_space<vmem>>) semaphore(%run_scoped3A_1557 : memref<!tpu.dma_semaphore, #tpu.memory_space<semaphore_mem>>) {add = true}
      %dma_wait3A_1564 = arith.constant 0 : i32
      %dma_wait3A_1565 = tpu.memref_slice %arg7[%run_scoped3A_1070, %dma_wait3A_1564] : memref<40x50xi32, #tpu.memory_space<vmem>> -> memref<1x50xi32, #tpu.memory_space<vmem>>
      %dma_wait3A_1566 = tpu.memref_squeeze %dma_wait3A_1565 : memref<1x50xi32, #tpu.memory_space<vmem>> -> memref<50xi32, #tpu.memory_space<vmem>>
      %dma_wait3A_1567 = arith.constant 0 : i32
      %dma_wait3A_1568 = arith.constant 0 : i32
      %dma_wait3A_1569 = tpu.memref_slice %arg13[%dma_wait3A_1567, %dma_wait3A_1568] : memref<10000x128xf32, #tpu.memory_space<vmem_shared>> -> memref<10000x128xf32, #tpu.memory_space<vmem_shared>>
      tpu.wait_indirect_dma semaphore(%run_scoped3A_1557 : memref<!tpu.dma_semaphore, #tpu.memory_space<semaphore_mem>>) src(%arg8 : memref<50x128xf32, #tpu.memory_space<vmem>>) dst(%dma_wait3A_1569 : memref<10000x128xf32, #tpu.memory_space<vmem_shared>>)
      tpu.yield
    }) : () -> ()
    %dma_wait3A_1071 = arith.constant 37 : i32
    %dma_wait3A_1072 = arith.constant 0 : i32
    %dma_wait3A_1073 = tpu.memref_slice %arg6[%dma_wait3A_1071, %dma_wait3A_1072] : memref<40x50xi32, #tpu.memory_space<vmem>> -> memref<1x50xi32, #tpu.memory_space<vmem>>
    %dma_wait3A_1074 = tpu.memref_squeeze %dma_wait3A_1073 : memref<1x50xi32, #tpu.memory_space<vmem>> -> memref<50xi32, #tpu.memory_space<vmem>>
    %dma_wait3A_1075 = arith.constant 0 : i32
    %dma_wait3A_1076 = arith.constant 0 : i32
    %dma_wait3A_1077 = tpu.memref_slice %arg2[%dma_wait3A_1075, %dma_wait3A_1076] : memref<10000x128xf32, #tpu.memory_space<hbm>> -> memref<10000x128xf32, #tpu.memory_space<hbm>>
    tpu.wait_indirect_dma semaphore(%arg15 : memref<!tpu.dma_semaphore, #tpu.memory_space<semaphore_mem>>) src(%dma_wait3A_1077 : memref<10000x128xf32, #tpu.memory_space<hbm>>) dst(%arg9 : memref<50x128xf32, #tpu.memory_space<vmem>>)
    %run_scoped3A_1078 = arith.constant 37 : i32
    "tpu.region"() ({
      %run_scoped3A_1557 = tpu.sem_alloc : memref<!tpu.dma_semaphore, #tpu.memory_space<semaphore_mem>>
      %dma_start3A_1558 = arith.constant 0 : i32
      %dma_start3A_1559 = tpu.memref_slice %arg7[%run_scoped3A_1078, %dma_start3A_1558] : memref<40x50xi32, #tpu.memory_space<vmem>> -> memref<1x50xi32, #tpu.memory_space<vmem>>
      %dma_start3A_1560 = tpu.memref_squeeze %dma_start3A_1559 : memref<1x50xi32, #tpu.memory_space<vmem>> -> memref<50xi32, #tpu.memory_space<vmem>>
      %dma_start3A_1561 = arith.constant 0 : i32
      %dma_start3A_1562 = arith.constant 0 : i32
      %dma_start3A_1563 = tpu.memref_slice %arg13[%dma_start3A_1561, %dma_start3A_1562] : memref<10000x128xf32, #tpu.memory_space<vmem_shared>> -> memref<10000x128xf32, #tpu.memory_space<vmem_shared>>
      tpu.enqueue_indirect_dma source(%arg9 : memref<50x128xf32, #tpu.memory_space<vmem>>) target(%dma_start3A_1563 : memref<10000x128xf32, #tpu.memory_space<vmem_shared>>) offsets(%dma_start3A_1560 : memref<50xi32, #tpu.memory_space<vmem>>) semaphore(%run_scoped3A_1557 : memref<!tpu.dma_semaphore, #tpu.memory_space<semaphore_mem>>) {add = true}
      %dma_wait3A_1564 = arith.constant 0 : i32
      %dma_wait3A_1565 = tpu.memref_slice %arg7[%run_scoped3A_1078, %dma_wait3A_1564] : memref<40x50xi32, #tpu.memory_space<vmem>> -> memref<1x50xi32, #tpu.memory_space<vmem>>
      %dma_wait3A_1566 = tpu.memref_squeeze %dma_wait3A_1565 : memref<1x50xi32, #tpu.memory_space<vmem>> -> memref<50xi32, #tpu.memory_space<vmem>>
      %dma_wait3A_1567 = arith.constant 0 : i32
      %dma_wait3A_1568 = arith.constant 0 : i32
      %dma_wait3A_1569 = tpu.memref_slice %arg13[%dma_wait3A_1567, %dma_wait3A_1568] : memref<10000x128xf32, #tpu.memory_space<vmem_shared>> -> memref<10000x128xf32, #tpu.memory_space<vmem_shared>>
      tpu.wait_indirect_dma semaphore(%run_scoped3A_1557 : memref<!tpu.dma_semaphore, #tpu.memory_space<semaphore_mem>>) src(%arg9 : memref<50x128xf32, #tpu.memory_space<vmem>>) dst(%dma_wait3A_1569 : memref<10000x128xf32, #tpu.memory_space<vmem_shared>>)
      tpu.yield
    }) : () -> ()
    %dma_wait3A_1079 = arith.constant 38 : i32
    %dma_wait3A_1080 = arith.constant 0 : i32
    %dma_wait3A_1081 = tpu.memref_slice %arg6[%dma_wait3A_1079, %dma_wait3A_1080] : memref<40x50xi32, #tpu.memory_space<vmem>> -> memref<1x50xi32, #tpu.memory_space<vmem>>
    %dma_wait3A_1082 = tpu.memref_squeeze %dma_wait3A_1081 : memref<1x50xi32, #tpu.memory_space<vmem>> -> memref<50xi32, #tpu.memory_space<vmem>>
    %dma_wait3A_1083 = arith.constant 0 : i32
    %dma_wait3A_1084 = arith.constant 0 : i32
    %dma_wait3A_1085 = tpu.memref_slice %arg2[%dma_wait3A_1083, %dma_wait3A_1084] : memref<10000x128xf32, #tpu.memory_space<hbm>> -> memref<10000x128xf32, #tpu.memory_space<hbm>>
    tpu.wait_indirect_dma semaphore(%arg16 : memref<!tpu.dma_semaphore, #tpu.memory_space<semaphore_mem>>) src(%dma_wait3A_1085 : memref<10000x128xf32, #tpu.memory_space<hbm>>) dst(%arg10 : memref<50x128xf32, #tpu.memory_space<vmem>>)
    %run_scoped3A_1086 = arith.constant 38 : i32
    "tpu.region"() ({
      %run_scoped3A_1557 = tpu.sem_alloc : memref<!tpu.dma_semaphore, #tpu.memory_space<semaphore_mem>>
      %dma_start3A_1558 = arith.constant 0 : i32
      %dma_start3A_1559 = tpu.memref_slice %arg7[%run_scoped3A_1086, %dma_start3A_1558] : memref<40x50xi32, #tpu.memory_space<vmem>> -> memref<1x50xi32, #tpu.memory_space<vmem>>
      %dma_start3A_1560 = tpu.memref_squeeze %dma_start3A_1559 : memref<1x50xi32, #tpu.memory_space<vmem>> -> memref<50xi32, #tpu.memory_space<vmem>>
      %dma_start3A_1561 = arith.constant 0 : i32
      %dma_start3A_1562 = arith.constant 0 : i32
      %dma_start3A_1563 = tpu.memref_slice %arg13[%dma_start3A_1561, %dma_start3A_1562] : memref<10000x128xf32, #tpu.memory_space<vmem_shared>> -> memref<10000x128xf32, #tpu.memory_space<vmem_shared>>
      tpu.enqueue_indirect_dma source(%arg10 : memref<50x128xf32, #tpu.memory_space<vmem>>) target(%dma_start3A_1563 : memref<10000x128xf32, #tpu.memory_space<vmem_shared>>) offsets(%dma_start3A_1560 : memref<50xi32, #tpu.memory_space<vmem>>) semaphore(%run_scoped3A_1557 : memref<!tpu.dma_semaphore, #tpu.memory_space<semaphore_mem>>) {add = true}
      %dma_wait3A_1564 = arith.constant 0 : i32
      %dma_wait3A_1565 = tpu.memref_slice %arg7[%run_scoped3A_1086, %dma_wait3A_1564] : memref<40x50xi32, #tpu.memory_space<vmem>> -> memref<1x50xi32, #tpu.memory_space<vmem>>
      %dma_wait3A_1566 = tpu.memref_squeeze %dma_wait3A_1565 : memref<1x50xi32, #tpu.memory_space<vmem>> -> memref<50xi32, #tpu.memory_space<vmem>>
      %dma_wait3A_1567 = arith.constant 0 : i32
      %dma_wait3A_1568 = arith.constant 0 : i32
      %dma_wait3A_1569 = tpu.memref_slice %arg13[%dma_wait3A_1567, %dma_wait3A_1568] : memref<10000x128xf32, #tpu.memory_space<vmem_shared>> -> memref<10000x128xf32, #tpu.memory_space<vmem_shared>>
      tpu.wait_indirect_dma semaphore(%run_scoped3A_1557 : memref<!tpu.dma_semaphore, #tpu.memory_space<semaphore_mem>>) src(%arg10 : memref<50x128xf32, #tpu.memory_space<vmem>>) dst(%dma_wait3A_1569 : memref<10000x128xf32, #tpu.memory_space<vmem_shared>>)
      tpu.yield
    }) : () -> ()
    %dma_wait3A_1087 = arith.constant 39 : i32
    %dma_wait3A_1088 = arith.constant 0 : i32
    %dma_wait3A_1089 = tpu.memref_slice %arg6[%dma_wait3A_1087, %dma_wait3A_1088] : memref<40x50xi32, #tpu.memory_space<vmem>> -> memref<1x50xi32, #tpu.memory_space<vmem>>
    %dma_wait3A_1090 = tpu.memref_squeeze %dma_wait3A_1089 : memref<1x50xi32, #tpu.memory_space<vmem>> -> memref<50xi32, #tpu.memory_space<vmem>>
    %dma_wait3A_1091 = arith.constant 0 : i32
    %dma_wait3A_1092 = arith.constant 0 : i32
    %dma_wait3A_1093 = tpu.memref_slice %arg2[%dma_wait3A_1091, %dma_wait3A_1092] : memref<10000x128xf32, #tpu.memory_space<hbm>> -> memref<10000x128xf32, #tpu.memory_space<hbm>>
    tpu.wait_indirect_dma semaphore(%arg17 : memref<!tpu.dma_semaphore, #tpu.memory_space<semaphore_mem>>) src(%dma_wait3A_1093 : memref<10000x128xf32, #tpu.memory_space<hbm>>) dst(%arg11 : memref<50x128xf32, #tpu.memory_space<vmem>>)
    %run_scoped3A_1094 = arith.constant 39 : i32
    "tpu.region"() ({
      %run_scoped3A_1557 = tpu.sem_alloc : memref<!tpu.dma_semaphore, #tpu.memory_space<semaphore_mem>>
      %dma_start3A_1558 = arith.constant 0 : i32
      %dma_start3A_1559 = tpu.memref_slice %arg7[%run_scoped3A_1094, %dma_start3A_1558] : memref<40x50xi32, #tpu.memory_space<vmem>> -> memref<1x50xi32, #tpu.memory_space<vmem>>
      %dma_start3A_1560 = tpu.memref_squeeze %dma_start3A_1559 : memref<1x50xi32, #tpu.memory_space<vmem>> -> memref<50xi32, #tpu.memory_space<vmem>>
      %dma_start3A_1561 = arith.constant 0 : i32
      %dma_start3A_1562 = arith.constant 0 : i32
      %dma_start3A_1563 = tpu.memref_slice %arg13[%dma_start3A_1561, %dma_start3A_1562] : memref<10000x128xf32, #tpu.memory_space<vmem_shared>> -> memref<10000x128xf32, #tpu.memory_space<vmem_shared>>
      tpu.enqueue_indirect_dma source(%arg11 : memref<50x128xf32, #tpu.memory_space<vmem>>) target(%dma_start3A_1563 : memref<10000x128xf32, #tpu.memory_space<vmem_shared>>) offsets(%dma_start3A_1560 : memref<50xi32, #tpu.memory_space<vmem>>) semaphore(%run_scoped3A_1557 : memref<!tpu.dma_semaphore, #tpu.memory_space<semaphore_mem>>) {add = true}
      %dma_wait3A_1564 = arith.constant 0 : i32
      %dma_wait3A_1565 = tpu.memref_slice %arg7[%run_scoped3A_1094, %dma_wait3A_1564] : memref<40x50xi32, #tpu.memory_space<vmem>> -> memref<1x50xi32, #tpu.memory_space<vmem>>
      %dma_wait3A_1566 = tpu.memref_squeeze %dma_wait3A_1565 : memref<1x50xi32, #tpu.memory_space<vmem>> -> memref<50xi32, #tpu.memory_space<vmem>>
      %dma_wait3A_1567 = arith.constant 0 : i32
      %dma_wait3A_1568 = arith.constant 0 : i32
      %dma_wait3A_1569 = tpu.memref_slice %arg13[%dma_wait3A_1567, %dma_wait3A_1568] : memref<10000x128xf32, #tpu.memory_space<vmem_shared>> -> memref<10000x128xf32, #tpu.memory_space<vmem_shared>>
      tpu.wait_indirect_dma semaphore(%run_scoped3A_1557 : memref<!tpu.dma_semaphore, #tpu.memory_space<semaphore_mem>>) src(%arg11 : memref<50x128xf32, #tpu.memory_space<vmem>>) dst(%dma_wait3A_1569 : memref<10000x128xf32, #tpu.memory_space<vmem_shared>>)
      tpu.yield
    }) : () -> ()
    %get3A_1095 = arith.constant 36 : i32
    %get3A_1096 = arith.index_cast %get3A_1095 : i32 to index
    %get3A_1097 = arith.constant 0 : index
    %get3A_1098 = tpu.vector_load %arg7[%get3A_1096, %get3A_1097] {strides = array<i32>} : memref<40x50xi32, #tpu.memory_space<vmem>>, vector<16xi32>,
    tpu.vector_store_idx %arg12[%get3A_1098], %broadcast_in_dim3A_3 {add = true} : memref<10000xf32, #tpu.memory_space<vmem>>[vector<16xi32>], vector<16xf32>,
    %get3A_1099 = arith.constant 36 : i32
    %get3A_1100 = arith.index_cast %get3A_1099 : i32 to index
    %get3A_1101 = arith.constant 16 : index
    %get3A_1102 = tpu.vector_load %arg7[%get3A_1100, %get3A_1101] {strides = array<i32>} : memref<40x50xi32, #tpu.memory_space<vmem>>, vector<16xi32>,
    tpu.vector_store_idx %arg12[%get3A_1102], %broadcast_in_dim3A_3 {add = true} : memref<10000xf32, #tpu.memory_space<vmem>>[vector<16xi32>], vector<16xf32>,
    %get3A_1103 = arith.constant 36 : i32
    %get3A_1104 = arith.index_cast %get3A_1103 : i32 to index
    %get3A_1105 = arith.constant 32 : index
    %get3A_1106 = tpu.vector_load %arg7[%get3A_1104, %get3A_1105] {strides = array<i32>} : memref<40x50xi32, #tpu.memory_space<vmem>>, vector<16xi32>,
    tpu.vector_store_idx %arg12[%get3A_1106], %broadcast_in_dim3A_3 {add = true} : memref<10000xf32, #tpu.memory_space<vmem>>[vector<16xi32>], vector<16xf32>,
    %get3A_1107 = arith.constant 36 : i32
    %get3A_1108 = arith.index_cast %get3A_1107 : i32 to index
    %get3A_1109 = arith.constant 34 : index
    %get3A_1110 = tpu.vector_load %arg7[%get3A_1108, %get3A_1109] {strides = array<i32>} : memref<40x50xi32, #tpu.memory_space<vmem>>, vector<16xi32>,
    tpu.vector_store_idx %arg12[%get3A_1110], %broadcast_in_dim3A_3 masked %ge3A_348 {add = true} : memref<10000xf32, #tpu.memory_space<vmem>>[vector<16xi32>], vector<16xf32>, vector<16xi1>
    %get3A_1111 = arith.constant 37 : i32
    %get3A_1112 = arith.index_cast %get3A_1111 : i32 to index
    %get3A_1113 = arith.constant 0 : index
    %get3A_1114 = tpu.vector_load %arg7[%get3A_1112, %get3A_1113] {strides = array<i32>} : memref<40x50xi32, #tpu.memory_space<vmem>>, vector<16xi32>,
    tpu.vector_store_idx %arg12[%get3A_1114], %broadcast_in_dim3A_3 {add = true} : memref<10000xf32, #tpu.memory_space<vmem>>[vector<16xi32>], vector<16xf32>,
    %get3A_1115 = arith.constant 37 : i32
    %get3A_1116 = arith.index_cast %get3A_1115 : i32 to index
    %get3A_1117 = arith.constant 16 : index
    %get3A_1118 = tpu.vector_load %arg7[%get3A_1116, %get3A_1117] {strides = array<i32>} : memref<40x50xi32, #tpu.memory_space<vmem>>, vector<16xi32>,
    tpu.vector_store_idx %arg12[%get3A_1118], %broadcast_in_dim3A_3 {add = true} : memref<10000xf32, #tpu.memory_space<vmem>>[vector<16xi32>], vector<16xf32>,
    %get3A_1119 = arith.constant 37 : i32
    %get3A_1120 = arith.index_cast %get3A_1119 : i32 to index
    %get3A_1121 = arith.constant 32 : index
    %get3A_1122 = tpu.vector_load %arg7[%get3A_1120, %get3A_1121] {strides = array<i32>} : memref<40x50xi32, #tpu.memory_space<vmem>>, vector<16xi32>,
    tpu.vector_store_idx %arg12[%get3A_1122], %broadcast_in_dim3A_3 {add = true} : memref<10000xf32, #tpu.memory_space<vmem>>[vector<16xi32>], vector<16xf32>,
    %get3A_1123 = arith.constant 37 : i32
    %get3A_1124 = arith.index_cast %get3A_1123 : i32 to index
    %get3A_1125 = arith.constant 34 : index
    %get3A_1126 = tpu.vector_load %arg7[%get3A_1124, %get3A_1125] {strides = array<i32>} : memref<40x50xi32, #tpu.memory_space<vmem>>, vector<16xi32>,
    tpu.vector_store_idx %arg12[%get3A_1126], %broadcast_in_dim3A_3 masked %ge3A_348 {add = true} : memref<10000xf32, #tpu.memory_space<vmem>>[vector<16xi32>], vector<16xf32>, vector<16xi1>
    %get3A_1127 = arith.constant 38 : i32
    %get3A_1128 = arith.index_cast %get3A_1127 : i32 to index
    %get3A_1129 = arith.constant 0 : index
    %get3A_1130 = tpu.vector_load %arg7[%get3A_1128, %get3A_1129] {strides = array<i32>} : memref<40x50xi32, #tpu.memory_space<vmem>>, vector<16xi32>,
    tpu.vector_store_idx %arg12[%get3A_1130], %broadcast_in_dim3A_3 {add = true} : memref<10000xf32, #tpu.memory_space<vmem>>[vector<16xi32>], vector<16xf32>,
    %get3A_1131 = arith.constant 38 : i32
    %get3A_1132 = arith.index_cast %get3A_1131 : i32 to index
    %get3A_1133 = arith.constant 16 : index
    %get3A_1134 = tpu.vector_load %arg7[%get3A_1132, %get3A_1133] {strides = array<i32>} : memref<40x50xi32, #tpu.memory_space<vmem>>, vector<16xi32>,
    tpu.vector_store_idx %arg12[%get3A_1134], %broadcast_in_dim3A_3 {add = true} : memref<10000xf32, #tpu.memory_space<vmem>>[vector<16xi32>], vector<16xf32>,
    %get3A_1135 = arith.constant 38 : i32
    %get3A_1136 = arith.index_cast %get3A_1135 : i32 to index
    %get3A_1137 = arith.constant 32 : index
    %get3A_1138 = tpu.vector_load %arg7[%get3A_1136, %get3A_1137] {strides = array<i32>} : memref<40x50xi32, #tpu.memory_space<vmem>>, vector<16xi32>,
    tpu.vector_store_idx %arg12[%get3A_1138], %broadcast_in_dim3A_3 {add = true} : memref<10000xf32, #tpu.memory_space<vmem>>[vector<16xi32>], vector<16xf32>,
    %get3A_1139 = arith.constant 38 : i32
    %get3A_1140 = arith.index_cast %get3A_1139 : i32 to index
    %get3A_1141 = arith.constant 34 : index
    %get3A_1142 = tpu.vector_load %arg7[%get3A_1140, %get3A_1141] {strides = array<i32>} : memref<40x50xi32, #tpu.memory_space<vmem>>, vector<16xi32>,
    tpu.vector_store_idx %arg12[%get3A_1142], %broadcast_in_dim3A_3 masked %ge3A_348 {add = true} : memref<10000xf32, #tpu.memory_space<vmem>>[vector<16xi32>], vector<16xf32>, vector<16xi1>
    %get3A_1143 = arith.constant 39 : i32
    %get3A_1144 = arith.index_cast %get3A_1143 : i32 to index
    %get3A_1145 = arith.constant 0 : index
    %get3A_1146 = tpu.vector_load %arg7[%get3A_1144, %get3A_1145] {strides = array<i32>} : memref<40x50xi32, #tpu.memory_space<vmem>>, vector<16xi32>,
    tpu.vector_store_idx %arg12[%get3A_1146], %broadcast_in_dim3A_3 {add = true} : memref<10000xf32, #tpu.memory_space<vmem>>[vector<16xi32>], vector<16xf32>,
    %get3A_1147 = arith.constant 39 : i32
    %get3A_1148 = arith.index_cast %get3A_1147 : i32 to index
    %get3A_1149 = arith.constant 16 : index
    %get3A_1150 = tpu.vector_load %arg7[%get3A_1148, %get3A_1149] {strides = array<i32>} : memref<40x50xi32, #tpu.memory_space<vmem>>, vector<16xi32>,
    tpu.vector_store_idx %arg12[%get3A_1150], %broadcast_in_dim3A_3 {add = true} : memref<10000xf32, #tpu.memory_space<vmem>>[vector<16xi32>], vector<16xf32>,
    %get3A_1151 = arith.constant 39 : i32
    %get3A_1152 = arith.index_cast %get3A_1151 : i32 to index
    %get3A_1153 = arith.constant 32 : index
    %get3A_1154 = tpu.vector_load %arg7[%get3A_1152, %get3A_1153] {strides = array<i32>} : memref<40x50xi32, #tpu.memory_space<vmem>>, vector<16xi32>,
    tpu.vector_store_idx %arg12[%get3A_1154], %broadcast_in_dim3A_3 {add = true} : memref<10000xf32, #tpu.memory_space<vmem>>[vector<16xi32>], vector<16xf32>,
    %get3A_1155 = arith.constant 39 : i32
    %get3A_1156 = arith.index_cast %get3A_1155 : i32 to index
    %get3A_1157 = arith.constant 34 : index
    %get3A_1158 = tpu.vector_load %arg7[%get3A_1156, %get3A_1157] {strides = array<i32>} : memref<40x50xi32, #tpu.memory_space<vmem>>, vector<16xi32>,
    tpu.vector_store_idx %arg12[%get3A_1158], %broadcast_in_dim3A_3 masked %ge3A_348 {add = true} : memref<10000xf32, #tpu.memory_space<vmem>>[vector<16xi32>], vector<16xf32>, vector<16xi1>
    %mul3A_1159 = arith.constant 10000 : i32
    %mul3A_1160 = arith.muli %add3A, %mul3A_1159 : i32
    "tpu.region"() ({
      %run_scoped3A_1557 = tpu.sem_alloc : memref<!tpu.dma_semaphore, #tpu.memory_space<semaphore_mem>>
      %dma_start3A_1558 = tpu.memref_slice %arg5[%mul3A_1160] : memref<320000xf32, #tpu.memory_space<hbm>> -> memref<10000xf32, #tpu.memory_space<hbm>>
      %dma_start3A_1559 = tpu.memref_slice %arg5[%mul3A_1160] : memref<320000xf32, #tpu.memory_space<hbm>> -> memref<10000xf32, #tpu.memory_space<hbm>>
      tpu.enqueue_dma source(%arg12 : memref<10000xf32, #tpu.memory_space<vmem>>) target(%dma_start3A_1559 : memref<10000xf32, #tpu.memory_space<hbm>>) target_semaphore(%run_scoped3A_1557 : memref<!tpu.dma_semaphore, #tpu.memory_space<semaphore_mem>>)
      %dma_wait3A_1560 = tpu.memref_slice %arg5[%mul3A_1160] : memref<320000xf32, #tpu.memory_space<hbm>> -> memref<10000xf32, #tpu.memory_space<hbm>>
      %dma_wait3A_1561 = tpu.memref_slice %arg5[%mul3A_1160] : memref<320000xf32, #tpu.memory_space<hbm>> -> memref<10000xf32, #tpu.memory_space<hbm>>
      tpu.wait_dma2 semaphore(%run_scoped3A_1557 : memref<!tpu.dma_semaphore, #tpu.memory_space<semaphore_mem>>) src(%arg12 : memref<10000xf32, #tpu.memory_space<vmem>>) dst(%dma_wait3A_1561 : memref<10000xf32, #tpu.memory_space<hbm>>)
      tpu.yield
    }) : () -> ()
    %barrier3A_1161 = arith.constant 0 : index
    tpu.barrier barrier_id(%barrier3A_1161)
    %add3A_1162 = arith.constant 0 : i32
    %add3A_1163 = arith.addi %mul3A_33, %add3A_1162 : i32
    "tpu.region"() ({
      %run_scoped3A_1557 = tpu.sem_alloc : memref<!tpu.dma_semaphore, #tpu.memory_space<semaphore_mem>>
      %dma_start3A_1558 = arith.constant 0 : i32
      %dma_start3A_1559 = arith.constant 0 : i32
      %dma_start3A_1560 = tpu.memref_slice %arg8[%dma_start3A_1558, %dma_start3A_1559] : memref<50x128xf32, #tpu.memory_space<vmem>> -> memref<48x128xf32, #tpu.memory_space<vmem>>
      %dma_start3A_1561 = arith.constant 0 : i32
      %dma_start3A_1562 = tpu.memref_slice %arg13[%add3A_1163, %dma_start3A_1561] : memref<10000x128xf32, #tpu.memory_space<vmem_shared>> -> memref<48x128xf32, #tpu.memory_space<vmem_shared>>
      %dma_start3A_1563 = arith.constant 0 : i32
      %dma_start3A_1564 = arith.constant 0 : i32
      %dma_start3A_1565 = tpu.memref_slice %arg8[%dma_start3A_1563, %dma_start3A_1564] : memref<50x128xf32, #tpu.memory_space<vmem>> -> memref<48x128xf32, #tpu.memory_space<vmem>>
      %dma_start3A_1566 = arith.constant 0 : i32
      %dma_start3A_1567 = tpu.memref_slice %arg13[%add3A_1163, %dma_start3A_1566] : memref<10000x128xf32, #tpu.memory_space<vmem_shared>> -> memref<48x128xf32, #tpu.memory_space<vmem_shared>>
      tpu.enqueue_dma source(%dma_start3A_1567 : memref<48x128xf32, #tpu.memory_space<vmem_shared>>) target(%dma_start3A_1565 : memref<48x128xf32, #tpu.memory_space<vmem>>) target_semaphore(%run_scoped3A_1557 : memref<!tpu.dma_semaphore, #tpu.memory_space<semaphore_mem>>)
      %dma_wait3A_1568 = arith.constant 0 : i32
      %dma_wait3A_1569 = arith.constant 0 : i32
      %dma_wait3A_1570 = tpu.memref_slice %arg8[%dma_wait3A_1568, %dma_wait3A_1569] : memref<50x128xf32, #tpu.memory_space<vmem>> -> memref<48x128xf32, #tpu.memory_space<vmem>>
      %dma_wait3A_1571 = arith.constant 0 : i32
      %dma_wait3A_1572 = tpu.memref_slice %arg13[%add3A_1163, %dma_wait3A_1571] : memref<10000x128xf32, #tpu.memory_space<vmem_shared>> -> memref<48x128xf32, #tpu.memory_space<vmem_shared>>
      %dma_wait3A_1573 = arith.constant 0 : i32
      %dma_wait3A_1574 = arith.constant 0 : i32
      %dma_wait3A_1575 = tpu.memref_slice %arg8[%dma_wait3A_1573, %dma_wait3A_1574] : memref<50x128xf32, #tpu.memory_space<vmem>> -> memref<48x128xf32, #tpu.memory_space<vmem>>
      %dma_wait3A_1576 = arith.constant 0 : i32
      %dma_wait3A_1577 = tpu.memref_slice %arg13[%add3A_1163, %dma_wait3A_1576] : memref<10000x128xf32, #tpu.memory_space<vmem_shared>> -> memref<48x128xf32, #tpu.memory_space<vmem_shared>>
      tpu.wait_dma2 semaphore(%run_scoped3A_1557 : memref<!tpu.dma_semaphore, #tpu.memory_space<semaphore_mem>>) src(%dma_wait3A_1577 : memref<48x128xf32, #tpu.memory_space<vmem_shared>>) dst(%dma_wait3A_1575 : memref<48x128xf32, #tpu.memory_space<vmem>>)
      tpu.yield
    }) : () -> ()
    %add3A_1164 = arith.constant 0 : i32
    %add3A_1165 = arith.addi %mul3A_33, %add3A_1164 : i32
    %dma_start3A_1166 = arith.constant 0 : i32
    %dma_start3A_1167 = arith.constant 0 : i32
    %dma_start3A_1168 = tpu.memref_slice %arg8[%dma_start3A_1166, %dma_start3A_1167] : memref<50x128xf32, #tpu.memory_space<vmem>> -> memref<48x128xf32, #tpu.memory_space<vmem>>
    %dma_start3A_1169 = arith.constant 0 : i32
    %dma_start3A_1170 = tpu.memref_slice %arg4[%arg0, %add3A_1165, %dma_start3A_1169] : memref<2x10000x128xf32, #tpu.memory_space<hbm>> -> memref<1x48x128xf32, #tpu.memory_space<hbm>>
    %dma_start3A_1171 = tpu.memref_squeeze %dma_start3A_1170 : memref<1x48x128xf32, #tpu.memory_space<hbm>> -> memref<48x128xf32, #tpu.memory_space<hbm>>
    %dma_start3A_1172 = arith.constant 0 : i32
    %dma_start3A_1173 = tpu.memref_slice %arg4[%arg0, %add3A_1165, %dma_start3A_1172] : memref<2x10000x128xf32, #tpu.memory_space<hbm>> -> memref<1x48x128xf32, #tpu.memory_space<hbm>>
    %dma_start3A_1174 = tpu.memref_squeeze %dma_start3A_1173 : memref<1x48x128xf32, #tpu.memory_space<hbm>> -> memref<48x128xf32, #tpu.memory_space<hbm>>
    %dma_start3A_1175 = arith.constant 0 : i32
    %dma_start3A_1176 = arith.constant 0 : i32
    %dma_start3A_1177 = tpu.memref_slice %arg8[%dma_start3A_1175, %dma_start3A_1176] : memref<50x128xf32, #tpu.memory_space<vmem>> -> memref<48x128xf32, #tpu.memory_space<vmem>>
    tpu.enqueue_dma source(%dma_start3A_1177 : memref<48x128xf32, #tpu.memory_space<vmem>>) target(%dma_start3A_1174 : memref<48x128xf32, #tpu.memory_space<hbm>>) target_semaphore(%arg14 : memref<!tpu.dma_semaphore, #tpu.memory_space<semaphore_mem>>)
    %add3A_1178 = arith.constant 48 : i32
    %add3A_1179 = arith.addi %mul3A_33, %add3A_1178 : i32
    "tpu.region"() ({
      %run_scoped3A_1557 = tpu.sem_alloc : memref<!tpu.dma_semaphore, #tpu.memory_space<semaphore_mem>>
      %dma_start3A_1558 = arith.constant 0 : i32
      %dma_start3A_1559 = arith.constant 0 : i32
      %dma_start3A_1560 = tpu.memref_slice %arg9[%dma_start3A_1558, %dma_start3A_1559] : memref<50x128xf32, #tpu.memory_space<vmem>> -> memref<48x128xf32, #tpu.memory_space<vmem>>
      %dma_start3A_1561 = arith.constant 0 : i32
      %dma_start3A_1562 = tpu.memref_slice %arg13[%add3A_1179, %dma_start3A_1561] : memref<10000x128xf32, #tpu.memory_space<vmem_shared>> -> memref<48x128xf32, #tpu.memory_space<vmem_shared>>
      %dma_start3A_1563 = arith.constant 0 : i32
      %dma_start3A_1564 = arith.constant 0 : i32
      %dma_start3A_1565 = tpu.memref_slice %arg9[%dma_start3A_1563, %dma_start3A_1564] : memref<50x128xf32, #tpu.memory_space<vmem>> -> memref<48x128xf32, #tpu.memory_space<vmem>>
      %dma_start3A_1566 = arith.constant 0 : i32
      %dma_start3A_1567 = tpu.memref_slice %arg13[%add3A_1179, %dma_start3A_1566] : memref<10000x128xf32, #tpu.memory_space<vmem_shared>> -> memref<48x128xf32, #tpu.memory_space<vmem_shared>>
      tpu.enqueue_dma source(%dma_start3A_1567 : memref<48x128xf32, #tpu.memory_space<vmem_shared>>) target(%dma_start3A_1565 : memref<48x128xf32, #tpu.memory_space<vmem>>) target_semaphore(%run_scoped3A_1557 : memref<!tpu.dma_semaphore, #tpu.memory_space<semaphore_mem>>)
      %dma_wait3A_1568 = arith.constant 0 : i32
      %dma_wait3A_1569 = arith.constant 0 : i32
      %dma_wait3A_1570 = tpu.memref_slice %arg9[%dma_wait3A_1568, %dma_wait3A_1569] : memref<50x128xf32, #tpu.memory_space<vmem>> -> memref<48x128xf32, #tpu.memory_space<vmem>>
      %dma_wait3A_1571 = arith.constant 0 : i32
      %dma_wait3A_1572 = tpu.memref_slice %arg13[%add3A_1179, %dma_wait3A_1571] : memref<10000x128xf32, #tpu.memory_space<vmem_shared>> -> memref<48x128xf32, #tpu.memory_space<vmem_shared>>
      %dma_wait3A_1573 = arith.constant 0 : i32
      %dma_wait3A_1574 = arith.constant 0 : i32
      %dma_wait3A_1575 = tpu.memref_slice %arg9[%dma_wait3A_1573, %dma_wait3A_1574] : memref<50x128xf32, #tpu.memory_space<vmem>> -> memref<48x128xf32, #tpu.memory_space<vmem>>
      %dma_wait3A_1576 = arith.constant 0 : i32
      %dma_wait3A_1577 = tpu.memref_slice %arg13[%add3A_1179, %dma_wait3A_1576] : memref<10000x128xf32, #tpu.memory_space<vmem_shared>> -> memref<48x128xf32, #tpu.memory_space<vmem_shared>>
      tpu.wait_dma2 semaphore(%run_scoped3A_1557 : memref<!tpu.dma_semaphore, #tpu.memory_space<semaphore_mem>>) src(%dma_wait3A_1577 : memref<48x128xf32, #tpu.memory_space<vmem_shared>>) dst(%dma_wait3A_1575 : memref<48x128xf32, #tpu.memory_space<vmem>>)
      tpu.yield
    }) : () -> ()
    %add3A_1180 = arith.constant 48 : i32
    %add3A_1181 = arith.addi %mul3A_33, %add3A_1180 : i32
    %dma_start3A_1182 = arith.constant 0 : i32
    %dma_start3A_1183 = arith.constant 0 : i32
    %dma_start3A_1184 = tpu.memref_slice %arg9[%dma_start3A_1182, %dma_start3A_1183] : memref<50x128xf32, #tpu.memory_space<vmem>> -> memref<48x128xf32, #tpu.memory_space<vmem>>
    %dma_start3A_1185 = arith.constant 0 : i32
    %dma_start3A_1186 = tpu.memref_slice %arg4[%arg0, %add3A_1181, %dma_start3A_1185] : memref<2x10000x128xf32, #tpu.memory_space<hbm>> -> memref<1x48x128xf32, #tpu.memory_space<hbm>>
    %dma_start3A_1187 = tpu.memref_squeeze %dma_start3A_1186 : memref<1x48x128xf32, #tpu.memory_space<hbm>> -> memref<48x128xf32, #tpu.memory_space<hbm>>
    %dma_start3A_1188 = arith.constant 0 : i32
    %dma_start3A_1189 = tpu.memref_slice %arg4[%arg0, %add3A_1181, %dma_start3A_1188] : memref<2x10000x128xf32, #tpu.memory_space<hbm>> -> memref<1x48x128xf32, #tpu.memory_space<hbm>>
    %dma_start3A_1190 = tpu.memref_squeeze %dma_start3A_1189 : memref<1x48x128xf32, #tpu.memory_space<hbm>> -> memref<48x128xf32, #tpu.memory_space<hbm>>
    %dma_start3A_1191 = arith.constant 0 : i32
    %dma_start3A_1192 = arith.constant 0 : i32
    %dma_start3A_1193 = tpu.memref_slice %arg9[%dma_start3A_1191, %dma_start3A_1192] : memref<50x128xf32, #tpu.memory_space<vmem>> -> memref<48x128xf32, #tpu.memory_space<vmem>>
    tpu.enqueue_dma source(%dma_start3A_1193 : memref<48x128xf32, #tpu.memory_space<vmem>>) target(%dma_start3A_1190 : memref<48x128xf32, #tpu.memory_space<hbm>>) target_semaphore(%arg15 : memref<!tpu.dma_semaphore, #tpu.memory_space<semaphore_mem>>)
    %add3A_1194 = arith.constant 0 : i32
    %add3A_1195 = arith.addi %mul3A_33, %add3A_1194 : i32
    %dma_wait3A_1196 = arith.constant 0 : i32
    %dma_wait3A_1197 = arith.constant 0 : i32
    %dma_wait3A_1198 = tpu.memref_slice %arg8[%dma_wait3A_1196, %dma_wait3A_1197] : memref<50x128xf32, #tpu.memory_space<vmem>> -> memref<48x128xf32, #tpu.memory_space<vmem>>
    %dma_wait3A_1199 = arith.constant 0 : i32
    %dma_wait3A_1200 = tpu.memref_slice %arg4[%arg0, %add3A_1195, %dma_wait3A_1199] : memref<2x10000x128xf32, #tpu.memory_space<hbm>> -> memref<1x48x128xf32, #tpu.memory_space<hbm>>
    %dma_wait3A_1201 = tpu.memref_squeeze %dma_wait3A_1200 : memref<1x48x128xf32, #tpu.memory_space<hbm>> -> memref<48x128xf32, #tpu.memory_space<hbm>>
    %dma_wait3A_1202 = arith.constant 0 : i32
    %dma_wait3A_1203 = tpu.memref_slice %arg4[%arg0, %add3A_1195, %dma_wait3A_1202] : memref<2x10000x128xf32, #tpu.memory_space<hbm>> -> memref<1x48x128xf32, #tpu.memory_space<hbm>>
    %dma_wait3A_1204 = tpu.memref_squeeze %dma_wait3A_1203 : memref<1x48x128xf32, #tpu.memory_space<hbm>> -> memref<48x128xf32, #tpu.memory_space<hbm>>
    %dma_wait3A_1205 = arith.constant 0 : i32
    %dma_wait3A_1206 = arith.constant 0 : i32
    %dma_wait3A_1207 = tpu.memref_slice %arg8[%dma_wait3A_1205, %dma_wait3A_1206] : memref<50x128xf32, #tpu.memory_space<vmem>> -> memref<48x128xf32, #tpu.memory_space<vmem>>
    tpu.wait_dma2 semaphore(%arg14 : memref<!tpu.dma_semaphore, #tpu.memory_space<semaphore_mem>>) src(%dma_wait3A_1207 : memref<48x128xf32, #tpu.memory_space<vmem>>) dst(%dma_wait3A_1204 : memref<48x128xf32, #tpu.memory_space<hbm>>)
    %add3A_1208 = arith.constant 96 : i32
    %add3A_1209 = arith.addi %mul3A_33, %add3A_1208 : i32
    "tpu.region"() ({
      %run_scoped3A_1557 = tpu.sem_alloc : memref<!tpu.dma_semaphore, #tpu.memory_space<semaphore_mem>>
      %dma_start3A_1558 = arith.constant 0 : i32
      %dma_start3A_1559 = arith.constant 0 : i32
      %dma_start3A_1560 = tpu.memref_slice %arg8[%dma_start3A_1558, %dma_start3A_1559] : memref<50x128xf32, #tpu.memory_space<vmem>> -> memref<48x128xf32, #tpu.memory_space<vmem>>
      %dma_start3A_1561 = arith.constant 0 : i32
      %dma_start3A_1562 = tpu.memref_slice %arg13[%add3A_1209, %dma_start3A_1561] : memref<10000x128xf32, #tpu.memory_space<vmem_shared>> -> memref<48x128xf32, #tpu.memory_space<vmem_shared>>
      %dma_start3A_1563 = arith.constant 0 : i32
      %dma_start3A_1564 = arith.constant 0 : i32
      %dma_start3A_1565 = tpu.memref_slice %arg8[%dma_start3A_1563, %dma_start3A_1564] : memref<50x128xf32, #tpu.memory_space<vmem>> -> memref<48x128xf32, #tpu.memory_space<vmem>>
      %dma_start3A_1566 = arith.constant 0 : i32
      %dma_start3A_1567 = tpu.memref_slice %arg13[%add3A_1209, %dma_start3A_1566] : memref<10000x128xf32, #tpu.memory_space<vmem_shared>> -> memref<48x128xf32, #tpu.memory_space<vmem_shared>>
      tpu.enqueue_dma source(%dma_start3A_1567 : memref<48x128xf32, #tpu.memory_space<vmem_shared>>) target(%dma_start3A_1565 : memref<48x128xf32, #tpu.memory_space<vmem>>) target_semaphore(%run_scoped3A_1557 : memref<!tpu.dma_semaphore, #tpu.memory_space<semaphore_mem>>)
      %dma_wait3A_1568 = arith.constant 0 : i32
      %dma_wait3A_1569 = arith.constant 0 : i32
      %dma_wait3A_1570 = tpu.memref_slice %arg8[%dma_wait3A_1568, %dma_wait3A_1569] : memref<50x128xf32, #tpu.memory_space<vmem>> -> memref<48x128xf32, #tpu.memory_space<vmem>>
      %dma_wait3A_1571 = arith.constant 0 : i32
      %dma_wait3A_1572 = tpu.memref_slice %arg13[%add3A_1209, %dma_wait3A_1571] : memref<10000x128xf32, #tpu.memory_space<vmem_shared>> -> memref<48x128xf32, #tpu.memory_space<vmem_shared>>
      %dma_wait3A_1573 = arith.constant 0 : i32
      %dma_wait3A_1574 = arith.constant 0 : i32
      %dma_wait3A_1575 = tpu.memref_slice %arg8[%dma_wait3A_1573, %dma_wait3A_1574] : memref<50x128xf32, #tpu.memory_space<vmem>> -> memref<48x128xf32, #tpu.memory_space<vmem>>
      %dma_wait3A_1576 = arith.constant 0 : i32
      %dma_wait3A_1577 = tpu.memref_slice %arg13[%add3A_1209, %dma_wait3A_1576] : memref<10000x128xf32, #tpu.memory_space<vmem_shared>> -> memref<48x128xf32, #tpu.memory_space<vmem_shared>>
      tpu.wait_dma2 semaphore(%run_scoped3A_1557 : memref<!tpu.dma_semaphore, #tpu.memory_space<semaphore_mem>>) src(%dma_wait3A_1577 : memref<48x128xf32, #tpu.memory_space<vmem_shared>>) dst(%dma_wait3A_1575 : memref<48x128xf32, #tpu.memory_space<vmem>>)
      tpu.yield
    }) : () -> ()
    %add3A_1210 = arith.constant 96 : i32
    %add3A_1211 = arith.addi %mul3A_33, %add3A_1210 : i32
    %dma_start3A_1212 = arith.constant 0 : i32
    %dma_start3A_1213 = arith.constant 0 : i32
    %dma_start3A_1214 = tpu.memref_slice %arg8[%dma_start3A_1212, %dma_start3A_1213] : memref<50x128xf32, #tpu.memory_space<vmem>> -> memref<48x128xf32, #tpu.memory_space<vmem>>
    %dma_start3A_1215 = arith.constant 0 : i32
    %dma_start3A_1216 = tpu.memref_slice %arg4[%arg0, %add3A_1211, %dma_start3A_1215] : memref<2x10000x128xf32, #tpu.memory_space<hbm>> -> memref<1x48x128xf32, #tpu.memory_space<hbm>>
    %dma_start3A_1217 = tpu.memref_squeeze %dma_start3A_1216 : memref<1x48x128xf32, #tpu.memory_space<hbm>> -> memref<48x128xf32, #tpu.memory_space<hbm>>
    %dma_start3A_1218 = arith.constant 0 : i32
    %dma_start3A_1219 = tpu.memref_slice %arg4[%arg0, %add3A_1211, %dma_start3A_1218] : memref<2x10000x128xf32, #tpu.memory_space<hbm>> -> memref<1x48x128xf32, #tpu.memory_space<hbm>>
    %dma_start3A_1220 = tpu.memref_squeeze %dma_start3A_1219 : memref<1x48x128xf32, #tpu.memory_space<hbm>> -> memref<48x128xf32, #tpu.memory_space<hbm>>
    %dma_start3A_1221 = arith.constant 0 : i32
    %dma_start3A_1222 = arith.constant 0 : i32
    %dma_start3A_1223 = tpu.memref_slice %arg8[%dma_start3A_1221, %dma_start3A_1222] : memref<50x128xf32, #tpu.memory_space<vmem>> -> memref<48x128xf32, #tpu.memory_space<vmem>>
    tpu.enqueue_dma source(%dma_start3A_1223 : memref<48x128xf32, #tpu.memory_space<vmem>>) target(%dma_start3A_1220 : memref<48x128xf32, #tpu.memory_space<hbm>>) target_semaphore(%arg14 : memref<!tpu.dma_semaphore, #tpu.memory_space<semaphore_mem>>)
    %add3A_1224 = arith.constant 48 : i32
    %add3A_1225 = arith.addi %mul3A_33, %add3A_1224 : i32
    %dma_wait3A_1226 = arith.constant 0 : i32
    %dma_wait3A_1227 = arith.constant 0 : i32
    %dma_wait3A_1228 = tpu.memref_slice %arg9[%dma_wait3A_1226, %dma_wait3A_1227] : memref<50x128xf32, #tpu.memory_space<vmem>> -> memref<48x128xf32, #tpu.memory_space<vmem>>
    %dma_wait3A_1229 = arith.constant 0 : i32
    %dma_wait3A_1230 = tpu.memref_slice %arg4[%arg0, %add3A_1225, %dma_wait3A_1229] : memref<2x10000x128xf32, #tpu.memory_space<hbm>> -> memref<1x48x128xf32, #tpu.memory_space<hbm>>
    %dma_wait3A_1231 = tpu.memref_squeeze %dma_wait3A_1230 : memref<1x48x128xf32, #tpu.memory_space<hbm>> -> memref<48x128xf32, #tpu.memory_space<hbm>>
    %dma_wait3A_1232 = arith.constant 0 : i32
    %dma_wait3A_1233 = tpu.memref_slice %arg4[%arg0, %add3A_1225, %dma_wait3A_1232] : memref<2x10000x128xf32, #tpu.memory_space<hbm>> -> memref<1x48x128xf32, #tpu.memory_space<hbm>>
    %dma_wait3A_1234 = tpu.memref_squeeze %dma_wait3A_1233 : memref<1x48x128xf32, #tpu.memory_space<hbm>> -> memref<48x128xf32, #tpu.memory_space<hbm>>
    %dma_wait3A_1235 = arith.constant 0 : i32
    %dma_wait3A_1236 = arith.constant 0 : i32
    %dma_wait3A_1237 = tpu.memref_slice %arg9[%dma_wait3A_1235, %dma_wait3A_1236] : memref<50x128xf32, #tpu.memory_space<vmem>> -> memref<48x128xf32, #tpu.memory_space<vmem>>
    tpu.wait_dma2 semaphore(%arg15 : memref<!tpu.dma_semaphore, #tpu.memory_space<semaphore_mem>>) src(%dma_wait3A_1237 : memref<48x128xf32, #tpu.memory_space<vmem>>) dst(%dma_wait3A_1234 : memref<48x128xf32, #tpu.memory_space<hbm>>)
    %add3A_1238 = arith.constant 144 : i32
    %add3A_1239 = arith.addi %mul3A_33, %add3A_1238 : i32
    "tpu.region"() ({
      %run_scoped3A_1557 = tpu.sem_alloc : memref<!tpu.dma_semaphore, #tpu.memory_space<semaphore_mem>>
      %dma_start3A_1558 = arith.constant 0 : i32
      %dma_start3A_1559 = arith.constant 0 : i32
      %dma_start3A_1560 = tpu.memref_slice %arg9[%dma_start3A_1558, %dma_start3A_1559] : memref<50x128xf32, #tpu.memory_space<vmem>> -> memref<48x128xf32, #tpu.memory_space<vmem>>
      %dma_start3A_1561 = arith.constant 0 : i32
      %dma_start3A_1562 = tpu.memref_slice %arg13[%add3A_1239, %dma_start3A_1561] : memref<10000x128xf32, #tpu.memory_space<vmem_shared>> -> memref<48x128xf32, #tpu.memory_space<vmem_shared>>
      %dma_start3A_1563 = arith.constant 0 : i32
      %dma_start3A_1564 = arith.constant 0 : i32
      %dma_start3A_1565 = tpu.memref_slice %arg9[%dma_start3A_1563, %dma_start3A_1564] : memref<50x128xf32, #tpu.memory_space<vmem>> -> memref<48x128xf32, #tpu.memory_space<vmem>>
      %dma_start3A_1566 = arith.constant 0 : i32
      %dma_start3A_1567 = tpu.memref_slice %arg13[%add3A_1239, %dma_start3A_1566] : memref<10000x128xf32, #tpu.memory_space<vmem_shared>> -> memref<48x128xf32, #tpu.memory_space<vmem_shared>>
      tpu.enqueue_dma source(%dma_start3A_1567 : memref<48x128xf32, #tpu.memory_space<vmem_shared>>) target(%dma_start3A_1565 : memref<48x128xf32, #tpu.memory_space<vmem>>) target_semaphore(%run_scoped3A_1557 : memref<!tpu.dma_semaphore, #tpu.memory_space<semaphore_mem>>)
      %dma_wait3A_1568 = arith.constant 0 : i32
      %dma_wait3A_1569 = arith.constant 0 : i32
      %dma_wait3A_1570 = tpu.memref_slice %arg9[%dma_wait3A_1568, %dma_wait3A_1569] : memref<50x128xf32, #tpu.memory_space<vmem>> -> memref<48x128xf32, #tpu.memory_space<vmem>>
      %dma_wait3A_1571 = arith.constant 0 : i32
      %dma_wait3A_1572 = tpu.memref_slice %arg13[%add3A_1239, %dma_wait3A_1571] : memref<10000x128xf32, #tpu.memory_space<vmem_shared>> -> memref<48x128xf32, #tpu.memory_space<vmem_shared>>
      %dma_wait3A_1573 = arith.constant 0 : i32
      %dma_wait3A_1574 = arith.constant 0 : i32
      %dma_wait3A_1575 = tpu.memref_slice %arg9[%dma_wait3A_1573, %dma_wait3A_1574] : memref<50x128xf32, #tpu.memory_space<vmem>> -> memref<48x128xf32, #tpu.memory_space<vmem>>
      %dma_wait3A_1576 = arith.constant 0 : i32
      %dma_wait3A_1577 = tpu.memref_slice %arg13[%add3A_1239, %dma_wait3A_1576] : memref<10000x128xf32, #tpu.memory_space<vmem_shared>> -> memref<48x128xf32, #tpu.memory_space<vmem_shared>>
      tpu.wait_dma2 semaphore(%run_scoped3A_1557 : memref<!tpu.dma_semaphore, #tpu.memory_space<semaphore_mem>>) src(%dma_wait3A_1577 : memref<48x128xf32, #tpu.memory_space<vmem_shared>>) dst(%dma_wait3A_1575 : memref<48x128xf32, #tpu.memory_space<vmem>>)
      tpu.yield
    }) : () -> ()
    %add3A_1240 = arith.constant 144 : i32
    %add3A_1241 = arith.addi %mul3A_33, %add3A_1240 : i32
    %dma_start3A_1242 = arith.constant 0 : i32
    %dma_start3A_1243 = arith.constant 0 : i32
    %dma_start3A_1244 = tpu.memref_slice %arg9[%dma_start3A_1242, %dma_start3A_1243] : memref<50x128xf32, #tpu.memory_space<vmem>> -> memref<48x128xf32, #tpu.memory_space<vmem>>
    %dma_start3A_1245 = arith.constant 0 : i32
    %dma_start3A_1246 = tpu.memref_slice %arg4[%arg0, %add3A_1241, %dma_start3A_1245] : memref<2x10000x128xf32, #tpu.memory_space<hbm>> -> memref<1x48x128xf32, #tpu.memory_space<hbm>>
    %dma_start3A_1247 = tpu.memref_squeeze %dma_start3A_1246 : memref<1x48x128xf32, #tpu.memory_space<hbm>> -> memref<48x128xf32, #tpu.memory_space<hbm>>
    %dma_start3A_1248 = arith.constant 0 : i32
    %dma_start3A_1249 = tpu.memref_slice %arg4[%arg0, %add3A_1241, %dma_start3A_1248] : memref<2x10000x128xf32, #tpu.memory_space<hbm>> -> memref<1x48x128xf32, #tpu.memory_space<hbm>>
    %dma_start3A_1250 = tpu.memref_squeeze %dma_start3A_1249 : memref<1x48x128xf32, #tpu.memory_space<hbm>> -> memref<48x128xf32, #tpu.memory_space<hbm>>
    %dma_start3A_1251 = arith.constant 0 : i32
    %dma_start3A_1252 = arith.constant 0 : i32
    %dma_start3A_1253 = tpu.memref_slice %arg9[%dma_start3A_1251, %dma_start3A_1252] : memref<50x128xf32, #tpu.memory_space<vmem>> -> memref<48x128xf32, #tpu.memory_space<vmem>>
    tpu.enqueue_dma source(%dma_start3A_1253 : memref<48x128xf32, #tpu.memory_space<vmem>>) target(%dma_start3A_1250 : memref<48x128xf32, #tpu.memory_space<hbm>>) target_semaphore(%arg15 : memref<!tpu.dma_semaphore, #tpu.memory_space<semaphore_mem>>)
    %add3A_1254 = arith.constant 96 : i32
    %add3A_1255 = arith.addi %mul3A_33, %add3A_1254 : i32
    %dma_wait3A_1256 = arith.constant 0 : i32
    %dma_wait3A_1257 = arith.constant 0 : i32
    %dma_wait3A_1258 = tpu.memref_slice %arg8[%dma_wait3A_1256, %dma_wait3A_1257] : memref<50x128xf32, #tpu.memory_space<vmem>> -> memref<48x128xf32, #tpu.memory_space<vmem>>
    %dma_wait3A_1259 = arith.constant 0 : i32
    %dma_wait3A_1260 = tpu.memref_slice %arg4[%arg0, %add3A_1255, %dma_wait3A_1259] : memref<2x10000x128xf32, #tpu.memory_space<hbm>> -> memref<1x48x128xf32, #tpu.memory_space<hbm>>
    %dma_wait3A_1261 = tpu.memref_squeeze %dma_wait3A_1260 : memref<1x48x128xf32, #tpu.memory_space<hbm>> -> memref<48x128xf32, #tpu.memory_space<hbm>>
    %dma_wait3A_1262 = arith.constant 0 : i32
    %dma_wait3A_1263 = tpu.memref_slice %arg4[%arg0, %add3A_1255, %dma_wait3A_1262] : memref<2x10000x128xf32, #tpu.memory_space<hbm>> -> memref<1x48x128xf32, #tpu.memory_space<hbm>>
    %dma_wait3A_1264 = tpu.memref_squeeze %dma_wait3A_1263 : memref<1x48x128xf32, #tpu.memory_space<hbm>> -> memref<48x128xf32, #tpu.memory_space<hbm>>
    %dma_wait3A_1265 = arith.constant 0 : i32
    %dma_wait3A_1266 = arith.constant 0 : i32
    %dma_wait3A_1267 = tpu.memref_slice %arg8[%dma_wait3A_1265, %dma_wait3A_1266] : memref<50x128xf32, #tpu.memory_space<vmem>> -> memref<48x128xf32, #tpu.memory_space<vmem>>
    tpu.wait_dma2 semaphore(%arg14 : memref<!tpu.dma_semaphore, #tpu.memory_space<semaphore_mem>>) src(%dma_wait3A_1267 : memref<48x128xf32, #tpu.memory_space<vmem>>) dst(%dma_wait3A_1264 : memref<48x128xf32, #tpu.memory_space<hbm>>)
    %add3A_1268 = arith.constant 192 : i32
    %add3A_1269 = arith.addi %mul3A_33, %add3A_1268 : i32
    "tpu.region"() ({
      %run_scoped3A_1557 = tpu.sem_alloc : memref<!tpu.dma_semaphore, #tpu.memory_space<semaphore_mem>>
      %dma_start3A_1558 = arith.constant 0 : i32
      %dma_start3A_1559 = arith.constant 0 : i32
      %dma_start3A_1560 = tpu.memref_slice %arg8[%dma_start3A_1558, %dma_start3A_1559] : memref<50x128xf32, #tpu.memory_space<vmem>> -> memref<48x128xf32, #tpu.memory_space<vmem>>
      %dma_start3A_1561 = arith.constant 0 : i32
      %dma_start3A_1562 = tpu.memref_slice %arg13[%add3A_1269, %dma_start3A_1561] : memref<10000x128xf32, #tpu.memory_space<vmem_shared>> -> memref<48x128xf32, #tpu.memory_space<vmem_shared>>
      %dma_start3A_1563 = arith.constant 0 : i32
      %dma_start3A_1564 = arith.constant 0 : i32
      %dma_start3A_1565 = tpu.memref_slice %arg8[%dma_start3A_1563, %dma_start3A_1564] : memref<50x128xf32, #tpu.memory_space<vmem>> -> memref<48x128xf32, #tpu.memory_space<vmem>>
      %dma_start3A_1566 = arith.constant 0 : i32
      %dma_start3A_1567 = tpu.memref_slice %arg13[%add3A_1269, %dma_start3A_1566] : memref<10000x128xf32, #tpu.memory_space<vmem_shared>> -> memref<48x128xf32, #tpu.memory_space<vmem_shared>>
      tpu.enqueue_dma source(%dma_start3A_1567 : memref<48x128xf32, #tpu.memory_space<vmem_shared>>) target(%dma_start3A_1565 : memref<48x128xf32, #tpu.memory_space<vmem>>) target_semaphore(%run_scoped3A_1557 : memref<!tpu.dma_semaphore, #tpu.memory_space<semaphore_mem>>)
      %dma_wait3A_1568 = arith.constant 0 : i32
      %dma_wait3A_1569 = arith.constant 0 : i32
      %dma_wait3A_1570 = tpu.memref_slice %arg8[%dma_wait3A_1568, %dma_wait3A_1569] : memref<50x128xf32, #tpu.memory_space<vmem>> -> memref<48x128xf32, #tpu.memory_space<vmem>>
      %dma_wait3A_1571 = arith.constant 0 : i32
      %dma_wait3A_1572 = tpu.memref_slice %arg13[%add3A_1269, %dma_wait3A_1571] : memref<10000x128xf32, #tpu.memory_space<vmem_shared>> -> memref<48x128xf32, #tpu.memory_space<vmem_shared>>
      %dma_wait3A_1573 = arith.constant 0 : i32
      %dma_wait3A_1574 = arith.constant 0 : i32
      %dma_wait3A_1575 = tpu.memref_slice %arg8[%dma_wait3A_1573, %dma_wait3A_1574] : memref<50x128xf32, #tpu.memory_space<vmem>> -> memref<48x128xf32, #tpu.memory_space<vmem>>
      %dma_wait3A_1576 = arith.constant 0 : i32
      %dma_wait3A_1577 = tpu.memref_slice %arg13[%add3A_1269, %dma_wait3A_1576] : memref<10000x128xf32, #tpu.memory_space<vmem_shared>> -> memref<48x128xf32, #tpu.memory_space<vmem_shared>>
      tpu.wait_dma2 semaphore(%run_scoped3A_1557 : memref<!tpu.dma_semaphore, #tpu.memory_space<semaphore_mem>>) src(%dma_wait3A_1577 : memref<48x128xf32, #tpu.memory_space<vmem_shared>>) dst(%dma_wait3A_1575 : memref<48x128xf32, #tpu.memory_space<vmem>>)
      tpu.yield
    }) : () -> ()
    %add3A_1270 = arith.constant 192 : i32
    %add3A_1271 = arith.addi %mul3A_33, %add3A_1270 : i32
    %dma_start3A_1272 = arith.constant 0 : i32
    %dma_start3A_1273 = arith.constant 0 : i32
    %dma_start3A_1274 = tpu.memref_slice %arg8[%dma_start3A_1272, %dma_start3A_1273] : memref<50x128xf32, #tpu.memory_space<vmem>> -> memref<48x128xf32, #tpu.memory_space<vmem>>
    %dma_start3A_1275 = arith.constant 0 : i32
    %dma_start3A_1276 = tpu.memref_slice %arg4[%arg0, %add3A_1271, %dma_start3A_1275] : memref<2x10000x128xf32, #tpu.memory_space<hbm>> -> memref<1x48x128xf32, #tpu.memory_space<hbm>>
    %dma_start3A_1277 = tpu.memref_squeeze %dma_start3A_1276 : memref<1x48x128xf32, #tpu.memory_space<hbm>> -> memref<48x128xf32, #tpu.memory_space<hbm>>
    %dma_start3A_1278 = arith.constant 0 : i32
    %dma_start3A_1279 = tpu.memref_slice %arg4[%arg0, %add3A_1271, %dma_start3A_1278] : memref<2x10000x128xf32, #tpu.memory_space<hbm>> -> memref<1x48x128xf32, #tpu.memory_space<hbm>>
    %dma_start3A_1280 = tpu.memref_squeeze %dma_start3A_1279 : memref<1x48x128xf32, #tpu.memory_space<hbm>> -> memref<48x128xf32, #tpu.memory_space<hbm>>
    %dma_start3A_1281 = arith.constant 0 : i32
    %dma_start3A_1282 = arith.constant 0 : i32
    %dma_start3A_1283 = tpu.memref_slice %arg8[%dma_start3A_1281, %dma_start3A_1282] : memref<50x128xf32, #tpu.memory_space<vmem>> -> memref<48x128xf32, #tpu.memory_space<vmem>>
    tpu.enqueue_dma source(%dma_start3A_1283 : memref<48x128xf32, #tpu.memory_space<vmem>>) target(%dma_start3A_1280 : memref<48x128xf32, #tpu.memory_space<hbm>>) target_semaphore(%arg14 : memref<!tpu.dma_semaphore, #tpu.memory_space<semaphore_mem>>)
    %add3A_1284 = arith.constant 144 : i32
    %add3A_1285 = arith.addi %mul3A_33, %add3A_1284 : i32
    %dma_wait3A_1286 = arith.constant 0 : i32
    %dma_wait3A_1287 = arith.constant 0 : i32
    %dma_wait3A_1288 = tpu.memref_slice %arg9[%dma_wait3A_1286, %dma_wait3A_1287] : memref<50x128xf32, #tpu.memory_space<vmem>> -> memref<48x128xf32, #tpu.memory_space<vmem>>
    %dma_wait3A_1289 = arith.constant 0 : i32
    %dma_wait3A_1290 = tpu.memref_slice %arg4[%arg0, %add3A_1285, %dma_wait3A_1289] : memref<2x10000x128xf32, #tpu.memory_space<hbm>> -> memref<1x48x128xf32, #tpu.memory_space<hbm>>
    %dma_wait3A_1291 = tpu.memref_squeeze %dma_wait3A_1290 : memref<1x48x128xf32, #tpu.memory_space<hbm>> -> memref<48x128xf32, #tpu.memory_space<hbm>>
    %dma_wait3A_1292 = arith.constant 0 : i32
    %dma_wait3A_1293 = tpu.memref_slice %arg4[%arg0, %add3A_1285, %dma_wait3A_1292] : memref<2x10000x128xf32, #tpu.memory_space<hbm>> -> memref<1x48x128xf32, #tpu.memory_space<hbm>>
    %dma_wait3A_1294 = tpu.memref_squeeze %dma_wait3A_1293 : memref<1x48x128xf32, #tpu.memory_space<hbm>> -> memref<48x128xf32, #tpu.memory_space<hbm>>
    %dma_wait3A_1295 = arith.constant 0 : i32
    %dma_wait3A_1296 = arith.constant 0 : i32
    %dma_wait3A_1297 = tpu.memref_slice %arg9[%dma_wait3A_1295, %dma_wait3A_1296] : memref<50x128xf32, #tpu.memory_space<vmem>> -> memref<48x128xf32, #tpu.memory_space<vmem>>
    tpu.wait_dma2 semaphore(%arg15 : memref<!tpu.dma_semaphore, #tpu.memory_space<semaphore_mem>>) src(%dma_wait3A_1297 : memref<48x128xf32, #tpu.memory_space<vmem>>) dst(%dma_wait3A_1294 : memref<48x128xf32, #tpu.memory_space<hbm>>)
    %add3A_1298 = arith.constant 240 : i32
    %add3A_1299 = arith.addi %mul3A_33, %add3A_1298 : i32
    "tpu.region"() ({
      %run_scoped3A_1557 = tpu.sem_alloc : memref<!tpu.dma_semaphore, #tpu.memory_space<semaphore_mem>>
      %dma_start3A_1558 = arith.constant 0 : i32
      %dma_start3A_1559 = arith.constant 0 : i32
      %dma_start3A_1560 = tpu.memref_slice %arg9[%dma_start3A_1558, %dma_start3A_1559] : memref<50x128xf32, #tpu.memory_space<vmem>> -> memref<48x128xf32, #tpu.memory_space<vmem>>
      %dma_start3A_1561 = arith.constant 0 : i32
      %dma_start3A_1562 = tpu.memref_slice %arg13[%add3A_1299, %dma_start3A_1561] : memref<10000x128xf32, #tpu.memory_space<vmem_shared>> -> memref<48x128xf32, #tpu.memory_space<vmem_shared>>
      %dma_start3A_1563 = arith.constant 0 : i32
      %dma_start3A_1564 = arith.constant 0 : i32
      %dma_start3A_1565 = tpu.memref_slice %arg9[%dma_start3A_1563, %dma_start3A_1564] : memref<50x128xf32, #tpu.memory_space<vmem>> -> memref<48x128xf32, #tpu.memory_space<vmem>>
      %dma_start3A_1566 = arith.constant 0 : i32
      %dma_start3A_1567 = tpu.memref_slice %arg13[%add3A_1299, %dma_start3A_1566] : memref<10000x128xf32, #tpu.memory_space<vmem_shared>> -> memref<48x128xf32, #tpu.memory_space<vmem_shared>>
      tpu.enqueue_dma source(%dma_start3A_1567 : memref<48x128xf32, #tpu.memory_space<vmem_shared>>) target(%dma_start3A_1565 : memref<48x128xf32, #tpu.memory_space<vmem>>) target_semaphore(%run_scoped3A_1557 : memref<!tpu.dma_semaphore, #tpu.memory_space<semaphore_mem>>)
      %dma_wait3A_1568 = arith.constant 0 : i32
      %dma_wait3A_1569 = arith.constant 0 : i32
      %dma_wait3A_1570 = tpu.memref_slice %arg9[%dma_wait3A_1568, %dma_wait3A_1569] : memref<50x128xf32, #tpu.memory_space<vmem>> -> memref<48x128xf32, #tpu.memory_space<vmem>>
      %dma_wait3A_1571 = arith.constant 0 : i32
      %dma_wait3A_1572 = tpu.memref_slice %arg13[%add3A_1299, %dma_wait3A_1571] : memref<10000x128xf32, #tpu.memory_space<vmem_shared>> -> memref<48x128xf32, #tpu.memory_space<vmem_shared>>
      %dma_wait3A_1573 = arith.constant 0 : i32
      %dma_wait3A_1574 = arith.constant 0 : i32
      %dma_wait3A_1575 = tpu.memref_slice %arg9[%dma_wait3A_1573, %dma_wait3A_1574] : memref<50x128xf32, #tpu.memory_space<vmem>> -> memref<48x128xf32, #tpu.memory_space<vmem>>
      %dma_wait3A_1576 = arith.constant 0 : i32
      %dma_wait3A_1577 = tpu.memref_slice %arg13[%add3A_1299, %dma_wait3A_1576] : memref<10000x128xf32, #tpu.memory_space<vmem_shared>> -> memref<48x128xf32, #tpu.memory_space<vmem_shared>>
      tpu.wait_dma2 semaphore(%run_scoped3A_1557 : memref<!tpu.dma_semaphore, #tpu.memory_space<semaphore_mem>>) src(%dma_wait3A_1577 : memref<48x128xf32, #tpu.memory_space<vmem_shared>>) dst(%dma_wait3A_1575 : memref<48x128xf32, #tpu.memory_space<vmem>>)
      tpu.yield
    }) : () -> ()
    %add3A_1300 = arith.constant 240 : i32
    %add3A_1301 = arith.addi %mul3A_33, %add3A_1300 : i32
    %dma_start3A_1302 = arith.constant 0 : i32
    %dma_start3A_1303 = arith.constant 0 : i32
    %dma_start3A_1304 = tpu.memref_slice %arg9[%dma_start3A_1302, %dma_start3A_1303] : memref<50x128xf32, #tpu.memory_space<vmem>> -> memref<48x128xf32, #tpu.memory_space<vmem>>
    %dma_start3A_1305 = arith.constant 0 : i32
    %dma_start3A_1306 = tpu.memref_slice %arg4[%arg0, %add3A_1301, %dma_start3A_1305] : memref<2x10000x128xf32, #tpu.memory_space<hbm>> -> memref<1x48x128xf32, #tpu.memory_space<hbm>>
    %dma_start3A_1307 = tpu.memref_squeeze %dma_start3A_1306 : memref<1x48x128xf32, #tpu.memory_space<hbm>> -> memref<48x128xf32, #tpu.memory_space<hbm>>
    %dma_start3A_1308 = arith.constant 0 : i32
    %dma_start3A_1309 = tpu.memref_slice %arg4[%arg0, %add3A_1301, %dma_start3A_1308] : memref<2x10000x128xf32, #tpu.memory_space<hbm>> -> memref<1x48x128xf32, #tpu.memory_space<hbm>>
    %dma_start3A_1310 = tpu.memref_squeeze %dma_start3A_1309 : memref<1x48x128xf32, #tpu.memory_space<hbm>> -> memref<48x128xf32, #tpu.memory_space<hbm>>
    %dma_start3A_1311 = arith.constant 0 : i32
    %dma_start3A_1312 = arith.constant 0 : i32
    %dma_start3A_1313 = tpu.memref_slice %arg9[%dma_start3A_1311, %dma_start3A_1312] : memref<50x128xf32, #tpu.memory_space<vmem>> -> memref<48x128xf32, #tpu.memory_space<vmem>>
    tpu.enqueue_dma source(%dma_start3A_1313 : memref<48x128xf32, #tpu.memory_space<vmem>>) target(%dma_start3A_1310 : memref<48x128xf32, #tpu.memory_space<hbm>>) target_semaphore(%arg15 : memref<!tpu.dma_semaphore, #tpu.memory_space<semaphore_mem>>)
    %add3A_1314 = arith.constant 192 : i32
    %add3A_1315 = arith.addi %mul3A_33, %add3A_1314 : i32
    %dma_wait3A_1316 = arith.constant 0 : i32
    %dma_wait3A_1317 = arith.constant 0 : i32
    %dma_wait3A_1318 = tpu.memref_slice %arg8[%dma_wait3A_1316, %dma_wait3A_1317] : memref<50x128xf32, #tpu.memory_space<vmem>> -> memref<48x128xf32, #tpu.memory_space<vmem>>
    %dma_wait3A_1319 = arith.constant 0 : i32
    %dma_wait3A_1320 = tpu.memref_slice %arg4[%arg0, %add3A_1315, %dma_wait3A_1319] : memref<2x10000x128xf32, #tpu.memory_space<hbm>> -> memref<1x48x128xf32, #tpu.memory_space<hbm>>
    %dma_wait3A_1321 = tpu.memref_squeeze %dma_wait3A_1320 : memref<1x48x128xf32, #tpu.memory_space<hbm>> -> memref<48x128xf32, #tpu.memory_space<hbm>>
    %dma_wait3A_1322 = arith.constant 0 : i32
    %dma_wait3A_1323 = tpu.memref_slice %arg4[%arg0, %add3A_1315, %dma_wait3A_1322] : memref<2x10000x128xf32, #tpu.memory_space<hbm>> -> memref<1x48x128xf32, #tpu.memory_space<hbm>>
    %dma_wait3A_1324 = tpu.memref_squeeze %dma_wait3A_1323 : memref<1x48x128xf32, #tpu.memory_space<hbm>> -> memref<48x128xf32, #tpu.memory_space<hbm>>
    %dma_wait3A_1325 = arith.constant 0 : i32
    %dma_wait3A_1326 = arith.constant 0 : i32
    %dma_wait3A_1327 = tpu.memref_slice %arg8[%dma_wait3A_1325, %dma_wait3A_1326] : memref<50x128xf32, #tpu.memory_space<vmem>> -> memref<48x128xf32, #tpu.memory_space<vmem>>
    tpu.wait_dma2 semaphore(%arg14 : memref<!tpu.dma_semaphore, #tpu.memory_space<semaphore_mem>>) src(%dma_wait3A_1327 : memref<48x128xf32, #tpu.memory_space<vmem>>) dst(%dma_wait3A_1324 : memref<48x128xf32, #tpu.memory_space<hbm>>)
    %add3A_1328 = arith.constant 288 : i32
    %add3A_1329 = arith.addi %mul3A_33, %add3A_1328 : i32
    "tpu.region"() ({
      %run_scoped3A_1557 = tpu.sem_alloc : memref<!tpu.dma_semaphore, #tpu.memory_space<semaphore_mem>>
      %dma_start3A_1558 = arith.constant 0 : i32
      %dma_start3A_1559 = arith.constant 0 : i32
      %dma_start3A_1560 = tpu.memref_slice %arg8[%dma_start3A_1558, %dma_start3A_1559] : memref<50x128xf32, #tpu.memory_space<vmem>> -> memref<48x128xf32, #tpu.memory_space<vmem>>
      %dma_start3A_1561 = arith.constant 0 : i32
      %dma_start3A_1562 = tpu.memref_slice %arg13[%add3A_1329, %dma_start3A_1561] : memref<10000x128xf32, #tpu.memory_space<vmem_shared>> -> memref<48x128xf32, #tpu.memory_space<vmem_shared>>
      %dma_start3A_1563 = arith.constant 0 : i32
      %dma_start3A_1564 = arith.constant 0 : i32
      %dma_start3A_1565 = tpu.memref_slice %arg8[%dma_start3A_1563, %dma_start3A_1564] : memref<50x128xf32, #tpu.memory_space<vmem>> -> memref<48x128xf32, #tpu.memory_space<vmem>>
      %dma_start3A_1566 = arith.constant 0 : i32
      %dma_start3A_1567 = tpu.memref_slice %arg13[%add3A_1329, %dma_start3A_1566] : memref<10000x128xf32, #tpu.memory_space<vmem_shared>> -> memref<48x128xf32, #tpu.memory_space<vmem_shared>>
      tpu.enqueue_dma source(%dma_start3A_1567 : memref<48x128xf32, #tpu.memory_space<vmem_shared>>) target(%dma_start3A_1565 : memref<48x128xf32, #tpu.memory_space<vmem>>) target_semaphore(%run_scoped3A_1557 : memref<!tpu.dma_semaphore, #tpu.memory_space<semaphore_mem>>)
      %dma_wait3A_1568 = arith.constant 0 : i32
      %dma_wait3A_1569 = arith.constant 0 : i32
      %dma_wait3A_1570 = tpu.memref_slice %arg8[%dma_wait3A_1568, %dma_wait3A_1569] : memref<50x128xf32, #tpu.memory_space<vmem>> -> memref<48x128xf32, #tpu.memory_space<vmem>>
      %dma_wait3A_1571 = arith.constant 0 : i32
      %dma_wait3A_1572 = tpu.memref_slice %arg13[%add3A_1329, %dma_wait3A_1571] : memref<10000x128xf32, #tpu.memory_space<vmem_shared>> -> memref<48x128xf32, #tpu.memory_space<vmem_shared>>
      %dma_wait3A_1573 = arith.constant 0 : i32
      %dma_wait3A_1574 = arith.constant 0 : i32
      %dma_wait3A_1575 = tpu.memref_slice %arg8[%dma_wait3A_1573, %dma_wait3A_1574] : memref<50x128xf32, #tpu.memory_space<vmem>> -> memref<48x128xf32, #tpu.memory_space<vmem>>
      %dma_wait3A_1576 = arith.constant 0 : i32
      %dma_wait3A_1577 = tpu.memref_slice %arg13[%add3A_1329, %dma_wait3A_1576] : memref<10000x128xf32, #tpu.memory_space<vmem_shared>> -> memref<48x128xf32, #tpu.memory_space<vmem_shared>>
      tpu.wait_dma2 semaphore(%run_scoped3A_1557 : memref<!tpu.dma_semaphore, #tpu.memory_space<semaphore_mem>>) src(%dma_wait3A_1577 : memref<48x128xf32, #tpu.memory_space<vmem_shared>>) dst(%dma_wait3A_1575 : memref<48x128xf32, #tpu.memory_space<vmem>>)
      tpu.yield
    }) : () -> ()
    %add3A_1330 = arith.constant 288 : i32
    %add3A_1331 = arith.addi %mul3A_33, %add3A_1330 : i32
    %dma_start3A_1332 = arith.constant 0 : i32
    %dma_start3A_1333 = arith.constant 0 : i32
    %dma_start3A_1334 = tpu.memref_slice %arg8[%dma_start3A_1332, %dma_start3A_1333] : memref<50x128xf32, #tpu.memory_space<vmem>> -> memref<48x128xf32, #tpu.memory_space<vmem>>
    %dma_start3A_1335 = arith.constant 0 : i32
    %dma_start3A_1336 = tpu.memref_slice %arg4[%arg0, %add3A_1331, %dma_start3A_1335] : memref<2x10000x128xf32, #tpu.memory_space<hbm>> -> memref<1x48x128xf32, #tpu.memory_space<hbm>>
    %dma_start3A_1337 = tpu.memref_squeeze %dma_start3A_1336 : memref<1x48x128xf32, #tpu.memory_space<hbm>> -> memref<48x128xf32, #tpu.memory_space<hbm>>
    %dma_start3A_1338 = arith.constant 0 : i32
    %dma_start3A_1339 = tpu.memref_slice %arg4[%arg0, %add3A_1331, %dma_start3A_1338] : memref<2x10000x128xf32, #tpu.memory_space<hbm>> -> memref<1x48x128xf32, #tpu.memory_space<hbm>>
    %dma_start3A_1340 = tpu.memref_squeeze %dma_start3A_1339 : memref<1x48x128xf32, #tpu.memory_space<hbm>> -> memref<48x128xf32, #tpu.memory_space<hbm>>
    %dma_start3A_1341 = arith.constant 0 : i32
    %dma_start3A_1342 = arith.constant 0 : i32
    %dma_start3A_1343 = tpu.memref_slice %arg8[%dma_start3A_1341, %dma_start3A_1342] : memref<50x128xf32, #tpu.memory_space<vmem>> -> memref<48x128xf32, #tpu.memory_space<vmem>>
    tpu.enqueue_dma source(%dma_start3A_1343 : memref<48x128xf32, #tpu.memory_space<vmem>>) target(%dma_start3A_1340 : memref<48x128xf32, #tpu.memory_space<hbm>>) target_semaphore(%arg14 : memref<!tpu.dma_semaphore, #tpu.memory_space<semaphore_mem>>)
    %add3A_1344 = arith.constant 240 : i32
    %add3A_1345 = arith.addi %mul3A_33, %add3A_1344 : i32
    %dma_wait3A_1346 = arith.constant 0 : i32
    %dma_wait3A_1347 = arith.constant 0 : i32
    %dma_wait3A_1348 = tpu.memref_slice %arg9[%dma_wait3A_1346, %dma_wait3A_1347] : memref<50x128xf32, #tpu.memory_space<vmem>> -> memref<48x128xf32, #tpu.memory_space<vmem>>
    %dma_wait3A_1349 = arith.constant 0 : i32
    %dma_wait3A_1350 = tpu.memref_slice %arg4[%arg0, %add3A_1345, %dma_wait3A_1349] : memref<2x10000x128xf32, #tpu.memory_space<hbm>> -> memref<1x48x128xf32, #tpu.memory_space<hbm>>
    %dma_wait3A_1351 = tpu.memref_squeeze %dma_wait3A_1350 : memref<1x48x128xf32, #tpu.memory_space<hbm>> -> memref<48x128xf32, #tpu.memory_space<hbm>>
    %dma_wait3A_1352 = arith.constant 0 : i32
    %dma_wait3A_1353 = tpu.memref_slice %arg4[%arg0, %add3A_1345, %dma_wait3A_1352] : memref<2x10000x128xf32, #tpu.memory_space<hbm>> -> memref<1x48x128xf32, #tpu.memory_space<hbm>>
    %dma_wait3A_1354 = tpu.memref_squeeze %dma_wait3A_1353 : memref<1x48x128xf32, #tpu.memory_space<hbm>> -> memref<48x128xf32, #tpu.memory_space<hbm>>
    %dma_wait3A_1355 = arith.constant 0 : i32
    %dma_wait3A_1356 = arith.constant 0 : i32
    %dma_wait3A_1357 = tpu.memref_slice %arg9[%dma_wait3A_1355, %dma_wait3A_1356] : memref<50x128xf32, #tpu.memory_space<vmem>> -> memref<48x128xf32, #tpu.memory_space<vmem>>
    tpu.wait_dma2 semaphore(%arg15 : memref<!tpu.dma_semaphore, #tpu.memory_space<semaphore_mem>>) src(%dma_wait3A_1357 : memref<48x128xf32, #tpu.memory_space<vmem>>) dst(%dma_wait3A_1354 : memref<48x128xf32, #tpu.memory_space<hbm>>)
    %add3A_1358 = arith.constant 336 : i32
    %add3A_1359 = arith.addi %mul3A_33, %add3A_1358 : i32
    "tpu.region"() ({
      %run_scoped3A_1557 = tpu.sem_alloc : memref<!tpu.dma_semaphore, #tpu.memory_space<semaphore_mem>>
      %dma_start3A_1558 = arith.constant 0 : i32
      %dma_start3A_1559 = arith.constant 0 : i32
      %dma_start3A_1560 = tpu.memref_slice %arg9[%dma_start3A_1558, %dma_start3A_1559] : memref<50x128xf32, #tpu.memory_space<vmem>> -> memref<48x128xf32, #tpu.memory_space<vmem>>
      %dma_start3A_1561 = arith.constant 0 : i32
      %dma_start3A_1562 = tpu.memref_slice %arg13[%add3A_1359, %dma_start3A_1561] : memref<10000x128xf32, #tpu.memory_space<vmem_shared>> -> memref<48x128xf32, #tpu.memory_space<vmem_shared>>
      %dma_start3A_1563 = arith.constant 0 : i32
      %dma_start3A_1564 = arith.constant 0 : i32
      %dma_start3A_1565 = tpu.memref_slice %arg9[%dma_start3A_1563, %dma_start3A_1564] : memref<50x128xf32, #tpu.memory_space<vmem>> -> memref<48x128xf32, #tpu.memory_space<vmem>>
      %dma_start3A_1566 = arith.constant 0 : i32
      %dma_start3A_1567 = tpu.memref_slice %arg13[%add3A_1359, %dma_start3A_1566] : memref<10000x128xf32, #tpu.memory_space<vmem_shared>> -> memref<48x128xf32, #tpu.memory_space<vmem_shared>>
      tpu.enqueue_dma source(%dma_start3A_1567 : memref<48x128xf32, #tpu.memory_space<vmem_shared>>) target(%dma_start3A_1565 : memref<48x128xf32, #tpu.memory_space<vmem>>) target_semaphore(%run_scoped3A_1557 : memref<!tpu.dma_semaphore, #tpu.memory_space<semaphore_mem>>)
      %dma_wait3A_1568 = arith.constant 0 : i32
      %dma_wait3A_1569 = arith.constant 0 : i32
      %dma_wait3A_1570 = tpu.memref_slice %arg9[%dma_wait3A_1568, %dma_wait3A_1569] : memref<50x128xf32, #tpu.memory_space<vmem>> -> memref<48x128xf32, #tpu.memory_space<vmem>>
      %dma_wait3A_1571 = arith.constant 0 : i32
      %dma_wait3A_1572 = tpu.memref_slice %arg13[%add3A_1359, %dma_wait3A_1571] : memref<10000x128xf32, #tpu.memory_space<vmem_shared>> -> memref<48x128xf32, #tpu.memory_space<vmem_shared>>
      %dma_wait3A_1573 = arith.constant 0 : i32
      %dma_wait3A_1574 = arith.constant 0 : i32
      %dma_wait3A_1575 = tpu.memref_slice %arg9[%dma_wait3A_1573, %dma_wait3A_1574] : memref<50x128xf32, #tpu.memory_space<vmem>> -> memref<48x128xf32, #tpu.memory_space<vmem>>
      %dma_wait3A_1576 = arith.constant 0 : i32
      %dma_wait3A_1577 = tpu.memref_slice %arg13[%add3A_1359, %dma_wait3A_1576] : memref<10000x128xf32, #tpu.memory_space<vmem_shared>> -> memref<48x128xf32, #tpu.memory_space<vmem_shared>>
      tpu.wait_dma2 semaphore(%run_scoped3A_1557 : memref<!tpu.dma_semaphore, #tpu.memory_space<semaphore_mem>>) src(%dma_wait3A_1577 : memref<48x128xf32, #tpu.memory_space<vmem_shared>>) dst(%dma_wait3A_1575 : memref<48x128xf32, #tpu.memory_space<vmem>>)
      tpu.yield
    }) : () -> ()
    %add3A_1360 = arith.constant 336 : i32
    %add3A_1361 = arith.addi %mul3A_33, %add3A_1360 : i32
    %dma_start3A_1362 = arith.constant 0 : i32
    %dma_start3A_1363 = arith.constant 0 : i32
    %dma_start3A_1364 = tpu.memref_slice %arg9[%dma_start3A_1362, %dma_start3A_1363] : memref<50x128xf32, #tpu.memory_space<vmem>> -> memref<48x128xf32, #tpu.memory_space<vmem>>
    %dma_start3A_1365 = arith.constant 0 : i32
    %dma_start3A_1366 = tpu.memref_slice %arg4[%arg0, %add3A_1361, %dma_start3A_1365] : memref<2x10000x128xf32, #tpu.memory_space<hbm>> -> memref<1x48x128xf32, #tpu.memory_space<hbm>>
    %dma_start3A_1367 = tpu.memref_squeeze %dma_start3A_1366 : memref<1x48x128xf32, #tpu.memory_space<hbm>> -> memref<48x128xf32, #tpu.memory_space<hbm>>
    %dma_start3A_1368 = arith.constant 0 : i32
    %dma_start3A_1369 = tpu.memref_slice %arg4[%arg0, %add3A_1361, %dma_start3A_1368] : memref<2x10000x128xf32, #tpu.memory_space<hbm>> -> memref<1x48x128xf32, #tpu.memory_space<hbm>>
    %dma_start3A_1370 = tpu.memref_squeeze %dma_start3A_1369 : memref<1x48x128xf32, #tpu.memory_space<hbm>> -> memref<48x128xf32, #tpu.memory_space<hbm>>
    %dma_start3A_1371 = arith.constant 0 : i32
    %dma_start3A_1372 = arith.constant 0 : i32
    %dma_start3A_1373 = tpu.memref_slice %arg9[%dma_start3A_1371, %dma_start3A_1372] : memref<50x128xf32, #tpu.memory_space<vmem>> -> memref<48x128xf32, #tpu.memory_space<vmem>>
    tpu.enqueue_dma source(%dma_start3A_1373 : memref<48x128xf32, #tpu.memory_space<vmem>>) target(%dma_start3A_1370 : memref<48x128xf32, #tpu.memory_space<hbm>>) target_semaphore(%arg15 : memref<!tpu.dma_semaphore, #tpu.memory_space<semaphore_mem>>)
    %add3A_1374 = arith.constant 288 : i32
    %add3A_1375 = arith.addi %mul3A_33, %add3A_1374 : i32
    %dma_wait3A_1376 = arith.constant 0 : i32
    %dma_wait3A_1377 = arith.constant 0 : i32
    %dma_wait3A_1378 = tpu.memref_slice %arg8[%dma_wait3A_1376, %dma_wait3A_1377] : memref<50x128xf32, #tpu.memory_space<vmem>> -> memref<48x128xf32, #tpu.memory_space<vmem>>
    %dma_wait3A_1379 = arith.constant 0 : i32
    %dma_wait3A_1380 = tpu.memref_slice %arg4[%arg0, %add3A_1375, %dma_wait3A_1379] : memref<2x10000x128xf32, #tpu.memory_space<hbm>> -> memref<1x48x128xf32, #tpu.memory_space<hbm>>
    %dma_wait3A_1381 = tpu.memref_squeeze %dma_wait3A_1380 : memref<1x48x128xf32, #tpu.memory_space<hbm>> -> memref<48x128xf32, #tpu.memory_space<hbm>>
    %dma_wait3A_1382 = arith.constant 0 : i32
    %dma_wait3A_1383 = tpu.memref_slice %arg4[%arg0, %add3A_1375, %dma_wait3A_1382] : memref<2x10000x128xf32, #tpu.memory_space<hbm>> -> memref<1x48x128xf32, #tpu.memory_space<hbm>>
    %dma_wait3A_1384 = tpu.memref_squeeze %dma_wait3A_1383 : memref<1x48x128xf32, #tpu.memory_space<hbm>> -> memref<48x128xf32, #tpu.memory_space<hbm>>
    %dma_wait3A_1385 = arith.constant 0 : i32
    %dma_wait3A_1386 = arith.constant 0 : i32
    %dma_wait3A_1387 = tpu.memref_slice %arg8[%dma_wait3A_1385, %dma_wait3A_1386] : memref<50x128xf32, #tpu.memory_space<vmem>> -> memref<48x128xf32, #tpu.memory_space<vmem>>
    tpu.wait_dma2 semaphore(%arg14 : memref<!tpu.dma_semaphore, #tpu.memory_space<semaphore_mem>>) src(%dma_wait3A_1387 : memref<48x128xf32, #tpu.memory_space<vmem>>) dst(%dma_wait3A_1384 : memref<48x128xf32, #tpu.memory_space<hbm>>)
    %add3A_1388 = arith.constant 384 : i32
    %add3A_1389 = arith.addi %mul3A_33, %add3A_1388 : i32
    "tpu.region"() ({
      %run_scoped3A_1557 = tpu.sem_alloc : memref<!tpu.dma_semaphore, #tpu.memory_space<semaphore_mem>>
      %dma_start3A_1558 = arith.constant 0 : i32
      %dma_start3A_1559 = arith.constant 0 : i32
      %dma_start3A_1560 = tpu.memref_slice %arg8[%dma_start3A_1558, %dma_start3A_1559] : memref<50x128xf32, #tpu.memory_space<vmem>> -> memref<48x128xf32, #tpu.memory_space<vmem>>
      %dma_start3A_1561 = arith.constant 0 : i32
      %dma_start3A_1562 = tpu.memref_slice %arg13[%add3A_1389, %dma_start3A_1561] : memref<10000x128xf32, #tpu.memory_space<vmem_shared>> -> memref<48x128xf32, #tpu.memory_space<vmem_shared>>
      %dma_start3A_1563 = arith.constant 0 : i32
      %dma_start3A_1564 = arith.constant 0 : i32
      %dma_start3A_1565 = tpu.memref_slice %arg8[%dma_start3A_1563, %dma_start3A_1564] : memref<50x128xf32, #tpu.memory_space<vmem>> -> memref<48x128xf32, #tpu.memory_space<vmem>>
      %dma_start3A_1566 = arith.constant 0 : i32
      %dma_start3A_1567 = tpu.memref_slice %arg13[%add3A_1389, %dma_start3A_1566] : memref<10000x128xf32, #tpu.memory_space<vmem_shared>> -> memref<48x128xf32, #tpu.memory_space<vmem_shared>>
      tpu.enqueue_dma source(%dma_start3A_1567 : memref<48x128xf32, #tpu.memory_space<vmem_shared>>) target(%dma_start3A_1565 : memref<48x128xf32, #tpu.memory_space<vmem>>) target_semaphore(%run_scoped3A_1557 : memref<!tpu.dma_semaphore, #tpu.memory_space<semaphore_mem>>)
      %dma_wait3A_1568 = arith.constant 0 : i32
      %dma_wait3A_1569 = arith.constant 0 : i32
      %dma_wait3A_1570 = tpu.memref_slice %arg8[%dma_wait3A_1568, %dma_wait3A_1569] : memref<50x128xf32, #tpu.memory_space<vmem>> -> memref<48x128xf32, #tpu.memory_space<vmem>>
      %dma_wait3A_1571 = arith.constant 0 : i32
      %dma_wait3A_1572 = tpu.memref_slice %arg13[%add3A_1389, %dma_wait3A_1571] : memref<10000x128xf32, #tpu.memory_space<vmem_shared>> -> memref<48x128xf32, #tpu.memory_space<vmem_shared>>
      %dma_wait3A_1573 = arith.constant 0 : i32
      %dma_wait3A_1574 = arith.constant 0 : i32
      %dma_wait3A_1575 = tpu.memref_slice %arg8[%dma_wait3A_1573, %dma_wait3A_1574] : memref<50x128xf32, #tpu.memory_space<vmem>> -> memref<48x128xf32, #tpu.memory_space<vmem>>
      %dma_wait3A_1576 = arith.constant 0 : i32
      %dma_wait3A_1577 = tpu.memref_slice %arg13[%add3A_1389, %dma_wait3A_1576] : memref<10000x128xf32, #tpu.memory_space<vmem_shared>> -> memref<48x128xf32, #tpu.memory_space<vmem_shared>>
      tpu.wait_dma2 semaphore(%run_scoped3A_1557 : memref<!tpu.dma_semaphore, #tpu.memory_space<semaphore_mem>>) src(%dma_wait3A_1577 : memref<48x128xf32, #tpu.memory_space<vmem_shared>>) dst(%dma_wait3A_1575 : memref<48x128xf32, #tpu.memory_space<vmem>>)
      tpu.yield
    }) : () -> ()
    %add3A_1390 = arith.constant 384 : i32
    %add3A_1391 = arith.addi %mul3A_33, %add3A_1390 : i32
    %dma_start3A_1392 = arith.constant 0 : i32
    %dma_start3A_1393 = arith.constant 0 : i32
    %dma_start3A_1394 = tpu.memref_slice %arg8[%dma_start3A_1392, %dma_start3A_1393] : memref<50x128xf32, #tpu.memory_space<vmem>> -> memref<48x128xf32, #tpu.memory_space<vmem>>
    %dma_start3A_1395 = arith.constant 0 : i32
    %dma_start3A_1396 = tpu.memref_slice %arg4[%arg0, %add3A_1391, %dma_start3A_1395] : memref<2x10000x128xf32, #tpu.memory_space<hbm>> -> memref<1x48x128xf32, #tpu.memory_space<hbm>>
    %dma_start3A_1397 = tpu.memref_squeeze %dma_start3A_1396 : memref<1x48x128xf32, #tpu.memory_space<hbm>> -> memref<48x128xf32, #tpu.memory_space<hbm>>
    %dma_start3A_1398 = arith.constant 0 : i32
    %dma_start3A_1399 = tpu.memref_slice %arg4[%arg0, %add3A_1391, %dma_start3A_1398] : memref<2x10000x128xf32, #tpu.memory_space<hbm>> -> memref<1x48x128xf32, #tpu.memory_space<hbm>>
    %dma_start3A_1400 = tpu.memref_squeeze %dma_start3A_1399 : memref<1x48x128xf32, #tpu.memory_space<hbm>> -> memref<48x128xf32, #tpu.memory_space<hbm>>
    %dma_start3A_1401 = arith.constant 0 : i32
    %dma_start3A_1402 = arith.constant 0 : i32
    %dma_start3A_1403 = tpu.memref_slice %arg8[%dma_start3A_1401, %dma_start3A_1402] : memref<50x128xf32, #tpu.memory_space<vmem>> -> memref<48x128xf32, #tpu.memory_space<vmem>>
    tpu.enqueue_dma source(%dma_start3A_1403 : memref<48x128xf32, #tpu.memory_space<vmem>>) target(%dma_start3A_1400 : memref<48x128xf32, #tpu.memory_space<hbm>>) target_semaphore(%arg14 : memref<!tpu.dma_semaphore, #tpu.memory_space<semaphore_mem>>)
    %add3A_1404 = arith.constant 336 : i32
    %add3A_1405 = arith.addi %mul3A_33, %add3A_1404 : i32
    %dma_wait3A_1406 = arith.constant 0 : i32
    %dma_wait3A_1407 = arith.constant 0 : i32
    %dma_wait3A_1408 = tpu.memref_slice %arg9[%dma_wait3A_1406, %dma_wait3A_1407] : memref<50x128xf32, #tpu.memory_space<vmem>> -> memref<48x128xf32, #tpu.memory_space<vmem>>
    %dma_wait3A_1409 = arith.constant 0 : i32
    %dma_wait3A_1410 = tpu.memref_slice %arg4[%arg0, %add3A_1405, %dma_wait3A_1409] : memref<2x10000x128xf32, #tpu.memory_space<hbm>> -> memref<1x48x128xf32, #tpu.memory_space<hbm>>
    %dma_wait3A_1411 = tpu.memref_squeeze %dma_wait3A_1410 : memref<1x48x128xf32, #tpu.memory_space<hbm>> -> memref<48x128xf32, #tpu.memory_space<hbm>>
    %dma_wait3A_1412 = arith.constant 0 : i32
    %dma_wait3A_1413 = tpu.memref_slice %arg4[%arg0, %add3A_1405, %dma_wait3A_1412] : memref<2x10000x128xf32, #tpu.memory_space<hbm>> -> memref<1x48x128xf32, #tpu.memory_space<hbm>>
    %dma_wait3A_1414 = tpu.memref_squeeze %dma_wait3A_1413 : memref<1x48x128xf32, #tpu.memory_space<hbm>> -> memref<48x128xf32, #tpu.memory_space<hbm>>
    %dma_wait3A_1415 = arith.constant 0 : i32
    %dma_wait3A_1416 = arith.constant 0 : i32
    %dma_wait3A_1417 = tpu.memref_slice %arg9[%dma_wait3A_1415, %dma_wait3A_1416] : memref<50x128xf32, #tpu.memory_space<vmem>> -> memref<48x128xf32, #tpu.memory_space<vmem>>
    tpu.wait_dma2 semaphore(%arg15 : memref<!tpu.dma_semaphore, #tpu.memory_space<semaphore_mem>>) src(%dma_wait3A_1417 : memref<48x128xf32, #tpu.memory_space<vmem>>) dst(%dma_wait3A_1414 : memref<48x128xf32, #tpu.memory_space<hbm>>)
    %add3A_1418 = arith.constant 432 : i32
    %add3A_1419 = arith.addi %mul3A_33, %add3A_1418 : i32
    "tpu.region"() ({
      %run_scoped3A_1557 = tpu.sem_alloc : memref<!tpu.dma_semaphore, #tpu.memory_space<semaphore_mem>>
      %dma_start3A_1558 = arith.constant 0 : i32
      %dma_start3A_1559 = arith.constant 0 : i32
      %dma_start3A_1560 = tpu.memref_slice %arg9[%dma_start3A_1558, %dma_start3A_1559] : memref<50x128xf32, #tpu.memory_space<vmem>> -> memref<48x128xf32, #tpu.memory_space<vmem>>
      %dma_start3A_1561 = arith.constant 0 : i32
      %dma_start3A_1562 = tpu.memref_slice %arg13[%add3A_1419, %dma_start3A_1561] : memref<10000x128xf32, #tpu.memory_space<vmem_shared>> -> memref<48x128xf32, #tpu.memory_space<vmem_shared>>
      %dma_start3A_1563 = arith.constant 0 : i32
      %dma_start3A_1564 = arith.constant 0 : i32
      %dma_start3A_1565 = tpu.memref_slice %arg9[%dma_start3A_1563, %dma_start3A_1564] : memref<50x128xf32, #tpu.memory_space<vmem>> -> memref<48x128xf32, #tpu.memory_space<vmem>>
      %dma_start3A_1566 = arith.constant 0 : i32
      %dma_start3A_1567 = tpu.memref_slice %arg13[%add3A_1419, %dma_start3A_1566] : memref<10000x128xf32, #tpu.memory_space<vmem_shared>> -> memref<48x128xf32, #tpu.memory_space<vmem_shared>>
      tpu.enqueue_dma source(%dma_start3A_1567 : memref<48x128xf32, #tpu.memory_space<vmem_shared>>) target(%dma_start3A_1565 : memref<48x128xf32, #tpu.memory_space<vmem>>) target_semaphore(%run_scoped3A_1557 : memref<!tpu.dma_semaphore, #tpu.memory_space<semaphore_mem>>)
      %dma_wait3A_1568 = arith.constant 0 : i32
      %dma_wait3A_1569 = arith.constant 0 : i32
      %dma_wait3A_1570 = tpu.memref_slice %arg9[%dma_wait3A_1568, %dma_wait3A_1569] : memref<50x128xf32, #tpu.memory_space<vmem>> -> memref<48x128xf32, #tpu.memory_space<vmem>>
      %dma_wait3A_1571 = arith.constant 0 : i32
      %dma_wait3A_1572 = tpu.memref_slice %arg13[%add3A_1419, %dma_wait3A_1571] : memref<10000x128xf32, #tpu.memory_space<vmem_shared>> -> memref<48x128xf32, #tpu.memory_space<vmem_shared>>
      %dma_wait3A_1573 = arith.constant 0 : i32
      %dma_wait3A_1574 = arith.constant 0 : i32
      %dma_wait3A_1575 = tpu.memref_slice %arg9[%dma_wait3A_1573, %dma_wait3A_1574] : memref<50x128xf32, #tpu.memory_space<vmem>> -> memref<48x128xf32, #tpu.memory_space<vmem>>
      %dma_wait3A_1576 = arith.constant 0 : i32
      %dma_wait3A_1577 = tpu.memref_slice %arg13[%add3A_1419, %dma_wait3A_1576] : memref<10000x128xf32, #tpu.memory_space<vmem_shared>> -> memref<48x128xf32, #tpu.memory_space<vmem_shared>>
      tpu.wait_dma2 semaphore(%run_scoped3A_1557 : memref<!tpu.dma_semaphore, #tpu.memory_space<semaphore_mem>>) src(%dma_wait3A_1577 : memref<48x128xf32, #tpu.memory_space<vmem_shared>>) dst(%dma_wait3A_1575 : memref<48x128xf32, #tpu.memory_space<vmem>>)
      tpu.yield
    }) : () -> ()
    %add3A_1420 = arith.constant 432 : i32
    %add3A_1421 = arith.addi %mul3A_33, %add3A_1420 : i32
    %dma_start3A_1422 = arith.constant 0 : i32
    %dma_start3A_1423 = arith.constant 0 : i32
    %dma_start3A_1424 = tpu.memref_slice %arg9[%dma_start3A_1422, %dma_start3A_1423] : memref<50x128xf32, #tpu.memory_space<vmem>> -> memref<48x128xf32, #tpu.memory_space<vmem>>
    %dma_start3A_1425 = arith.constant 0 : i32
    %dma_start3A_1426 = tpu.memref_slice %arg4[%arg0, %add3A_1421, %dma_start3A_1425] : memref<2x10000x128xf32, #tpu.memory_space<hbm>> -> memref<1x48x128xf32, #tpu.memory_space<hbm>>
    %dma_start3A_1427 = tpu.memref_squeeze %dma_start3A_1426 : memref<1x48x128xf32, #tpu.memory_space<hbm>> -> memref<48x128xf32, #tpu.memory_space<hbm>>
    %dma_start3A_1428 = arith.constant 0 : i32
    %dma_start3A_1429 = tpu.memref_slice %arg4[%arg0, %add3A_1421, %dma_start3A_1428] : memref<2x10000x128xf32, #tpu.memory_space<hbm>> -> memref<1x48x128xf32, #tpu.memory_space<hbm>>
    %dma_start3A_1430 = tpu.memref_squeeze %dma_start3A_1429 : memref<1x48x128xf32, #tpu.memory_space<hbm>> -> memref<48x128xf32, #tpu.memory_space<hbm>>
    %dma_start3A_1431 = arith.constant 0 : i32
    %dma_start3A_1432 = arith.constant 0 : i32
    %dma_start3A_1433 = tpu.memref_slice %arg9[%dma_start3A_1431, %dma_start3A_1432] : memref<50x128xf32, #tpu.memory_space<vmem>> -> memref<48x128xf32, #tpu.memory_space<vmem>>
    tpu.enqueue_dma source(%dma_start3A_1433 : memref<48x128xf32, #tpu.memory_space<vmem>>) target(%dma_start3A_1430 : memref<48x128xf32, #tpu.memory_space<hbm>>) target_semaphore(%arg15 : memref<!tpu.dma_semaphore, #tpu.memory_space<semaphore_mem>>)
    %add3A_1434 = arith.constant 384 : i32
    %add3A_1435 = arith.addi %mul3A_33, %add3A_1434 : i32
    %dma_wait3A_1436 = arith.constant 0 : i32
    %dma_wait3A_1437 = arith.constant 0 : i32
    %dma_wait3A_1438 = tpu.memref_slice %arg8[%dma_wait3A_1436, %dma_wait3A_1437] : memref<50x128xf32, #tpu.memory_space<vmem>> -> memref<48x128xf32, #tpu.memory_space<vmem>>
    %dma_wait3A_1439 = arith.constant 0 : i32
    %dma_wait3A_1440 = tpu.memref_slice %arg4[%arg0, %add3A_1435, %dma_wait3A_1439] : memref<2x10000x128xf32, #tpu.memory_space<hbm>> -> memref<1x48x128xf32, #tpu.memory_space<hbm>>
    %dma_wait3A_1441 = tpu.memref_squeeze %dma_wait3A_1440 : memref<1x48x128xf32, #tpu.memory_space<hbm>> -> memref<48x128xf32, #tpu.memory_space<hbm>>
    %dma_wait3A_1442 = arith.constant 0 : i32
    %dma_wait3A_1443 = tpu.memref_slice %arg4[%arg0, %add3A_1435, %dma_wait3A_1442] : memref<2x10000x128xf32, #tpu.memory_space<hbm>> -> memref<1x48x128xf32, #tpu.memory_space<hbm>>
    %dma_wait3A_1444 = tpu.memref_squeeze %dma_wait3A_1443 : memref<1x48x128xf32, #tpu.memory_space<hbm>> -> memref<48x128xf32, #tpu.memory_space<hbm>>
    %dma_wait3A_1445 = arith.constant 0 : i32
    %dma_wait3A_1446 = arith.constant 0 : i32
    %dma_wait3A_1447 = tpu.memref_slice %arg8[%dma_wait3A_1445, %dma_wait3A_1446] : memref<50x128xf32, #tpu.memory_space<vmem>> -> memref<48x128xf32, #tpu.memory_space<vmem>>
    tpu.wait_dma2 semaphore(%arg14 : memref<!tpu.dma_semaphore, #tpu.memory_space<semaphore_mem>>) src(%dma_wait3A_1447 : memref<48x128xf32, #tpu.memory_space<vmem>>) dst(%dma_wait3A_1444 : memref<48x128xf32, #tpu.memory_space<hbm>>)
    %add3A_1448 = arith.constant 480 : i32
    %add3A_1449 = arith.addi %mul3A_33, %add3A_1448 : i32
    "tpu.region"() ({
      %run_scoped3A_1557 = tpu.sem_alloc : memref<!tpu.dma_semaphore, #tpu.memory_space<semaphore_mem>>
      %dma_start3A_1558 = arith.constant 0 : i32
      %dma_start3A_1559 = arith.constant 0 : i32
      %dma_start3A_1560 = tpu.memref_slice %arg8[%dma_start3A_1558, %dma_start3A_1559] : memref<50x128xf32, #tpu.memory_space<vmem>> -> memref<48x128xf32, #tpu.memory_space<vmem>>
      %dma_start3A_1561 = arith.constant 0 : i32
      %dma_start3A_1562 = tpu.memref_slice %arg13[%add3A_1449, %dma_start3A_1561] : memref<10000x128xf32, #tpu.memory_space<vmem_shared>> -> memref<48x128xf32, #tpu.memory_space<vmem_shared>>
      %dma_start3A_1563 = arith.constant 0 : i32
      %dma_start3A_1564 = arith.constant 0 : i32
      %dma_start3A_1565 = tpu.memref_slice %arg8[%dma_start3A_1563, %dma_start3A_1564] : memref<50x128xf32, #tpu.memory_space<vmem>> -> memref<48x128xf32, #tpu.memory_space<vmem>>
      %dma_start3A_1566 = arith.constant 0 : i32
      %dma_start3A_1567 = tpu.memref_slice %arg13[%add3A_1449, %dma_start3A_1566] : memref<10000x128xf32, #tpu.memory_space<vmem_shared>> -> memref<48x128xf32, #tpu.memory_space<vmem_shared>>
      tpu.enqueue_dma source(%dma_start3A_1567 : memref<48x128xf32, #tpu.memory_space<vmem_shared>>) target(%dma_start3A_1565 : memref<48x128xf32, #tpu.memory_space<vmem>>) target_semaphore(%run_scoped3A_1557 : memref<!tpu.dma_semaphore, #tpu.memory_space<semaphore_mem>>)
      %dma_wait3A_1568 = arith.constant 0 : i32
      %dma_wait3A_1569 = arith.constant 0 : i32
      %dma_wait3A_1570 = tpu.memref_slice %arg8[%dma_wait3A_1568, %dma_wait3A_1569] : memref<50x128xf32, #tpu.memory_space<vmem>> -> memref<48x128xf32, #tpu.memory_space<vmem>>
      %dma_wait3A_1571 = arith.constant 0 : i32
      %dma_wait3A_1572 = tpu.memref_slice %arg13[%add3A_1449, %dma_wait3A_1571] : memref<10000x128xf32, #tpu.memory_space<vmem_shared>> -> memref<48x128xf32, #tpu.memory_space<vmem_shared>>
      %dma_wait3A_1573 = arith.constant 0 : i32
      %dma_wait3A_1574 = arith.constant 0 : i32
      %dma_wait3A_1575 = tpu.memref_slice %arg8[%dma_wait3A_1573, %dma_wait3A_1574] : memref<50x128xf32, #tpu.memory_space<vmem>> -> memref<48x128xf32, #tpu.memory_space<vmem>>
      %dma_wait3A_1576 = arith.constant 0 : i32
      %dma_wait3A_1577 = tpu.memref_slice %arg13[%add3A_1449, %dma_wait3A_1576] : memref<10000x128xf32, #tpu.memory_space<vmem_shared>> -> memref<48x128xf32, #tpu.memory_space<vmem_shared>>
      tpu.wait_dma2 semaphore(%run_scoped3A_1557 : memref<!tpu.dma_semaphore, #tpu.memory_space<semaphore_mem>>) src(%dma_wait3A_1577 : memref<48x128xf32, #tpu.memory_space<vmem_shared>>) dst(%dma_wait3A_1575 : memref<48x128xf32, #tpu.memory_space<vmem>>)
      tpu.yield
    }) : () -> ()
    %add3A_1450 = arith.constant 480 : i32
    %add3A_1451 = arith.addi %mul3A_33, %add3A_1450 : i32
    %dma_start3A_1452 = arith.constant 0 : i32
    %dma_start3A_1453 = arith.constant 0 : i32
    %dma_start3A_1454 = tpu.memref_slice %arg8[%dma_start3A_1452, %dma_start3A_1453] : memref<50x128xf32, #tpu.memory_space<vmem>> -> memref<48x128xf32, #tpu.memory_space<vmem>>
    %dma_start3A_1455 = arith.constant 0 : i32
    %dma_start3A_1456 = tpu.memref_slice %arg4[%arg0, %add3A_1451, %dma_start3A_1455] : memref<2x10000x128xf32, #tpu.memory_space<hbm>> -> memref<1x48x128xf32, #tpu.memory_space<hbm>>
    %dma_start3A_1457 = tpu.memref_squeeze %dma_start3A_1456 : memref<1x48x128xf32, #tpu.memory_space<hbm>> -> memref<48x128xf32, #tpu.memory_space<hbm>>
    %dma_start3A_1458 = arith.constant 0 : i32
    %dma_start3A_1459 = tpu.memref_slice %arg4[%arg0, %add3A_1451, %dma_start3A_1458] : memref<2x10000x128xf32, #tpu.memory_space<hbm>> -> memref<1x48x128xf32, #tpu.memory_space<hbm>>
    %dma_start3A_1460 = tpu.memref_squeeze %dma_start3A_1459 : memref<1x48x128xf32, #tpu.memory_space<hbm>> -> memref<48x128xf32, #tpu.memory_space<hbm>>
    %dma_start3A_1461 = arith.constant 0 : i32
    %dma_start3A_1462 = arith.constant 0 : i32
    %dma_start3A_1463 = tpu.memref_slice %arg8[%dma_start3A_1461, %dma_start3A_1462] : memref<50x128xf32, #tpu.memory_space<vmem>> -> memref<48x128xf32, #tpu.memory_space<vmem>>
    tpu.enqueue_dma source(%dma_start3A_1463 : memref<48x128xf32, #tpu.memory_space<vmem>>) target(%dma_start3A_1460 : memref<48x128xf32, #tpu.memory_space<hbm>>) target_semaphore(%arg14 : memref<!tpu.dma_semaphore, #tpu.memory_space<semaphore_mem>>)
    %add3A_1464 = arith.constant 432 : i32
    %add3A_1465 = arith.addi %mul3A_33, %add3A_1464 : i32
    %dma_wait3A_1466 = arith.constant 0 : i32
    %dma_wait3A_1467 = arith.constant 0 : i32
    %dma_wait3A_1468 = tpu.memref_slice %arg9[%dma_wait3A_1466, %dma_wait3A_1467] : memref<50x128xf32, #tpu.memory_space<vmem>> -> memref<48x128xf32, #tpu.memory_space<vmem>>
    %dma_wait3A_1469 = arith.constant 0 : i32
    %dma_wait3A_1470 = tpu.memref_slice %arg4[%arg0, %add3A_1465, %dma_wait3A_1469] : memref<2x10000x128xf32, #tpu.memory_space<hbm>> -> memref<1x48x128xf32, #tpu.memory_space<hbm>>
    %dma_wait3A_1471 = tpu.memref_squeeze %dma_wait3A_1470 : memref<1x48x128xf32, #tpu.memory_space<hbm>> -> memref<48x128xf32, #tpu.memory_space<hbm>>
    %dma_wait3A_1472 = arith.constant 0 : i32
    %dma_wait3A_1473 = tpu.memref_slice %arg4[%arg0, %add3A_1465, %dma_wait3A_1472] : memref<2x10000x128xf32, #tpu.memory_space<hbm>> -> memref<1x48x128xf32, #tpu.memory_space<hbm>>
    %dma_wait3A_1474 = tpu.memref_squeeze %dma_wait3A_1473 : memref<1x48x128xf32, #tpu.memory_space<hbm>> -> memref<48x128xf32, #tpu.memory_space<hbm>>
    %dma_wait3A_1475 = arith.constant 0 : i32
    %dma_wait3A_1476 = arith.constant 0 : i32
    %dma_wait3A_1477 = tpu.memref_slice %arg9[%dma_wait3A_1475, %dma_wait3A_1476] : memref<50x128xf32, #tpu.memory_space<vmem>> -> memref<48x128xf32, #tpu.memory_space<vmem>>
    tpu.wait_dma2 semaphore(%arg15 : memref<!tpu.dma_semaphore, #tpu.memory_space<semaphore_mem>>) src(%dma_wait3A_1477 : memref<48x128xf32, #tpu.memory_space<vmem>>) dst(%dma_wait3A_1474 : memref<48x128xf32, #tpu.memory_space<hbm>>)
    %add3A_1478 = arith.constant 528 : i32
    %add3A_1479 = arith.addi %mul3A_33, %add3A_1478 : i32
    "tpu.region"() ({
      %run_scoped3A_1557 = tpu.sem_alloc : memref<!tpu.dma_semaphore, #tpu.memory_space<semaphore_mem>>
      %dma_start3A_1558 = arith.constant 0 : i32
      %dma_start3A_1559 = arith.constant 0 : i32
      %dma_start3A_1560 = tpu.memref_slice %arg9[%dma_start3A_1558, %dma_start3A_1559] : memref<50x128xf32, #tpu.memory_space<vmem>> -> memref<48x128xf32, #tpu.memory_space<vmem>>
      %dma_start3A_1561 = arith.constant 0 : i32
      %dma_start3A_1562 = tpu.memref_slice %arg13[%add3A_1479, %dma_start3A_1561] : memref<10000x128xf32, #tpu.memory_space<vmem_shared>> -> memref<48x128xf32, #tpu.memory_space<vmem_shared>>
      %dma_start3A_1563 = arith.constant 0 : i32
      %dma_start3A_1564 = arith.constant 0 : i32
      %dma_start3A_1565 = tpu.memref_slice %arg9[%dma_start3A_1563, %dma_start3A_1564] : memref<50x128xf32, #tpu.memory_space<vmem>> -> memref<48x128xf32, #tpu.memory_space<vmem>>
      %dma_start3A_1566 = arith.constant 0 : i32
      %dma_start3A_1567 = tpu.memref_slice %arg13[%add3A_1479, %dma_start3A_1566] : memref<10000x128xf32, #tpu.memory_space<vmem_shared>> -> memref<48x128xf32, #tpu.memory_space<vmem_shared>>
      tpu.enqueue_dma source(%dma_start3A_1567 : memref<48x128xf32, #tpu.memory_space<vmem_shared>>) target(%dma_start3A_1565 : memref<48x128xf32, #tpu.memory_space<vmem>>) target_semaphore(%run_scoped3A_1557 : memref<!tpu.dma_semaphore, #tpu.memory_space<semaphore_mem>>)
      %dma_wait3A_1568 = arith.constant 0 : i32
      %dma_wait3A_1569 = arith.constant 0 : i32
      %dma_wait3A_1570 = tpu.memref_slice %arg9[%dma_wait3A_1568, %dma_wait3A_1569] : memref<50x128xf32, #tpu.memory_space<vmem>> -> memref<48x128xf32, #tpu.memory_space<vmem>>
      %dma_wait3A_1571 = arith.constant 0 : i32
      %dma_wait3A_1572 = tpu.memref_slice %arg13[%add3A_1479, %dma_wait3A_1571] : memref<10000x128xf32, #tpu.memory_space<vmem_shared>> -> memref<48x128xf32, #tpu.memory_space<vmem_shared>>
      %dma_wait3A_1573 = arith.constant 0 : i32
      %dma_wait3A_1574 = arith.constant 0 : i32
      %dma_wait3A_1575 = tpu.memref_slice %arg9[%dma_wait3A_1573, %dma_wait3A_1574] : memref<50x128xf32, #tpu.memory_space<vmem>> -> memref<48x128xf32, #tpu.memory_space<vmem>>
      %dma_wait3A_1576 = arith.constant 0 : i32
      %dma_wait3A_1577 = tpu.memref_slice %arg13[%add3A_1479, %dma_wait3A_1576] : memref<10000x128xf32, #tpu.memory_space<vmem_shared>> -> memref<48x128xf32, #tpu.memory_space<vmem_shared>>
      tpu.wait_dma2 semaphore(%run_scoped3A_1557 : memref<!tpu.dma_semaphore, #tpu.memory_space<semaphore_mem>>) src(%dma_wait3A_1577 : memref<48x128xf32, #tpu.memory_space<vmem_shared>>) dst(%dma_wait3A_1575 : memref<48x128xf32, #tpu.memory_space<vmem>>)
      tpu.yield
    }) : () -> ()
    %add3A_1480 = arith.constant 528 : i32
    %add3A_1481 = arith.addi %mul3A_33, %add3A_1480 : i32
    %dma_start3A_1482 = arith.constant 0 : i32
    %dma_start3A_1483 = arith.constant 0 : i32
    %dma_start3A_1484 = tpu.memref_slice %arg9[%dma_start3A_1482, %dma_start3A_1483] : memref<50x128xf32, #tpu.memory_space<vmem>> -> memref<48x128xf32, #tpu.memory_space<vmem>>
    %dma_start3A_1485 = arith.constant 0 : i32
    %dma_start3A_1486 = tpu.memref_slice %arg4[%arg0, %add3A_1481, %dma_start3A_1485] : memref<2x10000x128xf32, #tpu.memory_space<hbm>> -> memref<1x48x128xf32, #tpu.memory_space<hbm>>
    %dma_start3A_1487 = tpu.memref_squeeze %dma_start3A_1486 : memref<1x48x128xf32, #tpu.memory_space<hbm>> -> memref<48x128xf32, #tpu.memory_space<hbm>>
    %dma_start3A_1488 = arith.constant 0 : i32
    %dma_start3A_1489 = tpu.memref_slice %arg4[%arg0, %add3A_1481, %dma_start3A_1488] : memref<2x10000x128xf32, #tpu.memory_space<hbm>> -> memref<1x48x128xf32, #tpu.memory_space<hbm>>
    %dma_start3A_1490 = tpu.memref_squeeze %dma_start3A_1489 : memref<1x48x128xf32, #tpu.memory_space<hbm>> -> memref<48x128xf32, #tpu.memory_space<hbm>>
    %dma_start3A_1491 = arith.constant 0 : i32
    %dma_start3A_1492 = arith.constant 0 : i32
    %dma_start3A_1493 = tpu.memref_slice %arg9[%dma_start3A_1491, %dma_start3A_1492] : memref<50x128xf32, #tpu.memory_space<vmem>> -> memref<48x128xf32, #tpu.memory_space<vmem>>
    tpu.enqueue_dma source(%dma_start3A_1493 : memref<48x128xf32, #tpu.memory_space<vmem>>) target(%dma_start3A_1490 : memref<48x128xf32, #tpu.memory_space<hbm>>) target_semaphore(%arg15 : memref<!tpu.dma_semaphore, #tpu.memory_space<semaphore_mem>>)
    %add3A_1494 = arith.constant 480 : i32
    %add3A_1495 = arith.addi %mul3A_33, %add3A_1494 : i32
    %dma_wait3A_1496 = arith.constant 0 : i32
    %dma_wait3A_1497 = arith.constant 0 : i32
    %dma_wait3A_1498 = tpu.memref_slice %arg8[%dma_wait3A_1496, %dma_wait3A_1497] : memref<50x128xf32, #tpu.memory_space<vmem>> -> memref<48x128xf32, #tpu.memory_space<vmem>>
    %dma_wait3A_1499 = arith.constant 0 : i32
    %dma_wait3A_1500 = tpu.memref_slice %arg4[%arg0, %add3A_1495, %dma_wait3A_1499] : memref<2x10000x128xf32, #tpu.memory_space<hbm>> -> memref<1x48x128xf32, #tpu.memory_space<hbm>>
    %dma_wait3A_1501 = tpu.memref_squeeze %dma_wait3A_1500 : memref<1x48x128xf32, #tpu.memory_space<hbm>> -> memref<48x128xf32, #tpu.memory_space<hbm>>
    %dma_wait3A_1502 = arith.constant 0 : i32
    %dma_wait3A_1503 = tpu.memref_slice %arg4[%arg0, %add3A_1495, %dma_wait3A_1502] : memref<2x10000x128xf32, #tpu.memory_space<hbm>> -> memref<1x48x128xf32, #tpu.memory_space<hbm>>
    %dma_wait3A_1504 = tpu.memref_squeeze %dma_wait3A_1503 : memref<1x48x128xf32, #tpu.memory_space<hbm>> -> memref<48x128xf32, #tpu.memory_space<hbm>>
    %dma_wait3A_1505 = arith.constant 0 : i32
    %dma_wait3A_1506 = arith.constant 0 : i32
    %dma_wait3A_1507 = tpu.memref_slice %arg8[%dma_wait3A_1505, %dma_wait3A_1506] : memref<50x128xf32, #tpu.memory_space<vmem>> -> memref<48x128xf32, #tpu.memory_space<vmem>>
    tpu.wait_dma2 semaphore(%arg14 : memref<!tpu.dma_semaphore, #tpu.memory_space<semaphore_mem>>) src(%dma_wait3A_1507 : memref<48x128xf32, #tpu.memory_space<vmem>>) dst(%dma_wait3A_1504 : memref<48x128xf32, #tpu.memory_space<hbm>>)
    %add3A_1508 = arith.constant 576 : i32
    %add3A_1509 = arith.addi %mul3A_33, %add3A_1508 : i32
    "tpu.region"() ({
      %run_scoped3A_1557 = tpu.sem_alloc : memref<!tpu.dma_semaphore, #tpu.memory_space<semaphore_mem>>
      %dma_start3A_1558 = arith.constant 0 : i32
      %dma_start3A_1559 = arith.constant 0 : i32
      %dma_start3A_1560 = tpu.memref_slice %arg8[%dma_start3A_1558, %dma_start3A_1559] : memref<50x128xf32, #tpu.memory_space<vmem>> -> memref<48x128xf32, #tpu.memory_space<vmem>>
      %dma_start3A_1561 = arith.constant 0 : i32
      %dma_start3A_1562 = tpu.memref_slice %arg13[%add3A_1509, %dma_start3A_1561] : memref<10000x128xf32, #tpu.memory_space<vmem_shared>> -> memref<48x128xf32, #tpu.memory_space<vmem_shared>>
      %dma_start3A_1563 = arith.constant 0 : i32
      %dma_start3A_1564 = arith.constant 0 : i32
      %dma_start3A_1565 = tpu.memref_slice %arg8[%dma_start3A_1563, %dma_start3A_1564] : memref<50x128xf32, #tpu.memory_space<vmem>> -> memref<48x128xf32, #tpu.memory_space<vmem>>
      %dma_start3A_1566 = arith.constant 0 : i32
      %dma_start3A_1567 = tpu.memref_slice %arg13[%add3A_1509, %dma_start3A_1566] : memref<10000x128xf32, #tpu.memory_space<vmem_shared>> -> memref<48x128xf32, #tpu.memory_space<vmem_shared>>
      tpu.enqueue_dma source(%dma_start3A_1567 : memref<48x128xf32, #tpu.memory_space<vmem_shared>>) target(%dma_start3A_1565 : memref<48x128xf32, #tpu.memory_space<vmem>>) target_semaphore(%run_scoped3A_1557 : memref<!tpu.dma_semaphore, #tpu.memory_space<semaphore_mem>>)
      %dma_wait3A_1568 = arith.constant 0 : i32
      %dma_wait3A_1569 = arith.constant 0 : i32
      %dma_wait3A_1570 = tpu.memref_slice %arg8[%dma_wait3A_1568, %dma_wait3A_1569] : memref<50x128xf32, #tpu.memory_space<vmem>> -> memref<48x128xf32, #tpu.memory_space<vmem>>
      %dma_wait3A_1571 = arith.constant 0 : i32
      %dma_wait3A_1572 = tpu.memref_slice %arg13[%add3A_1509, %dma_wait3A_1571] : memref<10000x128xf32, #tpu.memory_space<vmem_shared>> -> memref<48x128xf32, #tpu.memory_space<vmem_shared>>
      %dma_wait3A_1573 = arith.constant 0 : i32
      %dma_wait3A_1574 = arith.constant 0 : i32
      %dma_wait3A_1575 = tpu.memref_slice %arg8[%dma_wait3A_1573, %dma_wait3A_1574] : memref<50x128xf32, #tpu.memory_space<vmem>> -> memref<48x128xf32, #tpu.memory_space<vmem>>
      %dma_wait3A_1576 = arith.constant 0 : i32
      %dma_wait3A_1577 = tpu.memref_slice %arg13[%add3A_1509, %dma_wait3A_1576] : memref<10000x128xf32, #tpu.memory_space<vmem_shared>> -> memref<48x128xf32, #tpu.memory_space<vmem_shared>>
      tpu.wait_dma2 semaphore(%run_scoped3A_1557 : memref<!tpu.dma_semaphore, #tpu.memory_space<semaphore_mem>>) src(%dma_wait3A_1577 : memref<48x128xf32, #tpu.memory_space<vmem_shared>>) dst(%dma_wait3A_1575 : memref<48x128xf32, #tpu.memory_space<vmem>>)
      tpu.yield
    }) : () -> ()
    %add3A_1510 = arith.constant 576 : i32
    %add3A_1511 = arith.addi %mul3A_33, %add3A_1510 : i32
    %dma_start3A_1512 = arith.constant 0 : i32
    %dma_start3A_1513 = arith.constant 0 : i32
    %dma_start3A_1514 = tpu.memref_slice %arg8[%dma_start3A_1512, %dma_start3A_1513] : memref<50x128xf32, #tpu.memory_space<vmem>> -> memref<48x128xf32, #tpu.memory_space<vmem>>
    %dma_start3A_1515 = arith.constant 0 : i32
    %dma_start3A_1516 = tpu.memref_slice %arg4[%arg0, %add3A_1511, %dma_start3A_1515] : memref<2x10000x128xf32, #tpu.memory_space<hbm>> -> memref<1x48x128xf32, #tpu.memory_space<hbm>>
    %dma_start3A_1517 = tpu.memref_squeeze %dma_start3A_1516 : memref<1x48x128xf32, #tpu.memory_space<hbm>> -> memref<48x128xf32, #tpu.memory_space<hbm>>
    %dma_start3A_1518 = arith.constant 0 : i32
    %dma_start3A_1519 = tpu.memref_slice %arg4[%arg0, %add3A_1511, %dma_start3A_1518] : memref<2x10000x128xf32, #tpu.memory_space<hbm>> -> memref<1x48x128xf32, #tpu.memory_space<hbm>>
    %dma_start3A_1520 = tpu.memref_squeeze %dma_start3A_1519 : memref<1x48x128xf32, #tpu.memory_space<hbm>> -> memref<48x128xf32, #tpu.memory_space<hbm>>
    %dma_start3A_1521 = arith.constant 0 : i32
    %dma_start3A_1522 = arith.constant 0 : i32
    %dma_start3A_1523 = tpu.memref_slice %arg8[%dma_start3A_1521, %dma_start3A_1522] : memref<50x128xf32, #tpu.memory_space<vmem>> -> memref<48x128xf32, #tpu.memory_space<vmem>>
    tpu.enqueue_dma source(%dma_start3A_1523 : memref<48x128xf32, #tpu.memory_space<vmem>>) target(%dma_start3A_1520 : memref<48x128xf32, #tpu.memory_space<hbm>>) target_semaphore(%arg14 : memref<!tpu.dma_semaphore, #tpu.memory_space<semaphore_mem>>)
    %add3A_1524 = arith.constant 528 : i32
    %add3A_1525 = arith.addi %mul3A_33, %add3A_1524 : i32
    %dma_wait3A_1526 = arith.constant 0 : i32
    %dma_wait3A_1527 = arith.constant 0 : i32
    %dma_wait3A_1528 = tpu.memref_slice %arg9[%dma_wait3A_1526, %dma_wait3A_1527] : memref<50x128xf32, #tpu.memory_space<vmem>> -> memref<48x128xf32, #tpu.memory_space<vmem>>
    %dma_wait3A_1529 = arith.constant 0 : i32
    %dma_wait3A_1530 = tpu.memref_slice %arg4[%arg0, %add3A_1525, %dma_wait3A_1529] : memref<2x10000x128xf32, #tpu.memory_space<hbm>> -> memref<1x48x128xf32, #tpu.memory_space<hbm>>
    %dma_wait3A_1531 = tpu.memref_squeeze %dma_wait3A_1530 : memref<1x48x128xf32, #tpu.memory_space<hbm>> -> memref<48x128xf32, #tpu.memory_space<hbm>>
    %dma_wait3A_1532 = arith.constant 0 : i32
    %dma_wait3A_1533 = tpu.memref_slice %arg4[%arg0, %add3A_1525, %dma_wait3A_1532] : memref<2x10000x128xf32, #tpu.memory_space<hbm>> -> memref<1x48x128xf32, #tpu.memory_space<hbm>>
    %dma_wait3A_1534 = tpu.memref_squeeze %dma_wait3A_1533 : memref<1x48x128xf32, #tpu.memory_space<hbm>> -> memref<48x128xf32, #tpu.memory_space<hbm>>
    %dma_wait3A_1535 = arith.constant 0 : i32
    %dma_wait3A_1536 = arith.constant 0 : i32
    %dma_wait3A_1537 = tpu.memref_slice %arg9[%dma_wait3A_1535, %dma_wait3A_1536] : memref<50x128xf32, #tpu.memory_space<vmem>> -> memref<48x128xf32, #tpu.memory_space<vmem>>
    tpu.wait_dma2 semaphore(%arg15 : memref<!tpu.dma_semaphore, #tpu.memory_space<semaphore_mem>>) src(%dma_wait3A_1537 : memref<48x128xf32, #tpu.memory_space<vmem>>) dst(%dma_wait3A_1534 : memref<48x128xf32, #tpu.memory_space<hbm>>)
    %add3A_1538 = arith.constant 576 : i32
    %add3A_1539 = arith.addi %mul3A_33, %add3A_1538 : i32
    %dma_wait3A_1540 = arith.constant 0 : i32
    %dma_wait3A_1541 = arith.constant 0 : i32
    %dma_wait3A_1542 = tpu.memref_slice %arg8[%dma_wait3A_1540, %dma_wait3A_1541] : memref<50x128xf32, #tpu.memory_space<vmem>> -> memref<48x128xf32, #tpu.memory_space<vmem>>
    %dma_wait3A_1543 = arith.constant 0 : i32
    %dma_wait3A_1544 = tpu.memref_slice %arg4[%arg0, %add3A_1539, %dma_wait3A_1543] : memref<2x10000x128xf32, #tpu.memory_space<hbm>> -> memref<1x48x128xf32, #tpu.memory_space<hbm>>
    %dma_wait3A_1545 = tpu.memref_squeeze %dma_wait3A_1544 : memref<1x48x128xf32, #tpu.memory_space<hbm>> -> memref<48x128xf32, #tpu.memory_space<hbm>>
    %dma_wait3A_1546 = arith.constant 0 : i32
    %dma_wait3A_1547 = tpu.memref_slice %arg4[%arg0, %add3A_1539, %dma_wait3A_1546] : memref<2x10000x128xf32, #tpu.memory_space<hbm>> -> memref<1x48x128xf32, #tpu.memory_space<hbm>>
    %dma_wait3A_1548 = tpu.memref_squeeze %dma_wait3A_1547 : memref<1x48x128xf32, #tpu.memory_space<hbm>> -> memref<48x128xf32, #tpu.memory_space<hbm>>
    %dma_wait3A_1549 = arith.constant 0 : i32
    %dma_wait3A_1550 = arith.constant 0 : i32
    %dma_wait3A_1551 = tpu.memref_slice %arg8[%dma_wait3A_1549, %dma_wait3A_1550] : memref<50x128xf32, #tpu.memory_space<vmem>> -> memref<48x128xf32, #tpu.memory_space<vmem>>
    tpu.wait_dma2 semaphore(%arg14 : memref<!tpu.dma_semaphore, #tpu.memory_space<semaphore_mem>>) src(%dma_wait3A_1551 : memref<48x128xf32, #tpu.memory_space<vmem>>) dst(%dma_wait3A_1548 : memref<48x128xf32, #tpu.memory_space<hbm>>)
    %eq3A_1552 = arith.constant 15 : i32
    %eq3A_1553 = arith.cmpi eq, %arg1, %eq3A_1552 : i32
    %convert_element_type3A_1554 = arith.extui %eq3A_1553 : i1 to i32
    %cond3A_1555 = arith.constant 0 : i32
    %cond3A_1556 = arith.cmpi ne, %convert_element_type3A_1554, %cond3A_1555 : i32
    scf.if %cond3A_1556 {
      "tpu.region"() ({
        %run_scoped3A_1557 = tpu.sem_alloc : memref<!tpu.dma_semaphore, #tpu.memory_space<semaphore_mem>>
        %dma_start3A_1558 = arith.constant 0 : i32
        %dma_start3A_1559 = arith.constant 0 : i32
        %dma_start3A_1560 = tpu.memref_slice %arg10[%dma_start3A_1558, %dma_start3A_1559] : memref<50x128xf32, #tpu.memory_space<vmem>> -> memref<16x128xf32, #tpu.memory_space<vmem>>
        %dma_start3A_1561 = arith.constant 9984 : i32
        %dma_start3A_1562 = arith.constant 0 : i32
        %dma_start3A_1563 = tpu.memref_slice %arg13[%dma_start3A_1561, %dma_start3A_1562] : memref<10000x128xf32, #tpu.memory_space<vmem_shared>> -> memref<16x128xf32, #tpu.memory_space<vmem_shared>>
        %dma_start3A_1564 = arith.constant 0 : i32
        %dma_start3A_1565 = arith.constant 0 : i32
        %dma_start3A_1566 = tpu.memref_slice %arg10[%dma_start3A_1564, %dma_start3A_1565] : memref<50x128xf32, #tpu.memory_space<vmem>> -> memref<16x128xf32, #tpu.memory_space<vmem>>
        %dma_start3A_1567 = arith.constant 9984 : i32
        %dma_start3A_1568 = arith.constant 0 : i32
        %dma_start3A_1569 = tpu.memref_slice %arg13[%dma_start3A_1567, %dma_start3A_1568] : memref<10000x128xf32, #tpu.memory_space<vmem_shared>> -> memref<16x128xf32, #tpu.memory_space<vmem_shared>>
        tpu.enqueue_dma source(%dma_start3A_1569 : memref<16x128xf32, #tpu.memory_space<vmem_shared>>) target(%dma_start3A_1566 : memref<16x128xf32, #tpu.memory_space<vmem>>) target_semaphore(%run_scoped3A_1557 : memref<!tpu.dma_semaphore, #tpu.memory_space<semaphore_mem>>)
        %dma_wait3A_1570 = arith.constant 0 : i32
        %dma_wait3A_1571 = arith.constant 0 : i32
        %dma_wait3A_1572 = tpu.memref_slice %arg10[%dma_wait3A_1570, %dma_wait3A_1571] : memref<50x128xf32, #tpu.memory_space<vmem>> -> memref<16x128xf32, #tpu.memory_space<vmem>>
        %dma_wait3A_1573 = arith.constant 9984 : i32
        %dma_wait3A_1574 = arith.constant 0 : i32
        %dma_wait3A_1575 = tpu.memref_slice %arg13[%dma_wait3A_1573, %dma_wait3A_1574] : memref<10000x128xf32, #tpu.memory_space<vmem_shared>> -> memref<16x128xf32, #tpu.memory_space<vmem_shared>>
        %dma_wait3A_1576 = arith.constant 0 : i32
        %dma_wait3A_1577 = arith.constant 0 : i32
        %dma_wait3A_1578 = tpu.memref_slice %arg10[%dma_wait3A_1576, %dma_wait3A_1577] : memref<50x128xf32, #tpu.memory_space<vmem>> -> memref<16x128xf32, #tpu.memory_space<vmem>>
        %dma_wait3A_1579 = arith.constant 9984 : i32
        %dma_wait3A_1580 = arith.constant 0 : i32
        %dma_wait3A_1581 = tpu.memref_slice %arg13[%dma_wait3A_1579, %dma_wait3A_1580] : memref<10000x128xf32, #tpu.memory_space<vmem_shared>> -> memref<16x128xf32, #tpu.memory_space<vmem_shared>>
        tpu.wait_dma2 semaphore(%run_scoped3A_1557 : memref<!tpu.dma_semaphore, #tpu.memory_space<semaphore_mem>>) src(%dma_wait3A_1581 : memref<16x128xf32, #tpu.memory_space<vmem_shared>>) dst(%dma_wait3A_1578 : memref<16x128xf32, #tpu.memory_space<vmem>>)
        tpu.yield
      }) : () -> ()
      "tpu.region"() ({
        %run_scoped3A_1557 = tpu.sem_alloc : memref<!tpu.dma_semaphore, #tpu.memory_space<semaphore_mem>>
        %dma_start3A_1558 = arith.constant 0 : i32
        %dma_start3A_1559 = arith.constant 0 : i32
        %dma_start3A_1560 = tpu.memref_slice %arg10[%dma_start3A_1558, %dma_start3A_1559] : memref<50x128xf32, #tpu.memory_space<vmem>> -> memref<16x128xf32, #tpu.memory_space<vmem>>
        %dma_start3A_1561 = arith.constant 9984 : i32
        %dma_start3A_1562 = arith.constant 0 : i32
        %dma_start3A_1563 = tpu.memref_slice %arg4[%arg0, %dma_start3A_1561, %dma_start3A_1562] : memref<2x10000x128xf32, #tpu.memory_space<hbm>> -> memref<1x16x128xf32, #tpu.memory_space<hbm>>
        %dma_start3A_1564 = tpu.memref_squeeze %dma_start3A_1563 : memref<1x16x128xf32, #tpu.memory_space<hbm>> -> memref<16x128xf32, #tpu.memory_space<hbm>>
        %dma_start3A_1565 = arith.constant 9984 : i32
        %dma_start3A_1566 = arith.constant 0 : i32
        %dma_start3A_1567 = tpu.memref_slice %arg4[%arg0, %dma_start3A_1565, %dma_start3A_1566] : memref<2x10000x128xf32, #tpu.memory_space<hbm>> -> memref<1x16x128xf32, #tpu.memory_space<hbm>>
        %dma_start3A_1568 = tpu.memref_squeeze %dma_start3A_1567 : memref<1x16x128xf32, #tpu.memory_space<hbm>> -> memref<16x128xf32, #tpu.memory_space<hbm>>
        %dma_start3A_1569 = arith.constant 0 : i32
        %dma_start3A_1570 = arith.constant 0 : i32
        %dma_start3A_1571 = tpu.memref_slice %arg10[%dma_start3A_1569, %dma_start3A_1570] : memref<50x128xf32, #tpu.memory_space<vmem>> -> memref<16x128xf32, #tpu.memory_space<vmem>>
        tpu.enqueue_dma source(%dma_start3A_1571 : memref<16x128xf32, #tpu.memory_space<vmem>>) target(%dma_start3A_1568 : memref<16x128xf32, #tpu.memory_space<hbm>>) target_semaphore(%run_scoped3A_1557 : memref<!tpu.dma_semaphore, #tpu.memory_space<semaphore_mem>>)
        %dma_wait3A_1572 = arith.constant 0 : i32
        %dma_wait3A_1573 = arith.constant 0 : i32
        %dma_wait3A_1574 = tpu.memref_slice %arg10[%dma_wait3A_1572, %dma_wait3A_1573] : memref<50x128xf32, #tpu.memory_space<vmem>> -> memref<16x128xf32, #tpu.memory_space<vmem>>
        %dma_wait3A_1575 = arith.constant 9984 : i32
        %dma_wait3A_1576 = arith.constant 0 : i32
        %dma_wait3A_1577 = tpu.memref_slice %arg4[%arg0, %dma_wait3A_1575, %dma_wait3A_1576] : memref<2x10000x128xf32, #tpu.memory_space<hbm>> -> memref<1x16x128xf32, #tpu.memory_space<hbm>>
        %dma_wait3A_1578 = tpu.memref_squeeze %dma_wait3A_1577 : memref<1x16x128xf32, #tpu.memory_space<hbm>> -> memref<16x128xf32, #tpu.memory_space<hbm>>
        %dma_wait3A_1579 = arith.constant 9984 : i32
        %dma_wait3A_1580 = arith.constant 0 : i32
        %dma_wait3A_1581 = tpu.memref_slice %arg4[%arg0, %dma_wait3A_1579, %dma_wait3A_1580] : memref<2x10000x128xf32, #tpu.memory_space<hbm>> -> memref<1x16x128xf32, #tpu.memory_space<hbm>>
        %dma_wait3A_1582 = tpu.memref_squeeze %dma_wait3A_1581 : memref<1x16x128xf32, #tpu.memory_space<hbm>> -> memref<16x128xf32, #tpu.memory_space<hbm>>
        %dma_wait3A_1583 = arith.constant 0 : i32
        %dma_wait3A_1584 = arith.constant 0 : i32
        %dma_wait3A_1585 = tpu.memref_slice %arg10[%dma_wait3A_1583, %dma_wait3A_1584] : memref<50x128xf32, #tpu.memory_space<vmem>> -> memref<16x128xf32, #tpu.memory_space<vmem>>
        tpu.wait_dma2 semaphore(%run_scoped3A_1557 : memref<!tpu.dma_semaphore, #tpu.memory_space<semaphore_mem>>) src(%dma_wait3A_1585 : memref<16x128xf32, #tpu.memory_space<vmem>>) dst(%dma_wait3A_1582 : memref<16x128xf32, #tpu.memory_space<hbm>>)
        tpu.yield
      }) : () -> ()
    } else {
    }
    return
  }
}

module attributes {stable_mosaic.version = 14 : i64} {
  func.func @body(%arg0: i32, %arg1: memref<2x2000x128xf32, #tpu.memory_space<vmem>>, %arg2: memref<2000x32xf32, #tpu.memory_space<vmem>>, %arg3: memref<2000x128xf32, #tpu.memory_space<vmem>>, %arg4: memref<128x256xf32, #tpu.memory_space<vmem>>, %arg5: memref<128x256xf32, #tpu.memory_space<vmem>>, %arg6: memref<1x256xf32, #tpu.memory_space<vmem>>, %arg7: memref<2000x128xf32, #tpu.memory_space<vmem>>, %arg8: memref<2000x128xf32, #tpu.memory_space<vmem>>) attributes {dimension_semantics = [#tpu.dimension_semantics<arbitrary>], iteration_bounds = array<i64: 5>, scalar_prefetch = 0 : i64, scratch_operands = 0 : i64, tpu.core_type = #tpu.core_type<tc>, window_params = [{transform_indices = @transform_0, window_bounds = array<i64: 2, 2000, 128>}, {transform_indices = @transform_1, window_bounds = array<i64: 2000, 32>}, {transform_indices = @transform_2, window_bounds = array<i64: 2000, 128>}, {pipeline_mode = #tpu.pipeline_mode<synchronous>, transform_indices = @transform_3, window_bounds = array<i64: 128, 256>}, {pipeline_mode = #tpu.pipeline_mode<synchronous>, transform_indices = @transform_4, window_bounds = array<i64: 128, 256>}, {pipeline_mode = #tpu.pipeline_mode<synchronous>, transform_indices = @transform_5, window_bounds = array<i64: 1, 256>}, {transform_indices = @transform_6, window_bounds = array<i64: 2000, 128>}, {transform_indices = @transform_7, window_bounds = array<i64: 2000, 128>}]} {
    %get3A = arith.constant 0 : index
    %get3A_0 = arith.constant 0 : index
    %get3A_1 = arith.constant 0 : index
    %get3A_2 = vector.load %arg1[%get3A, %get3A_0, %get3A_1] : memref<2x2000x128xf32, #tpu.memory_space<vmem>>, vector<1x2000x128xf32>
    %get3A_3 = vector.shape_cast %get3A_2 : vector<1x2000x128xf32> to vector<2000x128xf32>
    %get3A_4 = arith.constant 1 : index
    %get3A_5 = arith.constant 0 : index
    %get3A_6 = arith.constant 0 : index
    %get3A_7 = vector.load %arg1[%get3A_4, %get3A_5, %get3A_6] : memref<2x2000x128xf32, #tpu.memory_space<vmem>>, vector<1x2000x128xf32>
    %get3A_8 = vector.shape_cast %get3A_7 : vector<1x2000x128xf32> to vector<2000x128xf32>
    %add3A = arith.addf %get3A_3, %get3A_8 : vector<2000x128xf32>
    %get3A_9 = arith.constant 0 : index
    %get3A_10 = arith.constant 0 : index
    %get3A_11 = vector.load %arg2[%get3A_9, %get3A_10] : memref<2000x32xf32, #tpu.memory_space<vmem>>, vector<2000x32xf32>
    %reduce_sum3A = arith.constant dense<0.000000e+00> : vector<2000xf32>
    %reduce_sum3A_12 = vector.multi_reduction <add>, %get3A_11, %reduce_sum3A [1] : vector<2000x32xf32> to vector<2000xf32>
    %broadcast_in_dim3A = vector.shape_cast %reduce_sum3A_12 : vector<2000xf32> to vector<2000x1xf32>
    %max3A = arith.constant 1.000000e+00 : f32
    %max3A_13 = vector.broadcast %max3A : f32 to vector<2000x1xf32>
    %max3A_14 = arith.maximumf %broadcast_in_dim3A, %max3A_13 : vector<2000x1xf32>
    %div3A = vector.broadcast %max3A_14 : vector<2000x1xf32> to vector<2000x128xf32>
    %div3A_15 = arith.divf %add3A, %div3A : vector<2000x128xf32>
    %get3A_16 = arith.constant 0 : index
    %get3A_17 = arith.constant 0 : index
    %get3A_18 = vector.load %arg4[%get3A_16, %get3A_17] : memref<128x256xf32, #tpu.memory_space<vmem>>, vector<128x256xf32>
    %dot_general3A = arith.constant dense<0.000000e+00> : vector<2000x256xf32>
    %dot_general3A_19 = tpu.matmul %div3A_15, %get3A_18, %dot_general3A {dimension_numbers = #tpu.dot_dimension_numbers<[1], [0], [0], [1], [0, 0, 1, 1], [], []>, transpose_lhs_hint = false} : vector<2000x128xf32>, vector<128x256xf32>, vector<2000x256xf32> -> vector<2000x256xf32>
    %get3A_20 = arith.constant 0 : index
    %get3A_21 = arith.constant 0 : index
    %get3A_22 = vector.load %arg3[%get3A_20, %get3A_21] : memref<2000x128xf32, #tpu.memory_space<vmem>>, vector<2000x128xf32>
    %get3A_23 = arith.constant 0 : index
    %get3A_24 = arith.constant 0 : index
    %get3A_25 = vector.load %arg5[%get3A_23, %get3A_24] : memref<128x256xf32, #tpu.memory_space<vmem>>, vector<128x256xf32>
    %dot_general3A_26 = arith.constant dense<0.000000e+00> : vector<2000x256xf32>
    %dot_general3A_27 = tpu.matmul %get3A_22, %get3A_25, %dot_general3A_26 {dimension_numbers = #tpu.dot_dimension_numbers<[1], [0], [0], [1], [0, 0, 1, 1], [], []>, transpose_lhs_hint = false} : vector<2000x128xf32>, vector<128x256xf32>, vector<2000x256xf32> -> vector<2000x256xf32>
    %add3A_28 = arith.addf %dot_general3A_19, %dot_general3A_27 : vector<2000x256xf32>
    %get3A_29 = arith.constant 0 : index
    %get3A_30 = arith.constant 0 : index
    %get3A_31 = vector.load %arg6[%get3A_29, %get3A_30] : memref<1x256xf32, #tpu.memory_space<vmem>>, vector<1x256xf32>
    %add3A_32 = vector.broadcast %get3A_31 : vector<1x256xf32> to vector<2000x256xf32>
    %add3A_33 = arith.addf %add3A_28, %add3A_32 : vector<2000x256xf32>
    %slice3A = vector.extract_strided_slice %add3A_33 {offsets = [0, 0], sizes = [2000, 128], strides = [1, 1]} : vector<2000x256xf32> to vector<2000x128xf32>
    %swap3A = arith.constant 0 : index
    %swap3A_34 = arith.constant 0 : index
    %swap3A_35 = vector.load %arg7[%swap3A, %swap3A_34] : memref<2000x128xf32, #tpu.memory_space<vmem>>, vector<2000x128xf32>
    tpu.vector_store %arg7[%swap3A, %swap3A_34], %slice3A {strides = array<i32>} : memref<2000x128xf32, #tpu.memory_space<vmem>>, vector<2000x128xf32>,
    %slice3A_36 = vector.extract_strided_slice %add3A_33 {offsets = [0, 128], sizes = [2000, 128], strides = [1, 1]} : vector<2000x256xf32> to vector<2000x128xf32>
    %swap3A_37 = arith.constant 0 : index
    %swap3A_38 = arith.constant 0 : index
    %swap3A_39 = vector.load %arg8[%swap3A_37, %swap3A_38] : memref<2000x128xf32, #tpu.memory_space<vmem>>, vector<2000x128xf32>
    tpu.vector_store %arg8[%swap3A_37, %swap3A_38], %slice3A_36 {strides = array<i32>} : memref<2000x128xf32, #tpu.memory_space<vmem>>, vector<2000x128xf32>,
    return
  }
  func.func @transform_0(%arg0: i32) -> (i32, i32, i32) {
    %c0_i32 = arith.constant 0 : i32
    %c0_i32_0 = arith.constant 0 : i32
    %c0_i32_1 = arith.constant 0 : i32
    return %c0_i32, %arg0, %c0_i32_0 : i32, i32, i32
  }
  func.func @transform_1(%arg0: i32) -> (i32, i32) {
    %c0_i32 = arith.constant 0 : i32
    %c0_i32_0 = arith.constant 0 : i32
    return %arg0, %c0_i32 : i32, i32
  }
  func.func @transform_2(%arg0: i32) -> (i32, i32) {
    %c0_i32 = arith.constant 0 : i32
    %c0_i32_0 = arith.constant 0 : i32
    return %arg0, %c0_i32 : i32, i32
  }
  func.func @transform_3(%arg0: i32) -> (i32, i32) {
    %c0_i32 = arith.constant 0 : i32
    %c0_i32_0 = arith.constant 0 : i32
    %c0_i32_1 = arith.constant 0 : i32
    return %c0_i32, %c0_i32_0 : i32, i32
  }
  func.func @transform_4(%arg0: i32) -> (i32, i32) {
    %c0_i32 = arith.constant 0 : i32
    %c0_i32_0 = arith.constant 0 : i32
    %c0_i32_1 = arith.constant 0 : i32
    return %c0_i32, %c0_i32_0 : i32, i32
  }
  func.func @transform_5(%arg0: i32) -> (i32, i32) {
    %c0_i32 = arith.constant 0 : i32
    %c0_i32_0 = arith.constant 0 : i32
    %c0_i32_1 = arith.constant 0 : i32
    return %c0_i32, %c0_i32_0 : i32, i32
  }
  func.func @transform_6(%arg0: i32) -> (i32, i32) {
    %c0_i32 = arith.constant 0 : i32
    %c0_i32_0 = arith.constant 0 : i32
    return %arg0, %c0_i32 : i32, i32
  }
  func.func @transform_7(%arg0: i32) -> (i32, i32) {
    %c0_i32 = arith.constant 0 : i32
    %c0_i32_0 = arith.constant 0 : i32
    return %arg0, %c0_i32 : i32, i32
  }
}

</mosaic_0001>

<sc_bundles>
// kernel: kernel.4.cloned.1.call-start
scs
__scs_entry_jumppad:
0x0: {  	(pc) =	sbr.rel $0x88, $3  }
0x1: {  	(tag) =	ssettag $0x0;
	lr =	simm.s32 $0x1  }
0x2: {  	[smem:$0x3F99] =	sst lr;
	_ =	strace $0xD0000000  }
0x3: {  	_ = 	snop  }
0x4: {  	_ = 	snop  }
0x5: {  	_ = 	snop  }
0x6: {  	_ = 	snop  }
0x7: {  	_ = 	snop  }
__scs_overlays_trampoline_lowered:
0x8: {  	[smem:$0x3FA8] =	sst s0  }
0x9: {  	[smem:$0x3FA9] =	sst s1  }
0xa: {  	[smem:$0x3FAA] =	sst s2  }
0xb: {  	[smem:$0x3FAB] =	sst s3  }
0xc: {  	[smem:$0x3FAC] =	sst s4  }
0xd: {  	[smem:$0x3FAD] =	sst s5  }
0xe: {  	[smem:$0x3FAE] =	sst s6  }
0xf: {  	[smem:$0x3FAF] =	sst s7  }
0x10: {  	[smem:$0x3FB0] =	sst s8  }
0x11: {  	[smem:$0x3FB1] =	sst s9;
	s0 =	simm.s32 @!p0 $0x0  }
0x12: {  	s1 =	sld [smem:$0x3F97];
	s0 =	simm.s32 @p0 $0x1  }
0x13: {  	[smem:$0x3FB2] =	sst s0;
	s0 =	simm.s32 @!p1 $0x0  }
0x14: {  	s2 =	sld [smem:$0x3F96];
	s0 =	simm.s32 @p1 $0x1  }
0x15: {  	[smem:$0x3FB3] =	sst s0;
	s0 =	simm.s32 @!p2 $0x0  }
0x16: {  	s3 =	sld [smem:$0x3FDB];
	s0 =	simm.s32 @p2 $0x1  }
0x17: {  	s4 =	simm.s32 $0x1BF5;
	[smem:$0x3FB5] =	sst s0  }
0x18: {  	s0 =	sld [smem:$0x3F98];
	_ =	swait.ge [sflag:s4], $0x0  }
0x19: {  	s7 =	sld [smem:$0x3F99]  }
0x1a: {  	s8 =	sadd.s32 $0xFFFFE003, lr  }
0x1b: {  	s9 =	sadd.s32 $0xFFFFFEF7, lr;
	s5 =	simm.s32 $0xFFFFFFFF;
	p2 =	slt.u32 s8, $0xFFFFF086  }
0x1c: {  	p1 =	slt.u32 s9, $0xF7A;
	s5 =	simm.s32 @!p2 $0x0  }
0x1d: {  	s5 =	simm.s32 @p1 $0x1;
	p0 =	seq.s32 s7, s2  }
0x1e: {  	s7 =	smul.u32 @!p0 $0xF7A, s2;
	p2 =	seq.s32 @!p0 s5, $0x0  }
0x1f: {  	s9 =	smul.u32 $0xF7A, s1;
	s8 =	simm.s32 @!p0 $0x1BF5;
	p2 =	por !p2, p0  }
0x20: {  	[sflag:s8] =	ssyncset.s32 @!p0 $0xFFFFF086;
	s6 =	sadd.s32 @!p0 s3, s7;
	s7 =	simm.s32 @!p0 $0x108  }
0x21: {  	s3 =	sadd.s32 s3, s9;
	s6 =	sadd.s32 @!p0 $0x88, s6;
	s7 =	simm.s32 @p2 $0x1082  }
0x22: {  	[simem:s7], [sflag:s8] =	dma.local @!p0 [hbm:s6], $0xF7A  }
0x23: {  	s9 =	sor.u32 $0xD0000000, s2;
	s6 =	simm.s32 $0x108;
	_ =	swait.ge @!p0 [sflag:s8], $0x0  }
0x24: {  	s3 =	sadd.s32 $0x88, s3;
	s6 =	simm.s32 @!p1 $0x1082;
	[sflag:s4] =	ssyncset.s32 $0xFFFFF086  }
0x25: {  	[simem:s6], [sflag:s4] =	dma.local [hbm:s3], $0xF7A  }
0x26: {  	[smem:$0x3F99] =	sst s1;
	(tag) =	ssettag s2;
	_ =	strace s9  }
0x27: {  	s1 =	sld [smem:$0x3FA9]  }
0x28: {  	s2 =	sld [smem:$0x3FAA]  }
0x29: {  	s4 =	sld [smem:$0x3FAC]  }
0x2a: {  	p0 =	seq.s32 s5, $0x0;
	s5 =	sld [smem:$0x3FAD]  }
0x2b: {  	s6 =	sld [smem:$0x3FAE]  }
0x2c: {  	s7 =	sld [smem:$0x3FAF]  }
0x2d: {  	s3 =	simm.s32 $0x108;
	s8 =	sld [smem:$0x3FB0]  }
0x2e: {  	s3 =	simm.s32 @!p0 $0x1082;
	s9 =	sld [smem:$0x3FB1]  }
0x2f: {  	lr =	sadd.s32 s0, s3;
	s0 =	sld [smem:$0x3FA8]  }
0x30: {  	s3 =	sld [smem:$0x3FAB]  }
0x31: {  	[smem:$0x3FB4] =	sst s10  }
0x32: {  	s10 =	sld [smem:$0x3FB2];
	_ =	sdelay $0x3  }
0x33: {  	p0 =	seq.s32 s10, $0x1;
	s10 =	sld [smem:$0x3FB4];
	_ =	sdelay $0x3  }
0x34: {  	[smem:$0x3FB4] =	sst s10  }
0x35: {  	s10 =	sld [smem:$0x3FB3];
	_ =	sdelay $0x3  }
0x36: {  	p1 =	seq.s32 s10, $0x1;
	s10 =	sld [smem:$0x3FB4];
	_ =	sdelay $0x3  }
0x37: {  	[smem:$0x3FB4] =	sst s10  }
0x38: {  	s10 =	sld [smem:$0x3FB5]  }
0x39: {  	_ = 	snop;
	(pc) =	sbr.ind lr, $3  }
0x3a: {  	_ = 	snop  }
0x3b: {  	_ = 	snop  }
0x3c: {  	p2 =	seq.s32 s10, $0x1;
	s10 =	sld [smem:$0x3FB4]  }
0x3d: {  	_ =	shalt  }
0x3e: {  	_ =	shalt  }
0x3f: {  	_ =	shalt  }
0x40: {  	_ =	shalt  }
0x41: {  	_ =	shalt  }
0x42: {  	_ =	shalt  }
0x43: {  	_ =	shalt  }
0x44: {  	_ =	shalt  }
0x45: {  	_ =	shalt  }
0x46: {  	_ =	shalt  }
0x47: {  	_ =	shalt  }
0x48: {  	_ =	shalt  }
0x49: {  	_ =	shalt  }
0x4a: {  	_ =	shalt  }
0x4b: {  	_ =	shalt  }
0x4c: {  	_ =	shalt  }
0x4d: {  	_ =	shalt  }
0x4e: {  	_ =	shalt  }
0x4f: {  	_ =	shalt  }
0x50: {  	_ =	shalt  }
0x51: {  	_ =	shalt  }
0x52: {  	_ =	shalt  }
0x53: {  	_ =	shalt  }
0x54: {  	_ =	shalt  }
0x55: {  	_ =	shalt  }
0x56: {  	_ =	shalt  }
0x57: {  	_ =	shalt  }
0x58: {  	_ =	shalt  }
0x59: {  	_ =	shalt  }
0x5a: {  	_ =	shalt  }
0x5b: {  	_ =	shalt  }
0x5c: {  	_ =	shalt  }
0x5d: {  	_ =	shalt  }
0x5e: {  	_ =	shalt  }
0x5f: {  	_ =	shalt  }
0x60: {  	_ =	shalt  }
0x61: {  	_ =	shalt  }
0x62: {  	_ =	shalt  }
0x63: {  	_ =	shalt  }
0x64: {  	_ =	shalt  }
0x65: {  	_ =	shalt  }
0x66: {  	_ =	shalt  }
0x67: {  	_ =	shalt  }
0x68: {  	_ =	shalt  }
0x69: {  	_ =	shalt  }
0x6a: {  	_ =	shalt  }
0x6b: {  	_ =	shalt  }
0x6c: {  	_ =	shalt  }
0x6d: {  	_ =	shalt  }
0x6e: {  	_ =	shalt  }
0x6f: {  	_ =	shalt  }
0x70: {  	_ =	shalt  }
0x71: {  	_ =	shalt  }
0x72: {  	_ =	shalt  }
0x73: {  	_ =	shalt  }
0x74: {  	_ =	shalt  }
0x75: {  	_ =	shalt  }
0x76: {  	_ =	shalt  }
0x77: {  	_ =	shalt  }
0x78: {  	_ =	shalt  }
0x79: {  	_ =	shalt  }
0x7a: {  	_ =	shalt  }
0x7b: {  	_ =	shalt  }
0x7c: {  	_ =	shalt  }
0x7d: {  	_ =	shalt  }
0x7e: {  	_ =	shalt  }
0x7f: {  	_ =	shalt  }
0x80: {  	_ =	shalt  }
0x81: {  	_ =	shalt  }
0x82: {  	_ =	shalt  }
0x83: {  	_ =	shalt  }
0x84: {  	_ =	shalt  }
0x85: {  	_ =	shalt  }
0x86: {  	_ =	shalt  }
0x87: {  	_ =	shalt  }
.Lfunc_end0:
.L_simem_size_0:
called_computation_lowered:
.L_overlay_start_0:
0x88: {  	s2 =	sld [smem:$0x3FD9]  }
0x89: {  	s3 =	sld [smem:$0x3FFE];
	_ =	sdelay $0x1  }
0x8a: {  	s1 =	srdreg.scid  }
0x8b: {  	s0 =	sand.u32 $0x1, s1  }
0x8c: {  	s14 =	sshll.u32 s0, $0xA;
	s2 =	sadd.s32 s3, s2  }
0x8d: {  	s2 =	sadd.s32 s2, s14  }
0x8e: {  	[smem:$0x3FC0] =	sst s2  }
0x8f: {  	_ = 	snop  }
0x90: {  	s2 =	sld [smem:$0x3FD0];
	_ =	sdelay $0x2  }
0x91: {  	s4 =	simm.s32 $0xA;
	s5 =	simm.s32 $0x10;
	s15 =	sld [smem:$0x3FC9]  }
0x92: {  	[smem:s5], [sflag:s4] =	dma.local [hbm:s2], $0x1  }
0x93: {  	_ =	swait.eq [sflag:s4], $0x1  }
0x94: {  	[sflag:s4] =	ssyncset.done $0x0  }
0x95: {  	[sflag:s4] =	ssyncadd.s32 $0xFFFFFFFF  }
0x96: {  	s16 =	sld [smem:$0x11];
	(tm) =	ssettm $0x1  }
0x97: {  	s17 =	sld [smem:$0x3FFB];
	_ =	sdelay $0x3  }
0x98: {  	_ =	strace s17  }
0x99: {  	s4 =	sld [smem:$0x3FFC];
	_ =	sdelay $0x3  }
0x9a: {  	_ =	strace s4  }
0x9b: {  	s4 =	sld [smem:$0x3FFD];
	_ =	sdelay $0x3  }
0x9c: {  	_ =	strace s4  }
0x9d: {  	_ =	strace $0x8FFFFFFF  }
0x9e: {  	s18 =	sld [smem:$0x3FDB];
	_ =	sdelay $0x1  }
0x9f: {  	s19 =	simm.s32 $_scs_section_size  }
0xa0: {  	s6 =	simm.s32 $_size__tile_overlayer_lowered;
	s7 =	simm.s32 $_tile_overlayer_lowered  }
0xa1: {  	s22 =	simm.s32 $0x1BFF;
	s21 =	sshll.u32 s7, $0x1;
	s4 =	sadd.s32 s19, s18  }
0xa2: {  	s8 =	simm.s32 $0x0;
	s20 =	sshll.u32 s6, $0x1;
	s6 =	sadd.s32 s21, s4  }
0xa3: {  	[timem:s8], [sflag:s22] =	dma.local [hbm:s6], s20  }
0xa4: {  	_ =	swait.ge [sflag:s22], s20  }
0xa5: {  	s5 =	ssub.s32 $0x0, s20;
	[sflag:s22] =	ssyncset.done $0x0  }
0xa6: {  	[sflag:s22] =	ssyncadd.s32 s5;
	_ =	sdelay $0x1  }
0xa7: {  	s23 =	simm.s32 $0x1B8B  }
0xa8: {  	_ =	swait.ge [sflag:s23], $0x1  }
0xa9: {  	[sflag:s23] =	ssyncset.done $0x0  }
0xaa: {  	s25 =	simm.s32 $0x1B8E;
	s24 =	sld [smem:$0x3FFE];
	[sflag:s23] =	ssyncadd.s32 $0xFFFFFFFF  }
0xab: {  	s26 =	simm.s32 $execute0_lowered;
	[smem:$0x3FD2] =	sst s25  }
0xac: {  	s6 =	sshll.u32 s26, $0x1;
	_ =	strace $0x80000046;
	[dreg:$0x1] =	wrdreg $0xFFFFFFFF  }
0xad: {  	s28 =	simm.s32 $_size_execute0_lowered;
	s4 =	sadd.s32 s4, s6;
	[dreg:$0x0] =	wrdreg $0x0  }
0xae: {  	s6 =	sshll.u32 s28, $0x1;
	[dreg:$0x2] =	wrdreg s4  }
0xaf: {  	[dreg:$0x3] =	wrdreg s6  }
0xb0: {  	[dreg:$0x4] =	wrdreg $0xC0  }
0xb1: {  	_ =	task [dreg:s8], $0x5FFFF  }
0xb2: {  	[dreg:$0x1] =	wrdreg $0xFFFFFFFF  }
0xb3: {  	[dreg:$0x0] =	wrdreg $0x60  }
0xb4: {  	[dreg:$0x2] =	wrdreg s15  }
0xb5: {  	[dreg:$0x3] =	wrdreg s24  }
0xb6: {  	[dreg:$0x4] =	wrdreg s16  }
0xb7: {  	[dreg:$0x5] =	wrdreg $0xBF800  }
0xb8: {  	[dreg:$0x6] =	wrdreg $0x9  }
0xb9: {  	_ =	task.clear_ibuf [dreg:s8], $0x7FFFF;
	_ =	strace $0x90000046  }
0xba: {  	s29 =	simm.s32 $0x9;
	_ =	strace $0x80000048  }
0xbb: {  	_ =	swait.ge [sflag:s29], $0x1  }
0xbc: {  	[sflag:s29] =	ssyncadd.s32 $0xFFFFFFFF  }
0xbd: {  	_ =	strace $0x90000048  }
0xbe: {  	_ =	sfence  }
0xbf: {  	s30 =	sld [smem:$0x0];
	_ =	sdelay $0x2  }
0xc0: {  	s31 =	sshll.u32 s1, $0xD;
	s1 =	sshrl.u32 s1, $0x2  }
0xc1: {  	s3 =	sand.u32 $0x4000, s31;
	s1 =	sadd.s32 s1, s30  }
0xc2: {  	s0 =	sor.u32 s3, s0;
	s1 =	sshll.u32 s1, $0x11  }
0xc3: {  	s0 =	sor.u32 s1, s0  }
0xc4: {  	s0 =	sadd.s32 $0x8F2B, s0  }
0xc5: {  	[sflag:s0] =	ssyncadd.remote.s32 $0x1  }
0xc6: {  	_ =	sfence.sel $0xFFFF  }
0xc7: {  	[dreg:$0x0] =	wrdreg $0xFFFFFFFF;
	(pc) =	sbr.abs _section_cstart, $3  }
0xc8: {  	[dreg:$0x1] =	wrdreg $0xFFFFFFFF  }
0xc9: {  	_ =	task.clear_ibuf [dreg:s8], $0x2FFFF;
	_ =	strace $0x9FFFFFFF  }
0xca: {  	(tm) =	ssettm $0x7FFFFFFF  }
0xcb: {  	_ =	shalt  }
tec
execute0_lowered:
.L_overlay_start_1:
0x0: {  	(tag) =	ssettag $0x1  }
0x1: {  	s0 =	srdreg.scid;
	s2 =	rddreg [dreg:$0x1]  }
0x2: {  	s22 =	stileid.u32;
	s11 =	rddreg [dreg:$0x2]  }
0x3: {  	s1 =	simm.s32 $0x0;
	s9 =	sand.u32 $0x1, s0;
	s12 =	smul.u32 $0x13800, s22  }
0x4: {  	[smem:$0x7FF] =	sst s1;
	s13 =	sadd.s32 $0x34000, s2;
	s0 =	sshll.u32 s9, $0x4  }
0x5: {  	s3 =	ssub.s32 $0x2, s9;
	s9 =	smul.u32 $0x138800, s9;
	s10 =	sor.u32 s22, s0  }
0x6: {  	s4 =	sshrl.u32 s3, $0x1;
	s5 =	sadd.s32 $0x4800, s12;
	s6 =	sadd.s32 $0x6000, s12  }
0x7: {  	s7 =	sadd.s32 $0x7800, s12;
	s8 =	sadd.s32 $0x9000, s12;
	s14 =	sadd.s32 $0xA800, s12  }
0x8: {  	s16 =	sadd.s32 $0xC000, s12;
	s17 =	sadd.s32 $0xD800, s12;
	s0 =	smul.u32 $0x6400, s10  }
0x9: {  	s19 =	sadd.s32 $0xF000, s12;
	s20 =	sadd.s32 $0x10800, s12;
	s10 =	smul.u32 $0x4E2, s10  }
0xa: {  	s21 =	sadd.s32 $0x12000, s12;
	s26 =	sadd.s32 s9, s5;
	s28 =	sadd.s32 s9, s6  }
0xb: {  	s29 =	sadd.s32 s9, s7;
	s0 =	sshrl.u32 s0, $0x3;
	s10 =	sadd.s32 s11, s10  }
0xc: {  	s0 =	sadd.s32 s0, s2;
	s2 =	ssub.s32 s3, s4;
	s3 =	sadd.s32 $0x1800, s12  }
0xd: {  	s4 =	sadd.s32 $0x3000, s12;
	[dreg:$0x5] =	wrdreg s10;
	s12 =	sadd.s32 s12, s9  }
0xe: {  	s10 =	sshrl.u32 s12, $0x3;
	s15 =	sadd.s32 s9, s3;
	s18 =	sadd.s32 s9, s4  }
0xf: {  	s12 =	sadd.s32 s9, s17;
	s10 =	sadd.s32 s13, s10;
	s23 =	sshrl.u32 s15, $0x3  }
0x10: {  	s24 =	sshrl.u32 s18, $0x3;
	[dreg:$0x6] =	wrdreg s10;
	s10 =	sadd.s32 s13, s23  }
0x11: {  	s18 =	sshrl.u32 s29, $0x3;
	s25 =	sadd.s32 s13, s24;
	[dreg:$0x7] =	wrdreg s10  }
0x12: {  	s15 =	sshrl.u32 s28, $0x3;
	s23 =	sadd.s32 s13, s18;
	[dreg:$0x8] =	wrdreg s25  }
0x13: {  	s24 =	sadd.s32 s9, s8;
	s10 =	sshrl.u32 s26, $0x3;
	[dreg:$0xb] =	wrdreg s23  }
0x14: {  	s25 =	sadd.s32 s9, s14;
	s26 =	sadd.s32 s9, s16;
	s10 =	sadd.s32 s13, s10  }
0x15: {  	s29 =	sshrl.u32 s26, $0x3;
	[dreg:$0x9] =	wrdreg s10;
	s10 =	sadd.s32 s13, s15  }
0x16: {  	s28 =	sshrl.u32 s25, $0x3;
	s11 =	sadd.s32 s13, s29;
	[dreg:$0xa] =	wrdreg s10  }
0x17: {  	s15 =	sadd.s32 s9, s19;
	s10 =	sshrl.u32 s24, $0x3;
	[dreg:$0xe] =	wrdreg s11  }
0x18: {  	s23 =	sshrl.u32 s15, $0x3;
	s15 =	rddreg [dreg:$0x0];
	s10 =	sadd.s32 s13, s10  }
0x19: {  	s18 =	sadd.s32 s9, s20;
	[dreg:$0xc] =	wrdreg s10;
	s10 =	sadd.s32 s13, s28  }
0x1a: {  	s26 =	sadd.s32 s9, s21;
	[dreg:$0xd] =	wrdreg s10;
	s10 =	sshrl.u32 s12, $0x3  }
0x1b: {  	s24 =	sshrl.u32 s18, $0x3;
	s18 =	rddreg [dreg:$0x3];
	s10 =	sadd.s32 s13, s10  }
0x1c: {  	s28 =	smul.u32 $0x4E000, s22;
	[dreg:$0xf] =	wrdreg s10;
	s10 =	sadd.s32 s13, s23  }
0x1d: {  	s25 =	sadd.s32 s13, s24;
	[dreg:$0x10] =	wrdreg s10;
	s10 =	sshrl.u32 s26, $0x3  }
0x1e: {  	[dreg:$0x11] =	wrdreg s25;
	s29 =	sshrl.u32 s28, $0x2;
	s10 =	sadd.s32 s13, s10  }
0x1f: {  	[dreg:$0x12] =	wrdreg s10;
	s10 =	sadd.s32 s29, s18  }
0x20: {  	s3 =	sadd.s32 s3, s18;
	_ =	strace $0x80000047;
	[dreg:$0x13] =	wrdreg s10  }
0x21: {  	s4 =	sadd.s32 s4, s18;
	[dreg:$0x14] =	wrdreg s3  }
0x22: {  	s5 =	sadd.s32 s5, s18;
	[dreg:$0x15] =	wrdreg s4  }
0x23: {  	s6 =	sadd.s32 s6, s18;
	[dreg:$0x16] =	wrdreg s5  }
0x24: {  	s7 =	sadd.s32 s7, s18;
	[dreg:$0x17] =	wrdreg s6  }
0x25: {  	s11 =	sadd.s32 s14, s18;
	[dreg:$0x18] =	wrdreg s7  }
0x26: {  	s9 =	sshrl.u32 s9, $0x3;
	s12 =	sadd.s32 s16, s18;
	[dreg:$0x1a] =	wrdreg s11  }
0x27: {  	s9 =	sadd.s32 s13, s9;
	s13 =	sadd.s32 s17, s18;
	[dreg:$0x1b] =	wrdreg s12  }
0x28: {  	s14 =	sadd.s32 $0x2000, s0;
	[smem:$0x7F5] =	sst s13  }
0x29: {  	s17 =	sadd.s32 $0x1B000, s0;
	[dreg:$0x1c] =	wrdreg s14  }
0x2a: {  	s30 =	sadd.s32 s19, s18;
	s19 =	sadd.s32 $0x2280, s0;
	[dreg:$0x1d] =	wrdreg s17  }
0x2b: {  	s31 =	sadd.s32 s20, s18;
	s20 =	sadd.s32 $0x1B280, s0;
	[dreg:$0x1e] =	wrdreg s19  }
0x2c: {  	s16 =	sadd.s32 s21, s18;
	s21 =	sadd.s32 $0x2500, s0;
	[dreg:$0x1f] =	wrdreg s20  }
0x2d: {  	s23 =	sadd.s32 $0x1B500, s0;
	[smem:$0x7F6] =	sst s21  }
0x2e: {  	s24 =	sadd.s32 $0x2780, s0;
	[smem:$0x7F7] =	sst s23  }
0x2f: {  	s25 =	sadd.s32 $0x1B780, s0;
	[smem:$0x7F8] =	sst s24  }
0x30: {  	p0 =	sne.s32 s22, $0xF;
	s26 =	sadd.s32 $0x2A00, s0;
	[smem:$0x7F9] =	sst s25  }
0x31: {  	s22 =	simm.s32 $0x2700;
	s0 =	sadd.s32 $0x1BA00, s0;
	[smem:$0x7FA] =	sst s26  }
0x32: {  	s28 =	sadd.s32 $0x27000, s9;
	s9 =	simm.s32 $0x180;
	[smem:$0x7FB] =	sst s0  }
0x33: {  	s29 =	smax.u32 s2, $0x1;
	s2 =	simm.s32 $0x3;
	[smem:$0x7FC] =	sst s28  }
0x34: {  	s10 =	sadd.s32 s8, s18;
	[smem:$0x7FD] =	sst s29;
	s13 =	sadd.s32 $0x138000, s18  }
0x35: {  	s14 =	simm.s32 $0x1400;
	s17 =	simm.s32 $0x2800;
	s0 =	simm.s32 $0x1  }
0x36: {  	s3 =	simm.s32 $0x4;
	s4 =	simm.s32 $0x32;
	s5 =	simm.s32 $0x80  }
0x37: {  	s6 =	simm.s32 $0x4400;
	s7 =	simm.s32 $0x100;
	s8 =	simm.s32 $0x6000  }
0x38: {  	s11 =	simm.s32 $0x5;
	s12 =	simm.s32 $0x2;
	s19 =	simm.s32 $0x9800  }
0x39: {  	s20 =	simm.s32 $0x2600;
	s21 =	simm.s32 $0x2680;
	s23 =	simm.s32 $0x2780  }
0x3a: {  	v0 =	vimm.f32 $0.0e+00;
	v1 =	vimm.f32 $1.000000000e+00;
	vm0 =	vcmask $0x3F38;
	s24 =	simm.s32 $0x0;
	[dreg:$0x19] =	wrdreg s10;
	s10 =	simm.s32 $0x7C00  }
.LBB2_1:
0x3b: {  	s25 =	simm.s32 $0x0;
	s26 =	simm.s32 $0x200  }
.LBB2_2:
0x3c: {  	p1 =	sne.s32 s26, $0x6200;
	[tilespmem:s25+$0x2870] =	vst v0  }
0x3d: {  	[tilespmem:s25+$0x2800] =	vst v0  }
0x3e: {  	[tilespmem:s25+$0x2810] =	vst v0  }
.Ltmp0:
0x3f: {  	[tilespmem:s25+$0x2820] =	vst v0;
	(pc) =	sbr.rel @p1 .LBB2_2-.Ltmp0, $4  }
0x40: {  	[tilespmem:s25+$0x2830] =	vst v0  }
0x41: {  	[tilespmem:s25+$0x2840] =	vst v0  }
0x42: {  	[tilespmem:s25+$0x2850] =	vst v0  }
0x43: {  	[tilespmem:s25+$0x2860] =	vst v0;
	s25 =	sshra.s32 s26, $0x2;
	s26 =	sadd.s32 $0x200, s26  }
0x44: {  	[tilespmem:s25+$0x2870] =	vst v0  }
0x45: {  	[tilespmem:s25+$0x2800] =	vst v0  }
0x46: {  	[tilespmem:s25+$0x2810] =	vst v0  }
0x47: {  	[tilespmem:s25+$0x2820] =	vst v0  }
0x48: {  	[tilespmem:s25+$0x2830] =	vst v0  }
0x49: {  	[tilespmem:s25+$0x2840] =	vst v0  }
0x4a: {  	[tilespmem:s25+$0x2850] =	vst v0  }
0x4b: {  	[tilespmem:s25+$0x2860] =	vst v0;
	s25 =	simm.s32 $0x40;
	s26 =	simm.s32 $0x0  }
.LBB2_4:
0x4c: {  	p1 =	sne.s32 s25, $0x9C00;
	[tilespmem:s26+$0x9800] =	vst v0;
	s26 =	smov.u32 s25;
	s25 =	sadd.s32 $0x40, s25  }
.Ltmp1:
0x4d: {  	(pc) =	sbr.rel @p1 .LBB2_4-.Ltmp1, $2  }
0x4e: {  	_ =	sdelay $0x2  }
0x4f: {  	s26 =	sshra.s32 s26, $0x2  }
0x50: {  	s25 =	rddreg [dreg:$0x1c]  }
0x51: {  	[tilespmem:s26+$0x9800] =	vst v0;
	s28 =	rddreg [dreg:$0x1d]  }
0x52: {  	[tilespmem:s1], [sflag:$0x3] =	stream.linear.gather [hbm4b:s25+s1], $0x1400, $0x38;
	[tilespmem:$0x1F800] =	vst v63  }
0x53: {  	s29 =	rddreg [dreg:$0x13]  }
0x54: {  	[tilespmem:s14], [sflag:$0x4] =	stream.linear.gather [hbm4b:s28+s1], $0x1400, $0x38;
	[tilespmem:$0x1F800] =	vst v63  }
0x55: {  	s26 =	rddreg [dreg:$0x14]  }
0x56: {  	[spmem:s29] =	stream.linear.scatter [tilespmem:s17], [sflag:$0x1], $0x1800, $0x38;
	[tilespmem:$0x1F800] =	vst v63  }
0x57: {  	s28 =	rddreg [dreg:$0x15]  }
0x58: {  	[spmem:s26] =	stream.linear.scatter [tilespmem:s17], [sflag:$0x1], $0x1800, $0x38;
	[tilespmem:$0x1F800] =	vst v63  }
0x59: {  	s29 =	rddreg [dreg:$0x16]  }
0x5a: {  	[spmem:s28] =	stream.linear.scatter [tilespmem:s17], [sflag:$0x1], $0x1800, $0x38;
	[tilespmem:$0x1F800] =	vst v63  }
0x5b: {  	s26 =	rddreg [dreg:$0x17]  }
0x5c: {  	[spmem:s29] =	stream.linear.scatter [tilespmem:s17], [sflag:$0x1], $0x1800, $0x38;
	[tilespmem:$0x1F800] =	vst v63  }
0x5d: {  	s28 =	rddreg [dreg:$0x18]  }
0x5e: {  	[spmem:s26] =	stream.linear.scatter [tilespmem:s17], [sflag:$0x1], $0x1800, $0x38;
	[tilespmem:$0x1F800] =	vst v63  }
0x5f: {  	s29 =	rddreg [dreg:$0x19]  }
0x60: {  	[spmem:s28] =	stream.linear.scatter [tilespmem:s17], [sflag:$0x1], $0x1800, $0x38;
	[tilespmem:$0x1F800] =	vst v63  }
0x61: {  	s26 =	rddreg [dreg:$0x1a]  }
0x62: {  	[spmem:s29] =	stream.linear.scatter [tilespmem:s17], [sflag:$0x1], $0x1800, $0x38;
	[tilespmem:$0x1F800] =	vst v63  }
0x63: {  	s28 =	rddreg [dreg:$0x1b]  }
0x64: {  	[spmem:s26] =	stream.linear.scatter [tilespmem:s17], [sflag:$0x1], $0x1800, $0x38;
	[tilespmem:$0x1F800] =	vst v63  }
0x65: {  	s29 =	sld [smem:$0x7F5]  }
0x66: {  	[spmem:s28] =	stream.linear.scatter [tilespmem:s17], [sflag:$0x1], $0x1800, $0x38;
	[tilespmem:$0x1F800] =	vst v63  }
0x67: {  	_ = 	snop  }
0x68: {  	[spmem:s29] =	stream.linear.scatter [tilespmem:s17], [sflag:$0x1], $0x1800, $0x38;
	[tilespmem:$0x1F800] =	vst v63  }
0x69: {  	_ = 	snop  }
0x6a: {  	[spmem:s30] =	stream.linear.scatter [tilespmem:s17], [sflag:$0x1], $0x1800, $0x38;
	[tilespmem:$0x1F800] =	vst v63  }
0x6b: {  	_ = 	snop  }
0x6c: {  	[spmem:s31] =	stream.linear.scatter [tilespmem:s17], [sflag:$0x1], $0x1800, $0x38;
	[tilespmem:$0x1F800] =	vst v63  }
0x6d: {  	_ = 	snop  }
0x6e: {  	[spmem:s16] =	stream.linear.scatter [tilespmem:s17], [sflag:$0x1], $0x1800, $0x38;
	[tilespmem:$0x1F800] =	vst v63  }
0x6f: {  	_ =	swait.ge [sflag:s0], $0x1800  }
0x70: {  	[sflag:s0] =	ssyncset.done $0x0  }
0x71: {  	[sflag:s0] =	ssyncadd.s32 $0xFFFFE800  }
0x72: {  	_ =	swait.ge [sflag:s0], $0x1800  }
0x73: {  	[sflag:s0] =	ssyncset.done $0x0  }
0x74: {  	[sflag:s0] =	ssyncadd.s32 $0xFFFFE800  }
0x75: {  	_ =	swait.ge [sflag:s0], $0x1800  }
0x76: {  	[sflag:s0] =	ssyncset.done $0x0  }
0x77: {  	[sflag:s0] =	ssyncadd.s32 $0xFFFFE800  }
0x78: {  	_ =	swait.ge [sflag:s0], $0x1800  }
0x79: {  	[sflag:s0] =	ssyncset.done $0x0  }
0x7a: {  	[sflag:s0] =	ssyncadd.s32 $0xFFFFE800  }
0x7b: {  	_ =	swait.ge [sflag:s0], $0x1800  }
0x7c: {  	[sflag:s0] =	ssyncset.done $0x0  }
0x7d: {  	[sflag:s0] =	ssyncadd.s32 $0xFFFFE800  }
0x7e: {  	_ =	swait.ge [sflag:s0], $0x1800  }
0x7f: {  	[sflag:s0] =	ssyncset.done $0x0  }
0x80: {  	[sflag:s0] =	ssyncadd.s32 $0xFFFFE800  }
0x81: {  	_ =	swait.ge [sflag:s0], $0x1800  }
0x82: {  	[sflag:s0] =	ssyncset.done $0x0  }
0x83: {  	[sflag:s0] =	ssyncadd.s32 $0xFFFFE800  }
0x84: {  	_ =	swait.ge [sflag:s0], $0x1800  }
0x85: {  	[sflag:s0] =	ssyncset.done $0x0  }
0x86: {  	[sflag:s0] =	ssyncadd.s32 $0xFFFFE800  }
0x87: {  	_ =	swait.ge [sflag:s0], $0x1800  }
0x88: {  	[sflag:s0] =	ssyncset.done $0x0  }
0x89: {  	[sflag:s0] =	ssyncadd.s32 $0xFFFFE800  }
0x8a: {  	_ =	swait.ge [sflag:s0], $0x1800  }
0x8b: {  	[sflag:s0] =	ssyncset.done $0x0  }
0x8c: {  	[sflag:s0] =	ssyncadd.s32 $0xFFFFE800  }
0x8d: {  	_ =	swait.ge [sflag:s0], $0x1800  }
0x8e: {  	[sflag:s0] =	ssyncset.done $0x0  }
0x8f: {  	[sflag:s0] =	ssyncadd.s32 $0xFFFFE800  }
0x90: {  	_ =	swait.ge [sflag:s0], $0x1800  }
0x91: {  	[sflag:s0] =	ssyncset.done $0x0  }
0x92: {  	[sflag:s0] =	ssyncadd.s32 $0xFFFFE800  }
0x93: {  	_ =	swait.ge [sflag:s0], $0x1800  }
0x94: {  	[sflag:s0] =	ssyncset.done $0x0  }
0x95: {  	s25 =	simm.s32 @!p0 $0x2800;
	[sflag:s0] =	ssyncadd.s32 $0xFFFFE800  }
0x96: {  	[spmem:s13] =	stream.linear.scatter @!p0 [tilespmem:s25], [sflag:$0x5], $0x800, $0x38;
	[tilespmem:$0x1F800] =	vst v63  }
0x97: {  	s25 =	simm.s32 @!p0 $0x5  }
0x98: {  	_ =	swait.ge @!p0 [sflag:s25], $0x800  }
0x99: {  	[sflag:s25] =	ssyncset.done @!p0 $0x0  }
0x9a: {  	[sflag:s25] =	ssyncadd.s32 @!p0 $0xFFFFF800  }
0x9b: {  	[bflag:$0x0] =	sbarrier.arrive $0xFFFF  }
0x9c: {  	_ =	swait.ge [sflag:s2], $0x1400  }
0x9d: {  	[sflag:s2] =	ssyncset.done $0x0  }
0x9e: {  	[sflag:s2] =	ssyncadd.s32 $0xFFFFEC00  }
0x9f: {  	_ =	swait.ge [sflag:s3], $0x1400  }
0xa0: {  	[sflag:s3] =	ssyncset.done $0x0  }
0xa1: {  	s25 =	simm.s32 $0x0;
	[sflag:s3] =	ssyncadd.s32 $0xFFFFEC00  }
0xa2: {  	[tilespmem:s17], [sflag:$0x1] =	stream.indirect.gather [hbm4b:s15+s4], $0x80, s25, s4, $0xb8;
	[tilespmem:$0x1F800] =	vst v63  }
0xa3: {  	_ = 	snop  }
0xa4: {  	[tilespmem:s6], [sflag:$0x2] =	stream.indirect.gather [hbm4b:s15+s4], $0x80, s5, s4, $0xb8;
	[tilespmem:$0x1F800] =	vst v63  }
0xa5: {  	_ = 	snop  }
0xa6: {  	[tilespmem:s8], [sflag:$0x3] =	stream.indirect.gather [hbm4b:s15+s4], $0x80, s7, s4, $0xb8;
	[tilespmem:$0x1F800] =	vst v63  }
0xa7: {  	_ = 	snop  }
0xa8: {  	[tilespmem:s10], [sflag:$0x4] =	stream.indirect.gather [hbm4b:s15+s4], $0x80, s9, s4, $0xb8;
	[tilespmem:$0x1F800] =	vst v63  }
.LBB2_6:
0xa9: {  	_ =	swait.ge [sflag:s0], $0x1900  }
0xaa: {  	s26 =	sshra.s32 s25, $0x2;
	[sflag:s0] =	ssyncset.done $0x0  }
0xab: {  	s28 =	sadd.s32 $0x1400, s26;
	[sflag:s0] =	ssyncadd.s32 $0xFFFFE700  }
0xac: {  	[spmem:s18] =	stream.indirect.scatter.add.f32 [tilespmem:s17], [sflag:$0x5], $0x80, s28, s4, $0xb8;
	[tilespmem:$0x1F800] =	vst v63  }
0xad: {  	_ =	swait.ge [sflag:s11], $0x1900  }
0xae: {  	[sflag:s11] =	ssyncset.done $0x0  }
0xaf: {  	s29 =	sadd.s32 $0x200, s26;
	[sflag:s11] =	ssyncadd.s32 $0xFFFFE700  }
0xb0: {  	[tilespmem:s17], [sflag:$0x1] =	stream.indirect.gather [hbm4b:s15+s4], $0x80, s29, s4, $0xb8;
	[tilespmem:$0x1F800] =	vst v63  }
0xb1: {  	_ =	swait.ge [sflag:s12], $0x1900  }
0xb2: {  	[sflag:s12] =	ssyncset.done $0x0  }
0xb3: {  	s29 =	sadd.s32 $0x1480, s26;
	[sflag:s12] =	ssyncadd.s32 $0xFFFFE700  }
0xb4: {  	[spmem:s18] =	stream.indirect.scatter.add.f32 [tilespmem:s6], [sflag:$0x5], $0x80, s29, s4, $0xb8;
	[tilespmem:$0x1F800] =	vst v63  }
0xb5: {  	_ =	swait.ge [sflag:s11], $0x1900  }
0xb6: {  	[sflag:s11] =	ssyncset.done $0x0  }
0xb7: {  	s29 =	sadd.s32 $0x280, s26;
	[sflag:s11] =	ssyncadd.s32 $0xFFFFE700  }
0xb8: {  	[tilespmem:s6], [sflag:$0x2] =	stream.indirect.gather [hbm4b:s15+s4], $0x80, s29, s4, $0xb8;
	[tilespmem:$0x1F800] =	vst v63  }
0xb9: {  	_ =	swait.ge [sflag:s2], $0x1900  }
0xba: {  	[sflag:s2] =	ssyncset.done $0x0  }
0xbb: {  	s29 =	sadd.s32 $0x1500, s26;
	[sflag:s2] =	ssyncadd.s32 $0xFFFFE700  }
0xbc: {  	[spmem:s18] =	stream.indirect.scatter.add.f32 [tilespmem:s8], [sflag:$0x5], $0x80, s29, s4, $0xb8;
	[tilespmem:$0x1F800] =	vst v63  }
0xbd: {  	_ =	swait.ge [sflag:s11], $0x1900  }
0xbe: {  	[sflag:s11] =	ssyncset.done $0x0  }
0xbf: {  	s29 =	sadd.s32 $0x300, s26;
	[sflag:s11] =	ssyncadd.s32 $0xFFFFE700  }
0xc0: {  	[tilespmem:s8], [sflag:$0x3] =	stream.indirect.gather [hbm4b:s15+s4], $0x80, s29, s4, $0xb8;
	[tilespmem:$0x1F800] =	vst v63  }
0xc1: {  	_ =	swait.ge [sflag:s3], $0x1900  }
0xc2: {  	[sflag:s3] =	ssyncset.done $0x0  }
0xc3: {  	s29 =	sadd.s32 $0x1580, s26;
	[sflag:s3] =	ssyncadd.s32 $0xFFFFE700  }
0xc4: {  	[spmem:s18] =	stream.indirect.scatter.add.f32 [tilespmem:s10], [sflag:$0x5], $0x80, s29, s4, $0xb8;
	[tilespmem:$0x1F800] =	vst v63  }
0xc5: {  	_ =	swait.ge [sflag:s11], $0x1900  }
0xc6: {  	[sflag:s11] =	ssyncset.done $0x0  }
0xc7: {  	s29 =	sadd.s32 $0x380, s26;
	[sflag:s11] =	ssyncadd.s32 $0xFFFFE700  }
0xc8: {  	[tilespmem:s10], [sflag:$0x4] =	stream.indirect.gather [hbm4b:s15+s4], $0x80, s29, s4, $0xb8;
	[tilespmem:$0x1F800] =	vst v63  }
0xc9: {  	v2 =	vld [tilespmem:s26+$0x1400];
	_ =	sdelay $0x7  }
0xca: {  	[tilespmem:v2+s19+$0x0] =	vst.idx.add.f32.msk $0xffff, v1  }
0xcb: {  	v2 =	vld [tilespmem:s26+$0x1410];
	_ =	sdelay $0x7  }
0xcc: {  	[tilespmem:v2+s19+$0x0] =	vst.idx.add.f32.msk $0xffff, v1  }
0xcd: {  	v2 =	vld [tilespmem:s26+$0x1420];
	_ =	sdelay $0x7  }
0xce: {  	[tilespmem:v2+s19+$0x0] =	vst.idx.add.f32.msk $0xffff, v1  }
0xcf: {  	v2 =	vld [tilespmem:s26+$0x1422];
	_ =	sdelay $0x7  }
0xd0: {  	[tilespmem:v2+s19+$0x0] =	vst.idx.add.f32.msk vm0, v1  }
0xd1: {  	v2 =	vld [tilespmem:s26+$0x1480];
	_ =	sdelay $0x7  }
0xd2: {  	[tilespmem:v2+s19+$0x0] =	vst.idx.add.f32.msk $0xffff, v1  }
0xd3: {  	v2 =	vld [tilespmem:s26+$0x1490];
	_ =	sdelay $0x7  }
0xd4: {  	[tilespmem:v2+s19+$0x0] =	vst.idx.add.f32.msk $0xffff, v1  }
0xd5: {  	v2 =	vld [tilespmem:s26+$0x14A0];
	_ =	sdelay $0x7  }
0xd6: {  	[tilespmem:v2+s19+$0x0] =	vst.idx.add.f32.msk $0xffff, v1  }
0xd7: {  	v2 =	vld [tilespmem:s26+$0x14A2];
	_ =	sdelay $0x7  }
0xd8: {  	[tilespmem:v2+s19+$0x0] =	vst.idx.add.f32.msk vm0, v1  }
0xd9: {  	v2 =	vld [tilespmem:s26+$0x1500];
	_ =	sdelay $0x7  }
0xda: {  	[tilespmem:v2+s19+$0x0] =	vst.idx.add.f32.msk $0xffff, v1  }
0xdb: {  	v2 =	vld [tilespmem:s26+$0x1510];
	_ =	sdelay $0x7  }
0xdc: {  	[tilespmem:v2+s19+$0x0] =	vst.idx.add.f32.msk $0xffff, v1  }
0xdd: {  	v2 =	vld [tilespmem:s26+$0x1520];
	_ =	sdelay $0x7  }
0xde: {  	[tilespmem:v2+s19+$0x0] =	vst.idx.add.f32.msk $0xffff, v1  }
0xdf: {  	v2 =	vld [tilespmem:s26+$0x1522];
	_ =	sdelay $0x7  }
0xe0: {  	[tilespmem:v2+s19+$0x0] =	vst.idx.add.f32.msk vm0, v1  }
0xe1: {  	v2 =	vld [tilespmem:s26+$0x1580];
	_ =	sdelay $0x7  }
0xe2: {  	[tilespmem:v2+s19+$0x0] =	vst.idx.add.f32.msk $0xffff, v1  }
0xe3: {  	v2 =	vld [tilespmem:s26+$0x1590];
	_ =	sdelay $0x7  }
0xe4: {  	[tilespmem:v2+s19+$0x0] =	vst.idx.add.f32.msk $0xffff, v1  }
0xe5: {  	v2 =	vld [tilespmem:s26+$0x15A0];
	_ =	sdelay $0x7  }
0xe6: {  	[tilespmem:v2+s19+$0x0] =	vst.idx.add.f32.msk $0xffff, v1  }
0xe7: {  	v2 =	vld [tilespmem:s26+$0x15A2];
	_ =	sdelay $0x2  }
0xe8: {  	p1 =	sne.s32 s25, $0x4000  }
.Ltmp2:
0xe9: {  	_ = 	snop;
	(pc) =	sbr.rel @p1 .LBB2_6-.Ltmp2, $2  }
0xea: {  	_ =	sdelay $0x2  }
0xeb: {  	s25 =	sadd.s32 $0x800, s25;
	[tilespmem:v2+s19+$0x0] =	vst.idx.add.f32.msk vm0, v1  }
0xec: {  	_ =	swait.ge [sflag:s0], $0x1900  }
0xed: {  	[sflag:s0] =	ssyncset.done $0x0  }
0xee: {  	[sflag:s0] =	ssyncadd.s32 $0xFFFFE700  }
0xef: {  	[spmem:s18] =	stream.indirect.scatter.add.f32 [tilespmem:s17], [sflag:$0x5], $0x80, s20, s4, $0xb8;
	[tilespmem:$0x1F800] =	vst v63  }
0xf0: {  	_ =	swait.ge [sflag:s11], $0x1900  }
0xf1: {  	[sflag:s11] =	ssyncset.done $0x0  }
0xf2: {  	[sflag:s11] =	ssyncadd.s32 $0xFFFFE700  }
0xf3: {  	_ =	swait.ge [sflag:s12], $0x1900  }
0xf4: {  	[sflag:s12] =	ssyncset.done $0x0  }
0xf5: {  	[sflag:s12] =	ssyncadd.s32 $0xFFFFE700  }
0xf6: {  	[spmem:s18] =	stream.indirect.scatter.add.f32 [tilespmem:s6], [sflag:$0x5], $0x80, s21, s4, $0xb8;
	[tilespmem:$0x1F800] =	vst v63  }
0xf7: {  	_ =	swait.ge [sflag:s11], $0x1900  }
0xf8: {  	[sflag:s11] =	ssyncset.done $0x0  }
0xf9: {  	[sflag:s11] =	ssyncadd.s32 $0xFFFFE700  }
0xfa: {  	_ =	swait.ge [sflag:s2], $0x1900  }
0xfb: {  	[sflag:s2] =	ssyncset.done $0x0  }
0xfc: {  	[sflag:s2] =	ssyncadd.s32 $0xFFFFE700  }
0xfd: {  	[spmem:s18] =	stream.indirect.scatter.add.f32 [tilespmem:s8], [sflag:$0x5], $0x80, s22, s4, $0xb8;
	[tilespmem:$0x1F800] =	vst v63  }
0xfe: {  	_ =	swait.ge [sflag:s11], $0x1900  }
0xff: {  	[sflag:s11] =	ssyncset.done $0x0  }
0x100: {  	[sflag:s11] =	ssyncadd.s32 $0xFFFFE700  }
0x101: {  	_ =	swait.ge [sflag:s3], $0x1900  }
0x102: {  	[sflag:s3] =	ssyncset.done $0x0  }
0x103: {  	[sflag:s3] =	ssyncadd.s32 $0xFFFFE700  }
0x104: {  	[spmem:s18] =	stream.indirect.scatter.add.f32 [tilespmem:s10], [sflag:$0x5], $0x80, s23, s4, $0xb8;
	[tilespmem:$0x1F800] =	vst v63  }
0x105: {  	_ =	swait.ge [sflag:s11], $0x1900  }
0x106: {  	[sflag:s11] =	ssyncset.done $0x0  }
0x107: {  	[sflag:s11] =	ssyncadd.s32 $0xFFFFE700  }
0x108: {  	v2 =	vld [tilespmem:$0x2600];
	_ =	sdelay $0x7  }
0x109: {  	[tilespmem:v2+s19+$0x0] =	vst.idx.add.f32.msk $0xffff, v1  }
0x10a: {  	v2 =	vld [tilespmem:$0x2610];
	_ =	sdelay $0x7  }
0x10b: {  	[tilespmem:v2+s19+$0x0] =	vst.idx.add.f32.msk $0xffff, v1  }
0x10c: {  	v2 =	vld [tilespmem:$0x2620];
	_ =	sdelay $0x7  }
0x10d: {  	[tilespmem:v2+s19+$0x0] =	vst.idx.add.f32.msk $0xffff, v1  }
0x10e: {  	v2 =	vld [tilespmem:$0x2622];
	_ =	sdelay $0x7  }
0x10f: {  	[tilespmem:v2+s19+$0x0] =	vst.idx.add.f32.msk vm0, v1  }
0x110: {  	v2 =	vld [tilespmem:$0x2680];
	_ =	sdelay $0x7  }
0x111: {  	[tilespmem:v2+s19+$0x0] =	vst.idx.add.f32.msk $0xffff, v1  }
0x112: {  	v2 =	vld [tilespmem:$0x2690];
	_ =	sdelay $0x7  }
0x113: {  	[tilespmem:v2+s19+$0x0] =	vst.idx.add.f32.msk $0xffff, v1  }
0x114: {  	v2 =	vld [tilespmem:$0x26A0];
	_ =	sdelay $0x7  }
0x115: {  	[tilespmem:v2+s19+$0x0] =	vst.idx.add.f32.msk $0xffff, v1  }
0x116: {  	v2 =	vld [tilespmem:$0x26A2];
	_ =	sdelay $0x7  }
0x117: {  	[tilespmem:v2+s19+$0x0] =	vst.idx.add.f32.msk vm0, v1  }
0x118: {  	v2 =	vld [tilespmem:$0x2700];
	_ =	sdelay $0x7  }
0x119: {  	[tilespmem:v2+s19+$0x0] =	vst.idx.add.f32.msk $0xffff, v1  }
0x11a: {  	v2 =	vld [tilespmem:$0x2710];
	_ =	sdelay $0x7  }
0x11b: {  	[tilespmem:v2+s19+$0x0] =	vst.idx.add.f32.msk $0xffff, v1  }
0x11c: {  	v2 =	vld [tilespmem:$0x2720];
	_ =	sdelay $0x7  }
0x11d: {  	[tilespmem:v2+s19+$0x0] =	vst.idx.add.f32.msk $0xffff, v1  }
0x11e: {  	v2 =	vld [tilespmem:$0x2722];
	_ =	sdelay $0x7  }
0x11f: {  	[tilespmem:v2+s19+$0x0] =	vst.idx.add.f32.msk vm0, v1  }
0x120: {  	v2 =	vld [tilespmem:$0x2780];
	_ =	sdelay $0x7  }
0x121: {  	[tilespmem:v2+s19+$0x0] =	vst.idx.add.f32.msk $0xffff, v1  }
0x122: {  	v2 =	vld [tilespmem:$0x2790];
	_ =	sdelay $0x7  }
0x123: {  	[tilespmem:v2+s19+$0x0] =	vst.idx.add.f32.msk $0xffff, v1  }
0x124: {  	v2 =	vld [tilespmem:$0x27A0];
	_ =	sdelay $0x7  }
0x125: {  	[tilespmem:v2+s19+$0x0] =	vst.idx.add.f32.msk $0xffff, v1  }
0x126: {  	v2 =	vld [tilespmem:$0x27A2];
	_ =	sdelay $0x7  }
0x127: {  	s25 =	simm.s32 $0x0;
	s26 =	rddreg [dreg:$0x1e];
	[tilespmem:v2+s19+$0x0] =	vst.idx.add.f32.msk vm0, v1  }
0x128: {  	[tilespmem:s25], [sflag:$0x3] =	stream.linear.gather [hbm4b:s26+s25], $0x1400, $0x38;
	[tilespmem:$0x1F800] =	vst v63  }
0x129: {  	s29 =	rddreg [dreg:$0x1f]  }
0x12a: {  	[tilespmem:s14], [sflag:$0x4] =	stream.linear.gather [hbm4b:s29+s25], $0x1400, $0x38;
	[tilespmem:$0x1F800] =	vst v63  }
0x12b: {  	_ =	swait.ge [sflag:s2], $0x1400  }
0x12c: {  	[sflag:s2] =	ssyncset.done $0x0  }
0x12d: {  	[sflag:s2] =	ssyncadd.s32 $0xFFFFEC00  }
0x12e: {  	_ =	swait.ge [sflag:s3], $0x1400  }
0x12f: {  	[sflag:s3] =	ssyncset.done $0x0  }
0x130: {  	[sflag:s3] =	ssyncadd.s32 $0xFFFFEC00  }
0x131: {  	[tilespmem:s17], [sflag:$0x1] =	stream.indirect.gather [hbm4b:s15+s4], $0x80, s25, s4, $0xb8;
	[tilespmem:$0x1F800] =	vst v63  }
0x132: {  	_ = 	snop  }
0x133: {  	[tilespmem:s6], [sflag:$0x2] =	stream.indirect.gather [hbm4b:s15+s4], $0x80, s5, s4, $0xb8;
	[tilespmem:$0x1F800] =	vst v63  }
0x134: {  	_ = 	snop  }
0x135: {  	[tilespmem:s8], [sflag:$0x3] =	stream.indirect.gather [hbm4b:s15+s4], $0x80, s7, s4, $0xb8;
	[tilespmem:$0x1F800] =	vst v63  }
0x136: {  	_ = 	snop  }
0x137: {  	[tilespmem:s10], [sflag:$0x4] =	stream.indirect.gather [hbm4b:s15+s4], $0x80, s9, s4, $0xb8;
	[tilespmem:$0x1F800] =	vst v63  }
.LBB2_8:
0x138: {  	_ =	swait.ge [sflag:s0], $0x1900  }
0x139: {  	s26 =	sshra.s32 s25, $0x2;
	[sflag:s0] =	ssyncset.done $0x0  }
0x13a: {  	s28 =	sadd.s32 $0x1400, s26;
	[sflag:s0] =	ssyncadd.s32 $0xFFFFE700  }
0x13b: {  	[spmem:s18] =	stream.indirect.scatter.add.f32 [tilespmem:s17], [sflag:$0x5], $0x80, s28, s4, $0xb8;
	[tilespmem:$0x1F800] =	vst v63  }
0x13c: {  	_ =	swait.ge [sflag:s11], $0x1900  }
0x13d: {  	[sflag:s11] =	ssyncset.done $0x0  }
0x13e: {  	s29 =	sadd.s32 $0x200, s26;
	[sflag:s11] =	ssyncadd.s32 $0xFFFFE700  }
0x13f: {  	[tilespmem:s17], [sflag:$0x1] =	stream.indirect.gather [hbm4b:s15+s4], $0x80, s29, s4, $0xb8;
	[tilespmem:$0x1F800] =	vst v63  }
0x140: {  	_ =	swait.ge [sflag:s12], $0x1900  }
0x141: {  	[sflag:s12] =	ssyncset.done $0x0  }
0x142: {  	s29 =	sadd.s32 $0x1480, s26;
	[sflag:s12] =	ssyncadd.s32 $0xFFFFE700  }
0x143: {  	[spmem:s18] =	stream.indirect.scatter.add.f32 [tilespmem:s6], [sflag:$0x5], $0x80, s29, s4, $0xb8;
	[tilespmem:$0x1F800] =	vst v63  }
0x144: {  	_ =	swait.ge [sflag:s11], $0x1900  }
0x145: {  	[sflag:s11] =	ssyncset.done $0x0  }
0x146: {  	s29 =	sadd.s32 $0x280, s26;
	[sflag:s11] =	ssyncadd.s32 $0xFFFFE700  }
0x147: {  	[tilespmem:s6], [sflag:$0x2] =	stream.indirect.gather [hbm4b:s15+s4], $0x80, s29, s4, $0xb8;
	[tilespmem:$0x1F800] =	vst v63  }
0x148: {  	_ =	swait.ge [sflag:s2], $0x1900  }
0x149: {  	[sflag:s2] =	ssyncset.done $0x0  }
0x14a: {  	s29 =	sadd.s32 $0x1500, s26;
	[sflag:s2] =	ssyncadd.s32 $0xFFFFE700  }
0x14b: {  	[spmem:s18] =	stream.indirect.scatter.add.f32 [tilespmem:s8], [sflag:$0x5], $0x80, s29, s4, $0xb8;
	[tilespmem:$0x1F800] =	vst v63  }
0x14c: {  	_ =	swait.ge [sflag:s11], $0x1900  }
0x14d: {  	[sflag:s11] =	ssyncset.done $0x0  }
0x14e: {  	s29 =	sadd.s32 $0x300, s26;
	[sflag:s11] =	ssyncadd.s32 $0xFFFFE700  }
0x14f: {  	[tilespmem:s8], [sflag:$0x3] =	stream.indirect.gather [hbm4b:s15+s4], $0x80, s29, s4, $0xb8;
	[tilespmem:$0x1F800] =	vst v63  }
0x150: {  	_ =	swait.ge [sflag:s3], $0x1900  }
0x151: {  	[sflag:s3] =	ssyncset.done $0x0  }
0x152: {  	s29 =	sadd.s32 $0x1580, s26;
	[sflag:s3] =	ssyncadd.s32 $0xFFFFE700  }
0x153: {  	[spmem:s18] =	stream.indirect.scatter.add.f32 [tilespmem:s10], [sflag:$0x5], $0x80, s29, s4, $0xb8;
	[tilespmem:$0x1F800] =	vst v63  }
0x154: {  	_ =	swait.ge [sflag:s11], $0x1900  }
0x155: {  	[sflag:s11] =	ssyncset.done $0x0  }
0x156: {  	s29 =	sadd.s32 $0x380, s26;
	[sflag:s11] =	ssyncadd.s32 $0xFFFFE700  }
0x157: {  	[tilespmem:s10], [sflag:$0x4] =	stream.indirect.gather [hbm4b:s15+s4], $0x80, s29, s4, $0xb8;
	[tilespmem:$0x1F800] =	vst v63  }
0x158: {  	v2 =	vld [tilespmem:s26+$0x1400];
	_ =	sdelay $0x7  }
0x159: {  	[tilespmem:v2+s19+$0x0] =	vst.idx.add.f32.msk $0xffff, v1  }
0x15a: {  	v2 =	vld [tilespmem:s26+$0x1410];
	_ =	sdelay $0x7  }
0x15b: {  	[tilespmem:v2+s19+$0x0] =	vst.idx.add.f32.msk $0xffff, v1  }
0x15c: {  	v2 =	vld [tilespmem:s26+$0x1420];
	_ =	sdelay $0x7  }
0x15d: {  	[tilespmem:v2+s19+$0x0] =	vst.idx.add.f32.msk $0xffff, v1  }
0x15e: {  	v2 =	vld [tilespmem:s26+$0x1422];
	_ =	sdelay $0x7  }
0x15f: {  	[tilespmem:v2+s19+$0x0] =	vst.idx.add.f32.msk vm0, v1  }
0x160: {  	v2 =	vld [tilespmem:s26+$0x1480];
	_ =	sdelay $0x7  }
0x161: {  	[tilespmem:v2+s19+$0x0] =	vst.idx.add.f32.msk $0xffff, v1  }
0x162: {  	v2 =	vld [tilespmem:s26+$0x1490];
	_ =	sdelay $0x7  }
0x163: {  	[tilespmem:v2+s19+$0x0] =	vst.idx.add.f32.msk $0xffff, v1  }
0x164: {  	v2 =	vld [tilespmem:s26+$0x14A0];
	_ =	sdelay $0x7  }
0x165: {  	[tilespmem:v2+s19+$0x0] =	vst.idx.add.f32.msk $0xffff, v1  }
0x166: {  	v2 =	vld [tilespmem:s26+$0x14A2];
	_ =	sdelay $0x7  }
0x167: {  	[tilespmem:v2+s19+$0x0] =	vst.idx.add.f32.msk vm0, v1  }
0x168: {  	v2 =	vld [tilespmem:s26+$0x1500];
	_ =	sdelay $0x7  }
0x169: {  	[tilespmem:v2+s19+$0x0] =	vst.idx.add.f32.msk $0xffff, v1  }
0x16a: {  	v2 =	vld [tilespmem:s26+$0x1510];
	_ =	sdelay $0x7  }
0x16b: {  	[tilespmem:v2+s19+$0x0] =	vst.idx.add.f32.msk $0xffff, v1  }
0x16c: {  	v2 =	vld [tilespmem:s26+$0x1520];
	_ =	sdelay $0x7  }
0x16d: {  	[tilespmem:v2+s19+$0x0] =	vst.idx.add.f32.msk $0xffff, v1  }
0x16e: {  	v2 =	vld [tilespmem:s26+$0x1522];
	_ =	sdelay $0x7  }
0x16f: {  	[tilespmem:v2+s19+$0x0] =	vst.idx.add.f32.msk vm0, v1  }
0x170: {  	v2 =	vld [tilespmem:s26+$0x1580];
	_ =	sdelay $0x7  }
0x171: {  	[tilespmem:v2+s19+$0x0] =	vst.idx.add.f32.msk $0xffff, v1  }
0x172: {  	v2 =	vld [tilespmem:s26+$0x1590];
	_ =	sdelay $0x7  }
0x173: {  	[tilespmem:v2+s19+$0x0] =	vst.idx.add.f32.msk $0xffff, v1  }
0x174: {  	v2 =	vld [tilespmem:s26+$0x15A0];
	_ =	sdelay $0x7  }
0x175: {  	[tilespmem:v2+s19+$0x0] =	vst.idx.add.f32.msk $0xffff, v1  }
0x176: {  	v2 =	vld [tilespmem:s26+$0x15A2];
	_ =	sdelay $0x2  }
0x177: {  	p1 =	sne.s32 s25, $0x4000  }
.Ltmp3:
0x178: {  	_ = 	snop;
	(pc) =	sbr.rel @p1 .LBB2_8-.Ltmp3, $2  }
0x179: {  	_ =	sdelay $0x2  }
0x17a: {  	s25 =	sadd.s32 $0x800, s25;
	[tilespmem:v2+s19+$0x0] =	vst.idx.add.f32.msk vm0, v1  }
0x17b: {  	_ =	swait.ge [sflag:s0], $0x1900  }
0x17c: {  	[sflag:s0] =	ssyncset.done $0x0  }
0x17d: {  	[sflag:s0] =	ssyncadd.s32 $0xFFFFE700  }
0x17e: {  	[spmem:s18] =	stream.indirect.scatter.add.f32 [tilespmem:s17], [sflag:$0x5], $0x80, s20, s4, $0xb8;
	[tilespmem:$0x1F800] =	vst v63  }
0x17f: {  	_ =	swait.ge [sflag:s11], $0x1900  }
0x180: {  	[sflag:s11] =	ssyncset.done $0x0  }
0x181: {  	[sflag:s11] =	ssyncadd.s32 $0xFFFFE700  }
0x182: {  	_ =	swait.ge [sflag:s12], $0x1900  }
0x183: {  	[sflag:s12] =	ssyncset.done $0x0  }
0x184: {  	[sflag:s12] =	ssyncadd.s32 $0xFFFFE700  }
0x185: {  	[spmem:s18] =	stream.indirect.scatter.add.f32 [tilespmem:s6], [sflag:$0x5], $0x80, s21, s4, $0xb8;
	[tilespmem:$0x1F800] =	vst v63  }
0x186: {  	_ =	swait.ge [sflag:s11], $0x1900  }
0x187: {  	[sflag:s11] =	ssyncset.done $0x0  }
0x188: {  	[sflag:s11] =	ssyncadd.s32 $0xFFFFE700  }
0x189: {  	_ =	swait.ge [sflag:s2], $0x1900  }
0x18a: {  	[sflag:s2] =	ssyncset.done $0x0  }
0x18b: {  	[sflag:s2] =	ssyncadd.s32 $0xFFFFE700  }
0x18c: {  	[spmem:s18] =	stream.indirect.scatter.add.f32 [tilespmem:s8], [sflag:$0x5], $0x80, s22, s4, $0xb8;
	[tilespmem:$0x1F800] =	vst v63  }
0x18d: {  	_ =	swait.ge [sflag:s11], $0x1900  }
0x18e: {  	[sflag:s11] =	ssyncset.done $0x0  }
0x18f: {  	[sflag:s11] =	ssyncadd.s32 $0xFFFFE700  }
0x190: {  	_ =	swait.ge [sflag:s3], $0x1900  }
0x191: {  	[sflag:s3] =	ssyncset.done $0x0  }
0x192: {  	[sflag:s3] =	ssyncadd.s32 $0xFFFFE700  }
0x193: {  	[spmem:s18] =	stream.indirect.scatter.add.f32 [tilespmem:s10], [sflag:$0x5], $0x80, s23, s4, $0xb8;
	[tilespmem:$0x1F800] =	vst v63  }
0x194: {  	_ =	swait.ge [sflag:s11], $0x1900  }
0x195: {  	[sflag:s11] =	ssyncset.done $0x0  }
0x196: {  	[sflag:s11] =	ssyncadd.s32 $0xFFFFE700  }
0x197: {  	v2 =	vld [tilespmem:$0x2600];
	_ =	sdelay $0x7  }
0x198: {  	[tilespmem:v2+s19+$0x0] =	vst.idx.add.f32.msk $0xffff, v1  }
0x199: {  	v2 =	vld [tilespmem:$0x2610];
	_ =	sdelay $0x7  }
0x19a: {  	[tilespmem:v2+s19+$0x0] =	vst.idx.add.f32.msk $0xffff, v1  }
0x19b: {  	v2 =	vld [tilespmem:$0x2620];
	_ =	sdelay $0x7  }
0x19c: {  	[tilespmem:v2+s19+$0x0] =	vst.idx.add.f32.msk $0xffff, v1  }
0x19d: {  	v2 =	vld [tilespmem:$0x2622];
	_ =	sdelay $0x7  }
0x19e: {  	[tilespmem:v2+s19+$0x0] =	vst.idx.add.f32.msk vm0, v1  }
0x19f: {  	v2 =	vld [tilespmem:$0x2680];
	_ =	sdelay $0x7  }
0x1a0: {  	[tilespmem:v2+s19+$0x0] =	vst.idx.add.f32.msk $0xffff, v1  }
0x1a1: {  	v2 =	vld [tilespmem:$0x2690];
	_ =	sdelay $0x7  }
0x1a2: {  	[tilespmem:v2+s19+$0x0] =	vst.idx.add.f32.msk $0xffff, v1  }
0x1a3: {  	v2 =	vld [tilespmem:$0x26A0];
	_ =	sdelay $0x7  }
0x1a4: {  	[tilespmem:v2+s19+$0x0] =	vst.idx.add.f32.msk $0xffff, v1  }
0x1a5: {  	v2 =	vld [tilespmem:$0x26A2];
	_ =	sdelay $0x7  }
0x1a6: {  	[tilespmem:v2+s19+$0x0] =	vst.idx.add.f32.msk vm0, v1  }
0x1a7: {  	v2 =	vld [tilespmem:$0x2700];
	_ =	sdelay $0x7  }
0x1a8: {  	[tilespmem:v2+s19+$0x0] =	vst.idx.add.f32.msk $0xffff, v1  }
0x1a9: {  	v2 =	vld [tilespmem:$0x2710];
	_ =	sdelay $0x7  }
0x1aa: {  	[tilespmem:v2+s19+$0x0] =	vst.idx.add.f32.msk $0xffff, v1  }
0x1ab: {  	v2 =	vld [tilespmem:$0x2720];
	_ =	sdelay $0x7  }
0x1ac: {  	[tilespmem:v2+s19+$0x0] =	vst.idx.add.f32.msk $0xffff, v1  }
0x1ad: {  	v2 =	vld [tilespmem:$0x2722];
	_ =	sdelay $0x7  }
0x1ae: {  	[tilespmem:v2+s19+$0x0] =	vst.idx.add.f32.msk vm0, v1  }
0x1af: {  	v2 =	vld [tilespmem:$0x2780];
	_ =	sdelay $0x7  }
0x1b0: {  	[tilespmem:v2+s19+$0x0] =	vst.idx.add.f32.msk $0xffff, v1  }
0x1b1: {  	v2 =	vld [tilespmem:$0x2790];
	_ =	sdelay $0x7  }
0x1b2: {  	[tilespmem:v2+s19+$0x0] =	vst.idx.add.f32.msk $0xffff, v1  }
0x1b3: {  	v2 =	vld [tilespmem:$0x27A0];
	_ =	sdelay $0x7  }
0x1b4: {  	[tilespmem:v2+s19+$0x0] =	vst.idx.add.f32.msk $0xffff, v1  }
0x1b5: {  	v2 =	vld [tilespmem:$0x27A2];
	_ =	sdelay $0x5  }
0x1b6: {  	s26 =	sld [smem:$0x7F6];
	_ =	sdelay $0x1  }
0x1b7: {  	s25 =	simm.s32 $0x0;
	s29 =	sld [smem:$0x7F7];
	[tilespmem:v2+s19+$0x0] =	vst.idx.add.f32.msk vm0, v1  }
0x1b8: {  	[tilespmem:s25], [sflag:$0x3] =	stream.linear.gather [hbm4b:s26+s25], $0x1400, $0x38;
	[tilespmem:$0x1F800] =	vst v63  }
0x1b9: {  	_ = 	snop  }
0x1ba: {  	[tilespmem:s14], [sflag:$0x4] =	stream.linear.gather [hbm4b:s29+s25], $0x1400, $0x38;
	[tilespmem:$0x1F800] =	vst v63  }
0x1bb: {  	_ =	swait.ge [sflag:s2], $0x1400  }
0x1bc: {  	[sflag:s2] =	ssyncset.done $0x0  }
0x1bd: {  	[sflag:s2] =	ssyncadd.s32 $0xFFFFEC00  }
0x1be: {  	_ =	swait.ge [sflag:s3], $0x1400  }
0x1bf: {  	[sflag:s3] =	ssyncset.done $0x0  }
0x1c0: {  	[sflag:s3] =	ssyncadd.s32 $0xFFFFEC00  }
0x1c1: {  	[tilespmem:s17], [sflag:$0x1] =	stream.indirect.gather [hbm4b:s15+s4], $0x80, s25, s4, $0xb8;
	[tilespmem:$0x1F800] =	vst v63  }
0x1c2: {  	_ = 	snop  }
0x1c3: {  	[tilespmem:s6], [sflag:$0x2] =	stream.indirect.gather [hbm4b:s15+s4], $0x80, s5, s4, $0xb8;
	[tilespmem:$0x1F800] =	vst v63  }
0x1c4: {  	_ = 	snop  }
0x1c5: {  	[tilespmem:s8], [sflag:$0x3] =	stream.indirect.gather [hbm4b:s15+s4], $0x80, s7, s4, $0xb8;
	[tilespmem:$0x1F800] =	vst v63  }
0x1c6: {  	_ = 	snop  }
0x1c7: {  	[tilespmem:s10], [sflag:$0x4] =	stream.indirect.gather [hbm4b:s15+s4], $0x80, s9, s4, $0xb8;
	[tilespmem:$0x1F800] =	vst v63  }
.LBB2_10:
0x1c8: {  	_ =	swait.ge [sflag:s0], $0x1900  }
0x1c9: {  	s26 =	sshra.s32 s25, $0x2;
	[sflag:s0] =	ssyncset.done $0x0  }
0x1ca: {  	s28 =	sadd.s32 $0x1400, s26;
	[sflag:s0] =	ssyncadd.s32 $0xFFFFE700  }
0x1cb: {  	[spmem:s18] =	stream.indirect.scatter.add.f32 [tilespmem:s17], [sflag:$0x5], $0x80, s28, s4, $0xb8;
	[tilespmem:$0x1F800] =	vst v63  }
0x1cc: {  	_ =	swait.ge [sflag:s11], $0x1900  }
0x1cd: {  	[sflag:s11] =	ssyncset.done $0x0  }
0x1ce: {  	s29 =	sadd.s32 $0x200, s26;
	[sflag:s11] =	ssyncadd.s32 $0xFFFFE700  }
0x1cf: {  	[tilespmem:s17], [sflag:$0x1] =	stream.indirect.gather [hbm4b:s15+s4], $0x80, s29, s4, $0xb8;
	[tilespmem:$0x1F800] =	vst v63  }
0x1d0: {  	_ =	swait.ge [sflag:s12], $0x1900  }
0x1d1: {  	[sflag:s12] =	ssyncset.done $0x0  }
0x1d2: {  	s29 =	sadd.s32 $0x1480, s26;
	[sflag:s12] =	ssyncadd.s32 $0xFFFFE700  }
0x1d3: {  	[spmem:s18] =	stream.indirect.scatter.add.f32 [tilespmem:s6], [sflag:$0x5], $0x80, s29, s4, $0xb8;
	[tilespmem:$0x1F800] =	vst v63  }
0x1d4: {  	_ =	swait.ge [sflag:s11], $0x1900  }
0x1d5: {  	[sflag:s11] =	ssyncset.done $0x0  }
0x1d6: {  	s29 =	sadd.s32 $0x280, s26;
	[sflag:s11] =	ssyncadd.s32 $0xFFFFE700  }
0x1d7: {  	[tilespmem:s6], [sflag:$0x2] =	stream.indirect.gather [hbm4b:s15+s4], $0x80, s29, s4, $0xb8;
	[tilespmem:$0x1F800] =	vst v63  }
0x1d8: {  	_ =	swait.ge [sflag:s2], $0x1900  }
0x1d9: {  	[sflag:s2] =	ssyncset.done $0x0  }
0x1da: {  	s29 =	sadd.s32 $0x1500, s26;
	[sflag:s2] =	ssyncadd.s32 $0xFFFFE700  }
0x1db: {  	[spmem:s18] =	stream.indirect.scatter.add.f32 [tilespmem:s8], [sflag:$0x5], $0x80, s29, s4, $0xb8;
	[tilespmem:$0x1F800] =	vst v63  }
0x1dc: {  	_ =	swait.ge [sflag:s11], $0x1900  }
0x1dd: {  	[sflag:s11] =	ssyncset.done $0x0  }
0x1de: {  	s29 =	sadd.s32 $0x300, s26;
	[sflag:s11] =	ssyncadd.s32 $0xFFFFE700  }
0x1df: {  	[tilespmem:s8], [sflag:$0x3] =	stream.indirect.gather [hbm4b:s15+s4], $0x80, s29, s4, $0xb8;
	[tilespmem:$0x1F800] =	vst v63  }
0x1e0: {  	_ =	swait.ge [sflag:s3], $0x1900  }
0x1e1: {  	[sflag:s3] =	ssyncset.done $0x0  }
0x1e2: {  	s29 =	sadd.s32 $0x1580, s26;
	[sflag:s3] =	ssyncadd.s32 $0xFFFFE700  }
0x1e3: {  	[spmem:s18] =	stream.indirect.scatter.add.f32 [tilespmem:s10], [sflag:$0x5], $0x80, s29, s4, $0xb8;
	[tilespmem:$0x1F800] =	vst v63  }
0x1e4: {  	_ =	swait.ge [sflag:s11], $0x1900  }
0x1e5: {  	[sflag:s11] =	ssyncset.done $0x0  }
0x1e6: {  	s29 =	sadd.s32 $0x380, s26;
	[sflag:s11] =	ssyncadd.s32 $0xFFFFE700  }
0x1e7: {  	[tilespmem:s10], [sflag:$0x4] =	stream.indirect.gather [hbm4b:s15+s4], $0x80, s29, s4, $0xb8;
	[tilespmem:$0x1F800] =	vst v63  }
0x1e8: {  	v2 =	vld [tilespmem:s26+$0x1400];
	_ =	sdelay $0x7  }
0x1e9: {  	[tilespmem:v2+s19+$0x0] =	vst.idx.add.f32.msk $0xffff, v1  }
0x1ea: {  	v2 =	vld [tilespmem:s26+$0x1410];
	_ =	sdelay $0x7  }
0x1eb: {  	[tilespmem:v2+s19+$0x0] =	vst.idx.add.f32.msk $0xffff, v1  }
0x1ec: {  	v2 =	vld [tilespmem:s26+$0x1420];
	_ =	sdelay $0x7  }
0x1ed: {  	[tilespmem:v2+s19+$0x0] =	vst.idx.add.f32.msk $0xffff, v1  }
0x1ee: {  	v2 =	vld [tilespmem:s26+$0x1422];
	_ =	sdelay $0x7  }
0x1ef: {  	[tilespmem:v2+s19+$0x0] =	vst.idx.add.f32.msk vm0, v1  }
0x1f0: {  	v2 =	vld [tilespmem:s26+$0x1480];
	_ =	sdelay $0x7  }
0x1f1: {  	[tilespmem:v2+s19+$0x0] =	vst.idx.add.f32.msk $0xffff, v1  }
0x1f2: {  	v2 =	vld [tilespmem:s26+$0x1490];
	_ =	sdelay $0x7  }
0x1f3: {  	[tilespmem:v2+s19+$0x0] =	vst.idx.add.f32.msk $0xffff, v1  }
0x1f4: {  	v2 =	vld [tilespmem:s26+$0x14A0];
	_ =	sdelay $0x7  }
0x1f5: {  	[tilespmem:v2+s19+$0x0] =	vst.idx.add.f32.msk $0xffff, v1  }
0x1f6: {  	v2 =	vld [tilespmem:s26+$0x14A2];
	_ =	sdelay $0x7  }
0x1f7: {  	[tilespmem:v2+s19+$0x0] =	vst.idx.add.f32.msk vm0, v1  }
0x1f8: {  	v2 =	vld [tilespmem:s26+$0x1500];
	_ =	sdelay $0x7  }
0x1f9: {  	[tilespmem:v2+s19+$0x0] =	vst.idx.add.f32.msk $0xffff, v1  }
0x1fa: {  	v2 =	vld [tilespmem:s26+$0x1510];
	_ =	sdelay $0x7  }
0x1fb: {  	[tilespmem:v2+s19+$0x0] =	vst.idx.add.f32.msk $0xffff, v1  }
0x1fc: {  	v2 =	vld [tilespmem:s26+$0x1520];
	_ =	sdelay $0x7  }
0x1fd: {  	[tilespmem:v2+s19+$0x0] =	vst.idx.add.f32.msk $0xffff, v1  }
0x1fe: {  	v2 =	vld [tilespmem:s26+$0x1522];
	_ =	sdelay $0x7  }
0x1ff: {  	[tilespmem:v2+s19+$0x0] =	vst.idx.add.f32.msk vm0, v1  }
0x200: {  	v2 =	vld [tilespmem:s26+$0x1580];
	_ =	sdelay $0x7  }
0x201: {  	[tilespmem:v2+s19+$0x0] =	vst.idx.add.f32.msk $0xffff, v1  }
0x202: {  	v2 =	vld [tilespmem:s26+$0x1590];
	_ =	sdelay $0x7  }
0x203: {  	[tilespmem:v2+s19+$0x0] =	vst.idx.add.f32.msk $0xffff, v1  }
0x204: {  	v2 =	vld [tilespmem:s26+$0x15A0];
	_ =	sdelay $0x7  }
0x205: {  	[tilespmem:v2+s19+$0x0] =	vst.idx.add.f32.msk $0xffff, v1  }
0x206: {  	v2 =	vld [tilespmem:s26+$0x15A2];
	_ =	sdelay $0x2  }
0x207: {  	p1 =	sne.s32 s25, $0x4000  }
.Ltmp4:
0x208: {  	_ = 	snop;
	(pc) =	sbr.rel @p1 .LBB2_10-.Ltmp4, $2  }
0x209: {  	_ =	sdelay $0x2  }
0x20a: {  	s25 =	sadd.s32 $0x800, s25;
	[tilespmem:v2+s19+$0x0] =	vst.idx.add.f32.msk vm0, v1  }
0x20b: {  	_ =	swait.ge [sflag:s0], $0x1900  }
0x20c: {  	[sflag:s0] =	ssyncset.done $0x0  }
0x20d: {  	[sflag:s0] =	ssyncadd.s32 $0xFFFFE700  }
0x20e: {  	[spmem:s18] =	stream.indirect.scatter.add.f32 [tilespmem:s17], [sflag:$0x5], $0x80, s20, s4, $0xb8;
	[tilespmem:$0x1F800] =	vst v63  }
0x20f: {  	_ =	swait.ge [sflag:s11], $0x1900  }
0x210: {  	[sflag:s11] =	ssyncset.done $0x0  }
0x211: {  	[sflag:s11] =	ssyncadd.s32 $0xFFFFE700  }
0x212: {  	_ =	swait.ge [sflag:s12], $0x1900  }
0x213: {  	[sflag:s12] =	ssyncset.done $0x0  }
0x214: {  	[sflag:s12] =	ssyncadd.s32 $0xFFFFE700  }
0x215: {  	[spmem:s18] =	stream.indirect.scatter.add.f32 [tilespmem:s6], [sflag:$0x5], $0x80, s21, s4, $0xb8;
	[tilespmem:$0x1F800] =	vst v63  }
0x216: {  	_ =	swait.ge [sflag:s11], $0x1900  }
0x217: {  	[sflag:s11] =	ssyncset.done $0x0  }
0x218: {  	[sflag:s11] =	ssyncadd.s32 $0xFFFFE700  }
0x219: {  	_ =	swait.ge [sflag:s2], $0x1900  }
0x21a: {  	[sflag:s2] =	ssyncset.done $0x0  }
0x21b: {  	[sflag:s2] =	ssyncadd.s32 $0xFFFFE700  }
0x21c: {  	[spmem:s18] =	stream.indirect.scatter.add.f32 [tilespmem:s8], [sflag:$0x5], $0x80, s22, s4, $0xb8;
	[tilespmem:$0x1F800] =	vst v63  }
0x21d: {  	_ =	swait.ge [sflag:s11], $0x1900  }
0x21e: {  	[sflag:s11] =	ssyncset.done $0x0  }
0x21f: {  	[sflag:s11] =	ssyncadd.s32 $0xFFFFE700  }
0x220: {  	_ =	swait.ge [sflag:s3], $0x1900  }
0x221: {  	[sflag:s3] =	ssyncset.done $0x0  }
0x222: {  	[sflag:s3] =	ssyncadd.s32 $0xFFFFE700  }
0x223: {  	[spmem:s18] =	stream.indirect.scatter.add.f32 [tilespmem:s10], [sflag:$0x5], $0x80, s23, s4, $0xb8;
	[tilespmem:$0x1F800] =	vst v63  }
0x224: {  	_ =	swait.ge [sflag:s11], $0x1900  }
0x225: {  	[sflag:s11] =	ssyncset.done $0x0  }
0x226: {  	[sflag:s11] =	ssyncadd.s32 $0xFFFFE700  }
0x227: {  	v2 =	vld [tilespmem:$0x2600];
	_ =	sdelay $0x7  }
0x228: {  	[tilespmem:v2+s19+$0x0] =	vst.idx.add.f32.msk $0xffff, v1  }
0x229: {  	v2 =	vld [tilespmem:$0x2610];
	_ =	sdelay $0x7  }
0x22a: {  	[tilespmem:v2+s19+$0x0] =	vst.idx.add.f32.msk $0xffff, v1  }
0x22b: {  	v2 =	vld [tilespmem:$0x2620];
	_ =	sdelay $0x7  }
0x22c: {  	[tilespmem:v2+s19+$0x0] =	vst.idx.add.f32.msk $0xffff, v1  }
0x22d: {  	v2 =	vld [tilespmem:$0x2622];
	_ =	sdelay $0x7  }
0x22e: {  	[tilespmem:v2+s19+$0x0] =	vst.idx.add.f32.msk vm0, v1  }
0x22f: {  	v2 =	vld [tilespmem:$0x2680];
	_ =	sdelay $0x7  }
0x230: {  	[tilespmem:v2+s19+$0x0] =	vst.idx.add.f32.msk $0xffff, v1  }
0x231: {  	v2 =	vld [tilespmem:$0x2690];
	_ =	sdelay $0x7  }
0x232: {  	[tilespmem:v2+s19+$0x0] =	vst.idx.add.f32.msk $0xffff, v1  }
0x233: {  	v2 =	vld [tilespmem:$0x26A0];
	_ =	sdelay $0x7  }
0x234: {  	[tilespmem:v2+s19+$0x0] =	vst.idx.add.f32.msk $0xffff, v1  }
0x235: {  	v2 =	vld [tilespmem:$0x26A2];
	_ =	sdelay $0x7  }
0x236: {  	[tilespmem:v2+s19+$0x0] =	vst.idx.add.f32.msk vm0, v1  }
0x237: {  	v2 =	vld [tilespmem:$0x2700];
	_ =	sdelay $0x7  }
0x238: {  	[tilespmem:v2+s19+$0x0] =	vst.idx.add.f32.msk $0xffff, v1  }
0x239: {  	v2 =	vld [tilespmem:$0x2710];
	_ =	sdelay $0x7  }
0x23a: {  	[tilespmem:v2+s19+$0x0] =	vst.idx.add.f32.msk $0xffff, v1  }
0x23b: {  	v2 =	vld [tilespmem:$0x2720];
	_ =	sdelay $0x7  }
0x23c: {  	[tilespmem:v2+s19+$0x0] =	vst.idx.add.f32.msk $0xffff, v1  }
0x23d: {  	v2 =	vld [tilespmem:$0x2722];
	_ =	sdelay $0x7  }
0x23e: {  	[tilespmem:v2+s19+$0x0] =	vst.idx.add.f32.msk vm0, v1  }
0x23f: {  	v2 =	vld [tilespmem:$0x2780];
	_ =	sdelay $0x7  }
0x240: {  	[tilespmem:v2+s19+$0x0] =	vst.idx.add.f32.msk $0xffff, v1  }
0x241: {  	v2 =	vld [tilespmem:$0x2790];
	_ =	sdelay $0x7  }
0x242: {  	[tilespmem:v2+s19+$0x0] =	vst.idx.add.f32.msk $0xffff, v1  }
0x243: {  	v2 =	vld [tilespmem:$0x27A0];
	_ =	sdelay $0x7  }
0x244: {  	[tilespmem:v2+s19+$0x0] =	vst.idx.add.f32.msk $0xffff, v1  }
0x245: {  	v2 =	vld [tilespmem:$0x27A2];
	_ =	sdelay $0x5  }
0x246: {  	s26 =	sld [smem:$0x7F8];
	_ =	sdelay $0x1  }
0x247: {  	s25 =	simm.s32 $0x0;
	s29 =	sld [smem:$0x7F9];
	[tilespmem:v2+s19+$0x0] =	vst.idx.add.f32.msk vm0, v1  }
0x248: {  	[tilespmem:s25], [sflag:$0x3] =	stream.linear.gather [hbm4b:s26+s25], $0x1400, $0x38;
	[tilespmem:$0x1F800] =	vst v63  }
0x249: {  	_ = 	snop  }
0x24a: {  	[tilespmem:s14], [sflag:$0x4] =	stream.linear.gather [hbm4b:s29+s25], $0x1400, $0x38;
	[tilespmem:$0x1F800] =	vst v63  }
0x24b: {  	_ =	swait.ge [sflag:s2], $0x1400  }
0x24c: {  	[sflag:s2] =	ssyncset.done $0x0  }
0x24d: {  	[sflag:s2] =	ssyncadd.s32 $0xFFFFEC00  }
0x24e: {  	_ =	swait.ge [sflag:s3], $0x1400  }
0x24f: {  	[sflag:s3] =	ssyncset.done $0x0  }
0x250: {  	[sflag:s3] =	ssyncadd.s32 $0xFFFFEC00  }
0x251: {  	[tilespmem:s17], [sflag:$0x1] =	stream.indirect.gather [hbm4b:s15+s4], $0x80, s25, s4, $0xb8;
	[tilespmem:$0x1F800] =	vst v63  }
0x252: {  	_ = 	snop  }
0x253: {  	[tilespmem:s6], [sflag:$0x2] =	stream.indirect.gather [hbm4b:s15+s4], $0x80, s5, s4, $0xb8;
	[tilespmem:$0x1F800] =	vst v63  }
0x254: {  	_ = 	snop  }
0x255: {  	[tilespmem:s8], [sflag:$0x3] =	stream.indirect.gather [hbm4b:s15+s4], $0x80, s7, s4, $0xb8;
	[tilespmem:$0x1F800] =	vst v63  }
0x256: {  	_ = 	snop  }
0x257: {  	[tilespmem:s10], [sflag:$0x4] =	stream.indirect.gather [hbm4b:s15+s4], $0x80, s9, s4, $0xb8;
	[tilespmem:$0x1F800] =	vst v63  }
.LBB2_12:
0x258: {  	_ =	swait.ge [sflag:s0], $0x1900  }
0x259: {  	s26 =	sshra.s32 s25, $0x2;
	[sflag:s0] =	ssyncset.done $0x0  }
0x25a: {  	s28 =	sadd.s32 $0x1400, s26;
	[sflag:s0] =	ssyncadd.s32 $0xFFFFE700  }
0x25b: {  	[spmem:s18] =	stream.indirect.scatter.add.f32 [tilespmem:s17], [sflag:$0x5], $0x80, s28, s4, $0xb8;
	[tilespmem:$0x1F800] =	vst v63  }
0x25c: {  	_ =	swait.ge [sflag:s11], $0x1900  }
0x25d: {  	[sflag:s11] =	ssyncset.done $0x0  }
0x25e: {  	s29 =	sadd.s32 $0x200, s26;
	[sflag:s11] =	ssyncadd.s32 $0xFFFFE700  }
0x25f: {  	[tilespmem:s17], [sflag:$0x1] =	stream.indirect.gather [hbm4b:s15+s4], $0x80, s29, s4, $0xb8;
	[tilespmem:$0x1F800] =	vst v63  }
0x260: {  	_ =	swait.ge [sflag:s12], $0x1900  }
0x261: {  	[sflag:s12] =	ssyncset.done $0x0  }
0x262: {  	s29 =	sadd.s32 $0x1480, s26;
	[sflag:s12] =	ssyncadd.s32 $0xFFFFE700  }
0x263: {  	[spmem:s18] =	stream.indirect.scatter.add.f32 [tilespmem:s6], [sflag:$0x5], $0x80, s29, s4, $0xb8;
	[tilespmem:$0x1F800] =	vst v63  }
0x264: {  	_ =	swait.ge [sflag:s11], $0x1900  }
0x265: {  	[sflag:s11] =	ssyncset.done $0x0  }
0x266: {  	s29 =	sadd.s32 $0x280, s26;
	[sflag:s11] =	ssyncadd.s32 $0xFFFFE700  }
0x267: {  	[tilespmem:s6], [sflag:$0x2] =	stream.indirect.gather [hbm4b:s15+s4], $0x80, s29, s4, $0xb8;
	[tilespmem:$0x1F800] =	vst v63  }
0x268: {  	_ =	swait.ge [sflag:s2], $0x1900  }
0x269: {  	[sflag:s2] =	ssyncset.done $0x0  }
0x26a: {  	s29 =	sadd.s32 $0x1500, s26;
	[sflag:s2] =	ssyncadd.s32 $0xFFFFE700  }
0x26b: {  	[spmem:s18] =	stream.indirect.scatter.add.f32 [tilespmem:s8], [sflag:$0x5], $0x80, s29, s4, $0xb8;
	[tilespmem:$0x1F800] =	vst v63  }
0x26c: {  	_ =	swait.ge [sflag:s11], $0x1900  }
0x26d: {  	[sflag:s11] =	ssyncset.done $0x0  }
0x26e: {  	s29 =	sadd.s32 $0x300, s26;
	[sflag:s11] =	ssyncadd.s32 $0xFFFFE700  }
0x26f: {  	[tilespmem:s8], [sflag:$0x3] =	stream.indirect.gather [hbm4b:s15+s4], $0x80, s29, s4, $0xb8;
	[tilespmem:$0x1F800] =	vst v63  }
0x270: {  	_ =	swait.ge [sflag:s3], $0x1900  }
0x271: {  	[sflag:s3] =	ssyncset.done $0x0  }
0x272: {  	s29 =	sadd.s32 $0x1580, s26;
	[sflag:s3] =	ssyncadd.s32 $0xFFFFE700  }
0x273: {  	[spmem:s18] =	stream.indirect.scatter.add.f32 [tilespmem:s10], [sflag:$0x5], $0x80, s29, s4, $0xb8;
	[tilespmem:$0x1F800] =	vst v63  }
0x274: {  	_ =	swait.ge [sflag:s11], $0x1900  }
0x275: {  	[sflag:s11] =	ssyncset.done $0x0  }
0x276: {  	s29 =	sadd.s32 $0x380, s26;
	[sflag:s11] =	ssyncadd.s32 $0xFFFFE700  }
0x277: {  	[tilespmem:s10], [sflag:$0x4] =	stream.indirect.gather [hbm4b:s15+s4], $0x80, s29, s4, $0xb8;
	[tilespmem:$0x1F800] =	vst v63  }
0x278: {  	v2 =	vld [tilespmem:s26+$0x1400];
	_ =	sdelay $0x7  }
0x279: {  	[tilespmem:v2+s19+$0x0] =	vst.idx.add.f32.msk $0xffff, v1  }
0x27a: {  	v2 =	vld [tilespmem:s26+$0x1410];
	_ =	sdelay $0x7  }
0x27b: {  	[tilespmem:v2+s19+$0x0] =	vst.idx.add.f32.msk $0xffff, v1  }
0x27c: {  	v2 =	vld [tilespmem:s26+$0x1420];
	_ =	sdelay $0x7  }
0x27d: {  	[tilespmem:v2+s19+$0x0] =	vst.idx.add.f32.msk $0xffff, v1  }
0x27e: {  	v2 =	vld [tilespmem:s26+$0x1422];
	_ =	sdelay $0x7  }
0x27f: {  	[tilespmem:v2+s19+$0x0] =	vst.idx.add.f32.msk vm0, v1  }
0x280: {  	v2 =	vld [tilespmem:s26+$0x1480];
	_ =	sdelay $0x7  }
0x281: {  	[tilespmem:v2+s19+$0x0] =	vst.idx.add.f32.msk $0xffff, v1  }
0x282: {  	v2 =	vld [tilespmem:s26+$0x1490];
	_ =	sdelay $0x7  }
0x283: {  	[tilespmem:v2+s19+$0x0] =	vst.idx.add.f32.msk $0xffff, v1  }
0x284: {  	v2 =	vld [tilespmem:s26+$0x14A0];
	_ =	sdelay $0x7  }
0x285: {  	[tilespmem:v2+s19+$0x0] =	vst.idx.add.f32.msk $0xffff, v1  }
0x286: {  	v2 =	vld [tilespmem:s26+$0x14A2];
	_ =	sdelay $0x7  }
0x287: {  	[tilespmem:v2+s19+$0x0] =	vst.idx.add.f32.msk vm0, v1  }
0x288: {  	v2 =	vld [tilespmem:s26+$0x1500];
	_ =	sdelay $0x7  }
0x289: {  	[tilespmem:v2+s19+$0x0] =	vst.idx.add.f32.msk $0xffff, v1  }
0x28a: {  	v2 =	vld [tilespmem:s26+$0x1510];
	_ =	sdelay $0x7  }
0x28b: {  	[tilespmem:v2+s19+$0x0] =	vst.idx.add.f32.msk $0xffff, v1  }
0x28c: {  	v2 =	vld [tilespmem:s26+$0x1520];
	_ =	sdelay $0x7  }
0x28d: {  	[tilespmem:v2+s19+$0x0] =	vst.idx.add.f32.msk $0xffff, v1  }
0x28e: {  	v2 =	vld [tilespmem:s26+$0x1522];
	_ =	sdelay $0x7  }
0x28f: {  	[tilespmem:v2+s19+$0x0] =	vst.idx.add.f32.msk vm0, v1  }
0x290: {  	v2 =	vld [tilespmem:s26+$0x1580];
	_ =	sdelay $0x7  }
0x291: {  	[tilespmem:v2+s19+$0x0] =	vst.idx.add.f32.msk $0xffff, v1  }
0x292: {  	v2 =	vld [tilespmem:s26+$0x1590];
	_ =	sdelay $0x7  }
0x293: {  	[tilespmem:v2+s19+$0x0] =	vst.idx.add.f32.msk $0xffff, v1  }
0x294: {  	v2 =	vld [tilespmem:s26+$0x15A0];
	_ =	sdelay $0x7  }
0x295: {  	[tilespmem:v2+s19+$0x0] =	vst.idx.add.f32.msk $0xffff, v1  }
0x296: {  	v2 =	vld [tilespmem:s26+$0x15A2];
	_ =	sdelay $0x2  }
0x297: {  	p1 =	sne.s32 s25, $0x4000  }
.Ltmp5:
0x298: {  	_ = 	snop;
	(pc) =	sbr.rel @p1 .LBB2_12-.Ltmp5, $2  }
0x299: {  	_ =	sdelay $0x2  }
0x29a: {  	s25 =	sadd.s32 $0x800, s25;
	[tilespmem:v2+s19+$0x0] =	vst.idx.add.f32.msk vm0, v1  }
0x29b: {  	_ =	swait.ge [sflag:s0], $0x1900  }
0x29c: {  	[sflag:s0] =	ssyncset.done $0x0  }
0x29d: {  	[sflag:s0] =	ssyncadd.s32 $0xFFFFE700  }
0x29e: {  	[spmem:s18] =	stream.indirect.scatter.add.f32 [tilespmem:s17], [sflag:$0x5], $0x80, s20, s4, $0xb8;
	[tilespmem:$0x1F800] =	vst v63  }
0x29f: {  	_ =	swait.ge [sflag:s11], $0x1900  }
0x2a0: {  	[sflag:s11] =	ssyncset.done $0x0  }
0x2a1: {  	[sflag:s11] =	ssyncadd.s32 $0xFFFFE700  }
0x2a2: {  	_ =	swait.ge [sflag:s12], $0x1900  }
0x2a3: {  	[sflag:s12] =	ssyncset.done $0x0  }
0x2a4: {  	[sflag:s12] =	ssyncadd.s32 $0xFFFFE700  }
0x2a5: {  	[spmem:s18] =	stream.indirect.scatter.add.f32 [tilespmem:s6], [sflag:$0x5], $0x80, s21, s4, $0xb8;
	[tilespmem:$0x1F800] =	vst v63  }
0x2a6: {  	_ =	swait.ge [sflag:s11], $0x1900  }
0x2a7: {  	[sflag:s11] =	ssyncset.done $0x0  }
0x2a8: {  	[sflag:s11] =	ssyncadd.s32 $0xFFFFE700  }
0x2a9: {  	_ =	swait.ge [sflag:s2], $0x1900  }
0x2aa: {  	[sflag:s2] =	ssyncset.done $0x0  }
0x2ab: {  	[sflag:s2] =	ssyncadd.s32 $0xFFFFE700  }
0x2ac: {  	[spmem:s18] =	stream.indirect.scatter.add.f32 [tilespmem:s8], [sflag:$0x5], $0x80, s22, s4, $0xb8;
	[tilespmem:$0x1F800] =	vst v63  }
0x2ad: {  	_ =	swait.ge [sflag:s11], $0x1900  }
0x2ae: {  	[sflag:s11] =	ssyncset.done $0x0  }
0x2af: {  	[sflag:s11] =	ssyncadd.s32 $0xFFFFE700  }
0x2b0: {  	_ =	swait.ge [sflag:s3], $0x1900  }
0x2b1: {  	[sflag:s3] =	ssyncset.done $0x0  }
0x2b2: {  	[sflag:s3] =	ssyncadd.s32 $0xFFFFE700  }
0x2b3: {  	[spmem:s18] =	stream.indirect.scatter.add.f32 [tilespmem:s10], [sflag:$0x5], $0x80, s23, s4, $0xb8;
	[tilespmem:$0x1F800] =	vst v63  }
0x2b4: {  	_ =	swait.ge [sflag:s11], $0x1900  }
0x2b5: {  	[sflag:s11] =	ssyncset.done $0x0  }
0x2b6: {  	[sflag:s11] =	ssyncadd.s32 $0xFFFFE700  }
0x2b7: {  	v2 =	vld [tilespmem:$0x2600];
	_ =	sdelay $0x7  }
0x2b8: {  	[tilespmem:v2+s19+$0x0] =	vst.idx.add.f32.msk $0xffff, v1  }
0x2b9: {  	v2 =	vld [tilespmem:$0x2610];
	_ =	sdelay $0x7  }
0x2ba: {  	[tilespmem:v2+s19+$0x0] =	vst.idx.add.f32.msk $0xffff, v1  }
0x2bb: {  	v2 =	vld [tilespmem:$0x2620];
	_ =	sdelay $0x7  }
0x2bc: {  	[tilespmem:v2+s19+$0x0] =	vst.idx.add.f32.msk $0xffff, v1  }
0x2bd: {  	v2 =	vld [tilespmem:$0x2622];
	_ =	sdelay $0x7  }
0x2be: {  	[tilespmem:v2+s19+$0x0] =	vst.idx.add.f32.msk vm0, v1  }
0x2bf: {  	v2 =	vld [tilespmem:$0x2680];
	_ =	sdelay $0x7  }
0x2c0: {  	[tilespmem:v2+s19+$0x0] =	vst.idx.add.f32.msk $0xffff, v1  }
0x2c1: {  	v2 =	vld [tilespmem:$0x2690];
	_ =	sdelay $0x7  }
0x2c2: {  	[tilespmem:v2+s19+$0x0] =	vst.idx.add.f32.msk $0xffff, v1  }
0x2c3: {  	v2 =	vld [tilespmem:$0x26A0];
	_ =	sdelay $0x7  }
0x2c4: {  	[tilespmem:v2+s19+$0x0] =	vst.idx.add.f32.msk $0xffff, v1  }
0x2c5: {  	v2 =	vld [tilespmem:$0x26A2];
	_ =	sdelay $0x7  }
0x2c6: {  	[tilespmem:v2+s19+$0x0] =	vst.idx.add.f32.msk vm0, v1  }
0x2c7: {  	v2 =	vld [tilespmem:$0x2700];
	_ =	sdelay $0x7  }
0x2c8: {  	[tilespmem:v2+s19+$0x0] =	vst.idx.add.f32.msk $0xffff, v1  }
0x2c9: {  	v2 =	vld [tilespmem:$0x2710];
	_ =	sdelay $0x7  }
0x2ca: {  	[tilespmem:v2+s19+$0x0] =	vst.idx.add.f32.msk $0xffff, v1  }
0x2cb: {  	v2 =	vld [tilespmem:$0x2720];
	_ =	sdelay $0x7  }
0x2cc: {  	[tilespmem:v2+s19+$0x0] =	vst.idx.add.f32.msk $0xffff, v1  }
0x2cd: {  	v2 =	vld [tilespmem:$0x2722];
	_ =	sdelay $0x7  }
0x2ce: {  	[tilespmem:v2+s19+$0x0] =	vst.idx.add.f32.msk vm0, v1  }
0x2cf: {  	v2 =	vld [tilespmem:$0x2780];
	_ =	sdelay $0x7  }
0x2d0: {  	[tilespmem:v2+s19+$0x0] =	vst.idx.add.f32.msk $0xffff, v1  }
0x2d1: {  	v2 =	vld [tilespmem:$0x2790];
	_ =	sdelay $0x7  }
0x2d2: {  	[tilespmem:v2+s19+$0x0] =	vst.idx.add.f32.msk $0xffff, v1  }
0x2d3: {  	v2 =	vld [tilespmem:$0x27A0];
	_ =	sdelay $0x7  }
0x2d4: {  	[tilespmem:v2+s19+$0x0] =	vst.idx.add.f32.msk $0xffff, v1  }
0x2d5: {  	v2 =	vld [tilespmem:$0x27A2];
	_ =	sdelay $0x5  }
0x2d6: {  	s26 =	sld [smem:$0x7FA];
	_ =	sdelay $0x1  }
0x2d7: {  	s25 =	simm.s32 $0x0;
	s29 =	sld [smem:$0x7FB];
	[tilespmem:v2+s19+$0x0] =	vst.idx.add.f32.msk vm0, v1  }
0x2d8: {  	[tilespmem:s25], [sflag:$0x3] =	stream.linear.gather [hbm4b:s26+s25], $0x1400, $0x38;
	[tilespmem:$0x1F800] =	vst v63  }
0x2d9: {  	_ = 	snop  }
0x2da: {  	[tilespmem:s14], [sflag:$0x4] =	stream.linear.gather [hbm4b:s29+s25], $0x1400, $0x38;
	[tilespmem:$0x1F800] =	vst v63  }
0x2db: {  	_ =	swait.ge [sflag:s2], $0x1400  }
0x2dc: {  	[sflag:s2] =	ssyncset.done $0x0  }
0x2dd: {  	[sflag:s2] =	ssyncadd.s32 $0xFFFFEC00  }
0x2de: {  	_ =	swait.ge [sflag:s3], $0x1400  }
0x2df: {  	[sflag:s3] =	ssyncset.done $0x0  }
0x2e0: {  	[sflag:s3] =	ssyncadd.s32 $0xFFFFEC00  }
0x2e1: {  	[tilespmem:s17], [sflag:$0x1] =	stream.indirect.gather [hbm4b:s15+s4], $0x80, s25, s4, $0xb8;
	[tilespmem:$0x1F800] =	vst v63  }
0x2e2: {  	_ = 	snop  }
0x2e3: {  	[tilespmem:s6], [sflag:$0x2] =	stream.indirect.gather [hbm4b:s15+s4], $0x80, s5, s4, $0xb8;
	[tilespmem:$0x1F800] =	vst v63  }
0x2e4: {  	_ = 	snop  }
0x2e5: {  	[tilespmem:s8], [sflag:$0x3] =	stream.indirect.gather [hbm4b:s15+s4], $0x80, s7, s4, $0xb8;
	[tilespmem:$0x1F800] =	vst v63  }
0x2e6: {  	_ = 	snop  }
0x2e7: {  	[tilespmem:s10], [sflag:$0x4] =	stream.indirect.gather [hbm4b:s15+s4], $0x80, s9, s4, $0xb8;
	[tilespmem:$0x1F800] =	vst v63  }
.LBB2_14:
0x2e8: {  	_ =	swait.ge [sflag:s0], $0x1900  }
0x2e9: {  	s26 =	sshra.s32 s25, $0x2;
	[sflag:s0] =	ssyncset.done $0x0  }
0x2ea: {  	s28 =	sadd.s32 $0x1400, s26;
	[sflag:s0] =	ssyncadd.s32 $0xFFFFE700  }
0x2eb: {  	[spmem:s18] =	stream.indirect.scatter.add.f32 [tilespmem:s17], [sflag:$0x5], $0x80, s28, s4, $0xb8;
	[tilespmem:$0x1F800] =	vst v63  }
0x2ec: {  	_ =	swait.ge [sflag:s11], $0x1900  }
0x2ed: {  	[sflag:s11] =	ssyncset.done $0x0  }
0x2ee: {  	s29 =	sadd.s32 $0x200, s26;
	[sflag:s11] =	ssyncadd.s32 $0xFFFFE700  }
0x2ef: {  	[tilespmem:s17], [sflag:$0x1] =	stream.indirect.gather [hbm4b:s15+s4], $0x80, s29, s4, $0xb8;
	[tilespmem:$0x1F800] =	vst v63  }
0x2f0: {  	_ =	swait.ge [sflag:s12], $0x1900  }
0x2f1: {  	[sflag:s12] =	ssyncset.done $0x0  }
0x2f2: {  	s29 =	sadd.s32 $0x1480, s26;
	[sflag:s12] =	ssyncadd.s32 $0xFFFFE700  }
0x2f3: {  	[spmem:s18] =	stream.indirect.scatter.add.f32 [tilespmem:s6], [sflag:$0x5], $0x80, s29, s4, $0xb8;
	[tilespmem:$0x1F800] =	vst v63  }
0x2f4: {  	_ =	swait.ge [sflag:s11], $0x1900  }
0x2f5: {  	[sflag:s11] =	ssyncset.done $0x0  }
0x2f6: {  	s29 =	sadd.s32 $0x280, s26;
	[sflag:s11] =	ssyncadd.s32 $0xFFFFE700  }
0x2f7: {  	[tilespmem:s6], [sflag:$0x2] =	stream.indirect.gather [hbm4b:s15+s4], $0x80, s29, s4, $0xb8;
	[tilespmem:$0x1F800] =	vst v63  }
0x2f8: {  	_ =	swait.ge [sflag:s2], $0x1900  }
0x2f9: {  	[sflag:s2] =	ssyncset.done $0x0  }
0x2fa: {  	s29 =	sadd.s32 $0x1500, s26;
	[sflag:s2] =	ssyncadd.s32 $0xFFFFE700  }
0x2fb: {  	[spmem:s18] =	stream.indirect.scatter.add.f32 [tilespmem:s8], [sflag:$0x5], $0x80, s29, s4, $0xb8;
	[tilespmem:$0x1F800] =	vst v63  }
0x2fc: {  	_ =	swait.ge [sflag:s11], $0x1900  }
0x2fd: {  	[sflag:s11] =	ssyncset.done $0x0  }
0x2fe: {  	s29 =	sadd.s32 $0x300, s26;
	[sflag:s11] =	ssyncadd.s32 $0xFFFFE700  }
0x2ff: {  	[tilespmem:s8], [sflag:$0x3] =	stream.indirect.gather [hbm4b:s15+s4], $0x80, s29, s4, $0xb8;
	[tilespmem:$0x1F800] =	vst v63  }
0x300: {  	_ =	swait.ge [sflag:s3], $0x1900  }
0x301: {  	[sflag:s3] =	ssyncset.done $0x0  }
0x302: {  	s29 =	sadd.s32 $0x1580, s26;
	[sflag:s3] =	ssyncadd.s32 $0xFFFFE700  }
0x303: {  	[spmem:s18] =	stream.indirect.scatter.add.f32 [tilespmem:s10], [sflag:$0x5], $0x80, s29, s4, $0xb8;
	[tilespmem:$0x1F800] =	vst v63  }
0x304: {  	_ =	swait.ge [sflag:s11], $0x1900  }
0x305: {  	[sflag:s11] =	ssyncset.done $0x0  }
0x306: {  	s29 =	sadd.s32 $0x380, s26;
	[sflag:s11] =	ssyncadd.s32 $0xFFFFE700  }
0x307: {  	[tilespmem:s10], [sflag:$0x4] =	stream.indirect.gather [hbm4b:s15+s4], $0x80, s29, s4, $0xb8;
	[tilespmem:$0x1F800] =	vst v63  }
0x308: {  	v2 =	vld [tilespmem:s26+$0x1400];
	_ =	sdelay $0x7  }
0x309: {  	[tilespmem:v2+s19+$0x0] =	vst.idx.add.f32.msk $0xffff, v1  }
0x30a: {  	v2 =	vld [tilespmem:s26+$0x1410];
	_ =	sdelay $0x7  }
0x30b: {  	[tilespmem:v2+s19+$0x0] =	vst.idx.add.f32.msk $0xffff, v1  }
0x30c: {  	v2 =	vld [tilespmem:s26+$0x1420];
	_ =	sdelay $0x7  }
0x30d: {  	[tilespmem:v2+s19+$0x0] =	vst.idx.add.f32.msk $0xffff, v1  }
0x30e: {  	v2 =	vld [tilespmem:s26+$0x1422];
	_ =	sdelay $0x7  }
0x30f: {  	[tilespmem:v2+s19+$0x0] =	vst.idx.add.f32.msk vm0, v1  }
0x310: {  	v2 =	vld [tilespmem:s26+$0x1480];
	_ =	sdelay $0x7  }
0x311: {  	[tilespmem:v2+s19+$0x0] =	vst.idx.add.f32.msk $0xffff, v1  }
0x312: {  	v2 =	vld [tilespmem:s26+$0x1490];
	_ =	sdelay $0x7  }
0x313: {  	[tilespmem:v2+s19+$0x0] =	vst.idx.add.f32.msk $0xffff, v1  }
0x314: {  	v2 =	vld [tilespmem:s26+$0x14A0];
	_ =	sdelay $0x7  }
0x315: {  	[tilespmem:v2+s19+$0x0] =	vst.idx.add.f32.msk $0xffff, v1  }
0x316: {  	v2 =	vld [tilespmem:s26+$0x14A2];
	_ =	sdelay $0x7  }
0x317: {  	[tilespmem:v2+s19+$0x0] =	vst.idx.add.f32.msk vm0, v1  }
0x318: {  	v2 =	vld [tilespmem:s26+$0x1500];
	_ =	sdelay $0x7  }
0x319: {  	[tilespmem:v2+s19+$0x0] =	vst.idx.add.f32.msk $0xffff, v1  }
0x31a: {  	v2 =	vld [tilespmem:s26+$0x1510];
	_ =	sdelay $0x7  }
0x31b: {  	[tilespmem:v2+s19+$0x0] =	vst.idx.add.f32.msk $0xffff, v1  }
0x31c: {  	v2 =	vld [tilespmem:s26+$0x1520];
	_ =	sdelay $0x7  }
0x31d: {  	[tilespmem:v2+s19+$0x0] =	vst.idx.add.f32.msk $0xffff, v1  }
0x31e: {  	v2 =	vld [tilespmem:s26+$0x1522];
	_ =	sdelay $0x7  }
0x31f: {  	[tilespmem:v2+s19+$0x0] =	vst.idx.add.f32.msk vm0, v1  }
0x320: {  	v2 =	vld [tilespmem:s26+$0x1580];
	_ =	sdelay $0x7  }
0x321: {  	[tilespmem:v2+s19+$0x0] =	vst.idx.add.f32.msk $0xffff, v1  }
0x322: {  	v2 =	vld [tilespmem:s26+$0x1590];
	_ =	sdelay $0x7  }
0x323: {  	[tilespmem:v2+s19+$0x0] =	vst.idx.add.f32.msk $0xffff, v1  }
0x324: {  	v2 =	vld [tilespmem:s26+$0x15A0];
	_ =	sdelay $0x7  }
0x325: {  	[tilespmem:v2+s19+$0x0] =	vst.idx.add.f32.msk $0xffff, v1  }
0x326: {  	v2 =	vld [tilespmem:s26+$0x15A2];
	_ =	sdelay $0x2  }
0x327: {  	p1 =	sne.s32 s25, $0x4000  }
.Ltmp6:
0x328: {  	_ = 	snop;
	(pc) =	sbr.rel @p1 .LBB2_14-.Ltmp6, $2  }
0x329: {  	_ =	sdelay $0x2  }
0x32a: {  	s25 =	sadd.s32 $0x800, s25;
	[tilespmem:v2+s19+$0x0] =	vst.idx.add.f32.msk vm0, v1  }
0x32b: {  	_ =	swait.ge [sflag:s0], $0x1900  }
0x32c: {  	[sflag:s0] =	ssyncset.done $0x0  }
0x32d: {  	[sflag:s0] =	ssyncadd.s32 $0xFFFFE700  }
0x32e: {  	[spmem:s18] =	stream.indirect.scatter.add.f32 [tilespmem:s17], [sflag:$0x5], $0x80, s20, s4, $0xb8;
	[tilespmem:$0x1F800] =	vst v63  }
0x32f: {  	_ =	swait.ge [sflag:s11], $0x1900  }
0x330: {  	[sflag:s11] =	ssyncset.done $0x0  }
0x331: {  	[sflag:s11] =	ssyncadd.s32 $0xFFFFE700  }
0x332: {  	_ =	swait.ge [sflag:s12], $0x1900  }
0x333: {  	[sflag:s12] =	ssyncset.done $0x0  }
0x334: {  	[sflag:s12] =	ssyncadd.s32 $0xFFFFE700  }
0x335: {  	[spmem:s18] =	stream.indirect.scatter.add.f32 [tilespmem:s6], [sflag:$0x5], $0x80, s21, s4, $0xb8;
	[tilespmem:$0x1F800] =	vst v63  }
0x336: {  	_ =	swait.ge [sflag:s11], $0x1900  }
0x337: {  	[sflag:s11] =	ssyncset.done $0x0  }
0x338: {  	[sflag:s11] =	ssyncadd.s32 $0xFFFFE700  }
0x339: {  	_ =	swait.ge [sflag:s2], $0x1900  }
0x33a: {  	[sflag:s2] =	ssyncset.done $0x0  }
0x33b: {  	[sflag:s2] =	ssyncadd.s32 $0xFFFFE700  }
0x33c: {  	[spmem:s18] =	stream.indirect.scatter.add.f32 [tilespmem:s8], [sflag:$0x5], $0x80, s22, s4, $0xb8;
	[tilespmem:$0x1F800] =	vst v63  }
0x33d: {  	_ =	swait.ge [sflag:s11], $0x1900  }
0x33e: {  	[sflag:s11] =	ssyncset.done $0x0  }
0x33f: {  	[sflag:s11] =	ssyncadd.s32 $0xFFFFE700  }
0x340: {  	_ =	swait.ge [sflag:s3], $0x1900  }
0x341: {  	[sflag:s3] =	ssyncset.done $0x0  }
0x342: {  	[sflag:s3] =	ssyncadd.s32 $0xFFFFE700  }
0x343: {  	[spmem:s18] =	stream.indirect.scatter.add.f32 [tilespmem:s10], [sflag:$0x5], $0x80, s23, s4, $0xb8;
	[tilespmem:$0x1F800] =	vst v63  }
0x344: {  	_ =	swait.ge [sflag:s11], $0x1900  }
0x345: {  	[sflag:s11] =	ssyncset.done $0x0  }
0x346: {  	[sflag:s11] =	ssyncadd.s32 $0xFFFFE700  }
0x347: {  	v2 =	vld [tilespmem:$0x2600];
	_ =	sdelay $0x7  }
0x348: {  	[tilespmem:v2+s19+$0x0] =	vst.idx.add.f32.msk $0xffff, v1  }
0x349: {  	v2 =	vld [tilespmem:$0x2610];
	_ =	sdelay $0x7  }
0x34a: {  	[tilespmem:v2+s19+$0x0] =	vst.idx.add.f32.msk $0xffff, v1  }
0x34b: {  	v2 =	vld [tilespmem:$0x2620];
	_ =	sdelay $0x7  }
0x34c: {  	[tilespmem:v2+s19+$0x0] =	vst.idx.add.f32.msk $0xffff, v1  }
0x34d: {  	v2 =	vld [tilespmem:$0x2622];
	_ =	sdelay $0x7  }
0x34e: {  	[tilespmem:v2+s19+$0x0] =	vst.idx.add.f32.msk vm0, v1  }
0x34f: {  	v2 =	vld [tilespmem:$0x2680];
	_ =	sdelay $0x7  }
0x350: {  	[tilespmem:v2+s19+$0x0] =	vst.idx.add.f32.msk $0xffff, v1  }
0x351: {  	v2 =	vld [tilespmem:$0x2690];
	_ =	sdelay $0x7  }
0x352: {  	[tilespmem:v2+s19+$0x0] =	vst.idx.add.f32.msk $0xffff, v1  }
0x353: {  	v2 =	vld [tilespmem:$0x26A0];
	_ =	sdelay $0x7  }
0x354: {  	[tilespmem:v2+s19+$0x0] =	vst.idx.add.f32.msk $0xffff, v1  }
0x355: {  	v2 =	vld [tilespmem:$0x26A2];
	_ =	sdelay $0x7  }
0x356: {  	[tilespmem:v2+s19+$0x0] =	vst.idx.add.f32.msk vm0, v1  }
0x357: {  	v2 =	vld [tilespmem:$0x2700];
	_ =	sdelay $0x7  }
0x358: {  	[tilespmem:v2+s19+$0x0] =	vst.idx.add.f32.msk $0xffff, v1  }
0x359: {  	v2 =	vld [tilespmem:$0x2710];
	_ =	sdelay $0x7  }
0x35a: {  	[tilespmem:v2+s19+$0x0] =	vst.idx.add.f32.msk $0xffff, v1  }
0x35b: {  	v2 =	vld [tilespmem:$0x2720];
	_ =	sdelay $0x7  }
0x35c: {  	[tilespmem:v2+s19+$0x0] =	vst.idx.add.f32.msk $0xffff, v1  }
0x35d: {  	v2 =	vld [tilespmem:$0x2722];
	_ =	sdelay $0x7  }
0x35e: {  	[tilespmem:v2+s19+$0x0] =	vst.idx.add.f32.msk vm0, v1  }
0x35f: {  	v2 =	vld [tilespmem:$0x2780];
	_ =	sdelay $0x7  }
0x360: {  	[tilespmem:v2+s19+$0x0] =	vst.idx.add.f32.msk $0xffff, v1  }
0x361: {  	v2 =	vld [tilespmem:$0x2790];
	_ =	sdelay $0x7  }
0x362: {  	[tilespmem:v2+s19+$0x0] =	vst.idx.add.f32.msk $0xffff, v1  }
0x363: {  	v2 =	vld [tilespmem:$0x27A0];
	_ =	sdelay $0x7  }
0x364: {  	[tilespmem:v2+s19+$0x0] =	vst.idx.add.f32.msk $0xffff, v1  }
0x365: {  	v2 =	vld [tilespmem:$0x27A2];
	_ =	sdelay $0x7  }
0x366: {  	s25 =	rddreg [dreg:$0x5];
	[tilespmem:v2+s19+$0x0] =	vst.idx.add.f32.msk vm0, v1  }
0x367: {  	[hbm4b:s25+s1] =	stream.linear.scatter [tilespmem:s19], [sflag:$0x5], $0x2710, $0x38;
	[tilespmem:$0x1F800] =	vst v63  }
0x368: {  	_ =	swait.ge [sflag:s11], $0x2710  }
0x369: {  	[sflag:s11] =	ssyncset.done $0x0  }
0x36a: {  	[sflag:s11] =	ssyncadd.s32 $0xFFFFD8F0  }
0x36b: {  	[bflag:$0x0] =	sbarrier.arrive $0xFFFF  }
0x36c: {  	s26 =	rddreg [dreg:$0x13]  }
0x36d: {  	[tilespmem:s17], [sflag:$0x5] =	stream.linear.gather [spmem:s26], $0x1800, $0x38;
	[tilespmem:$0x1F800] =	vst v63  }
0x36e: {  	_ =	swait.ge [sflag:s11], $0x1800  }
0x36f: {  	[sflag:s11] =	ssyncset.done $0x0  }
0x370: {  	s28 =	rddreg [dreg:$0x6];
	[sflag:s11] =	ssyncadd.s32 $0xFFFFE800  }
0x371: {  	[hbm4b:s28+s1] =	stream.linear.scatter [tilespmem:s17], [sflag:$0x1], $0x1800, $0x38;
	[tilespmem:$0x1F800] =	vst v63  }
0x372: {  	s29 =	rddreg [dreg:$0x14]  }
0x373: {  	[tilespmem:s6], [sflag:$0x5] =	stream.linear.gather [spmem:s29], $0x1800, $0x38;
	[tilespmem:$0x1F800] =	vst v63  }
0x374: {  	_ =	swait.ge [sflag:s11], $0x1800  }
0x375: {  	[sflag:s11] =	ssyncset.done $0x0  }
0x376: {  	s26 =	rddreg [dreg:$0x7];
	[sflag:s11] =	ssyncadd.s32 $0xFFFFE800  }
0x377: {  	[hbm4b:s26+s1] =	stream.linear.scatter [tilespmem:s6], [sflag:$0x2], $0x1800, $0x38;
	[tilespmem:$0x1F800] =	vst v63  }
0x378: {  	_ =	swait.ge [sflag:s0], $0x1800  }
0x379: {  	[sflag:s0] =	ssyncset.done $0x0  }
0x37a: {  	s28 =	rddreg [dreg:$0x15];
	[sflag:s0] =	ssyncadd.s32 $0xFFFFE800  }
0x37b: {  	[tilespmem:s17], [sflag:$0x5] =	stream.linear.gather [spmem:s28], $0x1800, $0x38;
	[tilespmem:$0x1F800] =	vst v63  }
0x37c: {  	_ =	swait.ge [sflag:s11], $0x1800  }
0x37d: {  	[sflag:s11] =	ssyncset.done $0x0  }
0x37e: {  	s29 =	rddreg [dreg:$0x8];
	[sflag:s11] =	ssyncadd.s32 $0xFFFFE800  }
0x37f: {  	[hbm4b:s29+s1] =	stream.linear.scatter [tilespmem:s17], [sflag:$0x1], $0x1800, $0x38;
	[tilespmem:$0x1F800] =	vst v63  }
0x380: {  	_ =	swait.ge [sflag:s12], $0x1800  }
0x381: {  	[sflag:s12] =	ssyncset.done $0x0  }
0x382: {  	s26 =	rddreg [dreg:$0x16];
	[sflag:s12] =	ssyncadd.s32 $0xFFFFE800  }
0x383: {  	[tilespmem:s6], [sflag:$0x5] =	stream.linear.gather [spmem:s26], $0x1800, $0x38;
	[tilespmem:$0x1F800] =	vst v63  }
0x384: {  	_ =	swait.ge [sflag:s11], $0x1800  }
0x385: {  	[sflag:s11] =	ssyncset.done $0x0  }
0x386: {  	s28 =	rddreg [dreg:$0x9];
	[sflag:s11] =	ssyncadd.s32 $0xFFFFE800  }
0x387: {  	[hbm4b:s28+s1] =	stream.linear.scatter [tilespmem:s6], [sflag:$0x2], $0x1800, $0x38;
	[tilespmem:$0x1F800] =	vst v63  }
0x388: {  	_ =	swait.ge [sflag:s0], $0x1800  }
0x389: {  	[sflag:s0] =	ssyncset.done $0x0  }
0x38a: {  	s29 =	rddreg [dreg:$0x17];
	[sflag:s0] =	ssyncadd.s32 $0xFFFFE800  }
0x38b: {  	[tilespmem:s17], [sflag:$0x5] =	stream.linear.gather [spmem:s29], $0x1800, $0x38;
	[tilespmem:$0x1F800] =	vst v63  }
0x38c: {  	_ =	swait.ge [sflag:s11], $0x1800  }
0x38d: {  	[sflag:s11] =	ssyncset.done $0x0  }
0x38e: {  	s26 =	rddreg [dreg:$0xa];
	[sflag:s11] =	ssyncadd.s32 $0xFFFFE800  }
0x38f: {  	[hbm4b:s26+s1] =	stream.linear.scatter [tilespmem:s17], [sflag:$0x1], $0x1800, $0x38;
	[tilespmem:$0x1F800] =	vst v63  }
0x390: {  	_ =	swait.ge [sflag:s12], $0x1800  }
0x391: {  	[sflag:s12] =	ssyncset.done $0x0  }
0x392: {  	s28 =	rddreg [dreg:$0x18];
	[sflag:s12] =	ssyncadd.s32 $0xFFFFE800  }
0x393: {  	[tilespmem:s6], [sflag:$0x5] =	stream.linear.gather [spmem:s28], $0x1800, $0x38;
	[tilespmem:$0x1F800] =	vst v63  }
0x394: {  	_ =	swait.ge [sflag:s11], $0x1800  }
0x395: {  	[sflag:s11] =	ssyncset.done $0x0  }
0x396: {  	s29 =	rddreg [dreg:$0xb];
	[sflag:s11] =	ssyncadd.s32 $0xFFFFE800  }
0x397: {  	[hbm4b:s29+s1] =	stream.linear.scatter [tilespmem:s6], [sflag:$0x2], $0x1800, $0x38;
	[tilespmem:$0x1F800] =	vst v63  }
0x398: {  	_ =	swait.ge [sflag:s0], $0x1800  }
0x399: {  	[sflag:s0] =	ssyncset.done $0x0  }
0x39a: {  	s26 =	rddreg [dreg:$0x19];
	[sflag:s0] =	ssyncadd.s32 $0xFFFFE800  }
0x39b: {  	[tilespmem:s17], [sflag:$0x5] =	stream.linear.gather [spmem:s26], $0x1800, $0x38;
	[tilespmem:$0x1F800] =	vst v63  }
0x39c: {  	_ =	swait.ge [sflag:s11], $0x1800  }
0x39d: {  	[sflag:s11] =	ssyncset.done $0x0  }
0x39e: {  	s28 =	rddreg [dreg:$0xc];
	[sflag:s11] =	ssyncadd.s32 $0xFFFFE800  }
0x39f: {  	[hbm4b:s28+s1] =	stream.linear.scatter [tilespmem:s17], [sflag:$0x1], $0x1800, $0x38;
	[tilespmem:$0x1F800] =	vst v63  }
0x3a0: {  	_ =	swait.ge [sflag:s12], $0x1800  }
0x3a1: {  	[sflag:s12] =	ssyncset.done $0x0  }
0x3a2: {  	s29 =	rddreg [dreg:$0x1a];
	[sflag:s12] =	ssyncadd.s32 $0xFFFFE800  }
0x3a3: {  	[tilespmem:s6], [sflag:$0x5] =	stream.linear.gather [spmem:s29], $0x1800, $0x38;
	[tilespmem:$0x1F800] =	vst v63  }
0x3a4: {  	_ =	swait.ge [sflag:s11], $0x1800  }
0x3a5: {  	[sflag:s11] =	ssyncset.done $0x0  }
0x3a6: {  	s26 =	rddreg [dreg:$0xd];
	[sflag:s11] =	ssyncadd.s32 $0xFFFFE800  }
0x3a7: {  	[hbm4b:s26+s1] =	stream.linear.scatter [tilespmem:s6], [sflag:$0x2], $0x1800, $0x38;
	[tilespmem:$0x1F800] =	vst v63  }
0x3a8: {  	_ =	swait.ge [sflag:s0], $0x1800  }
0x3a9: {  	[sflag:s0] =	ssyncset.done $0x0  }
0x3aa: {  	s28 =	rddreg [dreg:$0x1b];
	[sflag:s0] =	ssyncadd.s32 $0xFFFFE800  }
0x3ab: {  	[tilespmem:s17], [sflag:$0x5] =	stream.linear.gather [spmem:s28], $0x1800, $0x38;
	[tilespmem:$0x1F800] =	vst v63  }
0x3ac: {  	_ =	swait.ge [sflag:s11], $0x1800  }
0x3ad: {  	[sflag:s11] =	ssyncset.done $0x0  }
0x3ae: {  	s29 =	rddreg [dreg:$0xe];
	[sflag:s11] =	ssyncadd.s32 $0xFFFFE800  }
0x3af: {  	[hbm4b:s29+s1] =	stream.linear.scatter [tilespmem:s17], [sflag:$0x1], $0x1800, $0x38;
	[tilespmem:$0x1F800] =	vst v63  }
0x3b0: {  	_ =	swait.ge [sflag:s12], $0x1800  }
0x3b1: {  	s26 =	sld [smem:$0x7F5]  }
0x3b2: {  	[sflag:s12] =	ssyncset.done $0x0  }
0x3b3: {  	[sflag:s12] =	ssyncadd.s32 $0xFFFFE800  }
0x3b4: {  	[tilespmem:s6], [sflag:$0x5] =	stream.linear.gather [spmem:s26], $0x1800, $0x38;
	[tilespmem:$0x1F800] =	vst v63  }
0x3b5: {  	_ =	swait.ge [sflag:s11], $0x1800  }
0x3b6: {  	[sflag:s11] =	ssyncset.done $0x0  }
0x3b7: {  	s28 =	rddreg [dreg:$0xf];
	[sflag:s11] =	ssyncadd.s32 $0xFFFFE800  }
0x3b8: {  	[hbm4b:s28+s1] =	stream.linear.scatter [tilespmem:s6], [sflag:$0x2], $0x1800, $0x38;
	[tilespmem:$0x1F800] =	vst v63  }
0x3b9: {  	_ =	swait.ge [sflag:s0], $0x1800  }
0x3ba: {  	[sflag:s0] =	ssyncset.done $0x0  }
0x3bb: {  	[sflag:s0] =	ssyncadd.s32 $0xFFFFE800  }
0x3bc: {  	[tilespmem:s17], [sflag:$0x5] =	stream.linear.gather [spmem:s30], $0x1800, $0x38;
	[tilespmem:$0x1F800] =	vst v63  }
0x3bd: {  	_ =	swait.ge [sflag:s11], $0x1800  }
0x3be: {  	[sflag:s11] =	ssyncset.done $0x0  }
0x3bf: {  	s29 =	rddreg [dreg:$0x10];
	[sflag:s11] =	ssyncadd.s32 $0xFFFFE800  }
0x3c0: {  	[hbm4b:s29+s1] =	stream.linear.scatter [tilespmem:s17], [sflag:$0x1], $0x1800, $0x38;
	[tilespmem:$0x1F800] =	vst v63  }
0x3c1: {  	_ =	swait.ge [sflag:s12], $0x1800  }
0x3c2: {  	[sflag:s12] =	ssyncset.done $0x0  }
0x3c3: {  	[sflag:s12] =	ssyncadd.s32 $0xFFFFE800  }
0x3c4: {  	[tilespmem:s6], [sflag:$0x5] =	stream.linear.gather [spmem:s31], $0x1800, $0x38;
	[tilespmem:$0x1F800] =	vst v63  }
0x3c5: {  	_ =	swait.ge [sflag:s11], $0x1800  }
0x3c6: {  	[sflag:s11] =	ssyncset.done $0x0  }
0x3c7: {  	s26 =	rddreg [dreg:$0x11];
	[sflag:s11] =	ssyncadd.s32 $0xFFFFE800  }
0x3c8: {  	[hbm4b:s26+s1] =	stream.linear.scatter [tilespmem:s6], [sflag:$0x2], $0x1800, $0x38;
	[tilespmem:$0x1F800] =	vst v63  }
0x3c9: {  	_ =	swait.ge [sflag:s0], $0x1800  }
0x3ca: {  	[sflag:s0] =	ssyncset.done $0x0  }
0x3cb: {  	[sflag:s0] =	ssyncadd.s32 $0xFFFFE800  }
0x3cc: {  	[tilespmem:s17], [sflag:$0x5] =	stream.linear.gather [spmem:s16], $0x1800, $0x38;
	[tilespmem:$0x1F800] =	vst v63  }
0x3cd: {  	_ =	swait.ge [sflag:s11], $0x1800  }
0x3ce: {  	[sflag:s11] =	ssyncset.done $0x0  }
0x3cf: {  	s28 =	rddreg [dreg:$0x12];
	[sflag:s11] =	ssyncadd.s32 $0xFFFFE800  }
0x3d0: {  	[hbm4b:s28+s1] =	stream.linear.scatter [tilespmem:s17], [sflag:$0x1], $0x1800, $0x38;
	[tilespmem:$0x1F800] =	vst v63  }
0x3d1: {  	_ =	swait.ge [sflag:s12], $0x1800  }
0x3d2: {  	[sflag:s12] =	ssyncset.done $0x0  }
0x3d3: {  	[sflag:s12] =	ssyncadd.s32 $0xFFFFE800  }
0x3d4: {  	_ =	swait.ge [sflag:s0], $0x1800  }
0x3d5: {  	[sflag:s0] =	ssyncset.done $0x0  }
0x3d6: {  	s25 =	simm.s32 @!p0 $0x6000;
	s26 =	simm.s32 @!p0 $0x5;
	[sflag:s0] =	ssyncadd.s32 $0xFFFFE800  }
0x3d7: {  	[tilespmem:s25], [sflag:$0x5] =	stream.linear.gather @!p0 [spmem:s13], $0x800, $0x38;
	[tilespmem:$0x1F800] =	vst v63  }
0x3d8: {  	_ =	swait.ge @!p0 [sflag:s26], $0x800  }
0x3d9: {  	s29 =	sld [smem:$0x7FC]  }
0x3da: {  	[sflag:s26] =	ssyncset.done @!p0 $0x0  }
0x3db: {  	s28 =	simm.s32 @!p0 $0x0;
	[sflag:s26] =	ssyncadd.s32 @!p0 $0xFFFFF800  }
0x3dc: {  	[hbm4b:s29+s28] =	stream.linear.scatter @!p0 [tilespmem:s25], [sflag:$0x5], $0x800, $0x38;
	[tilespmem:$0x1F800] =	vst v63  }
0x3dd: {  	_ =	swait.ge @!p0 [sflag:s26], $0x800  }
0x3de: {  	s29 =	sld [smem:$0x7FD];
	_ =	sdelay $0x1  }
0x3df: {  	s24 =	sadd.s32 $0x1, s24  }
0x3e0: {  	p1 =	sne.s32 s24, s29  }
.Ltmp7:
0x3e1: {  	_ = 	snop;
	(pc) =	sbr.rel @p1 .LBB2_1-.Ltmp7, $3  }
0x3e2: {  	_ =	sdelay $0x1  }
0x3e3: {  	[sflag:s26] =	ssyncset.done @!p0 $0x0  }
0x3e4: {  	[sflag:s26] =	ssyncadd.s32 @!p0 $0xFFFFF800  }
0x3e5: {  	_ =	sfence.sel $0x180000  }
0x3e6: {  	[bflag:$0x0] =	sbarrier.arrive $0xFFFF  }
0x3e7: {  	_ =	strace $0x90000047  }
0x3e8: {  	s0 =	stileid.u32;
	[bflag:$0x2] =	sbarrier.arrive $0xFFFF  }
0x3e9: {  	p0 =	sne.s32 s0, $0x0;
	s0 =	rddreg [dreg:$0x4]  }
0x3ea: {  	s0 =	sadd.s32 @!p0 $0x100000, s0  }
0x3eb: {  	[sflag:s0] =	ssyncadd.tile.s32 @!p0 $0x1;
	_ =	shalt  }
.Lfunc_end2:
_tile_overlayer_lowered:
.L_overlay_start_2:
0x3ec: {  	(tag) =	ssettag $0x2  }
0x3ed: {  	s0 =	rddreg [dreg:$0x0];
	s2 =	stileid.u32  }
0x3ee: {  	s1 =	rddreg [dreg:$0x1];
	p0 =	sne.s32 s2, $0x0  }
0x3ef: {  	s3 =	rddreg [dreg:$0x2];
	[bflag:$0x3] =	sbarrier.arrive $0xFFFF;
	s2 =	simm.s32 @!p0 $0x1C05  }
0x3f0: {  	[timem:s3], [sflag:s2] =	dma.local @!p0 [hbm:s0], s1  }
0x3f1: {  	s0 =	simm.s32 @!p0 $0x5  }
0x3f2: {  	_ =	swait.ge @!p0 [sflag:s0], s1  }
0x3f3: {  	s1 =	ssub.s32 @!p0 $0x0, s1;
	[sflag:s0] =	ssyncset.done @!p0 $0x0  }
0x3f4: {  	[sflag:s0] =	ssyncadd.s32 @!p0 s1  }
0x3f5: {  	[bflag:$0x3] =	sbarrier.arrive $0xFFFF  }
0x3f6: {  	_ =	shalt  }

</sc_bundles>
